<compile_context>
chip_gen: v7x
topology: tpu7x:2x2x1
jax: 0.10.2.dev20260603
libtpu: 0.0.44.dev20260713+nightly
codegen_flags: <defaults>
</compile_context>

<pallas_src>
import functools

import numpy as np

import jax
import jax.numpy as jnp
from jax import lax
from jax.experimental import pallas as pl
from jax.experimental.pallas import tpu as pltpu
from jax.experimental.pallas import tpu_sc as plsc

N = 10000
E = 320000
D = 128
ED = 16
H = 128
O = 64

NC = 2
NS = 16
NW = NC * NS
CHUNK = 128
CPW = -(-E // (NW * CHUNK))
EP = NW * CPW * CHUNK
NP = 10240
NP2 = NP // 2
DUMMY = N
NAC = 10176
RPT2 = NP2 // NS

_f32 = jnp.float32
_i32 = jnp.int32

_sc_mesh = plsc.VectorSubcoreMesh(core_axis_name="c", subcore_axis_name="s")
_sc_params = pltpu.CompilerParams(needs_layout_passes=False)


def _zero_buf(o_v, rows, width):
    zeros16 = jnp.zeros((16,), _f32)

    def _zrow(e, _):
        for k in range(width // 16):
            o_v[e, pl.ds(k * 16, 16)] = zeros16
        return _i32(0)
    lax.fori_loop(_i32(0), _i32(rows), _zrow, _i32(0))


@functools.partial(
    pl.kernel, mesh=_sc_mesh, compiler_params=_sc_params,
    out_type=[jax.ShapeDtypeStruct((NC, NP, H), _f32)],
    scratch_types=[
        pltpu.VMEM((CHUNK,), jnp.int32),
        pltpu.VMEM((CHUNK,), jnp.int32),
        pltpu.VMEM((CHUNK, H), _f32),
        pltpu.VMEM((CHUNK, H), _f32),
        pltpu.VMEM((CHUNK, H), _f32),
        pltpu.VMEM_SHARED((NAC, H), _f32),
        pltpu.SemaphoreType.DMA,
        pltpu.SemaphoreType.DMA,
        pltpu.SemaphoreType.DMA,
    ])
def _sc_pass_c1(a_hbm, b_hbm, c_hbm, dst_hbm, src_hbm,
                out_hbm, dst_v, src_v, a_v, b_v, o_v,
                s_sh, sem_a, sem_b, sem_c):
    cid = lax.axis_index("c").astype(_i32)
    sid = lax.axis_index("s").astype(_i32)
    wid = sid * _i32(NC) + cid

    _zero_buf(o_v, CHUNK, H)
    r0 = sid * _i32(632) + jnp.minimum(sid, _i32(8)) * _i32(8)

    def _zero_rows_at(rows):
        for off in (0, 128, 256, 384, rows - 128):
            pltpu.sync_copy(o_v, s_sh.at[pl.ds(r0 + _i32(off), CHUNK)])

    @pl.when(sid < 8)
    def _():
        _zero_rows_at(640)

    @pl.when(sid >= 8)
    def _():
        _zero_rows_at(632)
    plsc.subcore_barrier()

    base_w = wid * _i32(CPW * CHUNK)

    def _chunk(ch, _):
        base = base_w + ch * _i32(CHUNK)
        ci1 = pltpu.async_copy(dst_hbm.at[pl.ds(base, CHUNK)], dst_v, sem_a)
        ci2 = pltpu.async_copy(src_hbm.at[pl.ds(base, CHUNK)], src_v, sem_b)
        cp_c = pltpu.async_copy(c_hbm.at[pl.ds(base, CHUNK)], o_v, sem_c)
        ci1.wait()
        ci2.wait()
        cp_a = pltpu.async_copy(a_hbm.at[dst_v], a_v, sem_a)
        cp_b = pltpu.async_copy(b_hbm.at[src_v], b_v, sem_b)
        cp_a.wait()
        cp_b.wait()
        cp_c.wait()

        @plsc.parallel_loop(_i32(0), _i32(CHUNK), _i32(1), unroll=4)
        def _edge(e):
            for k in range(H // 16):
                sl = pl.ds(k * 16, 16)
                o_v[e, sl] = jnp.maximum(
                    a_v[e, sl] + b_v[e, sl] + o_v[e, sl],
                    jnp.float32(0.0))

        pltpu.sync_copy(o_v, s_sh.at[dst_v], add=True)
        return _i32(0)

    lax.fori_loop(_i32(0), _i32(CPW), _chunk, _i32(0))
    plsc.subcore_barrier()

    @pl.when(sid < 8)
    def _():
        pltpu.sync_copy(s_sh.at[pl.ds(r0, 640)],
                        out_hbm.at[cid, pl.ds(r0, 640)])

    @pl.when(sid >= 8)
    def _():
        pltpu.sync_copy(s_sh.at[pl.ds(r0, 632)],
                        out_hbm.at[cid, pl.ds(r0, 632)])


@functools.partial(
    pl.kernel, mesh=_sc_mesh, compiler_params=_sc_params,
    out_type=[jax.ShapeDtypeStruct((NW, NP), _f32)],
    scratch_types=[
        pltpu.VMEM((CHUNK,), jnp.int32),
        pltpu.VMEM((NP,), _f32),
        pltpu.SemaphoreType.DMA,
    ])
def _sc_deg(dst_hbm, deg_hbm, dst_v, deg_v, sem):
    cid = lax.axis_index("c").astype(_i32)
    sid = lax.axis_index("s").astype(_i32)
    wid = sid * _i32(NC) + cid

    zeros16 = jnp.zeros((16,), _f32)

    def _zdeg(g, _):
        deg_v[pl.ds(g * _i32(16), 16)] = zeros16
        return _i32(0)
    lax.fori_loop(_i32(0), _i32(NP // 16), _zdeg, _i32(0))

    lane = lax.iota(jnp.int32, 16)
    masks = [lane == _i32(j) for j in range(16)]
    ones16 = jnp.ones((16,), _f32)
    base_w = wid * _i32(CPW * CHUNK)

    def _chunk(ch, _):
        base = base_w + ch * _i32(CHUNK)
        pltpu.sync_copy(dst_hbm.at[pl.ds(base, CHUNK)], dst_v)
        for g in range(CHUNK // 16):
            idx16 = dst_v[pl.ds(g * 16, 16)]
            for j in range(16):
                plsc.addupdate_scatter(deg_v, [idx16], ones16,
                                       mask=masks[j])
        return _i32(0)

    lax.fori_loop(_i32(0), _i32(CPW), _chunk, _i32(0))
    pltpu.sync_copy(deg_v, deg_hbm.at[wid])


@functools.partial(
    pl.kernel, mesh=_sc_mesh, compiler_params=_sc_params,
    out_type=[jax.ShapeDtypeStruct((NC, NP, H), _f32)],
    scratch_types=[
        pltpu.VMEM((CHUNK,), jnp.int32),
        pltpu.VMEM((CHUNK,), jnp.int32),
        pltpu.VMEM((CHUNK, H), _f32),
        pltpu.VMEM((CHUNK, H), _f32),
        pltpu.VMEM((CHUNK, O), _f32),
        pltpu.VMEM_SHARED((NAC, H), _f32),
        pltpu.SemaphoreType.DMA,
        pltpu.SemaphoreType.DMA,
        pltpu.SemaphoreType.DMA,
    ])
def _sc_pass_c2(t_hbm, c_hbm, dst_hbm, src_hbm,
                out_hbm, dst_v, src_v, a_v, b_v, c_v,
                s_sh, sem_a, sem_b, sem_c):
    cid = lax.axis_index("c").astype(_i32)
    sid = lax.axis_index("s").astype(_i32)
    wid = sid * _i32(NC) + cid

    _zero_buf(a_v, CHUNK, H)
    r0 = sid * _i32(632) + jnp.minimum(sid, _i32(8)) * _i32(8)

    def _zero_rows_at(rows):
        for off in (0, 128, 256, 384, rows - 128):
            pltpu.sync_copy(a_v, s_sh.at[pl.ds(r0 + _i32(off), CHUNK)])

    @pl.when(sid < 8)
    def _():
        _zero_rows_at(640)

    @pl.when(sid >= 8)
    def _():
        _zero_rows_at(632)
    plsc.subcore_barrier()

    zeros16 = jnp.zeros((16,), _f32)
    base_w = wid * _i32(CPW * CHUNK)

    def _chunk(ch, _):
        base = base_w + ch * _i32(CHUNK)
        ci1 = pltpu.async_copy(dst_hbm.at[pl.ds(base, CHUNK)], dst_v, sem_a)
        ci2 = pltpu.async_copy(src_hbm.at[pl.ds(base, CHUNK)], src_v, sem_b)
        cp_c = pltpu.async_copy(c_hbm.at[pl.ds(base, CHUNK)], c_v, sem_c)
        ci1.wait()
        ci2.wait()
        cp_a = pltpu.async_copy(t_hbm.at[dst_v], a_v, sem_a)
        cp_b = pltpu.async_copy(t_hbm.at[src_v], b_v, sem_b)
        cp_a.wait()
        cp_b.wait()
        cp_c.wait()

        @plsc.parallel_loop(_i32(0), _i32(CHUNK), _i32(1), unroll=4)
        def _edge(e):
            for k in range(O // 16):
                a_v[e, pl.ds(k * 16, 16)] = jnp.maximum(
                    a_v[e, pl.ds(k * 16, 16)]
                    + b_v[e, pl.ds(O + k * 16, 16)]
                    + c_v[e, pl.ds(k * 16, 16)],
                    jnp.float32(0.0))
                a_v[e, pl.ds(O + k * 16, 16)] = zeros16

        pltpu.sync_copy(a_v, s_sh.at[dst_v], add=True)
        return _i32(0)

    lax.fori_loop(_i32(0), _i32(CPW), _chunk, _i32(0))
    plsc.subcore_barrier()

    @pl.when(sid < 8)
    def _():
        pltpu.sync_copy(s_sh.at[pl.ds(r0, 640)],
                        out_hbm.at[cid, pl.ds(r0, 640)])

    @pl.when(sid >= 8)
    def _():
        pltpu.sync_copy(s_sh.at[pl.ds(r0, 632)],
                        out_hbm.at[cid, pl.ds(r0, 632)])


_BN = 1024
_BE = 2048


_Z = np.int32(0)


def _row_spec(bn, w):
    return pl.BlockSpec((bn, w), lambda i: (i, _Z))


def _full_spec(shape):
    return pl.BlockSpec(shape, lambda i, _n=len(shape): (_Z,) * _n)


def _tc_pre_body(x_ref, g_ref, bl_ref, pw_ref, pb_ref, wa_ref, wb_ref,
                 h_ref, a_ref, b_ref):
    xx = x_ref[...]
    mu = jnp.mean(xx, axis=1, keepdims=True)
    xc = xx - mu
    var = jnp.mean(xc * xc, axis=1, keepdims=True)
    hh = xc * lax.rsqrt(var + 1e-5) * g_ref[...] + bl_ref[...]
    hh = jnp.maximum(jnp.dot(hh, pw_ref[...],
                             preferred_element_type=_f32) + pb_ref[...], 0.0)
    h_ref[...] = hh
    a_ref[...] = jnp.dot(hh, wa_ref[...], preferred_element_type=_f32)
    b_ref[...] = jnp.dot(hh, wb_ref[...], preferred_element_type=_f32)


def _tc_pre(x_p, ln_g, ln_b, proj_W, proj_b, w1a, w1b):
    return pl.pallas_call(
        _tc_pre_body,
        grid=(NP // _BN,),
        in_specs=[
            _row_spec(_BN, D),
            _full_spec((1, D)), _full_spec((1, D)),
            _full_spec((D, H)), _full_spec((1, H)),
            _full_spec((H, H)), _full_spec((H, H)),
        ],
        out_specs=[_row_spec(_BN, H)] * 3,
        out_shape=[jax.ShapeDtypeStruct((NP, H), _f32)] * 3,
    )(x_p, ln_g, ln_b, proj_W, proj_b, w1a, w1b)


def _tc_edge_body(ea_ref, w1_ref, b1_ref, w2_ref, b2_ref, c1_ref, c2_ref):
    ea = ea_ref[...]
    dn = (((0,), (0,)), ((), ()))
    c1_ref[...] = lax.dot_general(ea, w1_ref[...], dn,
                                  preferred_element_type=_f32) + b1_ref[...]
    c2_ref[...] = lax.dot_general(ea, w2_ref[...], dn,
                                  preferred_element_type=_f32) + b2_ref[...]


def _tc_edge(ea_p, w1c, b1, w2c, b2):
    return pl.pallas_call(
        _tc_edge_body,
        grid=(EP // _BE,),
        in_specs=[
            pl.BlockSpec((ED, _BE), lambda i: (_Z, i)),
            _full_spec((ED, H)), _full_spec((1, H)),
            _full_spec((ED, O)), _full_spec((1, O)),
        ],
        out_specs=[_row_spec(_BE, H), _row_spec(_BE, O)],
        out_shape=[jax.ShapeDtypeStruct((EP, H), _f32),
                   jax.ShapeDtypeStruct((EP, O), _f32)],
    )(ea_p, w1c, b1, w2c, b2)


def _tc_deg_body(d_ref, out_ref):
    out_ref[...] = jnp.broadcast_to(jnp.sum(d_ref[...], axis=0)[:, None],
                                    (NP, 128))


def _tc_deg(degp):
    return pl.pallas_call(
        _tc_deg_body,
        grid=(1,),
        in_specs=[_full_spec((NW, NP))],
        out_specs=[_full_spec((NP, 128))],
        out_shape=[jax.ShapeDtypeStruct((NP, 128), _f32)],
    )(degp)[0]


def _tc_mid_body(h_ref, sa_ref, sb_ref, d_ref, w2_ref, b2_ref, u1t_ref,
                 u1b_ref, ub1_ref, u2_ref, ub2_ref, g_ref, bb_ref,
                 wab_ref, hn_ref, t_ref):
    f = sa_ref[...] + sb_ref[...]
    cnt = d_ref[...]
    deg = jnp.maximum(cnt, 1.0)
    agg = jnp.dot(f / deg, w2_ref[...], preferred_element_type=_f32)
    agg = agg + jnp.where(cnt > 0, jnp.float32(1.0), jnp.float32(0.0)) * b2_ref[...]
    hh = h_ref[...]
    u = jnp.maximum(jnp.dot(hh, u1t_ref[...], preferred_element_type=_f32)
                    + jnp.dot(agg, u1b_ref[...], preferred_element_type=_f32)
                    + ub1_ref[...], 0.0)
    u = jnp.dot(u, u2_ref[...], preferred_element_type=_f32) + ub2_ref[...]
    u = u * jnp.float32(1.0 / (1.0 + 1e-5) ** 0.5) * g_ref[...] + bb_ref[...]
    hn = hh + jnp.maximum(u, 0.0)
    hn_ref[...] = hn
    t_ref[...] = jnp.dot(hn, wab_ref[...], preferred_element_type=_f32)


def _tc_mid(h, s1a, s1b, cnt1, w2, b2, u1t, u1b, ub1, u2, ub2, g, bb, w2ab):
    return pl.pallas_call(
        _tc_mid_body,
        grid=(NP // _BN,),
        in_specs=[
            _row_spec(_BN, H),
            _row_spec(_BN, H),
            _row_spec(_BN, H),
            _row_spec(_BN, 128),
            _full_spec((H, H)), _full_spec((1, H)),
            _full_spec((H, H)), _full_spec((H, H)), _full_spec((1, H)),
            _full_spec((H, H)), _full_spec((1, H)),
            _full_spec((1, H)), _full_spec((1, H)),
            _full_spec((H, H)),
        ],
        out_specs=[_row_spec(_BN, H), _row_spec(_BN, H)],
        out_shape=[jax.ShapeDtypeStruct((NP, H), _f32),
                   jax.ShapeDtypeStruct((NP, H), _f32)],
    )(h, s1a, s1b, cnt1, w2, b2, u1t, u1b, ub1, u2, ub2, g, bb, w2ab)


def _tc_post_body(h_ref, sa_ref, sb_ref, d_ref, w2_ref, b2_ref, u1t_ref,
                  u1b_ref, ub1_ref, u2_ref, ub2_ref, g_ref, bb_ref,
                  rw_ref, rb_ref,
                  cw1_ref, cb1_ref, cw2_ref, cb2_ref, out_ref):
    s = (sa_ref[...] + sb_ref[...])[:, :O]
    cnt = d_ref[:, :O]
    deg = jnp.maximum(cnt, 1.0)
    agg = jnp.dot(s / deg, w2_ref[...], preferred_element_type=_f32)
    agg = agg + jnp.where(cnt > 0, jnp.float32(1.0), jnp.float32(0.0)) * b2_ref[...]
    hh = h_ref[...]
    u = jnp.maximum(jnp.dot(hh, u1t_ref[...], preferred_element_type=_f32)
                    + jnp.dot(agg, u1b_ref[...], preferred_element_type=_f32)
                    + ub1_ref[...], 0.0)
    u = jnp.dot(u, u2_ref[...], preferred_element_type=_f32) + ub2_ref[...]
    u = u * jnp.float32(1.0 / (1.0 + 1e-5) ** 0.5) * g_ref[...] + bb_ref[...]
    h2 = jnp.maximum(u, 0.0)
    ho = jnp.dot(hh, rw_ref[...], preferred_element_type=_f32) + rb_ref[...] + h2
    z = jnp.maximum(jnp.dot(ho, cw1_ref[...],
                            preferred_element_type=_f32) + cb1_ref[...], 0.0)
    lo = jnp.sum(z * cw2_ref[...], axis=1, keepdims=True) + cb2_ref[:, 0:1]
    out_ref[...] = jnp.broadcast_to(lo, (_BN, 128))


def _tc_post(h, s2a, s2b, cnt1, w2, b2, u1t, u1b, ub1, u2, ub2, g, bb,
             rw, rb, cw1, cb1, cw2, cb2):
    return pl.pallas_call(
        _tc_post_body,
        grid=(NP // _BN,),
        in_specs=[
            _row_spec(_BN, H),
            _row_spec(_BN, H),
            _row_spec(_BN, H),
            _row_spec(_BN, 128),
            _full_spec((O, O)), _full_spec((1, O)),
            _full_spec((H, O)), _full_spec((O, O)), _full_spec((1, O)),
            _full_spec((O, O)), _full_spec((1, O)),
            _full_spec((1, O)), _full_spec((1, O)),
            _full_spec((H, O)), _full_spec((1, O)),
            _full_spec((O, O // 2)), _full_spec((1, O // 2)),
            _full_spec((1, O // 2)), _full_spec((1, 128)),
        ],
        out_specs=[_row_spec(_BN, 128)],
        out_shape=[jax.ShapeDtypeStruct((NP, 128), _f32)],
    )(h, s2a, s2b, cnt1, w2, b2, u1t, u1b, ub1, u2, ub2, g, bb,
      rw, rb, cw1, cb1, cw2, cb2)[0]


def kernel(x, edge_index, edge_attr, params):
    p = params
    x = x.astype(_f32)
    edge_attr = edge_attr.astype(_f32)
    src = edge_index[0].astype(jnp.int32)
    dst = edge_index[1].astype(jnp.int32)

    pad_e = EP - E
    src_p = jnp.concatenate([src, jnp.full((pad_e,), DUMMY, jnp.int32)])
    dst_p = jnp.concatenate([dst, jnp.full((pad_e,), DUMMY, jnp.int32)])
    ea_p = jnp.concatenate([edge_attr.T, jnp.zeros((ED, pad_e), _f32)],
                           axis=1)
    x_p = jnp.concatenate([x, jnp.zeros((NP - N, D), _f32)])

    def row(v):
        return v.reshape(1, -1).astype(_f32)

    w1 = p['c1_msg_W1']
    h, a1, b1 = _tc_pre(x_p, row(p['ln_g']), row(p['ln_b']),
                        p['proj_W'], row(p['proj_b']),
                        w1[:H], w1[H:2 * H])
    w1c2 = p['c2_msg_W1']
    c1, c2 = _tc_edge(ea_p, w1[2 * H:], row(p['c1_msg_b1']),
                      w1c2[2 * H:], row(p['c2_msg_b1']))

    (degp,) = _sc_deg(dst_p)
    cnt1 = _tc_deg(degp)
    (s1p,) = _sc_pass_c1(a1, b1, c1, dst_p, src_p)
    s1p = jnp.concatenate(
        [s1p[:, :NAC, :], jnp.zeros((NC, NP - NAC, H), _f32)], axis=1)

    w2ab = jnp.concatenate([w1c2[:H], w1c2[H:2 * H]], axis=1)
    hn, t2 = _tc_mid(h, s1p[0], s1p[1], cnt1,
                     p['c1_msg_W2'], row(p['c1_msg_b2']),
                     p['c1_upd_W1'][:H], p['c1_upd_W1'][H:],
                     row(p['c1_upd_b1']), p['c1_upd_W2'],
                     row(p['c1_upd_b2']), row(p['bn1_g']),
                     row(p['bn1_b']), w2ab)

    (s2pk,) = _sc_pass_c2(t2, c2, dst_p, src_p)
    s2pk = jnp.concatenate(
        [s2pk[:, :NAC, :], jnp.zeros((NC, NP - NAC, H), _f32)], axis=1)

    out = _tc_post(hn, s2pk[0], s2pk[1], cnt1,
                   p['c2_msg_W2'], row(p['c2_msg_b2']),
                   p['c2_upd_W1'][:H], p['c2_upd_W1'][H:],
                   row(p['c2_upd_b1']), p['c2_upd_W2'], row(p['c2_upd_b2']),
                   row(p['bn2_g']), row(p['bn2_b']),
                   p['res2_W'], row(p['res2_b']),
                   p['cls_W1'], row(p['cls_b1']),
                   p['cls_W2'].reshape(1, O // 2),
                   jnp.tile(p['cls_b2'].reshape(1, 1), (1, 128)))
    return out[:N, 0]

# --- scband reference (transcript-rebuilt; emitter-appended) ---
"""Pipeline reference for scband-temporal-graph-sage-14568529068621 (READ-ONLY COPY).

The authoritative reference and input builder live on the scoring server;
editing this copy changes nothing except your own understanding.
"""

import jax
jax.config.update('jax_enable_x64', True)
import jax.numpy as jnp
import numpy as np

N = 10000
E = 320000
D = 128
ED = 16
H = 128
O = 64


def _lin(x, W, b):
    return x @ W + b


def _mlp2(x, p, pre):
    h = jax.nn.relu(_lin(x, p[pre + '_W1'], p[pre + '_b1']))
    return _lin(h, p[pre + '_W2'], p[pre + '_b2'])


def _layernorm(x, g, b):
    mu = x.mean(axis=-1, keepdims=True)
    var = x.var(axis=-1, keepdims=True)
    return (x - mu) / jnp.sqrt(var + 1e-5) * g + b


def _bn_eval(x, g, b):
    # BatchNorm1d in eval mode with running_mean=0, running_var=1
    return x / jnp.sqrt(1.0 + 1e-5) * g + b


def _edge_aware_sage_conv(x, edge_index, edge_attr, p, pre):
    src = edge_index[0]
    dst = edge_index[1]
    x_i = x[dst]  # target node features (PyG flow source_to_target)
    x_j = x[src]  # source node features
    msg_in = jnp.concatenate([x_i, x_j, edge_attr], axis=-1)
    msg = _mlp2(msg_in, p, pre + '_msg')
    n = x.shape[0]
    deg = jnp.zeros((n,), x.dtype).at[dst].add(1.0)
    deg = jnp.maximum(deg, 1.0)
    agg = jnp.zeros((n, msg.shape[1]), x.dtype).at[dst].add(msg) / deg[:, None]
    out = _mlp2(jnp.concatenate([x, agg], axis=-1), p, pre + '_upd')
    return out


def _forward(x, edge_attr, params, edge_index):
    p = params
    h = _layernorm(x, p['ln_g'], p['ln_b'])
    h = jax.nn.relu(_lin(h, p['proj_W'], p['proj_b']))
    h1 = _edge_aware_sage_conv(h, edge_index, edge_attr, p, 'c1')
    h1 = jax.nn.relu(_bn_eval(h1, p['bn1_g'], p['bn1_b']))
    h = h + h1  # dropout is identity in eval mode
    h2 = _edge_aware_sage_conv(h, edge_index, edge_attr, p, 'c2')
    h2 = jax.nn.relu(_bn_eval(h2, p['bn2_g'], p['bn2_b']))
    h = _lin(h, p['res2_W'], p['res2_b']) + h2
    z = jax.nn.relu(_lin(h, p['cls_W1'], p['cls_b1']))
    logits = _lin(z, p['cls_W2'], p['cls_b2'])[:, 0]
    return logits


def setup_inputs(seed: int = 0) -> dict:
    key = jax.random.key(seed)
    ks = jax.random.split(key, 24)

    def rn(k, shape, scale=0.05):
        return jax.random.normal(k, shape, dtype=jnp.float32) * scale

    x = jax.random.normal(ks[0], (N, D), dtype=jnp.float32)
    edge_index = jax.random.randint(ks[1], (2, E), 0, N, dtype=jnp.int64)
    edge_attr = jax.random.normal(ks[2], (E, ED), dtype=jnp.float32)

    params = {
        'ln_g': jnp.ones((D,), jnp.float32),
        'ln_b': jnp.zeros((D,), jnp.float32),
        'proj_W': rn(ks[3], (D, H)),
        'proj_b': jnp.zeros((H,), jnp.float32),
        'c1_msg_W1': rn(ks[4], (2 * H + ED, H)),
        'c1_msg_b1': jnp.zeros((H,), jnp.float32),
        'c1_msg_W2': rn(ks[5], (H, H)),
        'c1_msg_b2': jnp.zeros((H,), jnp.float32),
        'c1_upd_W1': rn(ks[6], (2 * H, H)),
        'c1_upd_b1': jnp.zeros((H,), jnp.float32),
        'c1_upd_W2': rn(ks[7], (H, H)),
        'c1_upd_b2': jnp.zeros((H,), jnp.float32),
        'bn1_g': jnp.ones((H,), jnp.float32),
        'bn1_b': jnp.zeros((H,), jnp.float32),
        'c2_msg_W1': rn(ks[8], (2 * H + ED, O)),
        'c2_msg_b1': jnp.zeros((O,), jnp.float32),
        'c2_msg_W2': rn(ks[9], (O, O)),
        'c2_msg_b2': jnp.zeros((O,), jnp.float32),
        'c2_upd_W1': rn(ks[10], (H + O, O)),
        'c2_upd_b1': jnp.zeros((O,), jnp.float32),
        'c2_upd_W2': rn(ks[11], (O, O)),
        'c2_upd_b2': jnp.zeros((O,), jnp.float32),
        'bn2_g': jnp.ones((O,), jnp.float32),
        'bn2_b': jnp.zeros((O,), jnp.float32),
        'res2_W': rn(ks[12], (H, O)),
        'res2_b': jnp.zeros((O,), jnp.float32),
        'cls_W1': rn(ks[13], (O, O // 2)),
        'cls_b1': jnp.zeros((O // 2,), jnp.float32),
        'cls_W2': rn(ks[14], (O // 2, 1)),
        'cls_b2': jnp.zeros((1,), jnp.float32),
    }
    return {'x': x, 'edge_index': edge_index, 'edge_attr': edge_attr, 'params': params}


def reference(x, edge_index, edge_attr, params):
    return _forward(x, edge_attr, params, edge_index)

if __name__ == "__main__":
    import jax
    _d = setup_inputs()
    print(jax.jit(kernel)(*tuple(_d.values())))

</pallas_src>

<mosaic_0001>
#map = affine_map<(d0, d1) -> (0)>
#map1 = affine_map<(d0, d1) -> (0, 0)>
module attributes {stable_mosaic.version = 14 : i64} {
  func.func @_sc_deg(%arg0: i32, %arg1: i32, %arg2: memref<323584xi32, #tpu.memory_space<hbm>>, %arg3: memref<32x10240xf32, #tpu.memory_space<hbm>>, %arg4: memref<128xi32, #tpu.memory_space<vmem>>, %arg5: memref<10240xf32, #tpu.memory_space<vmem>>, %arg6: memref<!tpu.dma_semaphore, #tpu.memory_space<semaphore_mem>>) attributes {dimension_semantics = [#tpu.dimension_semantics<core_parallel>, #tpu.dimension_semantics<subcore_parallel>], iteration_bounds = array<i64: 2, 16>, scalar_prefetch = 0 : i64, scratch_operands = 3 : i64, tpu.core_type = #tpu.core_type<sc_vector_subcore>, window_params = [{transform_indices = #map}, {transform_indices = #map1}]} {
    %mul3A = arith.constant 2 : i32
    %mul3A_0 = arith.muli %arg1, %mul3A : i32
    %add3A = arith.addi %mul3A_0, %arg0 : i32
    %broadcast_in_dim3A = arith.constant 0.000000e+00 : f32
    %broadcast_in_dim3A_1 = vector.broadcast %broadcast_in_dim3A : f32 to vector<16xf32>
    %while3A = arith.constant 0 : i32
    %while3A_2 = arith.constant 640 : i32
    %while3A_3 = arith.constant 0 : i32
    %while3A_4 = arith.subi %while3A_2, %while3A : i32
    %while3A_5 = arith.addi %while3A, %while3A_4 : i32
    %while3A_6 = arith.constant 1 : i32
    %while3A_7 = arith.divsi %while3A_4, %while3A_6 : i32
    %while3A_8 = arith.muli %while3A_7, %while3A_6 : i32
    %while3A_9 = arith.addi %while3A, %while3A_8 : i32
    %while3A_10 = arith.constant 1 : i32
    %while3A_11 = scf.for %while3A_78 = %while3A to %while3A_9 step %while3A_10 iter_args(%while3A_79 = %while3A_3) -> (i32)  : i32 {
      %mul3A_80 = arith.constant 16 : i32
      %mul3A_81 = arith.muli %while3A_78, %mul3A_80 : i32
      %swap3A = arith.index_cast %mul3A_81 : i32 to index
      %swap3A_82 = tpu.vector_load %arg5[%swap3A] {strides = array<i32>} : memref<10240xf32, #tpu.memory_space<vmem>>, vector<16xf32>,
      tpu.vector_store %arg5[%swap3A], %broadcast_in_dim3A_1 {strides = array<i32>} : memref<10240xf32, #tpu.memory_space<vmem>>, vector<16xf32>,
      %while3A_83 = arith.constant 0 : i32
      scf.yield %while3A_83 : i32
    }
    %while3A_12 = arith.constant 1 : i32
    %while3A_13 = scf.for %while3A_78 = %while3A_9 to %while3A_5 step %while3A_12 iter_args(%while3A_79 = %while3A_11) -> (i32)  : i32 {
      %mul3A_80 = arith.constant 16 : i32
      %mul3A_81 = arith.muli %while3A_78, %mul3A_80 : i32
      %swap3A = arith.index_cast %mul3A_81 : i32 to index
      %swap3A_82 = tpu.vector_load %arg5[%swap3A] {strides = array<i32>} : memref<10240xf32, #tpu.memory_space<vmem>>, vector<16xf32>,
      tpu.vector_store %arg5[%swap3A], %broadcast_in_dim3A_1 {strides = array<i32>} : memref<10240xf32, #tpu.memory_space<vmem>>, vector<16xf32>,
      %while3A_83 = arith.constant 0 : i32
      scf.yield %while3A_83 : i32
    }
    %iota3A = tpu.iota {dimensions = array<i32: 0>} : vector<16xi32>
    %eq3A = arith.constant 0 : i32
    %eq3A_14 = vector.broadcast %eq3A : i32 to vector<16xi32>
    %eq3A_15 = arith.cmpi eq, %iota3A, %eq3A_14 : vector<16xi32>
    %eq3A_16 = arith.constant 1 : i32
    %eq3A_17 = vector.broadcast %eq3A_16 : i32 to vector<16xi32>
    %eq3A_18 = arith.cmpi eq, %iota3A, %eq3A_17 : vector<16xi32>
    %eq3A_19 = arith.constant 2 : i32
    %eq3A_20 = vector.broadcast %eq3A_19 : i32 to vector<16xi32>
    %eq3A_21 = arith.cmpi eq, %iota3A, %eq3A_20 : vector<16xi32>
    %eq3A_22 = arith.constant 3 : i32
    %eq3A_23 = vector.broadcast %eq3A_22 : i32 to vector<16xi32>
    %eq3A_24 = arith.cmpi eq, %iota3A, %eq3A_23 : vector<16xi32>
    %eq3A_25 = arith.constant 4 : i32
    %eq3A_26 = vector.broadcast %eq3A_25 : i32 to vector<16xi32>
    %eq3A_27 = arith.cmpi eq, %iota3A, %eq3A_26 : vector<16xi32>
    %eq3A_28 = arith.constant 5 : i32
    %eq3A_29 = vector.broadcast %eq3A_28 : i32 to vector<16xi32>
    %eq3A_30 = arith.cmpi eq, %iota3A, %eq3A_29 : vector<16xi32>
    %eq3A_31 = arith.constant 6 : i32
    %eq3A_32 = vector.broadcast %eq3A_31 : i32 to vector<16xi32>
    %eq3A_33 = arith.cmpi eq, %iota3A, %eq3A_32 : vector<16xi32>
    %eq3A_34 = arith.constant 7 : i32
    %eq3A_35 = vector.broadcast %eq3A_34 : i32 to vector<16xi32>
    %eq3A_36 = arith.cmpi eq, %iota3A, %eq3A_35 : vector<16xi32>
    %eq3A_37 = arith.constant 8 : i32
    %eq3A_38 = vector.broadcast %eq3A_37 : i32 to vector<16xi32>
    %eq3A_39 = arith.cmpi eq, %iota3A, %eq3A_38 : vector<16xi32>
    %eq3A_40 = arith.constant 9 : i32
    %eq3A_41 = vector.broadcast %eq3A_40 : i32 to vector<16xi32>
    %eq3A_42 = arith.cmpi eq, %iota3A, %eq3A_41 : vector<16xi32>
    %eq3A_43 = arith.constant 10 : i32
    %eq3A_44 = vector.broadcast %eq3A_43 : i32 to vector<16xi32>
    %eq3A_45 = arith.cmpi eq, %iota3A, %eq3A_44 : vector<16xi32>
    %eq3A_46 = arith.constant 11 : i32
    %eq3A_47 = vector.broadcast %eq3A_46 : i32 to vector<16xi32>
    %eq3A_48 = arith.cmpi eq, %iota3A, %eq3A_47 : vector<16xi32>
    %eq3A_49 = arith.constant 12 : i32
    %eq3A_50 = vector.broadcast %eq3A_49 : i32 to vector<16xi32>
    %eq3A_51 = arith.cmpi eq, %iota3A, %eq3A_50 : vector<16xi32>
    %eq3A_52 = arith.constant 13 : i32
    %eq3A_53 = vector.broadcast %eq3A_52 : i32 to vector<16xi32>
    %eq3A_54 = arith.cmpi eq, %iota3A, %eq3A_53 : vector<16xi32>
    %eq3A_55 = arith.constant 14 : i32
    %eq3A_56 = vector.broadcast %eq3A_55 : i32 to vector<16xi32>
    %eq3A_57 = arith.cmpi eq, %iota3A, %eq3A_56 : vector<16xi32>
    %eq3A_58 = arith.constant 15 : i32
    %eq3A_59 = vector.broadcast %eq3A_58 : i32 to vector<16xi32>
    %eq3A_60 = arith.cmpi eq, %iota3A, %eq3A_59 : vector<16xi32>
    %broadcast_in_dim3A_61 = arith.constant 1.000000e+00 : f32
    %broadcast_in_dim3A_62 = vector.broadcast %broadcast_in_dim3A_61 : f32 to vector<16xf32>
    %mul3A_63 = arith.constant 10112 : i32
    %mul3A_64 = arith.muli %add3A, %mul3A_63 : i32
    %while3A_65 = arith.constant 0 : i32
    %while3A_66 = arith.constant 79 : i32
    %while3A_67 = arith.constant 0 : i32
    %while3A_68 = arith.subi %while3A_66, %while3A_65 : i32
    %while3A_69 = arith.addi %while3A_65, %while3A_68 : i32
    %while3A_70 = arith.constant 1 : i32
    %while3A_71 = arith.divsi %while3A_68, %while3A_70 : i32
    %while3A_72 = arith.muli %while3A_71, %while3A_70 : i32
    %while3A_73 = arith.addi %while3A_65, %while3A_72 : i32
    %while3A_74 = arith.constant 1 : i32
    %while3A_75 = scf.for %while3A_78 = %while3A_65 to %while3A_73 step %while3A_74 iter_args(%while3A_79 = %while3A_67) -> (i32)  : i32 {
      %mul3A_80 = arith.constant 128 : i32
      %mul3A_81 = arith.muli %while3A_78, %mul3A_80 : i32
      %add3A_82 = arith.addi %mul3A_64, %mul3A_81 : i32
      "tpu.region"() ({
        %run_scoped3A = tpu.sem_alloc : memref<!tpu.dma_semaphore, #tpu.memory_space<semaphore_mem>>
        %dma_start3A = tpu.memref_slice %arg2[%add3A_82] : memref<323584xi32, #tpu.memory_space<hbm>> -> memref<128xi32, #tpu.memory_space<hbm>>
        %dma_start3A_99 = tpu.memref_slice %arg2[%add3A_82] : memref<323584xi32, #tpu.memory_space<hbm>> -> memref<128xi32, #tpu.memory_space<hbm>>
        tpu.enqueue_dma source(%dma_start3A_99 : memref<128xi32, #tpu.memory_space<hbm>>) target(%arg4 : memref<128xi32, #tpu.memory_space<vmem>>) target_semaphore(%run_scoped3A : memref<!tpu.dma_semaphore, #tpu.memory_space<semaphore_mem>>)
        %dma_wait3A = tpu.memref_slice %arg2[%add3A_82] : memref<323584xi32, #tpu.memory_space<hbm>> -> memref<128xi32, #tpu.memory_space<hbm>>
        %dma_wait3A_100 = tpu.memref_slice %arg2[%add3A_82] : memref<323584xi32, #tpu.memory_space<hbm>> -> memref<128xi32, #tpu.memory_space<hbm>>
        tpu.wait_dma2 semaphore(%run_scoped3A : memref<!tpu.dma_semaphore, #tpu.memory_space<semaphore_mem>>) src(%dma_wait3A_100 : memref<128xi32, #tpu.memory_space<hbm>>) dst(%arg4 : memref<128xi32, #tpu.memory_space<vmem>>)
        tpu.yield
      }) : () -> ()
      %get3A = arith.constant 0 : index
      %get3A_83 = tpu.vector_load %arg4[%get3A] {strides = array<i32>} : memref<128xi32, #tpu.memory_space<vmem>>, vector<16xi32>,
      tpu.vector_store_idx %arg5[%get3A_83], %broadcast_in_dim3A_62 masked %eq3A_15 {add = true} : memref<10240xf32, #tpu.memory_space<vmem>>[vector<16xi32>], vector<16xf32>, vector<16xi1>
      tpu.vector_store_idx %arg5[%get3A_83], %broadcast_in_dim3A_62 masked %eq3A_18 {add = true} : memref<10240xf32, #tpu.memory_space<vmem>>[vector<16xi32>], vector<16xf32>, vector<16xi1>
      tpu.vector_store_idx %arg5[%get3A_83], %broadcast_in_dim3A_62 masked %eq3A_21 {add = true} : memref<10240xf32, #tpu.memory_space<vmem>>[vector<16xi32>], vector<16xf32>, vector<16xi1>
      tpu.vector_store_idx %arg5[%get3A_83], %broadcast_in_dim3A_62 masked %eq3A_24 {add = true} : memref<10240xf32, #tpu.memory_space<vmem>>[vector<16xi32>], vector<16xf32>, vector<16xi1>
      tpu.vector_store_idx %arg5[%get3A_83], %broadcast_in_dim3A_62 masked %eq3A_27 {add = true} : memref<10240xf32, #tpu.memory_space<vmem>>[vector<16xi32>], vector<16xf32>, vector<16xi1>
      tpu.vector_store_idx %arg5[%get3A_83], %broadcast_in_dim3A_62 masked %eq3A_30 {add = true} : memref<10240xf32, #tpu.memory_space<vmem>>[vector<16xi32>], vector<16xf32>, vector<16xi1>
      tpu.vector_store_idx %arg5[%get3A_83], %broadcast_in_dim3A_62 masked %eq3A_33 {add = true} : memref<10240xf32, #tpu.memory_space<vmem>>[vector<16xi32>], vector<16xf32>, vector<16xi1>
      tpu.vector_store_idx %arg5[%get3A_83], %broadcast_in_dim3A_62 masked %eq3A_36 {add = true} : memref<10240xf32, #tpu.memory_space<vmem>>[vector<16xi32>], vector<16xf32>, vector<16xi1>
      tpu.vector_store_idx %arg5[%get3A_83], %broadcast_in_dim3A_62 masked %eq3A_39 {add = true} : memref<10240xf32, #tpu.memory_space<vmem>>[vector<16xi32>], vector<16xf32>, vector<16xi1>
      tpu.vector_store_idx %arg5[%get3A_83], %broadcast_in_dim3A_62 masked %eq3A_42 {add = true} : memref<10240xf32, #tpu.memory_space<vmem>>[vector<16xi32>], vector<16xf32>, vector<16xi1>
      tpu.vector_store_idx %arg5[%get3A_83], %broadcast_in_dim3A_62 masked %eq3A_45 {add = true} : memref<10240xf32, #tpu.memory_space<vmem>>[vector<16xi32>], vector<16xf32>, vector<16xi1>
      tpu.vector_store_idx %arg5[%get3A_83], %broadcast_in_dim3A_62 masked %eq3A_48 {add = true} : memref<10240xf32, #tpu.memory_space<vmem>>[vector<16xi32>], vector<16xf32>, vector<16xi1>
      tpu.vector_store_idx %arg5[%get3A_83], %broadcast_in_dim3A_62 masked %eq3A_51 {add = true} : memref<10240xf32, #tpu.memory_space<vmem>>[vector<16xi32>], vector<16xf32>, vector<16xi1>
      tpu.vector_store_idx %arg5[%get3A_83], %broadcast_in_dim3A_62 masked %eq3A_54 {add = true} : memref<10240xf32, #tpu.memory_space<vmem>>[vector<16xi32>], vector<16xf32>, vector<16xi1>
      tpu.vector_store_idx %arg5[%get3A_83], %broadcast_in_dim3A_62 masked %eq3A_57 {add = true} : memref<10240xf32, #tpu.memory_space<vmem>>[vector<16xi32>], vector<16xf32>, vector<16xi1>
      tpu.vector_store_idx %arg5[%get3A_83], %broadcast_in_dim3A_62 masked %eq3A_60 {add = true} : memref<10240xf32, #tpu.memory_space<vmem>>[vector<16xi32>], vector<16xf32>, vector<16xi1>
      %get3A_84 = arith.constant 16 : index
      %get3A_85 = tpu.vector_load %arg4[%get3A_84] {strides = array<i32>} : memref<128xi32, #tpu.memory_space<vmem>>, vector<16xi32>,
      tpu.vector_store_idx %arg5[%get3A_85], %broadcast_in_dim3A_62 masked %eq3A_15 {add = true} : memref<10240xf32, #tpu.memory_space<vmem>>[vector<16xi32>], vector<16xf32>, vector<16xi1>
      tpu.vector_store_idx %arg5[%get3A_85], %broadcast_in_dim3A_62 masked %eq3A_18 {add = true} : memref<10240xf32, #tpu.memory_space<vmem>>[vector<16xi32>], vector<16xf32>, vector<16xi1>
      tpu.vector_store_idx %arg5[%get3A_85], %broadcast_in_dim3A_62 masked %eq3A_21 {add = true} : memref<10240xf32, #tpu.memory_space<vmem>>[vector<16xi32>], vector<16xf32>, vector<16xi1>
      tpu.vector_store_idx %arg5[%get3A_85], %broadcast_in_dim3A_62 masked %eq3A_24 {add = true} : memref<10240xf32, #tpu.memory_space<vmem>>[vector<16xi32>], vector<16xf32>, vector<16xi1>
      tpu.vector_store_idx %arg5[%get3A_85], %broadcast_in_dim3A_62 masked %eq3A_27 {add = true} : memref<10240xf32, #tpu.memory_space<vmem>>[vector<16xi32>], vector<16xf32>, vector<16xi1>
      tpu.vector_store_idx %arg5[%get3A_85], %broadcast_in_dim3A_62 masked %eq3A_30 {add = true} : memref<10240xf32, #tpu.memory_space<vmem>>[vector<16xi32>], vector<16xf32>, vector<16xi1>
      tpu.vector_store_idx %arg5[%get3A_85], %broadcast_in_dim3A_62 masked %eq3A_33 {add = true} : memref<10240xf32, #tpu.memory_space<vmem>>[vector<16xi32>], vector<16xf32>, vector<16xi1>
      tpu.vector_store_idx %arg5[%get3A_85], %broadcast_in_dim3A_62 masked %eq3A_36 {add = true} : memref<10240xf32, #tpu.memory_space<vmem>>[vector<16xi32>], vector<16xf32>, vector<16xi1>
      tpu.vector_store_idx %arg5[%get3A_85], %broadcast_in_dim3A_62 masked %eq3A_39 {add = true} : memref<10240xf32, #tpu.memory_space<vmem>>[vector<16xi32>], vector<16xf32>, vector<16xi1>
      tpu.vector_store_idx %arg5[%get3A_85], %broadcast_in_dim3A_62 masked %eq3A_42 {add = true} : memref<10240xf32, #tpu.memory_space<vmem>>[vector<16xi32>], vector<16xf32>, vector<16xi1>
      tpu.vector_store_idx %arg5[%get3A_85], %broadcast_in_dim3A_62 masked %eq3A_45 {add = true} : memref<10240xf32, #tpu.memory_space<vmem>>[vector<16xi32>], vector<16xf32>, vector<16xi1>
      tpu.vector_store_idx %arg5[%get3A_85], %broadcast_in_dim3A_62 masked %eq3A_48 {add = true} : memref<10240xf32, #tpu.memory_space<vmem>>[vector<16xi32>], vector<16xf32>, vector<16xi1>
      tpu.vector_store_idx %arg5[%get3A_85], %broadcast_in_dim3A_62 masked %eq3A_51 {add = true} : memref<10240xf32, #tpu.memory_space<vmem>>[vector<16xi32>], vector<16xf32>, vector<16xi1>
      tpu.vector_store_idx %arg5[%get3A_85], %broadcast_in_dim3A_62 masked %eq3A_54 {add = true} : memref<10240xf32, #tpu.memory_space<vmem>>[vector<16xi32>], vector<16xf32>, vector<16xi1>
      tpu.vector_store_idx %arg5[%get3A_85], %broadcast_in_dim3A_62 masked %eq3A_57 {add = true} : memref<10240xf32, #tpu.memory_space<vmem>>[vector<16xi32>], vector<16xf32>, vector<16xi1>
      tpu.vector_store_idx %arg5[%get3A_85], %broadcast_in_dim3A_62 masked %eq3A_60 {add = true} : memref<10240xf32, #tpu.memory_space<vmem>>[vector<16xi32>], vector<16xf32>, vector<16xi1>
      %get3A_86 = arith.constant 32 : index
      %get3A_87 = tpu.vector_load %arg4[%get3A_86] {strides = array<i32>} : memref<128xi32, #tpu.memory_space<vmem>>, vector<16xi32>,
      tpu.vector_store_idx %arg5[%get3A_87], %broadcast_in_dim3A_62 masked %eq3A_15 {add = true} : memref<10240xf32, #tpu.memory_space<vmem>>[vector<16xi32>], vector<16xf32>, vector<16xi1>
      tpu.vector_store_idx %arg5[%get3A_87], %broadcast_in_dim3A_62 masked %eq3A_18 {add = true} : memref<10240xf32, #tpu.memory_space<vmem>>[vector<16xi32>], vector<16xf32>, vector<16xi1>
      tpu.vector_store_idx %arg5[%get3A_87], %broadcast_in_dim3A_62 masked %eq3A_21 {add = true} : memref<10240xf32, #tpu.memory_space<vmem>>[vector<16xi32>], vector<16xf32>, vector<16xi1>
      tpu.vector_store_idx %arg5[%get3A_87], %broadcast_in_dim3A_62 masked %eq3A_24 {add = true} : memref<10240xf32, #tpu.memory_space<vmem>>[vector<16xi32>], vector<16xf32>, vector<16xi1>
      tpu.vector_store_idx %arg5[%get3A_87], %broadcast_in_dim3A_62 masked %eq3A_27 {add = true} : memref<10240xf32, #tpu.memory_space<vmem>>[vector<16xi32>], vector<16xf32>, vector<16xi1>
      tpu.vector_store_idx %arg5[%get3A_87], %broadcast_in_dim3A_62 masked %eq3A_30 {add = true} : memref<10240xf32, #tpu.memory_space<vmem>>[vector<16xi32>], vector<16xf32>, vector<16xi1>
      tpu.vector_store_idx %arg5[%get3A_87], %broadcast_in_dim3A_62 masked %eq3A_33 {add = true} : memref<10240xf32, #tpu.memory_space<vmem>>[vector<16xi32>], vector<16xf32>, vector<16xi1>
      tpu.vector_store_idx %arg5[%get3A_87], %broadcast_in_dim3A_62 masked %eq3A_36 {add = true} : memref<10240xf32, #tpu.memory_space<vmem>>[vector<16xi32>], vector<16xf32>, vector<16xi1>
      tpu.vector_store_idx %arg5[%get3A_87], %broadcast_in_dim3A_62 masked %eq3A_39 {add = true} : memref<10240xf32, #tpu.memory_space<vmem>>[vector<16xi32>], vector<16xf32>, vector<16xi1>
      tpu.vector_store_idx %arg5[%get3A_87], %broadcast_in_dim3A_62 masked %eq3A_42 {add = true} : memref<10240xf32, #tpu.memory_space<vmem>>[vector<16xi32>], vector<16xf32>, vector<16xi1>
      tpu.vector_store_idx %arg5[%get3A_87], %broadcast_in_dim3A_62 masked %eq3A_45 {add = true} : memref<10240xf32, #tpu.memory_space<vmem>>[vector<16xi32>], vector<16xf32>, vector<16xi1>
      tpu.vector_store_idx %arg5[%get3A_87], %broadcast_in_dim3A_62 masked %eq3A_48 {add = true} : memref<10240xf32, #tpu.memory_space<vmem>>[vector<16xi32>], vector<16xf32>, vector<16xi1>
      tpu.vector_store_idx %arg5[%get3A_87], %broadcast_in_dim3A_62 masked %eq3A_51 {add = true} : memref<10240xf32, #tpu.memory_space<vmem>>[vector<16xi32>], vector<16xf32>, vector<16xi1>
      tpu.vector_store_idx %arg5[%get3A_87], %broadcast_in_dim3A_62 masked %eq3A_54 {add = true} : memref<10240xf32, #tpu.memory_space<vmem>>[vector<16xi32>], vector<16xf32>, vector<16xi1>
      tpu.vector_store_idx %arg5[%get3A_87], %broadcast_in_dim3A_62 masked %eq3A_57 {add = true} : memref<10240xf32, #tpu.memory_space<vmem>>[vector<16xi32>], vector<16xf32>, vector<16xi1>
      tpu.vector_store_idx %arg5[%get3A_87], %broadcast_in_dim3A_62 masked %eq3A_60 {add = true} : memref<10240xf32, #tpu.memory_space<vmem>>[vector<16xi32>], vector<16xf32>, vector<16xi1>
      %get3A_88 = arith.constant 48 : index
      %get3A_89 = tpu.vector_load %arg4[%get3A_88] {strides = array<i32>} : memref<128xi32, #tpu.memory_space<vmem>>, vector<16xi32>,
      tpu.vector_store_idx %arg5[%get3A_89], %broadcast_in_dim3A_62 masked %eq3A_15 {add = true} : memref<10240xf32, #tpu.memory_space<vmem>>[vector<16xi32>], vector<16xf32>, vector<16xi1>
      tpu.vector_store_idx %arg5[%get3A_89], %broadcast_in_dim3A_62 masked %eq3A_18 {add = true} : memref<10240xf32, #tpu.memory_space<vmem>>[vector<16xi32>], vector<16xf32>, vector<16xi1>
      tpu.vector_store_idx %arg5[%get3A_89], %broadcast_in_dim3A_62 masked %eq3A_21 {add = true} : memref<10240xf32, #tpu.memory_space<vmem>>[vector<16xi32>], vector<16xf32>, vector<16xi1>
      tpu.vector_store_idx %arg5[%get3A_89], %broadcast_in_dim3A_62 masked %eq3A_24 {add = true} : memref<10240xf32, #tpu.memory_space<vmem>>[vector<16xi32>], vector<16xf32>, vector<16xi1>
      tpu.vector_store_idx %arg5[%get3A_89], %broadcast_in_dim3A_62 masked %eq3A_27 {add = true} : memref<10240xf32, #tpu.memory_space<vmem>>[vector<16xi32>], vector<16xf32>, vector<16xi1>
      tpu.vector_store_idx %arg5[%get3A_89], %broadcast_in_dim3A_62 masked %eq3A_30 {add = true} : memref<10240xf32, #tpu.memory_space<vmem>>[vector<16xi32>], vector<16xf32>, vector<16xi1>
      tpu.vector_store_idx %arg5[%get3A_89], %broadcast_in_dim3A_62 masked %eq3A_33 {add = true} : memref<10240xf32, #tpu.memory_space<vmem>>[vector<16xi32>], vector<16xf32>, vector<16xi1>
      tpu.vector_store_idx %arg5[%get3A_89], %broadcast_in_dim3A_62 masked %eq3A_36 {add = true} : memref<10240xf32, #tpu.memory_space<vmem>>[vector<16xi32>], vector<16xf32>, vector<16xi1>
      tpu.vector_store_idx %arg5[%get3A_89], %broadcast_in_dim3A_62 masked %eq3A_39 {add = true} : memref<10240xf32, #tpu.memory_space<vmem>>[vector<16xi32>], vector<16xf32>, vector<16xi1>
      tpu.vector_store_idx %arg5[%get3A_89], %broadcast_in_dim3A_62 masked %eq3A_42 {add = true} : memref<10240xf32, #tpu.memory_space<vmem>>[vector<16xi32>], vector<16xf32>, vector<16xi1>
      tpu.vector_store_idx %arg5[%get3A_89], %broadcast_in_dim3A_62 masked %eq3A_45 {add = true} : memref<10240xf32, #tpu.memory_space<vmem>>[vector<16xi32>], vector<16xf32>, vector<16xi1>
      tpu.vector_store_idx %arg5[%get3A_89], %broadcast_in_dim3A_62 masked %eq3A_48 {add = true} : memref<10240xf32, #tpu.memory_space<vmem>>[vector<16xi32>], vector<16xf32>, vector<16xi1>
      tpu.vector_store_idx %arg5[%get3A_89], %broadcast_in_dim3A_62 masked %eq3A_51 {add = true} : memref<10240xf32, #tpu.memory_space<vmem>>[vector<16xi32>], vector<16xf32>, vector<16xi1>
      tpu.vector_store_idx %arg5[%get3A_89], %broadcast_in_dim3A_62 masked %eq3A_54 {add = true} : memref<10240xf32, #tpu.memory_space<vmem>>[vector<16xi32>], vector<16xf32>, vector<16xi1>
      tpu.vector_store_idx %arg5[%get3A_89], %broadcast_in_dim3A_62 masked %eq3A_57 {add = true} : memref<10240xf32, #tpu.memory_space<vmem>>[vector<16xi32>], vector<16xf32>, vector<16xi1>
      tpu.vector_store_idx %arg5[%get3A_89], %broadcast_in_dim3A_62 masked %eq3A_60 {add = true} : memref<10240xf32, #tpu.memory_space<vmem>>[vector<16xi32>], vector<16xf32>, vector<16xi1>
      %get3A_90 = arith.constant 64 : index
      %get3A_91 = tpu.vector_load %arg4[%get3A_90] {strides = array<i32>} : memref<128xi32, #tpu.memory_space<vmem>>, vector<16xi32>,
      tpu.vector_store_idx %arg5[%get3A_91], %broadcast_in_dim3A_62 masked %eq3A_15 {add = true} : memref<10240xf32, #tpu.memory_space<vmem>>[vector<16xi32>], vector<16xf32>, vector<16xi1>
      tpu.vector_store_idx %arg5[%get3A_91], %broadcast_in_dim3A_62 masked %eq3A_18 {add = true} : memref<10240xf32, #tpu.memory_space<vmem>>[vector<16xi32>], vector<16xf32>, vector<16xi1>
      tpu.vector_store_idx %arg5[%get3A_91], %broadcast_in_dim3A_62 masked %eq3A_21 {add = true} : memref<10240xf32, #tpu.memory_space<vmem>>[vector<16xi32>], vector<16xf32>, vector<16xi1>
      tpu.vector_store_idx %arg5[%get3A_91], %broadcast_in_dim3A_62 masked %eq3A_24 {add = true} : memref<10240xf32, #tpu.memory_space<vmem>>[vector<16xi32>], vector<16xf32>, vector<16xi1>
      tpu.vector_store_idx %arg5[%get3A_91], %broadcast_in_dim3A_62 masked %eq3A_27 {add = true} : memref<10240xf32, #tpu.memory_space<vmem>>[vector<16xi32>], vector<16xf32>, vector<16xi1>
      tpu.vector_store_idx %arg5[%get3A_91], %broadcast_in_dim3A_62 masked %eq3A_30 {add = true} : memref<10240xf32, #tpu.memory_space<vmem>>[vector<16xi32>], vector<16xf32>, vector<16xi1>
      tpu.vector_store_idx %arg5[%get3A_91], %broadcast_in_dim3A_62 masked %eq3A_33 {add = true} : memref<10240xf32, #tpu.memory_space<vmem>>[vector<16xi32>], vector<16xf32>, vector<16xi1>
      tpu.vector_store_idx %arg5[%get3A_91], %broadcast_in_dim3A_62 masked %eq3A_36 {add = true} : memref<10240xf32, #tpu.memory_space<vmem>>[vector<16xi32>], vector<16xf32>, vector<16xi1>
      tpu.vector_store_idx %arg5[%get3A_91], %broadcast_in_dim3A_62 masked %eq3A_39 {add = true} : memref<10240xf32, #tpu.memory_space<vmem>>[vector<16xi32>], vector<16xf32>, vector<16xi1>
      tpu.vector_store_idx %arg5[%get3A_91], %broadcast_in_dim3A_62 masked %eq3A_42 {add = true} : memref<10240xf32, #tpu.memory_space<vmem>>[vector<16xi32>], vector<16xf32>, vector<16xi1>
      tpu.vector_store_idx %arg5[%get3A_91], %broadcast_in_dim3A_62 masked %eq3A_45 {add = true} : memref<10240xf32, #tpu.memory_space<vmem>>[vector<16xi32>], vector<16xf32>, vector<16xi1>
      tpu.vector_store_idx %arg5[%get3A_91], %broadcast_in_dim3A_62 masked %eq3A_48 {add = true} : memref<10240xf32, #tpu.memory_space<vmem>>[vector<16xi32>], vector<16xf32>, vector<16xi1>
      tpu.vector_store_idx %arg5[%get3A_91], %broadcast_in_dim3A_62 masked %eq3A_51 {add = true} : memref<10240xf32, #tpu.memory_space<vmem>>[vector<16xi32>], vector<16xf32>, vector<16xi1>
      tpu.vector_store_idx %arg5[%get3A_91], %broadcast_in_dim3A_62 masked %eq3A_54 {add = true} : memref<10240xf32, #tpu.memory_space<vmem>>[vector<16xi32>], vector<16xf32>, vector<16xi1>
      tpu.vector_store_idx %arg5[%get3A_91], %broadcast_in_dim3A_62 masked %eq3A_57 {add = true} : memref<10240xf32, #tpu.memory_space<vmem>>[vector<16xi32>], vector<16xf32>, vector<16xi1>
      tpu.vector_store_idx %arg5[%get3A_91], %broadcast_in_dim3A_62 masked %eq3A_60 {add = true} : memref<10240xf32, #tpu.memory_space<vmem>>[vector<16xi32>], vector<16xf32>, vector<16xi1>
      %get3A_92 = arith.constant 80 : index
      %get3A_93 = tpu.vector_load %arg4[%get3A_92] {strides = array<i32>} : memref<128xi32, #tpu.memory_space<vmem>>, vector<16xi32>,
      tpu.vector_store_idx %arg5[%get3A_93], %broadcast_in_dim3A_62 masked %eq3A_15 {add = true} : memref<10240xf32, #tpu.memory_space<vmem>>[vector<16xi32>], vector<16xf32>, vector<16xi1>
      tpu.vector_store_idx %arg5[%get3A_93], %broadcast_in_dim3A_62 masked %eq3A_18 {add = true} : memref<10240xf32, #tpu.memory_space<vmem>>[vector<16xi32>], vector<16xf32>, vector<16xi1>
      tpu.vector_store_idx %arg5[%get3A_93], %broadcast_in_dim3A_62 masked %eq3A_21 {add = true} : memref<10240xf32, #tpu.memory_space<vmem>>[vector<16xi32>], vector<16xf32>, vector<16xi1>
      tpu.vector_store_idx %arg5[%get3A_93], %broadcast_in_dim3A_62 masked %eq3A_24 {add = true} : memref<10240xf32, #tpu.memory_space<vmem>>[vector<16xi32>], vector<16xf32>, vector<16xi1>
      tpu.vector_store_idx %arg5[%get3A_93], %broadcast_in_dim3A_62 masked %eq3A_27 {add = true} : memref<10240xf32, #tpu.memory_space<vmem>>[vector<16xi32>], vector<16xf32>, vector<16xi1>
      tpu.vector_store_idx %arg5[%get3A_93], %broadcast_in_dim3A_62 masked %eq3A_30 {add = true} : memref<10240xf32, #tpu.memory_space<vmem>>[vector<16xi32>], vector<16xf32>, vector<16xi1>
      tpu.vector_store_idx %arg5[%get3A_93], %broadcast_in_dim3A_62 masked %eq3A_33 {add = true} : memref<10240xf32, #tpu.memory_space<vmem>>[vector<16xi32>], vector<16xf32>, vector<16xi1>
      tpu.vector_store_idx %arg5[%get3A_93], %broadcast_in_dim3A_62 masked %eq3A_36 {add = true} : memref<10240xf32, #tpu.memory_space<vmem>>[vector<16xi32>], vector<16xf32>, vector<16xi1>
      tpu.vector_store_idx %arg5[%get3A_93], %broadcast_in_dim3A_62 masked %eq3A_39 {add = true} : memref<10240xf32, #tpu.memory_space<vmem>>[vector<16xi32>], vector<16xf32>, vector<16xi1>
      tpu.vector_store_idx %arg5[%get3A_93], %broadcast_in_dim3A_62 masked %eq3A_42 {add = true} : memref<10240xf32, #tpu.memory_space<vmem>>[vector<16xi32>], vector<16xf32>, vector<16xi1>
      tpu.vector_store_idx %arg5[%get3A_93], %broadcast_in_dim3A_62 masked %eq3A_45 {add = true} : memref<10240xf32, #tpu.memory_space<vmem>>[vector<16xi32>], vector<16xf32>, vector<16xi1>
      tpu.vector_store_idx %arg5[%get3A_93], %broadcast_in_dim3A_62 masked %eq3A_48 {add = true} : memref<10240xf32, #tpu.memory_space<vmem>>[vector<16xi32>], vector<16xf32>, vector<16xi1>
      tpu.vector_store_idx %arg5[%get3A_93], %broadcast_in_dim3A_62 masked %eq3A_51 {add = true} : memref<10240xf32, #tpu.memory_space<vmem>>[vector<16xi32>], vector<16xf32>, vector<16xi1>
      tpu.vector_store_idx %arg5[%get3A_93], %broadcast_in_dim3A_62 masked %eq3A_54 {add = true} : memref<10240xf32, #tpu.memory_space<vmem>>[vector<16xi32>], vector<16xf32>, vector<16xi1>
      tpu.vector_store_idx %arg5[%get3A_93], %broadcast_in_dim3A_62 masked %eq3A_57 {add = true} : memref<10240xf32, #tpu.memory_space<vmem>>[vector<16xi32>], vector<16xf32>, vector<16xi1>
      tpu.vector_store_idx %arg5[%get3A_93], %broadcast_in_dim3A_62 masked %eq3A_60 {add = true} : memref<10240xf32, #tpu.memory_space<vmem>>[vector<16xi32>], vector<16xf32>, vector<16xi1>
      %get3A_94 = arith.constant 96 : index
      %get3A_95 = tpu.vector_load %arg4[%get3A_94] {strides = array<i32>} : memref<128xi32, #tpu.memory_space<vmem>>, vector<16xi32>,
      tpu.vector_store_idx %arg5[%get3A_95], %broadcast_in_dim3A_62 masked %eq3A_15 {add = true} : memref<10240xf32, #tpu.memory_space<vmem>>[vector<16xi32>], vector<16xf32>, vector<16xi1>
      tpu.vector_store_idx %arg5[%get3A_95], %broadcast_in_dim3A_62 masked %eq3A_18 {add = true} : memref<10240xf32, #tpu.memory_space<vmem>>[vector<16xi32>], vector<16xf32>, vector<16xi1>
      tpu.vector_store_idx %arg5[%get3A_95], %broadcast_in_dim3A_62 masked %eq3A_21 {add = true} : memref<10240xf32, #tpu.memory_space<vmem>>[vector<16xi32>], vector<16xf32>, vector<16xi1>
      tpu.vector_store_idx %arg5[%get3A_95], %broadcast_in_dim3A_62 masked %eq3A_24 {add = true} : memref<10240xf32, #tpu.memory_space<vmem>>[vector<16xi32>], vector<16xf32>, vector<16xi1>
      tpu.vector_store_idx %arg5[%get3A_95], %broadcast_in_dim3A_62 masked %eq3A_27 {add = true} : memref<10240xf32, #tpu.memory_space<vmem>>[vector<16xi32>], vector<16xf32>, vector<16xi1>
      tpu.vector_store_idx %arg5[%get3A_95], %broadcast_in_dim3A_62 masked %eq3A_30 {add = true} : memref<10240xf32, #tpu.memory_space<vmem>>[vector<16xi32>], vector<16xf32>, vector<16xi1>
      tpu.vector_store_idx %arg5[%get3A_95], %broadcast_in_dim3A_62 masked %eq3A_33 {add = true} : memref<10240xf32, #tpu.memory_space<vmem>>[vector<16xi32>], vector<16xf32>, vector<16xi1>
      tpu.vector_store_idx %arg5[%get3A_95], %broadcast_in_dim3A_62 masked %eq3A_36 {add = true} : memref<10240xf32, #tpu.memory_space<vmem>>[vector<16xi32>], vector<16xf32>, vector<16xi1>
      tpu.vector_store_idx %arg5[%get3A_95], %broadcast_in_dim3A_62 masked %eq3A_39 {add = true} : memref<10240xf32, #tpu.memory_space<vmem>>[vector<16xi32>], vector<16xf32>, vector<16xi1>
      tpu.vector_store_idx %arg5[%get3A_95], %broadcast_in_dim3A_62 masked %eq3A_42 {add = true} : memref<10240xf32, #tpu.memory_space<vmem>>[vector<16xi32>], vector<16xf32>, vector<16xi1>
      tpu.vector_store_idx %arg5[%get3A_95], %broadcast_in_dim3A_62 masked %eq3A_45 {add = true} : memref<10240xf32, #tpu.memory_space<vmem>>[vector<16xi32>], vector<16xf32>, vector<16xi1>
      tpu.vector_store_idx %arg5[%get3A_95], %broadcast_in_dim3A_62 masked %eq3A_48 {add = true} : memref<10240xf32, #tpu.memory_space<vmem>>[vector<16xi32>], vector<16xf32>, vector<16xi1>
      tpu.vector_store_idx %arg5[%get3A_95], %broadcast_in_dim3A_62 masked %eq3A_51 {add = true} : memref<10240xf32, #tpu.memory_space<vmem>>[vector<16xi32>], vector<16xf32>, vector<16xi1>
      tpu.vector_store_idx %arg5[%get3A_95], %broadcast_in_dim3A_62 masked %eq3A_54 {add = true} : memref<10240xf32, #tpu.memory_space<vmem>>[vector<16xi32>], vector<16xf32>, vector<16xi1>
      tpu.vector_store_idx %arg5[%get3A_95], %broadcast_in_dim3A_62 masked %eq3A_57 {add = true} : memref<10240xf32, #tpu.memory_space<vmem>>[vector<16xi32>], vector<16xf32>, vector<16xi1>
      tpu.vector_store_idx %arg5[%get3A_95], %broadcast_in_dim3A_62 masked %eq3A_60 {add = true} : memref<10240xf32, #tpu.memory_space<vmem>>[vector<16xi32>], vector<16xf32>, vector<16xi1>
      %get3A_96 = arith.constant 112 : index
      %get3A_97 = tpu.vector_load %arg4[%get3A_96] {strides = array<i32>} : memref<128xi32, #tpu.memory_space<vmem>>, vector<16xi32>,
      tpu.vector_store_idx %arg5[%get3A_97], %broadcast_in_dim3A_62 masked %eq3A_15 {add = true} : memref<10240xf32, #tpu.memory_space<vmem>>[vector<16xi32>], vector<16xf32>, vector<16xi1>
      tpu.vector_store_idx %arg5[%get3A_97], %broadcast_in_dim3A_62 masked %eq3A_18 {add = true} : memref<10240xf32, #tpu.memory_space<vmem>>[vector<16xi32>], vector<16xf32>, vector<16xi1>
      tpu.vector_store_idx %arg5[%get3A_97], %broadcast_in_dim3A_62 masked %eq3A_21 {add = true} : memref<10240xf32, #tpu.memory_space<vmem>>[vector<16xi32>], vector<16xf32>, vector<16xi1>
      tpu.vector_store_idx %arg5[%get3A_97], %broadcast_in_dim3A_62 masked %eq3A_24 {add = true} : memref<10240xf32, #tpu.memory_space<vmem>>[vector<16xi32>], vector<16xf32>, vector<16xi1>
      tpu.vector_store_idx %arg5[%get3A_97], %broadcast_in_dim3A_62 masked %eq3A_27 {add = true} : memref<10240xf32, #tpu.memory_space<vmem>>[vector<16xi32>], vector<16xf32>, vector<16xi1>
      tpu.vector_store_idx %arg5[%get3A_97], %broadcast_in_dim3A_62 masked %eq3A_30 {add = true} : memref<10240xf32, #tpu.memory_space<vmem>>[vector<16xi32>], vector<16xf32>, vector<16xi1>
      tpu.vector_store_idx %arg5[%get3A_97], %broadcast_in_dim3A_62 masked %eq3A_33 {add = true} : memref<10240xf32, #tpu.memory_space<vmem>>[vector<16xi32>], vector<16xf32>, vector<16xi1>
      tpu.vector_store_idx %arg5[%get3A_97], %broadcast_in_dim3A_62 masked %eq3A_36 {add = true} : memref<10240xf32, #tpu.memory_space<vmem>>[vector<16xi32>], vector<16xf32>, vector<16xi1>
      tpu.vector_store_idx %arg5[%get3A_97], %broadcast_in_dim3A_62 masked %eq3A_39 {add = true} : memref<10240xf32, #tpu.memory_space<vmem>>[vector<16xi32>], vector<16xf32>, vector<16xi1>
      tpu.vector_store_idx %arg5[%get3A_97], %broadcast_in_dim3A_62 masked %eq3A_42 {add = true} : memref<10240xf32, #tpu.memory_space<vmem>>[vector<16xi32>], vector<16xf32>, vector<16xi1>
      tpu.vector_store_idx %arg5[%get3A_97], %broadcast_in_dim3A_62 masked %eq3A_45 {add = true} : memref<10240xf32, #tpu.memory_space<vmem>>[vector<16xi32>], vector<16xf32>, vector<16xi1>
      tpu.vector_store_idx %arg5[%get3A_97], %broadcast_in_dim3A_62 masked %eq3A_48 {add = true} : memref<10240xf32, #tpu.memory_space<vmem>>[vector<16xi32>], vector<16xf32>, vector<16xi1>
      tpu.vector_store_idx %arg5[%get3A_97], %broadcast_in_dim3A_62 masked %eq3A_51 {add = true} : memref<10240xf32, #tpu.memory_space<vmem>>[vector<16xi32>], vector<16xf32>, vector<16xi1>
      tpu.vector_store_idx %arg5[%get3A_97], %broadcast_in_dim3A_62 masked %eq3A_54 {add = true} : memref<10240xf32, #tpu.memory_space<vmem>>[vector<16xi32>], vector<16xf32>, vector<16xi1>
      tpu.vector_store_idx %arg5[%get3A_97], %broadcast_in_dim3A_62 masked %eq3A_57 {add = true} : memref<10240xf32, #tpu.memory_space<vmem>>[vector<16xi32>], vector<16xf32>, vector<16xi1>
      tpu.vector_store_idx %arg5[%get3A_97], %broadcast_in_dim3A_62 masked %eq3A_60 {add = true} : memref<10240xf32, #tpu.memory_space<vmem>>[vector<16xi32>], vector<16xf32>, vector<16xi1>
      %while3A_98 = arith.constant 0 : i32
      scf.yield %while3A_98 : i32
    }
    %while3A_76 = arith.constant 1 : i32
    %while3A_77 = scf.for %while3A_78 = %while3A_73 to %while3A_69 step %while3A_76 iter_args(%while3A_79 = %while3A_75) -> (i32)  : i32 {
      %mul3A_80 = arith.constant 128 : i32
      %mul3A_81 = arith.muli %while3A_78, %mul3A_80 : i32
      %add3A_82 = arith.addi %mul3A_64, %mul3A_81 : i32
      "tpu.region"() ({
        %run_scoped3A = tpu.sem_alloc : memref<!tpu.dma_semaphore, #tpu.memory_space<semaphore_mem>>
        %dma_start3A = tpu.memref_slice %arg2[%add3A_82] : memref<323584xi32, #tpu.memory_space<hbm>> -> memref<128xi32, #tpu.memory_space<hbm>>
        %dma_start3A_99 = tpu.memref_slice %arg2[%add3A_82] : memref<323584xi32, #tpu.memory_space<hbm>> -> memref<128xi32, #tpu.memory_space<hbm>>
        tpu.enqueue_dma source(%dma_start3A_99 : memref<128xi32, #tpu.memory_space<hbm>>) target(%arg4 : memref<128xi32, #tpu.memory_space<vmem>>) target_semaphore(%run_scoped3A : memref<!tpu.dma_semaphore, #tpu.memory_space<semaphore_mem>>)
        %dma_wait3A = tpu.memref_slice %arg2[%add3A_82] : memref<323584xi32, #tpu.memory_space<hbm>> -> memref<128xi32, #tpu.memory_space<hbm>>
        %dma_wait3A_100 = tpu.memref_slice %arg2[%add3A_82] : memref<323584xi32, #tpu.memory_space<hbm>> -> memref<128xi32, #tpu.memory_space<hbm>>
        tpu.wait_dma2 semaphore(%run_scoped3A : memref<!tpu.dma_semaphore, #tpu.memory_space<semaphore_mem>>) src(%dma_wait3A_100 : memref<128xi32, #tpu.memory_space<hbm>>) dst(%arg4 : memref<128xi32, #tpu.memory_space<vmem>>)
        tpu.yield
      }) : () -> ()
      %get3A = arith.constant 0 : index
      %get3A_83 = tpu.vector_load %arg4[%get3A] {strides = array<i32>} : memref<128xi32, #tpu.memory_space<vmem>>, vector<16xi32>,
      tpu.vector_store_idx %arg5[%get3A_83], %broadcast_in_dim3A_62 masked %eq3A_15 {add = true} : memref<10240xf32, #tpu.memory_space<vmem>>[vector<16xi32>], vector<16xf32>, vector<16xi1>
      tpu.vector_store_idx %arg5[%get3A_83], %broadcast_in_dim3A_62 masked %eq3A_18 {add = true} : memref<10240xf32, #tpu.memory_space<vmem>>[vector<16xi32>], vector<16xf32>, vector<16xi1>
      tpu.vector_store_idx %arg5[%get3A_83], %broadcast_in_dim3A_62 masked %eq3A_21 {add = true} : memref<10240xf32, #tpu.memory_space<vmem>>[vector<16xi32>], vector<16xf32>, vector<16xi1>
      tpu.vector_store_idx %arg5[%get3A_83], %broadcast_in_dim3A_62 masked %eq3A_24 {add = true} : memref<10240xf32, #tpu.memory_space<vmem>>[vector<16xi32>], vector<16xf32>, vector<16xi1>
      tpu.vector_store_idx %arg5[%get3A_83], %broadcast_in_dim3A_62 masked %eq3A_27 {add = true} : memref<10240xf32, #tpu.memory_space<vmem>>[vector<16xi32>], vector<16xf32>, vector<16xi1>
      tpu.vector_store_idx %arg5[%get3A_83], %broadcast_in_dim3A_62 masked %eq3A_30 {add = true} : memref<10240xf32, #tpu.memory_space<vmem>>[vector<16xi32>], vector<16xf32>, vector<16xi1>
      tpu.vector_store_idx %arg5[%get3A_83], %broadcast_in_dim3A_62 masked %eq3A_33 {add = true} : memref<10240xf32, #tpu.memory_space<vmem>>[vector<16xi32>], vector<16xf32>, vector<16xi1>
      tpu.vector_store_idx %arg5[%get3A_83], %broadcast_in_dim3A_62 masked %eq3A_36 {add = true} : memref<10240xf32, #tpu.memory_space<vmem>>[vector<16xi32>], vector<16xf32>, vector<16xi1>
      tpu.vector_store_idx %arg5[%get3A_83], %broadcast_in_dim3A_62 masked %eq3A_39 {add = true} : memref<10240xf32, #tpu.memory_space<vmem>>[vector<16xi32>], vector<16xf32>, vector<16xi1>
      tpu.vector_store_idx %arg5[%get3A_83], %broadcast_in_dim3A_62 masked %eq3A_42 {add = true} : memref<10240xf32, #tpu.memory_space<vmem>>[vector<16xi32>], vector<16xf32>, vector<16xi1>
      tpu.vector_store_idx %arg5[%get3A_83], %broadcast_in_dim3A_62 masked %eq3A_45 {add = true} : memref<10240xf32, #tpu.memory_space<vmem>>[vector<16xi32>], vector<16xf32>, vector<16xi1>
      tpu.vector_store_idx %arg5[%get3A_83], %broadcast_in_dim3A_62 masked %eq3A_48 {add = true} : memref<10240xf32, #tpu.memory_space<vmem>>[vector<16xi32>], vector<16xf32>, vector<16xi1>
      tpu.vector_store_idx %arg5[%get3A_83], %broadcast_in_dim3A_62 masked %eq3A_51 {add = true} : memref<10240xf32, #tpu.memory_space<vmem>>[vector<16xi32>], vector<16xf32>, vector<16xi1>
      tpu.vector_store_idx %arg5[%get3A_83], %broadcast_in_dim3A_62 masked %eq3A_54 {add = true} : memref<10240xf32, #tpu.memory_space<vmem>>[vector<16xi32>], vector<16xf32>, vector<16xi1>
      tpu.vector_store_idx %arg5[%get3A_83], %broadcast_in_dim3A_62 masked %eq3A_57 {add = true} : memref<10240xf32, #tpu.memory_space<vmem>>[vector<16xi32>], vector<16xf32>, vector<16xi1>
      tpu.vector_store_idx %arg5[%get3A_83], %broadcast_in_dim3A_62 masked %eq3A_60 {add = true} : memref<10240xf32, #tpu.memory_space<vmem>>[vector<16xi32>], vector<16xf32>, vector<16xi1>
      %get3A_84 = arith.constant 16 : index
      %get3A_85 = tpu.vector_load %arg4[%get3A_84] {strides = array<i32>} : memref<128xi32, #tpu.memory_space<vmem>>, vector<16xi32>,
      tpu.vector_store_idx %arg5[%get3A_85], %broadcast_in_dim3A_62 masked %eq3A_15 {add = true} : memref<10240xf32, #tpu.memory_space<vmem>>[vector<16xi32>], vector<16xf32>, vector<16xi1>
      tpu.vector_store_idx %arg5[%get3A_85], %broadcast_in_dim3A_62 masked %eq3A_18 {add = true} : memref<10240xf32, #tpu.memory_space<vmem>>[vector<16xi32>], vector<16xf32>, vector<16xi1>
      tpu.vector_store_idx %arg5[%get3A_85], %broadcast_in_dim3A_62 masked %eq3A_21 {add = true} : memref<10240xf32, #tpu.memory_space<vmem>>[vector<16xi32>], vector<16xf32>, vector<16xi1>
      tpu.vector_store_idx %arg5[%get3A_85], %broadcast_in_dim3A_62 masked %eq3A_24 {add = true} : memref<10240xf32, #tpu.memory_space<vmem>>[vector<16xi32>], vector<16xf32>, vector<16xi1>
      tpu.vector_store_idx %arg5[%get3A_85], %broadcast_in_dim3A_62 masked %eq3A_27 {add = true} : memref<10240xf32, #tpu.memory_space<vmem>>[vector<16xi32>], vector<16xf32>, vector<16xi1>
      tpu.vector_store_idx %arg5[%get3A_85], %broadcast_in_dim3A_62 masked %eq3A_30 {add = true} : memref<10240xf32, #tpu.memory_space<vmem>>[vector<16xi32>], vector<16xf32>, vector<16xi1>
      tpu.vector_store_idx %arg5[%get3A_85], %broadcast_in_dim3A_62 masked %eq3A_33 {add = true} : memref<10240xf32, #tpu.memory_space<vmem>>[vector<16xi32>], vector<16xf32>, vector<16xi1>
      tpu.vector_store_idx %arg5[%get3A_85], %broadcast_in_dim3A_62 masked %eq3A_36 {add = true} : memref<10240xf32, #tpu.memory_space<vmem>>[vector<16xi32>], vector<16xf32>, vector<16xi1>
      tpu.vector_store_idx %arg5[%get3A_85], %broadcast_in_dim3A_62 masked %eq3A_39 {add = true} : memref<10240xf32, #tpu.memory_space<vmem>>[vector<16xi32>], vector<16xf32>, vector<16xi1>
      tpu.vector_store_idx %arg5[%get3A_85], %broadcast_in_dim3A_62 masked %eq3A_42 {add = true} : memref<10240xf32, #tpu.memory_space<vmem>>[vector<16xi32>], vector<16xf32>, vector<16xi1>
      tpu.vector_store_idx %arg5[%get3A_85], %broadcast_in_dim3A_62 masked %eq3A_45 {add = true} : memref<10240xf32, #tpu.memory_space<vmem>>[vector<16xi32>], vector<16xf32>, vector<16xi1>
      tpu.vector_store_idx %arg5[%get3A_85], %broadcast_in_dim3A_62 masked %eq3A_48 {add = true} : memref<10240xf32, #tpu.memory_space<vmem>>[vector<16xi32>], vector<16xf32>, vector<16xi1>
      tpu.vector_store_idx %arg5[%get3A_85], %broadcast_in_dim3A_62 masked %eq3A_51 {add = true} : memref<10240xf32, #tpu.memory_space<vmem>>[vector<16xi32>], vector<16xf32>, vector<16xi1>
      tpu.vector_store_idx %arg5[%get3A_85], %broadcast_in_dim3A_62 masked %eq3A_54 {add = true} : memref<10240xf32, #tpu.memory_space<vmem>>[vector<16xi32>], vector<16xf32>, vector<16xi1>
      tpu.vector_store_idx %arg5[%get3A_85], %broadcast_in_dim3A_62 masked %eq3A_57 {add = true} : memref<10240xf32, #tpu.memory_space<vmem>>[vector<16xi32>], vector<16xf32>, vector<16xi1>
      tpu.vector_store_idx %arg5[%get3A_85], %broadcast_in_dim3A_62 masked %eq3A_60 {add = true} : memref<10240xf32, #tpu.memory_space<vmem>>[vector<16xi32>], vector<16xf32>, vector<16xi1>
      %get3A_86 = arith.constant 32 : index
      %get3A_87 = tpu.vector_load %arg4[%get3A_86] {strides = array<i32>} : memref<128xi32, #tpu.memory_space<vmem>>, vector<16xi32>,
      tpu.vector_store_idx %arg5[%get3A_87], %broadcast_in_dim3A_62 masked %eq3A_15 {add = true} : memref<10240xf32, #tpu.memory_space<vmem>>[vector<16xi32>], vector<16xf32>, vector<16xi1>
      tpu.vector_store_idx %arg5[%get3A_87], %broadcast_in_dim3A_62 masked %eq3A_18 {add = true} : memref<10240xf32, #tpu.memory_space<vmem>>[vector<16xi32>], vector<16xf32>, vector<16xi1>
      tpu.vector_store_idx %arg5[%get3A_87], %broadcast_in_dim3A_62 masked %eq3A_21 {add = true} : memref<10240xf32, #tpu.memory_space<vmem>>[vector<16xi32>], vector<16xf32>, vector<16xi1>
      tpu.vector_store_idx %arg5[%get3A_87], %broadcast_in_dim3A_62 masked %eq3A_24 {add = true} : memref<10240xf32, #tpu.memory_space<vmem>>[vector<16xi32>], vector<16xf32>, vector<16xi1>
      tpu.vector_store_idx %arg5[%get3A_87], %broadcast_in_dim3A_62 masked %eq3A_27 {add = true} : memref<10240xf32, #tpu.memory_space<vmem>>[vector<16xi32>], vector<16xf32>, vector<16xi1>
      tpu.vector_store_idx %arg5[%get3A_87], %broadcast_in_dim3A_62 masked %eq3A_30 {add = true} : memref<10240xf32, #tpu.memory_space<vmem>>[vector<16xi32>], vector<16xf32>, vector<16xi1>
      tpu.vector_store_idx %arg5[%get3A_87], %broadcast_in_dim3A_62 masked %eq3A_33 {add = true} : memref<10240xf32, #tpu.memory_space<vmem>>[vector<16xi32>], vector<16xf32>, vector<16xi1>
      tpu.vector_store_idx %arg5[%get3A_87], %broadcast_in_dim3A_62 masked %eq3A_36 {add = true} : memref<10240xf32, #tpu.memory_space<vmem>>[vector<16xi32>], vector<16xf32>, vector<16xi1>
      tpu.vector_store_idx %arg5[%get3A_87], %broadcast_in_dim3A_62 masked %eq3A_39 {add = true} : memref<10240xf32, #tpu.memory_space<vmem>>[vector<16xi32>], vector<16xf32>, vector<16xi1>
      tpu.vector_store_idx %arg5[%get3A_87], %broadcast_in_dim3A_62 masked %eq3A_42 {add = true} : memref<10240xf32, #tpu.memory_space<vmem>>[vector<16xi32>], vector<16xf32>, vector<16xi1>
      tpu.vector_store_idx %arg5[%get3A_87], %broadcast_in_dim3A_62 masked %eq3A_45 {add = true} : memref<10240xf32, #tpu.memory_space<vmem>>[vector<16xi32>], vector<16xf32>, vector<16xi1>
      tpu.vector_store_idx %arg5[%get3A_87], %broadcast_in_dim3A_62 masked %eq3A_48 {add = true} : memref<10240xf32, #tpu.memory_space<vmem>>[vector<16xi32>], vector<16xf32>, vector<16xi1>
      tpu.vector_store_idx %arg5[%get3A_87], %broadcast_in_dim3A_62 masked %eq3A_51 {add = true} : memref<10240xf32, #tpu.memory_space<vmem>>[vector<16xi32>], vector<16xf32>, vector<16xi1>
      tpu.vector_store_idx %arg5[%get3A_87], %broadcast_in_dim3A_62 masked %eq3A_54 {add = true} : memref<10240xf32, #tpu.memory_space<vmem>>[vector<16xi32>], vector<16xf32>, vector<16xi1>
      tpu.vector_store_idx %arg5[%get3A_87], %broadcast_in_dim3A_62 masked %eq3A_57 {add = true} : memref<10240xf32, #tpu.memory_space<vmem>>[vector<16xi32>], vector<16xf32>, vector<16xi1>
      tpu.vector_store_idx %arg5[%get3A_87], %broadcast_in_dim3A_62 masked %eq3A_60 {add = true} : memref<10240xf32, #tpu.memory_space<vmem>>[vector<16xi32>], vector<16xf32>, vector<16xi1>
      %get3A_88 = arith.constant 48 : index
      %get3A_89 = tpu.vector_load %arg4[%get3A_88] {strides = array<i32>} : memref<128xi32, #tpu.memory_space<vmem>>, vector<16xi32>,
      tpu.vector_store_idx %arg5[%get3A_89], %broadcast_in_dim3A_62 masked %eq3A_15 {add = true} : memref<10240xf32, #tpu.memory_space<vmem>>[vector<16xi32>], vector<16xf32>, vector<16xi1>
      tpu.vector_store_idx %arg5[%get3A_89], %broadcast_in_dim3A_62 masked %eq3A_18 {add = true} : memref<10240xf32, #tpu.memory_space<vmem>>[vector<16xi32>], vector<16xf32>, vector<16xi1>
      tpu.vector_store_idx %arg5[%get3A_89], %broadcast_in_dim3A_62 masked %eq3A_21 {add = true} : memref<10240xf32, #tpu.memory_space<vmem>>[vector<16xi32>], vector<16xf32>, vector<16xi1>
      tpu.vector_store_idx %arg5[%get3A_89], %broadcast_in_dim3A_62 masked %eq3A_24 {add = true} : memref<10240xf32, #tpu.memory_space<vmem>>[vector<16xi32>], vector<16xf32>, vector<16xi1>
      tpu.vector_store_idx %arg5[%get3A_89], %broadcast_in_dim3A_62 masked %eq3A_27 {add = true} : memref<10240xf32, #tpu.memory_space<vmem>>[vector<16xi32>], vector<16xf32>, vector<16xi1>
      tpu.vector_store_idx %arg5[%get3A_89], %broadcast_in_dim3A_62 masked %eq3A_30 {add = true} : memref<10240xf32, #tpu.memory_space<vmem>>[vector<16xi32>], vector<16xf32>, vector<16xi1>
      tpu.vector_store_idx %arg5[%get3A_89], %broadcast_in_dim3A_62 masked %eq3A_33 {add = true} : memref<10240xf32, #tpu.memory_space<vmem>>[vector<16xi32>], vector<16xf32>, vector<16xi1>
      tpu.vector_store_idx %arg5[%get3A_89], %broadcast_in_dim3A_62 masked %eq3A_36 {add = true} : memref<10240xf32, #tpu.memory_space<vmem>>[vector<16xi32>], vector<16xf32>, vector<16xi1>
      tpu.vector_store_idx %arg5[%get3A_89], %broadcast_in_dim3A_62 masked %eq3A_39 {add = true} : memref<10240xf32, #tpu.memory_space<vmem>>[vector<16xi32>], vector<16xf32>, vector<16xi1>
      tpu.vector_store_idx %arg5[%get3A_89], %broadcast_in_dim3A_62 masked %eq3A_42 {add = true} : memref<10240xf32, #tpu.memory_space<vmem>>[vector<16xi32>], vector<16xf32>, vector<16xi1>
      tpu.vector_store_idx %arg5[%get3A_89], %broadcast_in_dim3A_62 masked %eq3A_45 {add = true} : memref<10240xf32, #tpu.memory_space<vmem>>[vector<16xi32>], vector<16xf32>, vector<16xi1>
      tpu.vector_store_idx %arg5[%get3A_89], %broadcast_in_dim3A_62 masked %eq3A_48 {add = true} : memref<10240xf32, #tpu.memory_space<vmem>>[vector<16xi32>], vector<16xf32>, vector<16xi1>
      tpu.vector_store_idx %arg5[%get3A_89], %broadcast_in_dim3A_62 masked %eq3A_51 {add = true} : memref<10240xf32, #tpu.memory_space<vmem>>[vector<16xi32>], vector<16xf32>, vector<16xi1>
      tpu.vector_store_idx %arg5[%get3A_89], %broadcast_in_dim3A_62 masked %eq3A_54 {add = true} : memref<10240xf32, #tpu.memory_space<vmem>>[vector<16xi32>], vector<16xf32>, vector<16xi1>
      tpu.vector_store_idx %arg5[%get3A_89], %broadcast_in_dim3A_62 masked %eq3A_57 {add = true} : memref<10240xf32, #tpu.memory_space<vmem>>[vector<16xi32>], vector<16xf32>, vector<16xi1>
      tpu.vector_store_idx %arg5[%get3A_89], %broadcast_in_dim3A_62 masked %eq3A_60 {add = true} : memref<10240xf32, #tpu.memory_space<vmem>>[vector<16xi32>], vector<16xf32>, vector<16xi1>
      %get3A_90 = arith.constant 64 : index
      %get3A_91 = tpu.vector_load %arg4[%get3A_90] {strides = array<i32>} : memref<128xi32, #tpu.memory_space<vmem>>, vector<16xi32>,
      tpu.vector_store_idx %arg5[%get3A_91], %broadcast_in_dim3A_62 masked %eq3A_15 {add = true} : memref<10240xf32, #tpu.memory_space<vmem>>[vector<16xi32>], vector<16xf32>, vector<16xi1>
      tpu.vector_store_idx %arg5[%get3A_91], %broadcast_in_dim3A_62 masked %eq3A_18 {add = true} : memref<10240xf32, #tpu.memory_space<vmem>>[vector<16xi32>], vector<16xf32>, vector<16xi1>
      tpu.vector_store_idx %arg5[%get3A_91], %broadcast_in_dim3A_62 masked %eq3A_21 {add = true} : memref<10240xf32, #tpu.memory_space<vmem>>[vector<16xi32>], vector<16xf32>, vector<16xi1>
      tpu.vector_store_idx %arg5[%get3A_91], %broadcast_in_dim3A_62 masked %eq3A_24 {add = true} : memref<10240xf32, #tpu.memory_space<vmem>>[vector<16xi32>], vector<16xf32>, vector<16xi1>
      tpu.vector_store_idx %arg5[%get3A_91], %broadcast_in_dim3A_62 masked %eq3A_27 {add = true} : memref<10240xf32, #tpu.memory_space<vmem>>[vector<16xi32>], vector<16xf32>, vector<16xi1>
      tpu.vector_store_idx %arg5[%get3A_91], %broadcast_in_dim3A_62 masked %eq3A_30 {add = true} : memref<10240xf32, #tpu.memory_space<vmem>>[vector<16xi32>], vector<16xf32>, vector<16xi1>
      tpu.vector_store_idx %arg5[%get3A_91], %broadcast_in_dim3A_62 masked %eq3A_33 {add = true} : memref<10240xf32, #tpu.memory_space<vmem>>[vector<16xi32>], vector<16xf32>, vector<16xi1>
      tpu.vector_store_idx %arg5[%get3A_91], %broadcast_in_dim3A_62 masked %eq3A_36 {add = true} : memref<10240xf32, #tpu.memory_space<vmem>>[vector<16xi32>], vector<16xf32>, vector<16xi1>
      tpu.vector_store_idx %arg5[%get3A_91], %broadcast_in_dim3A_62 masked %eq3A_39 {add = true} : memref<10240xf32, #tpu.memory_space<vmem>>[vector<16xi32>], vector<16xf32>, vector<16xi1>
      tpu.vector_store_idx %arg5[%get3A_91], %broadcast_in_dim3A_62 masked %eq3A_42 {add = true} : memref<10240xf32, #tpu.memory_space<vmem>>[vector<16xi32>], vector<16xf32>, vector<16xi1>
      tpu.vector_store_idx %arg5[%get3A_91], %broadcast_in_dim3A_62 masked %eq3A_45 {add = true} : memref<10240xf32, #tpu.memory_space<vmem>>[vector<16xi32>], vector<16xf32>, vector<16xi1>
      tpu.vector_store_idx %arg5[%get3A_91], %broadcast_in_dim3A_62 masked %eq3A_48 {add = true} : memref<10240xf32, #tpu.memory_space<vmem>>[vector<16xi32>], vector<16xf32>, vector<16xi1>
      tpu.vector_store_idx %arg5[%get3A_91], %broadcast_in_dim3A_62 masked %eq3A_51 {add = true} : memref<10240xf32, #tpu.memory_space<vmem>>[vector<16xi32>], vector<16xf32>, vector<16xi1>
      tpu.vector_store_idx %arg5[%get3A_91], %broadcast_in_dim3A_62 masked %eq3A_54 {add = true} : memref<10240xf32, #tpu.memory_space<vmem>>[vector<16xi32>], vector<16xf32>, vector<16xi1>
      tpu.vector_store_idx %arg5[%get3A_91], %broadcast_in_dim3A_62 masked %eq3A_57 {add = true} : memref<10240xf32, #tpu.memory_space<vmem>>[vector<16xi32>], vector<16xf32>, vector<16xi1>
      tpu.vector_store_idx %arg5[%get3A_91], %broadcast_in_dim3A_62 masked %eq3A_60 {add = true} : memref<10240xf32, #tpu.memory_space<vmem>>[vector<16xi32>], vector<16xf32>, vector<16xi1>
      %get3A_92 = arith.constant 80 : index
      %get3A_93 = tpu.vector_load %arg4[%get3A_92] {strides = array<i32>} : memref<128xi32, #tpu.memory_space<vmem>>, vector<16xi32>,
      tpu.vector_store_idx %arg5[%get3A_93], %broadcast_in_dim3A_62 masked %eq3A_15 {add = true} : memref<10240xf32, #tpu.memory_space<vmem>>[vector<16xi32>], vector<16xf32>, vector<16xi1>
      tpu.vector_store_idx %arg5[%get3A_93], %broadcast_in_dim3A_62 masked %eq3A_18 {add = true} : memref<10240xf32, #tpu.memory_space<vmem>>[vector<16xi32>], vector<16xf32>, vector<16xi1>
      tpu.vector_store_idx %arg5[%get3A_93], %broadcast_in_dim3A_62 masked %eq3A_21 {add = true} : memref<10240xf32, #tpu.memory_space<vmem>>[vector<16xi32>], vector<16xf32>, vector<16xi1>
      tpu.vector_store_idx %arg5[%get3A_93], %broadcast_in_dim3A_62 masked %eq3A_24 {add = true} : memref<10240xf32, #tpu.memory_space<vmem>>[vector<16xi32>], vector<16xf32>, vector<16xi1>
      tpu.vector_store_idx %arg5[%get3A_93], %broadcast_in_dim3A_62 masked %eq3A_27 {add = true} : memref<10240xf32, #tpu.memory_space<vmem>>[vector<16xi32>], vector<16xf32>, vector<16xi1>
      tpu.vector_store_idx %arg5[%get3A_93], %broadcast_in_dim3A_62 masked %eq3A_30 {add = true} : memref<10240xf32, #tpu.memory_space<vmem>>[vector<16xi32>], vector<16xf32>, vector<16xi1>
      tpu.vector_store_idx %arg5[%get3A_93], %broadcast_in_dim3A_62 masked %eq3A_33 {add = true} : memref<10240xf32, #tpu.memory_space<vmem>>[vector<16xi32>], vector<16xf32>, vector<16xi1>
      tpu.vector_store_idx %arg5[%get3A_93], %broadcast_in_dim3A_62 masked %eq3A_36 {add = true} : memref<10240xf32, #tpu.memory_space<vmem>>[vector<16xi32>], vector<16xf32>, vector<16xi1>
      tpu.vector_store_idx %arg5[%get3A_93], %broadcast_in_dim3A_62 masked %eq3A_39 {add = true} : memref<10240xf32, #tpu.memory_space<vmem>>[vector<16xi32>], vector<16xf32>, vector<16xi1>
      tpu.vector_store_idx %arg5[%get3A_93], %broadcast_in_dim3A_62 masked %eq3A_42 {add = true} : memref<10240xf32, #tpu.memory_space<vmem>>[vector<16xi32>], vector<16xf32>, vector<16xi1>
      tpu.vector_store_idx %arg5[%get3A_93], %broadcast_in_dim3A_62 masked %eq3A_45 {add = true} : memref<10240xf32, #tpu.memory_space<vmem>>[vector<16xi32>], vector<16xf32>, vector<16xi1>
      tpu.vector_store_idx %arg5[%get3A_93], %broadcast_in_dim3A_62 masked %eq3A_48 {add = true} : memref<10240xf32, #tpu.memory_space<vmem>>[vector<16xi32>], vector<16xf32>, vector<16xi1>
      tpu.vector_store_idx %arg5[%get3A_93], %broadcast_in_dim3A_62 masked %eq3A_51 {add = true} : memref<10240xf32, #tpu.memory_space<vmem>>[vector<16xi32>], vector<16xf32>, vector<16xi1>
      tpu.vector_store_idx %arg5[%get3A_93], %broadcast_in_dim3A_62 masked %eq3A_54 {add = true} : memref<10240xf32, #tpu.memory_space<vmem>>[vector<16xi32>], vector<16xf32>, vector<16xi1>
      tpu.vector_store_idx %arg5[%get3A_93], %broadcast_in_dim3A_62 masked %eq3A_57 {add = true} : memref<10240xf32, #tpu.memory_space<vmem>>[vector<16xi32>], vector<16xf32>, vector<16xi1>
      tpu.vector_store_idx %arg5[%get3A_93], %broadcast_in_dim3A_62 masked %eq3A_60 {add = true} : memref<10240xf32, #tpu.memory_space<vmem>>[vector<16xi32>], vector<16xf32>, vector<16xi1>
      %get3A_94 = arith.constant 96 : index
      %get3A_95 = tpu.vector_load %arg4[%get3A_94] {strides = array<i32>} : memref<128xi32, #tpu.memory_space<vmem>>, vector<16xi32>,
      tpu.vector_store_idx %arg5[%get3A_95], %broadcast_in_dim3A_62 masked %eq3A_15 {add = true} : memref<10240xf32, #tpu.memory_space<vmem>>[vector<16xi32>], vector<16xf32>, vector<16xi1>
      tpu.vector_store_idx %arg5[%get3A_95], %broadcast_in_dim3A_62 masked %eq3A_18 {add = true} : memref<10240xf32, #tpu.memory_space<vmem>>[vector<16xi32>], vector<16xf32>, vector<16xi1>
      tpu.vector_store_idx %arg5[%get3A_95], %broadcast_in_dim3A_62 masked %eq3A_21 {add = true} : memref<10240xf32, #tpu.memory_space<vmem>>[vector<16xi32>], vector<16xf32>, vector<16xi1>
      tpu.vector_store_idx %arg5[%get3A_95], %broadcast_in_dim3A_62 masked %eq3A_24 {add = true} : memref<10240xf32, #tpu.memory_space<vmem>>[vector<16xi32>], vector<16xf32>, vector<16xi1>
      tpu.vector_store_idx %arg5[%get3A_95], %broadcast_in_dim3A_62 masked %eq3A_27 {add = true} : memref<10240xf32, #tpu.memory_space<vmem>>[vector<16xi32>], vector<16xf32>, vector<16xi1>
      tpu.vector_store_idx %arg5[%get3A_95], %broadcast_in_dim3A_62 masked %eq3A_30 {add = true} : memref<10240xf32, #tpu.memory_space<vmem>>[vector<16xi32>], vector<16xf32>, vector<16xi1>
      tpu.vector_store_idx %arg5[%get3A_95], %broadcast_in_dim3A_62 masked %eq3A_33 {add = true} : memref<10240xf32, #tpu.memory_space<vmem>>[vector<16xi32>], vector<16xf32>, vector<16xi1>
      tpu.vector_store_idx %arg5[%get3A_95], %broadcast_in_dim3A_62 masked %eq3A_36 {add = true} : memref<10240xf32, #tpu.memory_space<vmem>>[vector<16xi32>], vector<16xf32>, vector<16xi1>
      tpu.vector_store_idx %arg5[%get3A_95], %broadcast_in_dim3A_62 masked %eq3A_39 {add = true} : memref<10240xf32, #tpu.memory_space<vmem>>[vector<16xi32>], vector<16xf32>, vector<16xi1>
      tpu.vector_store_idx %arg5[%get3A_95], %broadcast_in_dim3A_62 masked %eq3A_42 {add = true} : memref<10240xf32, #tpu.memory_space<vmem>>[vector<16xi32>], vector<16xf32>, vector<16xi1>
      tpu.vector_store_idx %arg5[%get3A_95], %broadcast_in_dim3A_62 masked %eq3A_45 {add = true} : memref<10240xf32, #tpu.memory_space<vmem>>[vector<16xi32>], vector<16xf32>, vector<16xi1>
      tpu.vector_store_idx %arg5[%get3A_95], %broadcast_in_dim3A_62 masked %eq3A_48 {add = true} : memref<10240xf32, #tpu.memory_space<vmem>>[vector<16xi32>], vector<16xf32>, vector<16xi1>
      tpu.vector_store_idx %arg5[%get3A_95], %broadcast_in_dim3A_62 masked %eq3A_51 {add = true} : memref<10240xf32, #tpu.memory_space<vmem>>[vector<16xi32>], vector<16xf32>, vector<16xi1>
      tpu.vector_store_idx %arg5[%get3A_95], %broadcast_in_dim3A_62 masked %eq3A_54 {add = true} : memref<10240xf32, #tpu.memory_space<vmem>>[vector<16xi32>], vector<16xf32>, vector<16xi1>
      tpu.vector_store_idx %arg5[%get3A_95], %broadcast_in_dim3A_62 masked %eq3A_57 {add = true} : memref<10240xf32, #tpu.memory_space<vmem>>[vector<16xi32>], vector<16xf32>, vector<16xi1>
      tpu.vector_store_idx %arg5[%get3A_95], %broadcast_in_dim3A_62 masked %eq3A_60 {add = true} : memref<10240xf32, #tpu.memory_space<vmem>>[vector<16xi32>], vector<16xf32>, vector<16xi1>
      %get3A_96 = arith.constant 112 : index
      %get3A_97 = tpu.vector_load %arg4[%get3A_96] {strides = array<i32>} : memref<128xi32, #tpu.memory_space<vmem>>, vector<16xi32>,
      tpu.vector_store_idx %arg5[%get3A_97], %broadcast_in_dim3A_62 masked %eq3A_15 {add = true} : memref<10240xf32, #tpu.memory_space<vmem>>[vector<16xi32>], vector<16xf32>, vector<16xi1>
      tpu.vector_store_idx %arg5[%get3A_97], %broadcast_in_dim3A_62 masked %eq3A_18 {add = true} : memref<10240xf32, #tpu.memory_space<vmem>>[vector<16xi32>], vector<16xf32>, vector<16xi1>
      tpu.vector_store_idx %arg5[%get3A_97], %broadcast_in_dim3A_62 masked %eq3A_21 {add = true} : memref<10240xf32, #tpu.memory_space<vmem>>[vector<16xi32>], vector<16xf32>, vector<16xi1>
      tpu.vector_store_idx %arg5[%get3A_97], %broadcast_in_dim3A_62 masked %eq3A_24 {add = true} : memref<10240xf32, #tpu.memory_space<vmem>>[vector<16xi32>], vector<16xf32>, vector<16xi1>
      tpu.vector_store_idx %arg5[%get3A_97], %broadcast_in_dim3A_62 masked %eq3A_27 {add = true} : memref<10240xf32, #tpu.memory_space<vmem>>[vector<16xi32>], vector<16xf32>, vector<16xi1>
      tpu.vector_store_idx %arg5[%get3A_97], %broadcast_in_dim3A_62 masked %eq3A_30 {add = true} : memref<10240xf32, #tpu.memory_space<vmem>>[vector<16xi32>], vector<16xf32>, vector<16xi1>
      tpu.vector_store_idx %arg5[%get3A_97], %broadcast_in_dim3A_62 masked %eq3A_33 {add = true} : memref<10240xf32, #tpu.memory_space<vmem>>[vector<16xi32>], vector<16xf32>, vector<16xi1>
      tpu.vector_store_idx %arg5[%get3A_97], %broadcast_in_dim3A_62 masked %eq3A_36 {add = true} : memref<10240xf32, #tpu.memory_space<vmem>>[vector<16xi32>], vector<16xf32>, vector<16xi1>
      tpu.vector_store_idx %arg5[%get3A_97], %broadcast_in_dim3A_62 masked %eq3A_39 {add = true} : memref<10240xf32, #tpu.memory_space<vmem>>[vector<16xi32>], vector<16xf32>, vector<16xi1>
      tpu.vector_store_idx %arg5[%get3A_97], %broadcast_in_dim3A_62 masked %eq3A_42 {add = true} : memref<10240xf32, #tpu.memory_space<vmem>>[vector<16xi32>], vector<16xf32>, vector<16xi1>
      tpu.vector_store_idx %arg5[%get3A_97], %broadcast_in_dim3A_62 masked %eq3A_45 {add = true} : memref<10240xf32, #tpu.memory_space<vmem>>[vector<16xi32>], vector<16xf32>, vector<16xi1>
      tpu.vector_store_idx %arg5[%get3A_97], %broadcast_in_dim3A_62 masked %eq3A_48 {add = true} : memref<10240xf32, #tpu.memory_space<vmem>>[vector<16xi32>], vector<16xf32>, vector<16xi1>
      tpu.vector_store_idx %arg5[%get3A_97], %broadcast_in_dim3A_62 masked %eq3A_51 {add = true} : memref<10240xf32, #tpu.memory_space<vmem>>[vector<16xi32>], vector<16xf32>, vector<16xi1>
      tpu.vector_store_idx %arg5[%get3A_97], %broadcast_in_dim3A_62 masked %eq3A_54 {add = true} : memref<10240xf32, #tpu.memory_space<vmem>>[vector<16xi32>], vector<16xf32>, vector<16xi1>
      tpu.vector_store_idx %arg5[%get3A_97], %broadcast_in_dim3A_62 masked %eq3A_57 {add = true} : memref<10240xf32, #tpu.memory_space<vmem>>[vector<16xi32>], vector<16xf32>, vector<16xi1>
      tpu.vector_store_idx %arg5[%get3A_97], %broadcast_in_dim3A_62 masked %eq3A_60 {add = true} : memref<10240xf32, #tpu.memory_space<vmem>>[vector<16xi32>], vector<16xf32>, vector<16xi1>
      %while3A_98 = arith.constant 0 : i32
      scf.yield %while3A_98 : i32
    }
    "tpu.region"() ({
      %run_scoped3A = tpu.sem_alloc : memref<!tpu.dma_semaphore, #tpu.memory_space<semaphore_mem>>
      %dma_start3A = arith.constant 0 : i32
      %dma_start3A_78 = tpu.memref_slice %arg3[%add3A, %dma_start3A] : memref<32x10240xf32, #tpu.memory_space<hbm>> -> memref<1x10240xf32, #tpu.memory_space<hbm>>
      %dma_start3A_79 = tpu.memref_squeeze %dma_start3A_78 : memref<1x10240xf32, #tpu.memory_space<hbm>> -> memref<10240xf32, #tpu.memory_space<hbm>>
      %dma_start3A_80 = arith.constant 0 : i32
      %dma_start3A_81 = tpu.memref_slice %arg3[%add3A, %dma_start3A_80] : memref<32x10240xf32, #tpu.memory_space<hbm>> -> memref<1x10240xf32, #tpu.memory_space<hbm>>
      %dma_start3A_82 = tpu.memref_squeeze %dma_start3A_81 : memref<1x10240xf32, #tpu.memory_space<hbm>> -> memref<10240xf32, #tpu.memory_space<hbm>>
      tpu.enqueue_dma source(%arg5 : memref<10240xf32, #tpu.memory_space<vmem>>) target(%dma_start3A_82 : memref<10240xf32, #tpu.memory_space<hbm>>) target_semaphore(%run_scoped3A : memref<!tpu.dma_semaphore, #tpu.memory_space<semaphore_mem>>)
      %dma_wait3A = arith.constant 0 : i32
      %dma_wait3A_83 = tpu.memref_slice %arg3[%add3A, %dma_wait3A] : memref<32x10240xf32, #tpu.memory_space<hbm>> -> memref<1x10240xf32, #tpu.memory_space<hbm>>
      %dma_wait3A_84 = tpu.memref_squeeze %dma_wait3A_83 : memref<1x10240xf32, #tpu.memory_space<hbm>> -> memref<10240xf32, #tpu.memory_space<hbm>>
      %dma_wait3A_85 = arith.constant 0 : i32
      %dma_wait3A_86 = tpu.memref_slice %arg3[%add3A, %dma_wait3A_85] : memref<32x10240xf32, #tpu.memory_space<hbm>> -> memref<1x10240xf32, #tpu.memory_space<hbm>>
      %dma_wait3A_87 = tpu.memref_squeeze %dma_wait3A_86 : memref<1x10240xf32, #tpu.memory_space<hbm>> -> memref<10240xf32, #tpu.memory_space<hbm>>
      tpu.wait_dma2 semaphore(%run_scoped3A : memref<!tpu.dma_semaphore, #tpu.memory_space<semaphore_mem>>) src(%arg5 : memref<10240xf32, #tpu.memory_space<vmem>>) dst(%dma_wait3A_87 : memref<10240xf32, #tpu.memory_space<hbm>>)
      tpu.yield
    }) : () -> ()
    return
  }
}

#map = affine_map<(d0, d1) -> (0, 0)>
#map1 = affine_map<(d0, d1) -> (0)>
#map2 = affine_map<(d0, d1) -> (0, 0, 0)>
module attributes {stable_mosaic.version = 14 : i64} {
  func.func @_sc_pass_c1(%arg0: i32, %arg1: i32, %arg2: memref<10240x128xf32, #tpu.memory_space<hbm>>, %arg3: memref<10240x128xf32, #tpu.memory_space<hbm>>, %arg4: memref<323584x128xf32, #tpu.memory_space<hbm>>, %arg5: memref<323584xi32, #tpu.memory_space<hbm>>, %arg6: memref<323584xi32, #tpu.memory_space<hbm>>, %arg7: memref<2x10240x128xf32, #tpu.memory_space<hbm>>, %arg8: memref<128xi32, #tpu.memory_space<vmem>>, %arg9: memref<128xi32, #tpu.memory_space<vmem>>, %arg10: memref<128x128xf32, #tpu.memory_space<vmem>>, %arg11: memref<128x128xf32, #tpu.memory_space<vmem>>, %arg12: memref<128x128xf32, #tpu.memory_space<vmem>>, %arg13: memref<10176x128xf32, #tpu.memory_space<vmem_shared>>, %arg14: memref<!tpu.dma_semaphore, #tpu.memory_space<semaphore_mem>>, %arg15: memref<!tpu.dma_semaphore, #tpu.memory_space<semaphore_mem>>, %arg16: memref<!tpu.dma_semaphore, #tpu.memory_space<semaphore_mem>>) attributes {dimension_semantics = [#tpu.dimension_semantics<core_parallel>, #tpu.dimension_semantics<subcore_parallel>], iteration_bounds = array<i64: 2, 16>, scalar_prefetch = 0 : i64, scratch_operands = 9 : i64, tpu.core_type = #tpu.core_type<sc_vector_subcore>, window_params = [{transform_indices = #map}, {transform_indices = #map}, {transform_indices = #map}, {transform_indices = #map1}, {transform_indices = #map1}, {transform_indices = #map2}]} {
    %mul3A = arith.constant 2 : i32
    %mul3A_0 = arith.muli %arg1, %mul3A : i32
    %add3A = arith.addi %mul3A_0, %arg0 : i32
    %broadcast_in_dim3A = arith.constant 0.000000e+00 : f32
    %broadcast_in_dim3A_1 = vector.broadcast %broadcast_in_dim3A : f32 to vector<16xf32>
    %while3A = arith.constant 0 : i32
    %while3A_2 = arith.constant 128 : i32
    %while3A_3 = arith.constant 0 : i32
    %while3A_4 = arith.subi %while3A_2, %while3A : i32
    %while3A_5 = arith.addi %while3A, %while3A_4 : i32
    %while3A_6 = arith.constant 1 : i32
    %while3A_7 = arith.divsi %while3A_4, %while3A_6 : i32
    %while3A_8 = arith.muli %while3A_7, %while3A_6 : i32
    %while3A_9 = arith.addi %while3A, %while3A_8 : i32
    %while3A_10 = arith.constant 1 : i32
    %while3A_11 = scf.for %while3A_52 = %while3A to %while3A_9 step %while3A_10 iter_args(%while3A_53 = %while3A_3) -> (i32)  : i32 {
      %swap3A = arith.index_cast %while3A_52 : i32 to index
      %swap3A_54 = arith.constant 0 : index
      %swap3A_55 = tpu.vector_load %arg12[%swap3A, %swap3A_54] {strides = array<i32>} : memref<128x128xf32, #tpu.memory_space<vmem>>, vector<16xf32>,
      tpu.vector_store %arg12[%swap3A, %swap3A_54], %broadcast_in_dim3A_1 {strides = array<i32>} : memref<128x128xf32, #tpu.memory_space<vmem>>, vector<16xf32>,
      %swap3A_56 = arith.index_cast %while3A_52 : i32 to index
      %swap3A_57 = arith.constant 16 : index
      %swap3A_58 = tpu.vector_load %arg12[%swap3A_56, %swap3A_57] {strides = array<i32>} : memref<128x128xf32, #tpu.memory_space<vmem>>, vector<16xf32>,
      tpu.vector_store %arg12[%swap3A_56, %swap3A_57], %broadcast_in_dim3A_1 {strides = array<i32>} : memref<128x128xf32, #tpu.memory_space<vmem>>, vector<16xf32>,
      %swap3A_59 = arith.index_cast %while3A_52 : i32 to index
      %swap3A_60 = arith.constant 32 : index
      %swap3A_61 = tpu.vector_load %arg12[%swap3A_59, %swap3A_60] {strides = array<i32>} : memref<128x128xf32, #tpu.memory_space<vmem>>, vector<16xf32>,
      tpu.vector_store %arg12[%swap3A_59, %swap3A_60], %broadcast_in_dim3A_1 {strides = array<i32>} : memref<128x128xf32, #tpu.memory_space<vmem>>, vector<16xf32>,
      %swap3A_62 = arith.index_cast %while3A_52 : i32 to index
      %swap3A_63 = arith.constant 48 : index
      %swap3A_64 = tpu.vector_load %arg12[%swap3A_62, %swap3A_63] {strides = array<i32>} : memref<128x128xf32, #tpu.memory_space<vmem>>, vector<16xf32>,
      tpu.vector_store %arg12[%swap3A_62, %swap3A_63], %broadcast_in_dim3A_1 {strides = array<i32>} : memref<128x128xf32, #tpu.memory_space<vmem>>, vector<16xf32>,
      %swap3A_65 = arith.index_cast %while3A_52 : i32 to index
      %swap3A_66 = arith.constant 64 : index
      %swap3A_67 = tpu.vector_load %arg12[%swap3A_65, %swap3A_66] {strides = array<i32>} : memref<128x128xf32, #tpu.memory_space<vmem>>, vector<16xf32>,
      tpu.vector_store %arg12[%swap3A_65, %swap3A_66], %broadcast_in_dim3A_1 {strides = array<i32>} : memref<128x128xf32, #tpu.memory_space<vmem>>, vector<16xf32>,
      %swap3A_68 = arith.index_cast %while3A_52 : i32 to index
      %swap3A_69 = arith.constant 80 : index
      %swap3A_70 = tpu.vector_load %arg12[%swap3A_68, %swap3A_69] {strides = array<i32>} : memref<128x128xf32, #tpu.memory_space<vmem>>, vector<16xf32>,
      tpu.vector_store %arg12[%swap3A_68, %swap3A_69], %broadcast_in_dim3A_1 {strides = array<i32>} : memref<128x128xf32, #tpu.memory_space<vmem>>, vector<16xf32>,
      %swap3A_71 = arith.index_cast %while3A_52 : i32 to index
      %swap3A_72 = arith.constant 96 : index
      %swap3A_73 = tpu.vector_load %arg12[%swap3A_71, %swap3A_72] {strides = array<i32>} : memref<128x128xf32, #tpu.memory_space<vmem>>, vector<16xf32>,
      tpu.vector_store %arg12[%swap3A_71, %swap3A_72], %broadcast_in_dim3A_1 {strides = array<i32>} : memref<128x128xf32, #tpu.memory_space<vmem>>, vector<16xf32>,
      %swap3A_74 = arith.index_cast %while3A_52 : i32 to index
      %swap3A_75 = arith.constant 112 : index
      %swap3A_76 = tpu.vector_load %arg12[%swap3A_74, %swap3A_75] {strides = array<i32>} : memref<128x128xf32, #tpu.memory_space<vmem>>, vector<16xf32>,
      tpu.vector_store %arg12[%swap3A_74, %swap3A_75], %broadcast_in_dim3A_1 {strides = array<i32>} : memref<128x128xf32, #tpu.memory_space<vmem>>, vector<16xf32>,
      %while3A_77 = arith.constant 0 : i32
      scf.yield %while3A_77 : i32
    }
    %while3A_12 = arith.constant 1 : i32
    %while3A_13 = scf.for %while3A_52 = %while3A_9 to %while3A_5 step %while3A_12 iter_args(%while3A_53 = %while3A_11) -> (i32)  : i32 {
      %swap3A = arith.index_cast %while3A_52 : i32 to index
      %swap3A_54 = arith.constant 0 : index
      %swap3A_55 = tpu.vector_load %arg12[%swap3A, %swap3A_54] {strides = array<i32>} : memref<128x128xf32, #tpu.memory_space<vmem>>, vector<16xf32>,
      tpu.vector_store %arg12[%swap3A, %swap3A_54], %broadcast_in_dim3A_1 {strides = array<i32>} : memref<128x128xf32, #tpu.memory_space<vmem>>, vector<16xf32>,
      %swap3A_56 = arith.index_cast %while3A_52 : i32 to index
      %swap3A_57 = arith.constant 16 : index
      %swap3A_58 = tpu.vector_load %arg12[%swap3A_56, %swap3A_57] {strides = array<i32>} : memref<128x128xf32, #tpu.memory_space<vmem>>, vector<16xf32>,
      tpu.vector_store %arg12[%swap3A_56, %swap3A_57], %broadcast_in_dim3A_1 {strides = array<i32>} : memref<128x128xf32, #tpu.memory_space<vmem>>, vector<16xf32>,
      %swap3A_59 = arith.index_cast %while3A_52 : i32 to index
      %swap3A_60 = arith.constant 32 : index
      %swap3A_61 = tpu.vector_load %arg12[%swap3A_59, %swap3A_60] {strides = array<i32>} : memref<128x128xf32, #tpu.memory_space<vmem>>, vector<16xf32>,
      tpu.vector_store %arg12[%swap3A_59, %swap3A_60], %broadcast_in_dim3A_1 {strides = array<i32>} : memref<128x128xf32, #tpu.memory_space<vmem>>, vector<16xf32>,
      %swap3A_62 = arith.index_cast %while3A_52 : i32 to index
      %swap3A_63 = arith.constant 48 : index
      %swap3A_64 = tpu.vector_load %arg12[%swap3A_62, %swap3A_63] {strides = array<i32>} : memref<128x128xf32, #tpu.memory_space<vmem>>, vector<16xf32>,
      tpu.vector_store %arg12[%swap3A_62, %swap3A_63], %broadcast_in_dim3A_1 {strides = array<i32>} : memref<128x128xf32, #tpu.memory_space<vmem>>, vector<16xf32>,
      %swap3A_65 = arith.index_cast %while3A_52 : i32 to index
      %swap3A_66 = arith.constant 64 : index
      %swap3A_67 = tpu.vector_load %arg12[%swap3A_65, %swap3A_66] {strides = array<i32>} : memref<128x128xf32, #tpu.memory_space<vmem>>, vector<16xf32>,
      tpu.vector_store %arg12[%swap3A_65, %swap3A_66], %broadcast_in_dim3A_1 {strides = array<i32>} : memref<128x128xf32, #tpu.memory_space<vmem>>, vector<16xf32>,
      %swap3A_68 = arith.index_cast %while3A_52 : i32 to index
      %swap3A_69 = arith.constant 80 : index
      %swap3A_70 = tpu.vector_load %arg12[%swap3A_68, %swap3A_69] {strides = array<i32>} : memref<128x128xf32, #tpu.memory_space<vmem>>, vector<16xf32>,
      tpu.vector_store %arg12[%swap3A_68, %swap3A_69], %broadcast_in_dim3A_1 {strides = array<i32>} : memref<128x128xf32, #tpu.memory_space<vmem>>, vector<16xf32>,
      %swap3A_71 = arith.index_cast %while3A_52 : i32 to index
      %swap3A_72 = arith.constant 96 : index
      %swap3A_73 = tpu.vector_load %arg12[%swap3A_71, %swap3A_72] {strides = array<i32>} : memref<128x128xf32, #tpu.memory_space<vmem>>, vector<16xf32>,
      tpu.vector_store %arg12[%swap3A_71, %swap3A_72], %broadcast_in_dim3A_1 {strides = array<i32>} : memref<128x128xf32, #tpu.memory_space<vmem>>, vector<16xf32>,
      %swap3A_74 = arith.index_cast %while3A_52 : i32 to index
      %swap3A_75 = arith.constant 112 : index
      %swap3A_76 = tpu.vector_load %arg12[%swap3A_74, %swap3A_75] {strides = array<i32>} : memref<128x128xf32, #tpu.memory_space<vmem>>, vector<16xf32>,
      tpu.vector_store %arg12[%swap3A_74, %swap3A_75], %broadcast_in_dim3A_1 {strides = array<i32>} : memref<128x128xf32, #tpu.memory_space<vmem>>, vector<16xf32>,
      %while3A_77 = arith.constant 0 : i32
      scf.yield %while3A_77 : i32
    }
    %mul3A_14 = arith.constant 632 : i32
    %mul3A_15 = arith.muli %arg1, %mul3A_14 : i32
    %min3A = arith.constant 8 : i32
    %min3A_16 = arith.minsi %arg1, %min3A : i32
    %mul3A_17 = arith.constant 8 : i32
    %mul3A_18 = arith.muli %min3A_16, %mul3A_17 : i32
    %add3A_19 = arith.addi %mul3A_15, %mul3A_18 : i32
    %lt3A = arith.constant 8 : i32
    %lt3A_20 = arith.cmpi slt, %arg1, %lt3A : i32
    %convert_element_type3A = arith.extui %lt3A_20 : i1 to i32
    %cond3A = arith.constant 0 : i32
    %cond3A_21 = arith.cmpi ne, %convert_element_type3A, %cond3A : i32
    scf.if %cond3A_21 {
      %add3A_52 = arith.constant 0 : i32
      %add3A_53 = arith.addi %add3A_19, %add3A_52 : i32
      "tpu.region"() ({
        %run_scoped3A = tpu.sem_alloc : memref<!tpu.dma_semaphore, #tpu.memory_space<semaphore_mem>>
        %dma_start3A = arith.constant 0 : i32
        %dma_start3A_62 = tpu.memref_slice %arg13[%add3A_53, %dma_start3A] : memref<10176x128xf32, #tpu.memory_space<vmem_shared>> -> memref<128x128xf32, #tpu.memory_space<vmem_shared>>
        %dma_start3A_63 = arith.constant 0 : i32
        %dma_start3A_64 = tpu.memref_slice %arg13[%add3A_53, %dma_start3A_63] : memref<10176x128xf32, #tpu.memory_space<vmem_shared>> -> memref<128x128xf32, #tpu.memory_space<vmem_shared>>
        tpu.enqueue_dma source(%arg12 : memref<128x128xf32, #tpu.memory_space<vmem>>) target(%dma_start3A_64 : memref<128x128xf32, #tpu.memory_space<vmem_shared>>) target_semaphore(%run_scoped3A : memref<!tpu.dma_semaphore, #tpu.memory_space<semaphore_mem>>)
        %dma_wait3A = arith.constant 0 : i32
        %dma_wait3A_65 = tpu.memref_slice %arg13[%add3A_53, %dma_wait3A] : memref<10176x128xf32, #tpu.memory_space<vmem_shared>> -> memref<128x128xf32, #tpu.memory_space<vmem_shared>>
        %dma_wait3A_66 = arith.constant 0 : i32
        %dma_wait3A_67 = tpu.memref_slice %arg13[%add3A_53, %dma_wait3A_66] : memref<10176x128xf32, #tpu.memory_space<vmem_shared>> -> memref<128x128xf32, #tpu.memory_space<vmem_shared>>
        tpu.wait_dma2 semaphore(%run_scoped3A : memref<!tpu.dma_semaphore, #tpu.memory_space<semaphore_mem>>) src(%arg12 : memref<128x128xf32, #tpu.memory_space<vmem>>) dst(%dma_wait3A_67 : memref<128x128xf32, #tpu.memory_space<vmem_shared>>)
        tpu.yield
      }) : () -> ()
      %add3A_54 = arith.constant 128 : i32
      %add3A_55 = arith.addi %add3A_19, %add3A_54 : i32
      "tpu.region"() ({
        %run_scoped3A = tpu.sem_alloc : memref<!tpu.dma_semaphore, #tpu.memory_space<semaphore_mem>>
        %dma_start3A = arith.constant 0 : i32
        %dma_start3A_62 = tpu.memref_slice %arg13[%add3A_55, %dma_start3A] : memref<10176x128xf32, #tpu.memory_space<vmem_shared>> -> memref<128x128xf32, #tpu.memory_space<vmem_shared>>
        %dma_start3A_63 = arith.constant 0 : i32
        %dma_start3A_64 = tpu.memref_slice %arg13[%add3A_55, %dma_start3A_63] : memref<10176x128xf32, #tpu.memory_space<vmem_shared>> -> memref<128x128xf32, #tpu.memory_space<vmem_shared>>
        tpu.enqueue_dma source(%arg12 : memref<128x128xf32, #tpu.memory_space<vmem>>) target(%dma_start3A_64 : memref<128x128xf32, #tpu.memory_space<vmem_shared>>) target_semaphore(%run_scoped3A : memref<!tpu.dma_semaphore, #tpu.memory_space<semaphore_mem>>)
        %dma_wait3A = arith.constant 0 : i32
        %dma_wait3A_65 = tpu.memref_slice %arg13[%add3A_55, %dma_wait3A] : memref<10176x128xf32, #tpu.memory_space<vmem_shared>> -> memref<128x128xf32, #tpu.memory_space<vmem_shared>>
        %dma_wait3A_66 = arith.constant 0 : i32
        %dma_wait3A_67 = tpu.memref_slice %arg13[%add3A_55, %dma_wait3A_66] : memref<10176x128xf32, #tpu.memory_space<vmem_shared>> -> memref<128x128xf32, #tpu.memory_space<vmem_shared>>
        tpu.wait_dma2 semaphore(%run_scoped3A : memref<!tpu.dma_semaphore, #tpu.memory_space<semaphore_mem>>) src(%arg12 : memref<128x128xf32, #tpu.memory_space<vmem>>) dst(%dma_wait3A_67 : memref<128x128xf32, #tpu.memory_space<vmem_shared>>)
        tpu.yield
      }) : () -> ()
      %add3A_56 = arith.constant 256 : i32
      %add3A_57 = arith.addi %add3A_19, %add3A_56 : i32
      "tpu.region"() ({
        %run_scoped3A = tpu.sem_alloc : memref<!tpu.dma_semaphore, #tpu.memory_space<semaphore_mem>>
        %dma_start3A = arith.constant 0 : i32
        %dma_start3A_62 = tpu.memref_slice %arg13[%add3A_57, %dma_start3A] : memref<10176x128xf32, #tpu.memory_space<vmem_shared>> -> memref<128x128xf32, #tpu.memory_space<vmem_shared>>
        %dma_start3A_63 = arith.constant 0 : i32
        %dma_start3A_64 = tpu.memref_slice %arg13[%add3A_57, %dma_start3A_63] : memref<10176x128xf32, #tpu.memory_space<vmem_shared>> -> memref<128x128xf32, #tpu.memory_space<vmem_shared>>
        tpu.enqueue_dma source(%arg12 : memref<128x128xf32, #tpu.memory_space<vmem>>) target(%dma_start3A_64 : memref<128x128xf32, #tpu.memory_space<vmem_shared>>) target_semaphore(%run_scoped3A : memref<!tpu.dma_semaphore, #tpu.memory_space<semaphore_mem>>)
        %dma_wait3A = arith.constant 0 : i32
        %dma_wait3A_65 = tpu.memref_slice %arg13[%add3A_57, %dma_wait3A] : memref<10176x128xf32, #tpu.memory_space<vmem_shared>> -> memref<128x128xf32, #tpu.memory_space<vmem_shared>>
        %dma_wait3A_66 = arith.constant 0 : i32
        %dma_wait3A_67 = tpu.memref_slice %arg13[%add3A_57, %dma_wait3A_66] : memref<10176x128xf32, #tpu.memory_space<vmem_shared>> -> memref<128x128xf32, #tpu.memory_space<vmem_shared>>
        tpu.wait_dma2 semaphore(%run_scoped3A : memref<!tpu.dma_semaphore, #tpu.memory_space<semaphore_mem>>) src(%arg12 : memref<128x128xf32, #tpu.memory_space<vmem>>) dst(%dma_wait3A_67 : memref<128x128xf32, #tpu.memory_space<vmem_shared>>)
        tpu.yield
      }) : () -> ()
      %add3A_58 = arith.constant 384 : i32
      %add3A_59 = arith.addi %add3A_19, %add3A_58 : i32
      "tpu.region"() ({
        %run_scoped3A = tpu.sem_alloc : memref<!tpu.dma_semaphore, #tpu.memory_space<semaphore_mem>>
        %dma_start3A = arith.constant 0 : i32
        %dma_start3A_62 = tpu.memref_slice %arg13[%add3A_59, %dma_start3A] : memref<10176x128xf32, #tpu.memory_space<vmem_shared>> -> memref<128x128xf32, #tpu.memory_space<vmem_shared>>
        %dma_start3A_63 = arith.constant 0 : i32
        %dma_start3A_64 = tpu.memref_slice %arg13[%add3A_59, %dma_start3A_63] : memref<10176x128xf32, #tpu.memory_space<vmem_shared>> -> memref<128x128xf32, #tpu.memory_space<vmem_shared>>
        tpu.enqueue_dma source(%arg12 : memref<128x128xf32, #tpu.memory_space<vmem>>) target(%dma_start3A_64 : memref<128x128xf32, #tpu.memory_space<vmem_shared>>) target_semaphore(%run_scoped3A : memref<!tpu.dma_semaphore, #tpu.memory_space<semaphore_mem>>)
        %dma_wait3A = arith.constant 0 : i32
        %dma_wait3A_65 = tpu.memref_slice %arg13[%add3A_59, %dma_wait3A] : memref<10176x128xf32, #tpu.memory_space<vmem_shared>> -> memref<128x128xf32, #tpu.memory_space<vmem_shared>>
        %dma_wait3A_66 = arith.constant 0 : i32
        %dma_wait3A_67 = tpu.memref_slice %arg13[%add3A_59, %dma_wait3A_66] : memref<10176x128xf32, #tpu.memory_space<vmem_shared>> -> memref<128x128xf32, #tpu.memory_space<vmem_shared>>
        tpu.wait_dma2 semaphore(%run_scoped3A : memref<!tpu.dma_semaphore, #tpu.memory_space<semaphore_mem>>) src(%arg12 : memref<128x128xf32, #tpu.memory_space<vmem>>) dst(%dma_wait3A_67 : memref<128x128xf32, #tpu.memory_space<vmem_shared>>)
        tpu.yield
      }) : () -> ()
      %add3A_60 = arith.constant 512 : i32
      %add3A_61 = arith.addi %add3A_19, %add3A_60 : i32
      "tpu.region"() ({
        %run_scoped3A = tpu.sem_alloc : memref<!tpu.dma_semaphore, #tpu.memory_space<semaphore_mem>>
        %dma_start3A = arith.constant 0 : i32
        %dma_start3A_62 = tpu.memref_slice %arg13[%add3A_61, %dma_start3A] : memref<10176x128xf32, #tpu.memory_space<vmem_shared>> -> memref<128x128xf32, #tpu.memory_space<vmem_shared>>
        %dma_start3A_63 = arith.constant 0 : i32
        %dma_start3A_64 = tpu.memref_slice %arg13[%add3A_61, %dma_start3A_63] : memref<10176x128xf32, #tpu.memory_space<vmem_shared>> -> memref<128x128xf32, #tpu.memory_space<vmem_shared>>
        tpu.enqueue_dma source(%arg12 : memref<128x128xf32, #tpu.memory_space<vmem>>) target(%dma_start3A_64 : memref<128x128xf32, #tpu.memory_space<vmem_shared>>) target_semaphore(%run_scoped3A : memref<!tpu.dma_semaphore, #tpu.memory_space<semaphore_mem>>)
        %dma_wait3A = arith.constant 0 : i32
        %dma_wait3A_65 = tpu.memref_slice %arg13[%add3A_61, %dma_wait3A] : memref<10176x128xf32, #tpu.memory_space<vmem_shared>> -> memref<128x128xf32, #tpu.memory_space<vmem_shared>>
        %dma_wait3A_66 = arith.constant 0 : i32
        %dma_wait3A_67 = tpu.memref_slice %arg13[%add3A_61, %dma_wait3A_66] : memref<10176x128xf32, #tpu.memory_space<vmem_shared>> -> memref<128x128xf32, #tpu.memory_space<vmem_shared>>
        tpu.wait_dma2 semaphore(%run_scoped3A : memref<!tpu.dma_semaphore, #tpu.memory_space<semaphore_mem>>) src(%arg12 : memref<128x128xf32, #tpu.memory_space<vmem>>) dst(%dma_wait3A_67 : memref<128x128xf32, #tpu.memory_space<vmem_shared>>)
        tpu.yield
      }) : () -> ()
    } else {
    }
    %ge3A = arith.constant 8 : i32
    %ge3A_22 = arith.cmpi sge, %arg1, %ge3A : i32
    %convert_element_type3A_23 = arith.extui %ge3A_22 : i1 to i32
    %cond3A_24 = arith.constant 0 : i32
    %cond3A_25 = arith.cmpi ne, %convert_element_type3A_23, %cond3A_24 : i32
    scf.if %cond3A_25 {
      %add3A_52 = arith.constant 0 : i32
      %add3A_53 = arith.addi %add3A_19, %add3A_52 : i32
      "tpu.region"() ({
        %run_scoped3A = tpu.sem_alloc : memref<!tpu.dma_semaphore, #tpu.memory_space<semaphore_mem>>
        %dma_start3A = arith.constant 0 : i32
        %dma_start3A_62 = tpu.memref_slice %arg13[%add3A_53, %dma_start3A] : memref<10176x128xf32, #tpu.memory_space<vmem_shared>> -> memref<128x128xf32, #tpu.memory_space<vmem_shared>>
        %dma_start3A_63 = arith.constant 0 : i32
        %dma_start3A_64 = tpu.memref_slice %arg13[%add3A_53, %dma_start3A_63] : memref<10176x128xf32, #tpu.memory_space<vmem_shared>> -> memref<128x128xf32, #tpu.memory_space<vmem_shared>>
        tpu.enqueue_dma source(%arg12 : memref<128x128xf32, #tpu.memory_space<vmem>>) target(%dma_start3A_64 : memref<128x128xf32, #tpu.memory_space<vmem_shared>>) target_semaphore(%run_scoped3A : memref<!tpu.dma_semaphore, #tpu.memory_space<semaphore_mem>>)
        %dma_wait3A = arith.constant 0 : i32
        %dma_wait3A_65 = tpu.memref_slice %arg13[%add3A_53, %dma_wait3A] : memref<10176x128xf32, #tpu.memory_space<vmem_shared>> -> memref<128x128xf32, #tpu.memory_space<vmem_shared>>
        %dma_wait3A_66 = arith.constant 0 : i32
        %dma_wait3A_67 = tpu.memref_slice %arg13[%add3A_53, %dma_wait3A_66] : memref<10176x128xf32, #tpu.memory_space<vmem_shared>> -> memref<128x128xf32, #tpu.memory_space<vmem_shared>>
        tpu.wait_dma2 semaphore(%run_scoped3A : memref<!tpu.dma_semaphore, #tpu.memory_space<semaphore_mem>>) src(%arg12 : memref<128x128xf32, #tpu.memory_space<vmem>>) dst(%dma_wait3A_67 : memref<128x128xf32, #tpu.memory_space<vmem_shared>>)
        tpu.yield
      }) : () -> ()
      %add3A_54 = arith.constant 128 : i32
      %add3A_55 = arith.addi %add3A_19, %add3A_54 : i32
      "tpu.region"() ({
        %run_scoped3A = tpu.sem_alloc : memref<!tpu.dma_semaphore, #tpu.memory_space<semaphore_mem>>
        %dma_start3A = arith.constant 0 : i32
        %dma_start3A_62 = tpu.memref_slice %arg13[%add3A_55, %dma_start3A] : memref<10176x128xf32, #tpu.memory_space<vmem_shared>> -> memref<128x128xf32, #tpu.memory_space<vmem_shared>>
        %dma_start3A_63 = arith.constant 0 : i32
        %dma_start3A_64 = tpu.memref_slice %arg13[%add3A_55, %dma_start3A_63] : memref<10176x128xf32, #tpu.memory_space<vmem_shared>> -> memref<128x128xf32, #tpu.memory_space<vmem_shared>>
        tpu.enqueue_dma source(%arg12 : memref<128x128xf32, #tpu.memory_space<vmem>>) target(%dma_start3A_64 : memref<128x128xf32, #tpu.memory_space<vmem_shared>>) target_semaphore(%run_scoped3A : memref<!tpu.dma_semaphore, #tpu.memory_space<semaphore_mem>>)
        %dma_wait3A = arith.constant 0 : i32
        %dma_wait3A_65 = tpu.memref_slice %arg13[%add3A_55, %dma_wait3A] : memref<10176x128xf32, #tpu.memory_space<vmem_shared>> -> memref<128x128xf32, #tpu.memory_space<vmem_shared>>
        %dma_wait3A_66 = arith.constant 0 : i32
        %dma_wait3A_67 = tpu.memref_slice %arg13[%add3A_55, %dma_wait3A_66] : memref<10176x128xf32, #tpu.memory_space<vmem_shared>> -> memref<128x128xf32, #tpu.memory_space<vmem_shared>>
        tpu.wait_dma2 semaphore(%run_scoped3A : memref<!tpu.dma_semaphore, #tpu.memory_space<semaphore_mem>>) src(%arg12 : memref<128x128xf32, #tpu.memory_space<vmem>>) dst(%dma_wait3A_67 : memref<128x128xf32, #tpu.memory_space<vmem_shared>>)
        tpu.yield
      }) : () -> ()
      %add3A_56 = arith.constant 256 : i32
      %add3A_57 = arith.addi %add3A_19, %add3A_56 : i32
      "tpu.region"() ({
        %run_scoped3A = tpu.sem_alloc : memref<!tpu.dma_semaphore, #tpu.memory_space<semaphore_mem>>
        %dma_start3A = arith.constant 0 : i32
        %dma_start3A_62 = tpu.memref_slice %arg13[%add3A_57, %dma_start3A] : memref<10176x128xf32, #tpu.memory_space<vmem_shared>> -> memref<128x128xf32, #tpu.memory_space<vmem_shared>>
        %dma_start3A_63 = arith.constant 0 : i32
        %dma_start3A_64 = tpu.memref_slice %arg13[%add3A_57, %dma_start3A_63] : memref<10176x128xf32, #tpu.memory_space<vmem_shared>> -> memref<128x128xf32, #tpu.memory_space<vmem_shared>>
        tpu.enqueue_dma source(%arg12 : memref<128x128xf32, #tpu.memory_space<vmem>>) target(%dma_start3A_64 : memref<128x128xf32, #tpu.memory_space<vmem_shared>>) target_semaphore(%run_scoped3A : memref<!tpu.dma_semaphore, #tpu.memory_space<semaphore_mem>>)
        %dma_wait3A = arith.constant 0 : i32
        %dma_wait3A_65 = tpu.memref_slice %arg13[%add3A_57, %dma_wait3A] : memref<10176x128xf32, #tpu.memory_space<vmem_shared>> -> memref<128x128xf32, #tpu.memory_space<vmem_shared>>
        %dma_wait3A_66 = arith.constant 0 : i32
        %dma_wait3A_67 = tpu.memref_slice %arg13[%add3A_57, %dma_wait3A_66] : memref<10176x128xf32, #tpu.memory_space<vmem_shared>> -> memref<128x128xf32, #tpu.memory_space<vmem_shared>>
        tpu.wait_dma2 semaphore(%run_scoped3A : memref<!tpu.dma_semaphore, #tpu.memory_space<semaphore_mem>>) src(%arg12 : memref<128x128xf32, #tpu.memory_space<vmem>>) dst(%dma_wait3A_67 : memref<128x128xf32, #tpu.memory_space<vmem_shared>>)
        tpu.yield
      }) : () -> ()
      %add3A_58 = arith.constant 384 : i32
      %add3A_59 = arith.addi %add3A_19, %add3A_58 : i32
      "tpu.region"() ({
        %run_scoped3A = tpu.sem_alloc : memref<!tpu.dma_semaphore, #tpu.memory_space<semaphore_mem>>
        %dma_start3A = arith.constant 0 : i32
        %dma_start3A_62 = tpu.memref_slice %arg13[%add3A_59, %dma_start3A] : memref<10176x128xf32, #tpu.memory_space<vmem_shared>> -> memref<128x128xf32, #tpu.memory_space<vmem_shared>>
        %dma_start3A_63 = arith.constant 0 : i32
        %dma_start3A_64 = tpu.memref_slice %arg13[%add3A_59, %dma_start3A_63] : memref<10176x128xf32, #tpu.memory_space<vmem_shared>> -> memref<128x128xf32, #tpu.memory_space<vmem_shared>>
        tpu.enqueue_dma source(%arg12 : memref<128x128xf32, #tpu.memory_space<vmem>>) target(%dma_start3A_64 : memref<128x128xf32, #tpu.memory_space<vmem_shared>>) target_semaphore(%run_scoped3A : memref<!tpu.dma_semaphore, #tpu.memory_space<semaphore_mem>>)
        %dma_wait3A = arith.constant 0 : i32
        %dma_wait3A_65 = tpu.memref_slice %arg13[%add3A_59, %dma_wait3A] : memref<10176x128xf32, #tpu.memory_space<vmem_shared>> -> memref<128x128xf32, #tpu.memory_space<vmem_shared>>
        %dma_wait3A_66 = arith.constant 0 : i32
        %dma_wait3A_67 = tpu.memref_slice %arg13[%add3A_59, %dma_wait3A_66] : memref<10176x128xf32, #tpu.memory_space<vmem_shared>> -> memref<128x128xf32, #tpu.memory_space<vmem_shared>>
        tpu.wait_dma2 semaphore(%run_scoped3A : memref<!tpu.dma_semaphore, #tpu.memory_space<semaphore_mem>>) src(%arg12 : memref<128x128xf32, #tpu.memory_space<vmem>>) dst(%dma_wait3A_67 : memref<128x128xf32, #tpu.memory_space<vmem_shared>>)
        tpu.yield
      }) : () -> ()
      %add3A_60 = arith.constant 504 : i32
      %add3A_61 = arith.addi %add3A_19, %add3A_60 : i32
      "tpu.region"() ({
        %run_scoped3A = tpu.sem_alloc : memref<!tpu.dma_semaphore, #tpu.memory_space<semaphore_mem>>
        %dma_start3A = arith.constant 0 : i32
        %dma_start3A_62 = tpu.memref_slice %arg13[%add3A_61, %dma_start3A] : memref<10176x128xf32, #tpu.memory_space<vmem_shared>> -> memref<128x128xf32, #tpu.memory_space<vmem_shared>>
        %dma_start3A_63 = arith.constant 0 : i32
        %dma_start3A_64 = tpu.memref_slice %arg13[%add3A_61, %dma_start3A_63] : memref<10176x128xf32, #tpu.memory_space<vmem_shared>> -> memref<128x128xf32, #tpu.memory_space<vmem_shared>>
        tpu.enqueue_dma source(%arg12 : memref<128x128xf32, #tpu.memory_space<vmem>>) target(%dma_start3A_64 : memref<128x128xf32, #tpu.memory_space<vmem_shared>>) target_semaphore(%run_scoped3A : memref<!tpu.dma_semaphore, #tpu.memory_space<semaphore_mem>>)
        %dma_wait3A = arith.constant 0 : i32
        %dma_wait3A_65 = tpu.memref_slice %arg13[%add3A_61, %dma_wait3A] : memref<10176x128xf32, #tpu.memory_space<vmem_shared>> -> memref<128x128xf32, #tpu.memory_space<vmem_shared>>
        %dma_wait3A_66 = arith.constant 0 : i32
        %dma_wait3A_67 = tpu.memref_slice %arg13[%add3A_61, %dma_wait3A_66] : memref<10176x128xf32, #tpu.memory_space<vmem_shared>> -> memref<128x128xf32, #tpu.memory_space<vmem_shared>>
        tpu.wait_dma2 semaphore(%run_scoped3A : memref<!tpu.dma_semaphore, #tpu.memory_space<semaphore_mem>>) src(%arg12 : memref<128x128xf32, #tpu.memory_space<vmem>>) dst(%dma_wait3A_67 : memref<128x128xf32, #tpu.memory_space<vmem_shared>>)
        tpu.yield
      }) : () -> ()
    } else {
    }
    %barrier3A = arith.constant 0 : index
    tpu.barrier barrier_id(%barrier3A)
    %mul3A_26 = arith.constant 10112 : i32
    %mul3A_27 = arith.muli %add3A, %mul3A_26 : i32
    %while3A_28 = arith.constant 0 : i32
    %while3A_29 = arith.constant 79 : i32
    %while3A_30 = arith.constant 0 : i32
    %while3A_31 = arith.subi %while3A_29, %while3A_28 : i32
    %while3A_32 = arith.addi %while3A_28, %while3A_31 : i32
    %while3A_33 = arith.constant 1 : i32
    %while3A_34 = arith.divsi %while3A_31, %while3A_33 : i32
    %while3A_35 = arith.muli %while3A_34, %while3A_33 : i32
    %while3A_36 = arith.addi %while3A_28, %while3A_35 : i32
    %while3A_37 = arith.constant 1 : i32
    %while3A_38 = scf.for %while3A_52 = %while3A_28 to %while3A_36 step %while3A_37 iter_args(%while3A_53 = %while3A_30) -> (i32)  : i32 {
      %mul3A_54 = arith.constant 128 : i32
      %mul3A_55 = arith.muli %while3A_52, %mul3A_54 : i32
      %add3A_56 = arith.addi %mul3A_27, %mul3A_55 : i32
      %dma_start3A = tpu.memref_slice %arg5[%add3A_56] : memref<323584xi32, #tpu.memory_space<hbm>> -> memref<128xi32, #tpu.memory_space<hbm>>
      %dma_start3A_57 = tpu.memref_slice %arg5[%add3A_56] : memref<323584xi32, #tpu.memory_space<hbm>> -> memref<128xi32, #tpu.memory_space<hbm>>
      tpu.enqueue_dma source(%dma_start3A_57 : memref<128xi32, #tpu.memory_space<hbm>>) target(%arg8 : memref<128xi32, #tpu.memory_space<vmem>>) target_semaphore(%arg14 : memref<!tpu.dma_semaphore, #tpu.memory_space<semaphore_mem>>)
      %dma_start3A_58 = tpu.memref_slice %arg6[%add3A_56] : memref<323584xi32, #tpu.memory_space<hbm>> -> memref<128xi32, #tpu.memory_space<hbm>>
      %dma_start3A_59 = tpu.memref_slice %arg6[%add3A_56] : memref<323584xi32, #tpu.memory_space<hbm>> -> memref<128xi32, #tpu.memory_space<hbm>>
      tpu.enqueue_dma source(%dma_start3A_59 : memref<128xi32, #tpu.memory_space<hbm>>) target(%arg9 : memref<128xi32, #tpu.memory_space<vmem>>) target_semaphore(%arg15 : memref<!tpu.dma_semaphore, #tpu.memory_space<semaphore_mem>>)
      %dma_start3A_60 = arith.constant 0 : i32
      %dma_start3A_61 = tpu.memref_slice %arg4[%add3A_56, %dma_start3A_60] : memref<323584x128xf32, #tpu.memory_space<hbm>> -> memref<128x128xf32, #tpu.memory_space<hbm>>
      %dma_start3A_62 = arith.constant 0 : i32
      %dma_start3A_63 = tpu.memref_slice %arg4[%add3A_56, %dma_start3A_62] : memref<323584x128xf32, #tpu.memory_space<hbm>> -> memref<128x128xf32, #tpu.memory_space<hbm>>
      tpu.enqueue_dma source(%dma_start3A_63 : memref<128x128xf32, #tpu.memory_space<hbm>>) target(%arg12 : memref<128x128xf32, #tpu.memory_space<vmem>>) target_semaphore(%arg16 : memref<!tpu.dma_semaphore, #tpu.memory_space<semaphore_mem>>)
      %dma_wait3A = tpu.memref_slice %arg5[%add3A_56] : memref<323584xi32, #tpu.memory_space<hbm>> -> memref<128xi32, #tpu.memory_space<hbm>>
      %dma_wait3A_64 = tpu.memref_slice %arg5[%add3A_56] : memref<323584xi32, #tpu.memory_space<hbm>> -> memref<128xi32, #tpu.memory_space<hbm>>
      tpu.wait_dma2 semaphore(%arg14 : memref<!tpu.dma_semaphore, #tpu.memory_space<semaphore_mem>>) src(%dma_wait3A_64 : memref<128xi32, #tpu.memory_space<hbm>>) dst(%arg8 : memref<128xi32, #tpu.memory_space<vmem>>)
      %dma_wait3A_65 = tpu.memref_slice %arg6[%add3A_56] : memref<323584xi32, #tpu.memory_space<hbm>> -> memref<128xi32, #tpu.memory_space<hbm>>
      %dma_wait3A_66 = tpu.memref_slice %arg6[%add3A_56] : memref<323584xi32, #tpu.memory_space<hbm>> -> memref<128xi32, #tpu.memory_space<hbm>>
      tpu.wait_dma2 semaphore(%arg15 : memref<!tpu.dma_semaphore, #tpu.memory_space<semaphore_mem>>) src(%dma_wait3A_66 : memref<128xi32, #tpu.memory_space<hbm>>) dst(%arg9 : memref<128xi32, #tpu.memory_space<vmem>>)
      %dma_start3A_67 = arith.constant 0 : i32
      %dma_start3A_68 = arith.constant 0 : i32
      %dma_start3A_69 = tpu.memref_slice %arg2[%dma_start3A_67, %dma_start3A_68] : memref<10240x128xf32, #tpu.memory_space<hbm>> -> memref<10240x128xf32, #tpu.memory_space<hbm>>
      tpu.enqueue_indirect_dma source(%dma_start3A_69 : memref<10240x128xf32, #tpu.memory_space<hbm>>) target(%arg10 : memref<128x128xf32, #tpu.memory_space<vmem>>) offsets(%arg8 : memref<128xi32, #tpu.memory_space<vmem>>) semaphore(%arg14 : memref<!tpu.dma_semaphore, #tpu.memory_space<semaphore_mem>>)
      %dma_start3A_70 = arith.constant 0 : i32
      %dma_start3A_71 = arith.constant 0 : i32
      %dma_start3A_72 = tpu.memref_slice %arg3[%dma_start3A_70, %dma_start3A_71] : memref<10240x128xf32, #tpu.memory_space<hbm>> -> memref<10240x128xf32, #tpu.memory_space<hbm>>
      tpu.enqueue_indirect_dma source(%dma_start3A_72 : memref<10240x128xf32, #tpu.memory_space<hbm>>) target(%arg11 : memref<128x128xf32, #tpu.memory_space<vmem>>) offsets(%arg9 : memref<128xi32, #tpu.memory_space<vmem>>) semaphore(%arg15 : memref<!tpu.dma_semaphore, #tpu.memory_space<semaphore_mem>>)
      %dma_wait3A_73 = arith.constant 0 : i32
      %dma_wait3A_74 = arith.constant 0 : i32
      %dma_wait3A_75 = tpu.memref_slice %arg2[%dma_wait3A_73, %dma_wait3A_74] : memref<10240x128xf32, #tpu.memory_space<hbm>> -> memref<10240x128xf32, #tpu.memory_space<hbm>>
      tpu.wait_indirect_dma semaphore(%arg14 : memref<!tpu.dma_semaphore, #tpu.memory_space<semaphore_mem>>) src(%dma_wait3A_75 : memref<10240x128xf32, #tpu.memory_space<hbm>>) dst(%arg10 : memref<128x128xf32, #tpu.memory_space<vmem>>)
      %dma_wait3A_76 = arith.constant 0 : i32
      %dma_wait3A_77 = arith.constant 0 : i32
      %dma_wait3A_78 = tpu.memref_slice %arg3[%dma_wait3A_76, %dma_wait3A_77] : memref<10240x128xf32, #tpu.memory_space<hbm>> -> memref<10240x128xf32, #tpu.memory_space<hbm>>
      tpu.wait_indirect_dma semaphore(%arg15 : memref<!tpu.dma_semaphore, #tpu.memory_space<semaphore_mem>>) src(%dma_wait3A_78 : memref<10240x128xf32, #tpu.memory_space<hbm>>) dst(%arg11 : memref<128x128xf32, #tpu.memory_space<vmem>>)
      %dma_wait3A_79 = arith.constant 0 : i32
      %dma_wait3A_80 = tpu.memref_slice %arg4[%add3A_56, %dma_wait3A_79] : memref<323584x128xf32, #tpu.memory_space<hbm>> -> memref<128x128xf32, #tpu.memory_space<hbm>>
      %dma_wait3A_81 = arith.constant 0 : i32
      %dma_wait3A_82 = tpu.memref_slice %arg4[%add3A_56, %dma_wait3A_81] : memref<323584x128xf32, #tpu.memory_space<hbm>> -> memref<128x128xf32, #tpu.memory_space<hbm>>
      tpu.wait_dma2 semaphore(%arg16 : memref<!tpu.dma_semaphore, #tpu.memory_space<semaphore_mem>>) src(%dma_wait3A_82 : memref<128x128xf32, #tpu.memory_space<hbm>>) dst(%arg12 : memref<128x128xf32, #tpu.memory_space<vmem>>)
      %parallel_loop3A = arith.constant 0 : i32
      %parallel_loop3A_83 = arith.constant 128 : i32
      %parallel_loop3A_84 = arith.constant 1 : i32
      scf.for %parallel_loop3A_86 = %parallel_loop3A to %parallel_loop3A_83 step %parallel_loop3A_84  : i32 {
        %parallel_loop3A_87 = arith.index_cast %parallel_loop3A_86 : i32 to index
        %parallel_loop3A_88 = arith.constant 0 : index
        %parallel_loop3A_89 = tpu.vector_load %arg10[%parallel_loop3A_87, %parallel_loop3A_88] {strides = array<i32>} : memref<128x128xf32, #tpu.memory_space<vmem>>, vector<16xf32>,
        %parallel_loop3A_90 = arith.index_cast %parallel_loop3A_86 : i32 to index
        %parallel_loop3A_91 = arith.constant 0 : index
        %parallel_loop3A_92 = tpu.vector_load %arg11[%parallel_loop3A_90, %parallel_loop3A_91] {strides = array<i32>} : memref<128x128xf32, #tpu.memory_space<vmem>>, vector<16xf32>,
        %parallel_loop3A_93 = arith.addf %parallel_loop3A_89, %parallel_loop3A_92 : vector<16xf32>
        %parallel_loop3A_94 = arith.index_cast %parallel_loop3A_86 : i32 to index
        %parallel_loop3A_95 = arith.constant 0 : index
        %parallel_loop3A_96 = tpu.vector_load %arg12[%parallel_loop3A_94, %parallel_loop3A_95] {strides = array<i32>} : memref<128x128xf32, #tpu.memory_space<vmem>>, vector<16xf32>,
        %parallel_loop3A_97 = arith.addf %parallel_loop3A_93, %parallel_loop3A_96 : vector<16xf32>
        %parallel_loop3A_98 = arith.constant 0.000000e+00 : f32
        %parallel_loop3A_99 = vector.broadcast %parallel_loop3A_98 : f32 to vector<16xf32>
        %parallel_loop3A_100 = arith.maximumf %parallel_loop3A_97, %parallel_loop3A_99 : vector<16xf32>
        %parallel_loop3A_101 = arith.index_cast %parallel_loop3A_86 : i32 to index
        %parallel_loop3A_102 = arith.constant 0 : index
        %parallel_loop3A_103 = tpu.vector_load %arg12[%parallel_loop3A_101, %parallel_loop3A_102] {strides = array<i32>} : memref<128x128xf32, #tpu.memory_space<vmem>>, vector<16xf32>,
        tpu.vector_store %arg12[%parallel_loop3A_101, %parallel_loop3A_102], %parallel_loop3A_100 {strides = array<i32>} : memref<128x128xf32, #tpu.memory_space<vmem>>, vector<16xf32>,
        %parallel_loop3A_104 = arith.index_cast %parallel_loop3A_86 : i32 to index
        %parallel_loop3A_105 = arith.constant 16 : index
        %parallel_loop3A_106 = tpu.vector_load %arg10[%parallel_loop3A_104, %parallel_loop3A_105] {strides = array<i32>} : memref<128x128xf32, #tpu.memory_space<vmem>>, vector<16xf32>,
        %parallel_loop3A_107 = arith.index_cast %parallel_loop3A_86 : i32 to index
        %parallel_loop3A_108 = arith.constant 16 : index
        %parallel_loop3A_109 = tpu.vector_load %arg11[%parallel_loop3A_107, %parallel_loop3A_108] {strides = array<i32>} : memref<128x128xf32, #tpu.memory_space<vmem>>, vector<16xf32>,
        %parallel_loop3A_110 = arith.addf %parallel_loop3A_106, %parallel_loop3A_109 : vector<16xf32>
        %parallel_loop3A_111 = arith.index_cast %parallel_loop3A_86 : i32 to index
        %parallel_loop3A_112 = arith.constant 16 : index
        %parallel_loop3A_113 = tpu.vector_load %arg12[%parallel_loop3A_111, %parallel_loop3A_112] {strides = array<i32>} : memref<128x128xf32, #tpu.memory_space<vmem>>, vector<16xf32>,
        %parallel_loop3A_114 = arith.addf %parallel_loop3A_110, %parallel_loop3A_113 : vector<16xf32>
        %parallel_loop3A_115 = arith.constant 0.000000e+00 : f32
        %parallel_loop3A_116 = vector.broadcast %parallel_loop3A_115 : f32 to vector<16xf32>
        %parallel_loop3A_117 = arith.maximumf %parallel_loop3A_114, %parallel_loop3A_116 : vector<16xf32>
        %parallel_loop3A_118 = arith.index_cast %parallel_loop3A_86 : i32 to index
        %parallel_loop3A_119 = arith.constant 16 : index
        %parallel_loop3A_120 = tpu.vector_load %arg12[%parallel_loop3A_118, %parallel_loop3A_119] {strides = array<i32>} : memref<128x128xf32, #tpu.memory_space<vmem>>, vector<16xf32>,
        tpu.vector_store %arg12[%parallel_loop3A_118, %parallel_loop3A_119], %parallel_loop3A_117 {strides = array<i32>} : memref<128x128xf32, #tpu.memory_space<vmem>>, vector<16xf32>,
        %parallel_loop3A_121 = arith.index_cast %parallel_loop3A_86 : i32 to index
        %parallel_loop3A_122 = arith.constant 32 : index
        %parallel_loop3A_123 = tpu.vector_load %arg10[%parallel_loop3A_121, %parallel_loop3A_122] {strides = array<i32>} : memref<128x128xf32, #tpu.memory_space<vmem>>, vector<16xf32>,
        %parallel_loop3A_124 = arith.index_cast %parallel_loop3A_86 : i32 to index
        %parallel_loop3A_125 = arith.constant 32 : index
        %parallel_loop3A_126 = tpu.vector_load %arg11[%parallel_loop3A_124, %parallel_loop3A_125] {strides = array<i32>} : memref<128x128xf32, #tpu.memory_space<vmem>>, vector<16xf32>,
        %parallel_loop3A_127 = arith.addf %parallel_loop3A_123, %parallel_loop3A_126 : vector<16xf32>
        %parallel_loop3A_128 = arith.index_cast %parallel_loop3A_86 : i32 to index
        %parallel_loop3A_129 = arith.constant 32 : index
        %parallel_loop3A_130 = tpu.vector_load %arg12[%parallel_loop3A_128, %parallel_loop3A_129] {strides = array<i32>} : memref<128x128xf32, #tpu.memory_space<vmem>>, vector<16xf32>,
        %parallel_loop3A_131 = arith.addf %parallel_loop3A_127, %parallel_loop3A_130 : vector<16xf32>
        %parallel_loop3A_132 = arith.constant 0.000000e+00 : f32
        %parallel_loop3A_133 = vector.broadcast %parallel_loop3A_132 : f32 to vector<16xf32>
        %parallel_loop3A_134 = arith.maximumf %parallel_loop3A_131, %parallel_loop3A_133 : vector<16xf32>
        %parallel_loop3A_135 = arith.index_cast %parallel_loop3A_86 : i32 to index
        %parallel_loop3A_136 = arith.constant 32 : index
        %parallel_loop3A_137 = tpu.vector_load %arg12[%parallel_loop3A_135, %parallel_loop3A_136] {strides = array<i32>} : memref<128x128xf32, #tpu.memory_space<vmem>>, vector<16xf32>,
        tpu.vector_store %arg12[%parallel_loop3A_135, %parallel_loop3A_136], %parallel_loop3A_134 {strides = array<i32>} : memref<128x128xf32, #tpu.memory_space<vmem>>, vector<16xf32>,
        %parallel_loop3A_138 = arith.index_cast %parallel_loop3A_86 : i32 to index
        %parallel_loop3A_139 = arith.constant 48 : index
        %parallel_loop3A_140 = tpu.vector_load %arg10[%parallel_loop3A_138, %parallel_loop3A_139] {strides = array<i32>} : memref<128x128xf32, #tpu.memory_space<vmem>>, vector<16xf32>,
        %parallel_loop3A_141 = arith.index_cast %parallel_loop3A_86 : i32 to index
        %parallel_loop3A_142 = arith.constant 48 : index
        %parallel_loop3A_143 = tpu.vector_load %arg11[%parallel_loop3A_141, %parallel_loop3A_142] {strides = array<i32>} : memref<128x128xf32, #tpu.memory_space<vmem>>, vector<16xf32>,
        %parallel_loop3A_144 = arith.addf %parallel_loop3A_140, %parallel_loop3A_143 : vector<16xf32>
        %parallel_loop3A_145 = arith.index_cast %parallel_loop3A_86 : i32 to index
        %parallel_loop3A_146 = arith.constant 48 : index
        %parallel_loop3A_147 = tpu.vector_load %arg12[%parallel_loop3A_145, %parallel_loop3A_146] {strides = array<i32>} : memref<128x128xf32, #tpu.memory_space<vmem>>, vector<16xf32>,
        %parallel_loop3A_148 = arith.addf %parallel_loop3A_144, %parallel_loop3A_147 : vector<16xf32>
        %parallel_loop3A_149 = arith.constant 0.000000e+00 : f32
        %parallel_loop3A_150 = vector.broadcast %parallel_loop3A_149 : f32 to vector<16xf32>
        %parallel_loop3A_151 = arith.maximumf %parallel_loop3A_148, %parallel_loop3A_150 : vector<16xf32>
        %parallel_loop3A_152 = arith.index_cast %parallel_loop3A_86 : i32 to index
        %parallel_loop3A_153 = arith.constant 48 : index
        %parallel_loop3A_154 = tpu.vector_load %arg12[%parallel_loop3A_152, %parallel_loop3A_153] {strides = array<i32>} : memref<128x128xf32, #tpu.memory_space<vmem>>, vector<16xf32>,
        tpu.vector_store %arg12[%parallel_loop3A_152, %parallel_loop3A_153], %parallel_loop3A_151 {strides = array<i32>} : memref<128x128xf32, #tpu.memory_space<vmem>>, vector<16xf32>,
        %parallel_loop3A_155 = arith.index_cast %parallel_loop3A_86 : i32 to index
        %parallel_loop3A_156 = arith.constant 64 : index
        %parallel_loop3A_157 = tpu.vector_load %arg10[%parallel_loop3A_155, %parallel_loop3A_156] {strides = array<i32>} : memref<128x128xf32, #tpu.memory_space<vmem>>, vector<16xf32>,
        %parallel_loop3A_158 = arith.index_cast %parallel_loop3A_86 : i32 to index
        %parallel_loop3A_159 = arith.constant 64 : index
        %parallel_loop3A_160 = tpu.vector_load %arg11[%parallel_loop3A_158, %parallel_loop3A_159] {strides = array<i32>} : memref<128x128xf32, #tpu.memory_space<vmem>>, vector<16xf32>,
        %parallel_loop3A_161 = arith.addf %parallel_loop3A_157, %parallel_loop3A_160 : vector<16xf32>
        %parallel_loop3A_162 = arith.index_cast %parallel_loop3A_86 : i32 to index
        %parallel_loop3A_163 = arith.constant 64 : index
        %parallel_loop3A_164 = tpu.vector_load %arg12[%parallel_loop3A_162, %parallel_loop3A_163] {strides = array<i32>} : memref<128x128xf32, #tpu.memory_space<vmem>>, vector<16xf32>,
        %parallel_loop3A_165 = arith.addf %parallel_loop3A_161, %parallel_loop3A_164 : vector<16xf32>
        %parallel_loop3A_166 = arith.constant 0.000000e+00 : f32
        %parallel_loop3A_167 = vector.broadcast %parallel_loop3A_166 : f32 to vector<16xf32>
        %parallel_loop3A_168 = arith.maximumf %parallel_loop3A_165, %parallel_loop3A_167 : vector<16xf32>
        %parallel_loop3A_169 = arith.index_cast %parallel_loop3A_86 : i32 to index
        %parallel_loop3A_170 = arith.constant 64 : index
        %parallel_loop3A_171 = tpu.vector_load %arg12[%parallel_loop3A_169, %parallel_loop3A_170] {strides = array<i32>} : memref<128x128xf32, #tpu.memory_space<vmem>>, vector<16xf32>,
        tpu.vector_store %arg12[%parallel_loop3A_169, %parallel_loop3A_170], %parallel_loop3A_168 {strides = array<i32>} : memref<128x128xf32, #tpu.memory_space<vmem>>, vector<16xf32>,
        %parallel_loop3A_172 = arith.index_cast %parallel_loop3A_86 : i32 to index
        %parallel_loop3A_173 = arith.constant 80 : index
        %parallel_loop3A_174 = tpu.vector_load %arg10[%parallel_loop3A_172, %parallel_loop3A_173] {strides = array<i32>} : memref<128x128xf32, #tpu.memory_space<vmem>>, vector<16xf32>,
        %parallel_loop3A_175 = arith.index_cast %parallel_loop3A_86 : i32 to index
        %parallel_loop3A_176 = arith.constant 80 : index
        %parallel_loop3A_177 = tpu.vector_load %arg11[%parallel_loop3A_175, %parallel_loop3A_176] {strides = array<i32>} : memref<128x128xf32, #tpu.memory_space<vmem>>, vector<16xf32>,
        %parallel_loop3A_178 = arith.addf %parallel_loop3A_174, %parallel_loop3A_177 : vector<16xf32>
        %parallel_loop3A_179 = arith.index_cast %parallel_loop3A_86 : i32 to index
        %parallel_loop3A_180 = arith.constant 80 : index
        %parallel_loop3A_181 = tpu.vector_load %arg12[%parallel_loop3A_179, %parallel_loop3A_180] {strides = array<i32>} : memref<128x128xf32, #tpu.memory_space<vmem>>, vector<16xf32>,
        %parallel_loop3A_182 = arith.addf %parallel_loop3A_178, %parallel_loop3A_181 : vector<16xf32>
        %parallel_loop3A_183 = arith.constant 0.000000e+00 : f32
        %parallel_loop3A_184 = vector.broadcast %parallel_loop3A_183 : f32 to vector<16xf32>
        %parallel_loop3A_185 = arith.maximumf %parallel_loop3A_182, %parallel_loop3A_184 : vector<16xf32>
        %parallel_loop3A_186 = arith.index_cast %parallel_loop3A_86 : i32 to index
        %parallel_loop3A_187 = arith.constant 80 : index
        %parallel_loop3A_188 = tpu.vector_load %arg12[%parallel_loop3A_186, %parallel_loop3A_187] {strides = array<i32>} : memref<128x128xf32, #tpu.memory_space<vmem>>, vector<16xf32>,
        tpu.vector_store %arg12[%parallel_loop3A_186, %parallel_loop3A_187], %parallel_loop3A_185 {strides = array<i32>} : memref<128x128xf32, #tpu.memory_space<vmem>>, vector<16xf32>,
        %parallel_loop3A_189 = arith.index_cast %parallel_loop3A_86 : i32 to index
        %parallel_loop3A_190 = arith.constant 96 : index
        %parallel_loop3A_191 = tpu.vector_load %arg10[%parallel_loop3A_189, %parallel_loop3A_190] {strides = array<i32>} : memref<128x128xf32, #tpu.memory_space<vmem>>, vector<16xf32>,
        %parallel_loop3A_192 = arith.index_cast %parallel_loop3A_86 : i32 to index
        %parallel_loop3A_193 = arith.constant 96 : index
        %parallel_loop3A_194 = tpu.vector_load %arg11[%parallel_loop3A_192, %parallel_loop3A_193] {strides = array<i32>} : memref<128x128xf32, #tpu.memory_space<vmem>>, vector<16xf32>,
        %parallel_loop3A_195 = arith.addf %parallel_loop3A_191, %parallel_loop3A_194 : vector<16xf32>
        %parallel_loop3A_196 = arith.index_cast %parallel_loop3A_86 : i32 to index
        %parallel_loop3A_197 = arith.constant 96 : index
        %parallel_loop3A_198 = tpu.vector_load %arg12[%parallel_loop3A_196, %parallel_loop3A_197] {strides = array<i32>} : memref<128x128xf32, #tpu.memory_space<vmem>>, vector<16xf32>,
        %parallel_loop3A_199 = arith.addf %parallel_loop3A_195, %parallel_loop3A_198 : vector<16xf32>
        %parallel_loop3A_200 = arith.constant 0.000000e+00 : f32
        %parallel_loop3A_201 = vector.broadcast %parallel_loop3A_200 : f32 to vector<16xf32>
        %parallel_loop3A_202 = arith.maximumf %parallel_loop3A_199, %parallel_loop3A_201 : vector<16xf32>
        %parallel_loop3A_203 = arith.index_cast %parallel_loop3A_86 : i32 to index
        %parallel_loop3A_204 = arith.constant 96 : index
        %parallel_loop3A_205 = tpu.vector_load %arg12[%parallel_loop3A_203, %parallel_loop3A_204] {strides = array<i32>} : memref<128x128xf32, #tpu.memory_space<vmem>>, vector<16xf32>,
        tpu.vector_store %arg12[%parallel_loop3A_203, %parallel_loop3A_204], %parallel_loop3A_202 {strides = array<i32>} : memref<128x128xf32, #tpu.memory_space<vmem>>, vector<16xf32>,
        %parallel_loop3A_206 = arith.index_cast %parallel_loop3A_86 : i32 to index
        %parallel_loop3A_207 = arith.constant 112 : index
        %parallel_loop3A_208 = tpu.vector_load %arg10[%parallel_loop3A_206, %parallel_loop3A_207] {strides = array<i32>} : memref<128x128xf32, #tpu.memory_space<vmem>>, vector<16xf32>,
        %parallel_loop3A_209 = arith.index_cast %parallel_loop3A_86 : i32 to index
        %parallel_loop3A_210 = arith.constant 112 : index
        %parallel_loop3A_211 = tpu.vector_load %arg11[%parallel_loop3A_209, %parallel_loop3A_210] {strides = array<i32>} : memref<128x128xf32, #tpu.memory_space<vmem>>, vector<16xf32>,
        %parallel_loop3A_212 = arith.addf %parallel_loop3A_208, %parallel_loop3A_211 : vector<16xf32>
        %parallel_loop3A_213 = arith.index_cast %parallel_loop3A_86 : i32 to index
        %parallel_loop3A_214 = arith.constant 112 : index
        %parallel_loop3A_215 = tpu.vector_load %arg12[%parallel_loop3A_213, %parallel_loop3A_214] {strides = array<i32>} : memref<128x128xf32, #tpu.memory_space<vmem>>, vector<16xf32>,
        %parallel_loop3A_216 = arith.addf %parallel_loop3A_212, %parallel_loop3A_215 : vector<16xf32>
        %parallel_loop3A_217 = arith.constant 0.000000e+00 : f32
        %parallel_loop3A_218 = vector.broadcast %parallel_loop3A_217 : f32 to vector<16xf32>
        %parallel_loop3A_219 = arith.maximumf %parallel_loop3A_216, %parallel_loop3A_218 : vector<16xf32>
        %parallel_loop3A_220 = arith.index_cast %parallel_loop3A_86 : i32 to index
        %parallel_loop3A_221 = arith.constant 112 : index
        %parallel_loop3A_222 = tpu.vector_load %arg12[%parallel_loop3A_220, %parallel_loop3A_221] {strides = array<i32>} : memref<128x128xf32, #tpu.memory_space<vmem>>, vector<16xf32>,
        tpu.vector_store %arg12[%parallel_loop3A_220, %parallel_loop3A_221], %parallel_loop3A_219 {strides = array<i32>} : memref<128x128xf32, #tpu.memory_space<vmem>>, vector<16xf32>,
      } {sc.loop_unroll_factor = 4 : i64, sc.parallel_access}
      "tpu.region"() ({
        %run_scoped3A = tpu.sem_alloc : memref<!tpu.dma_semaphore, #tpu.memory_space<semaphore_mem>>
        %dma_start3A_86 = arith.constant 0 : i32
        %dma_start3A_87 = arith.constant 0 : i32
        %dma_start3A_88 = tpu.memref_slice %arg13[%dma_start3A_86, %dma_start3A_87] : memref<10176x128xf32, #tpu.memory_space<vmem_shared>> -> memref<10176x128xf32, #tpu.memory_space<vmem_shared>>
        tpu.enqueue_indirect_dma source(%arg12 : memref<128x128xf32, #tpu.memory_space<vmem>>) target(%dma_start3A_88 : memref<10176x128xf32, #tpu.memory_space<vmem_shared>>) offsets(%arg8 : memref<128xi32, #tpu.memory_space<vmem>>) semaphore(%run_scoped3A : memref<!tpu.dma_semaphore, #tpu.memory_space<semaphore_mem>>) {add = true}
        %dma_wait3A_89 = arith.constant 0 : i32
        %dma_wait3A_90 = arith.constant 0 : i32
        %dma_wait3A_91 = tpu.memref_slice %arg13[%dma_wait3A_89, %dma_wait3A_90] : memref<10176x128xf32, #tpu.memory_space<vmem_shared>> -> memref<10176x128xf32, #tpu.memory_space<vmem_shared>>
        tpu.wait_indirect_dma semaphore(%run_scoped3A : memref<!tpu.dma_semaphore, #tpu.memory_space<semaphore_mem>>) src(%arg12 : memref<128x128xf32, #tpu.memory_space<vmem>>) dst(%dma_wait3A_91 : memref<10176x128xf32, #tpu.memory_space<vmem_shared>>)
        tpu.yield
      }) : () -> ()
      %while3A_85 = arith.constant 0 : i32
      scf.yield %while3A_85 : i32
    }
    %while3A_39 = arith.constant 1 : i32
    %while3A_40 = scf.for %while3A_52 = %while3A_36 to %while3A_32 step %while3A_39 iter_args(%while3A_53 = %while3A_38) -> (i32)  : i32 {
      %mul3A_54 = arith.constant 128 : i32
      %mul3A_55 = arith.muli %while3A_52, %mul3A_54 : i32
      %add3A_56 = arith.addi %mul3A_27, %mul3A_55 : i32
      %dma_start3A = tpu.memref_slice %arg5[%add3A_56] : memref<323584xi32, #tpu.memory_space<hbm>> -> memref<128xi32, #tpu.memory_space<hbm>>
      %dma_start3A_57 = tpu.memref_slice %arg5[%add3A_56] : memref<323584xi32, #tpu.memory_space<hbm>> -> memref<128xi32, #tpu.memory_space<hbm>>
      tpu.enqueue_dma source(%dma_start3A_57 : memref<128xi32, #tpu.memory_space<hbm>>) target(%arg8 : memref<128xi32, #tpu.memory_space<vmem>>) target_semaphore(%arg14 : memref<!tpu.dma_semaphore, #tpu.memory_space<semaphore_mem>>)
      %dma_start3A_58 = tpu.memref_slice %arg6[%add3A_56] : memref<323584xi32, #tpu.memory_space<hbm>> -> memref<128xi32, #tpu.memory_space<hbm>>
      %dma_start3A_59 = tpu.memref_slice %arg6[%add3A_56] : memref<323584xi32, #tpu.memory_space<hbm>> -> memref<128xi32, #tpu.memory_space<hbm>>
      tpu.enqueue_dma source(%dma_start3A_59 : memref<128xi32, #tpu.memory_space<hbm>>) target(%arg9 : memref<128xi32, #tpu.memory_space<vmem>>) target_semaphore(%arg15 : memref<!tpu.dma_semaphore, #tpu.memory_space<semaphore_mem>>)
      %dma_start3A_60 = arith.constant 0 : i32
      %dma_start3A_61 = tpu.memref_slice %arg4[%add3A_56, %dma_start3A_60] : memref<323584x128xf32, #tpu.memory_space<hbm>> -> memref<128x128xf32, #tpu.memory_space<hbm>>
      %dma_start3A_62 = arith.constant 0 : i32
      %dma_start3A_63 = tpu.memref_slice %arg4[%add3A_56, %dma_start3A_62] : memref<323584x128xf32, #tpu.memory_space<hbm>> -> memref<128x128xf32, #tpu.memory_space<hbm>>
      tpu.enqueue_dma source(%dma_start3A_63 : memref<128x128xf32, #tpu.memory_space<hbm>>) target(%arg12 : memref<128x128xf32, #tpu.memory_space<vmem>>) target_semaphore(%arg16 : memref<!tpu.dma_semaphore, #tpu.memory_space<semaphore_mem>>)
      %dma_wait3A = tpu.memref_slice %arg5[%add3A_56] : memref<323584xi32, #tpu.memory_space<hbm>> -> memref<128xi32, #tpu.memory_space<hbm>>
      %dma_wait3A_64 = tpu.memref_slice %arg5[%add3A_56] : memref<323584xi32, #tpu.memory_space<hbm>> -> memref<128xi32, #tpu.memory_space<hbm>>
      tpu.wait_dma2 semaphore(%arg14 : memref<!tpu.dma_semaphore, #tpu.memory_space<semaphore_mem>>) src(%dma_wait3A_64 : memref<128xi32, #tpu.memory_space<hbm>>) dst(%arg8 : memref<128xi32, #tpu.memory_space<vmem>>)
      %dma_wait3A_65 = tpu.memref_slice %arg6[%add3A_56] : memref<323584xi32, #tpu.memory_space<hbm>> -> memref<128xi32, #tpu.memory_space<hbm>>
      %dma_wait3A_66 = tpu.memref_slice %arg6[%add3A_56] : memref<323584xi32, #tpu.memory_space<hbm>> -> memref<128xi32, #tpu.memory_space<hbm>>
      tpu.wait_dma2 semaphore(%arg15 : memref<!tpu.dma_semaphore, #tpu.memory_space<semaphore_mem>>) src(%dma_wait3A_66 : memref<128xi32, #tpu.memory_space<hbm>>) dst(%arg9 : memref<128xi32, #tpu.memory_space<vmem>>)
      %dma_start3A_67 = arith.constant 0 : i32
      %dma_start3A_68 = arith.constant 0 : i32
      %dma_start3A_69 = tpu.memref_slice %arg2[%dma_start3A_67, %dma_start3A_68] : memref<10240x128xf32, #tpu.memory_space<hbm>> -> memref<10240x128xf32, #tpu.memory_space<hbm>>
      tpu.enqueue_indirect_dma source(%dma_start3A_69 : memref<10240x128xf32, #tpu.memory_space<hbm>>) target(%arg10 : memref<128x128xf32, #tpu.memory_space<vmem>>) offsets(%arg8 : memref<128xi32, #tpu.memory_space<vmem>>) semaphore(%arg14 : memref<!tpu.dma_semaphore, #tpu.memory_space<semaphore_mem>>)
      %dma_start3A_70 = arith.constant 0 : i32
      %dma_start3A_71 = arith.constant 0 : i32
      %dma_start3A_72 = tpu.memref_slice %arg3[%dma_start3A_70, %dma_start3A_71] : memref<10240x128xf32, #tpu.memory_space<hbm>> -> memref<10240x128xf32, #tpu.memory_space<hbm>>
      tpu.enqueue_indirect_dma source(%dma_start3A_72 : memref<10240x128xf32, #tpu.memory_space<hbm>>) target(%arg11 : memref<128x128xf32, #tpu.memory_space<vmem>>) offsets(%arg9 : memref<128xi32, #tpu.memory_space<vmem>>) semaphore(%arg15 : memref<!tpu.dma_semaphore, #tpu.memory_space<semaphore_mem>>)
      %dma_wait3A_73 = arith.constant 0 : i32
      %dma_wait3A_74 = arith.constant 0 : i32
      %dma_wait3A_75 = tpu.memref_slice %arg2[%dma_wait3A_73, %dma_wait3A_74] : memref<10240x128xf32, #tpu.memory_space<hbm>> -> memref<10240x128xf32, #tpu.memory_space<hbm>>
      tpu.wait_indirect_dma semaphore(%arg14 : memref<!tpu.dma_semaphore, #tpu.memory_space<semaphore_mem>>) src(%dma_wait3A_75 : memref<10240x128xf32, #tpu.memory_space<hbm>>) dst(%arg10 : memref<128x128xf32, #tpu.memory_space<vmem>>)
      %dma_wait3A_76 = arith.constant 0 : i32
      %dma_wait3A_77 = arith.constant 0 : i32
      %dma_wait3A_78 = tpu.memref_slice %arg3[%dma_wait3A_76, %dma_wait3A_77] : memref<10240x128xf32, #tpu.memory_space<hbm>> -> memref<10240x128xf32, #tpu.memory_space<hbm>>
      tpu.wait_indirect_dma semaphore(%arg15 : memref<!tpu.dma_semaphore, #tpu.memory_space<semaphore_mem>>) src(%dma_wait3A_78 : memref<10240x128xf32, #tpu.memory_space<hbm>>) dst(%arg11 : memref<128x128xf32, #tpu.memory_space<vmem>>)
      %dma_wait3A_79 = arith.constant 0 : i32
      %dma_wait3A_80 = tpu.memref_slice %arg4[%add3A_56, %dma_wait3A_79] : memref<323584x128xf32, #tpu.memory_space<hbm>> -> memref<128x128xf32, #tpu.memory_space<hbm>>
      %dma_wait3A_81 = arith.constant 0 : i32
      %dma_wait3A_82 = tpu.memref_slice %arg4[%add3A_56, %dma_wait3A_81] : memref<323584x128xf32, #tpu.memory_space<hbm>> -> memref<128x128xf32, #tpu.memory_space<hbm>>
      tpu.wait_dma2 semaphore(%arg16 : memref<!tpu.dma_semaphore, #tpu.memory_space<semaphore_mem>>) src(%dma_wait3A_82 : memref<128x128xf32, #tpu.memory_space<hbm>>) dst(%arg12 : memref<128x128xf32, #tpu.memory_space<vmem>>)
      %parallel_loop3A = arith.constant 0 : i32
      %parallel_loop3A_83 = arith.constant 128 : i32
      %parallel_loop3A_84 = arith.constant 1 : i32
      scf.for %parallel_loop3A_86 = %parallel_loop3A to %parallel_loop3A_83 step %parallel_loop3A_84  : i32 {
        %parallel_loop3A_87 = arith.index_cast %parallel_loop3A_86 : i32 to index
        %parallel_loop3A_88 = arith.constant 0 : index
        %parallel_loop3A_89 = tpu.vector_load %arg10[%parallel_loop3A_87, %parallel_loop3A_88] {strides = array<i32>} : memref<128x128xf32, #tpu.memory_space<vmem>>, vector<16xf32>,
        %parallel_loop3A_90 = arith.index_cast %parallel_loop3A_86 : i32 to index
        %parallel_loop3A_91 = arith.constant 0 : index
        %parallel_loop3A_92 = tpu.vector_load %arg11[%parallel_loop3A_90, %parallel_loop3A_91] {strides = array<i32>} : memref<128x128xf32, #tpu.memory_space<vmem>>, vector<16xf32>,
        %parallel_loop3A_93 = arith.addf %parallel_loop3A_89, %parallel_loop3A_92 : vector<16xf32>
        %parallel_loop3A_94 = arith.index_cast %parallel_loop3A_86 : i32 to index
        %parallel_loop3A_95 = arith.constant 0 : index
        %parallel_loop3A_96 = tpu.vector_load %arg12[%parallel_loop3A_94, %parallel_loop3A_95] {strides = array<i32>} : memref<128x128xf32, #tpu.memory_space<vmem>>, vector<16xf32>,
        %parallel_loop3A_97 = arith.addf %parallel_loop3A_93, %parallel_loop3A_96 : vector<16xf32>
        %parallel_loop3A_98 = arith.constant 0.000000e+00 : f32
        %parallel_loop3A_99 = vector.broadcast %parallel_loop3A_98 : f32 to vector<16xf32>
        %parallel_loop3A_100 = arith.maximumf %parallel_loop3A_97, %parallel_loop3A_99 : vector<16xf32>
        %parallel_loop3A_101 = arith.index_cast %parallel_loop3A_86 : i32 to index
        %parallel_loop3A_102 = arith.constant 0 : index
        %parallel_loop3A_103 = tpu.vector_load %arg12[%parallel_loop3A_101, %parallel_loop3A_102] {strides = array<i32>} : memref<128x128xf32, #tpu.memory_space<vmem>>, vector<16xf32>,
        tpu.vector_store %arg12[%parallel_loop3A_101, %parallel_loop3A_102], %parallel_loop3A_100 {strides = array<i32>} : memref<128x128xf32, #tpu.memory_space<vmem>>, vector<16xf32>,
        %parallel_loop3A_104 = arith.index_cast %parallel_loop3A_86 : i32 to index
        %parallel_loop3A_105 = arith.constant 16 : index
        %parallel_loop3A_106 = tpu.vector_load %arg10[%parallel_loop3A_104, %parallel_loop3A_105] {strides = array<i32>} : memref<128x128xf32, #tpu.memory_space<vmem>>, vector<16xf32>,
        %parallel_loop3A_107 = arith.index_cast %parallel_loop3A_86 : i32 to index
        %parallel_loop3A_108 = arith.constant 16 : index
        %parallel_loop3A_109 = tpu.vector_load %arg11[%parallel_loop3A_107, %parallel_loop3A_108] {strides = array<i32>} : memref<128x128xf32, #tpu.memory_space<vmem>>, vector<16xf32>,
        %parallel_loop3A_110 = arith.addf %parallel_loop3A_106, %parallel_loop3A_109 : vector<16xf32>
        %parallel_loop3A_111 = arith.index_cast %parallel_loop3A_86 : i32 to index
        %parallel_loop3A_112 = arith.constant 16 : index
        %parallel_loop3A_113 = tpu.vector_load %arg12[%parallel_loop3A_111, %parallel_loop3A_112] {strides = array<i32>} : memref<128x128xf32, #tpu.memory_space<vmem>>, vector<16xf32>,
        %parallel_loop3A_114 = arith.addf %parallel_loop3A_110, %parallel_loop3A_113 : vector<16xf32>
        %parallel_loop3A_115 = arith.constant 0.000000e+00 : f32
        %parallel_loop3A_116 = vector.broadcast %parallel_loop3A_115 : f32 to vector<16xf32>
        %parallel_loop3A_117 = arith.maximumf %parallel_loop3A_114, %parallel_loop3A_116 : vector<16xf32>
        %parallel_loop3A_118 = arith.index_cast %parallel_loop3A_86 : i32 to index
        %parallel_loop3A_119 = arith.constant 16 : index
        %parallel_loop3A_120 = tpu.vector_load %arg12[%parallel_loop3A_118, %parallel_loop3A_119] {strides = array<i32>} : memref<128x128xf32, #tpu.memory_space<vmem>>, vector<16xf32>,
        tpu.vector_store %arg12[%parallel_loop3A_118, %parallel_loop3A_119], %parallel_loop3A_117 {strides = array<i32>} : memref<128x128xf32, #tpu.memory_space<vmem>>, vector<16xf32>,
        %parallel_loop3A_121 = arith.index_cast %parallel_loop3A_86 : i32 to index
        %parallel_loop3A_122 = arith.constant 32 : index
        %parallel_loop3A_123 = tpu.vector_load %arg10[%parallel_loop3A_121, %parallel_loop3A_122] {strides = array<i32>} : memref<128x128xf32, #tpu.memory_space<vmem>>, vector<16xf32>,
        %parallel_loop3A_124 = arith.index_cast %parallel_loop3A_86 : i32 to index
        %parallel_loop3A_125 = arith.constant 32 : index
        %parallel_loop3A_126 = tpu.vector_load %arg11[%parallel_loop3A_124, %parallel_loop3A_125] {strides = array<i32>} : memref<128x128xf32, #tpu.memory_space<vmem>>, vector<16xf32>,
        %parallel_loop3A_127 = arith.addf %parallel_loop3A_123, %parallel_loop3A_126 : vector<16xf32>
        %parallel_loop3A_128 = arith.index_cast %parallel_loop3A_86 : i32 to index
        %parallel_loop3A_129 = arith.constant 32 : index
        %parallel_loop3A_130 = tpu.vector_load %arg12[%parallel_loop3A_128, %parallel_loop3A_129] {strides = array<i32>} : memref<128x128xf32, #tpu.memory_space<vmem>>, vector<16xf32>,
        %parallel_loop3A_131 = arith.addf %parallel_loop3A_127, %parallel_loop3A_130 : vector<16xf32>
        %parallel_loop3A_132 = arith.constant 0.000000e+00 : f32
        %parallel_loop3A_133 = vector.broadcast %parallel_loop3A_132 : f32 to vector<16xf32>
        %parallel_loop3A_134 = arith.maximumf %parallel_loop3A_131, %parallel_loop3A_133 : vector<16xf32>
        %parallel_loop3A_135 = arith.index_cast %parallel_loop3A_86 : i32 to index
        %parallel_loop3A_136 = arith.constant 32 : index
        %parallel_loop3A_137 = tpu.vector_load %arg12[%parallel_loop3A_135, %parallel_loop3A_136] {strides = array<i32>} : memref<128x128xf32, #tpu.memory_space<vmem>>, vector<16xf32>,
        tpu.vector_store %arg12[%parallel_loop3A_135, %parallel_loop3A_136], %parallel_loop3A_134 {strides = array<i32>} : memref<128x128xf32, #tpu.memory_space<vmem>>, vector<16xf32>,
        %parallel_loop3A_138 = arith.index_cast %parallel_loop3A_86 : i32 to index
        %parallel_loop3A_139 = arith.constant 48 : index
        %parallel_loop3A_140 = tpu.vector_load %arg10[%parallel_loop3A_138, %parallel_loop3A_139] {strides = array<i32>} : memref<128x128xf32, #tpu.memory_space<vmem>>, vector<16xf32>,
        %parallel_loop3A_141 = arith.index_cast %parallel_loop3A_86 : i32 to index
        %parallel_loop3A_142 = arith.constant 48 : index
        %parallel_loop3A_143 = tpu.vector_load %arg11[%parallel_loop3A_141, %parallel_loop3A_142] {strides = array<i32>} : memref<128x128xf32, #tpu.memory_space<vmem>>, vector<16xf32>,
        %parallel_loop3A_144 = arith.addf %parallel_loop3A_140, %parallel_loop3A_143 : vector<16xf32>
        %parallel_loop3A_145 = arith.index_cast %parallel_loop3A_86 : i32 to index
        %parallel_loop3A_146 = arith.constant 48 : index
        %parallel_loop3A_147 = tpu.vector_load %arg12[%parallel_loop3A_145, %parallel_loop3A_146] {strides = array<i32>} : memref<128x128xf32, #tpu.memory_space<vmem>>, vector<16xf32>,
        %parallel_loop3A_148 = arith.addf %parallel_loop3A_144, %parallel_loop3A_147 : vector<16xf32>
        %parallel_loop3A_149 = arith.constant 0.000000e+00 : f32
        %parallel_loop3A_150 = vector.broadcast %parallel_loop3A_149 : f32 to vector<16xf32>
        %parallel_loop3A_151 = arith.maximumf %parallel_loop3A_148, %parallel_loop3A_150 : vector<16xf32>
        %parallel_loop3A_152 = arith.index_cast %parallel_loop3A_86 : i32 to index
        %parallel_loop3A_153 = arith.constant 48 : index
        %parallel_loop3A_154 = tpu.vector_load %arg12[%parallel_loop3A_152, %parallel_loop3A_153] {strides = array<i32>} : memref<128x128xf32, #tpu.memory_space<vmem>>, vector<16xf32>,
        tpu.vector_store %arg12[%parallel_loop3A_152, %parallel_loop3A_153], %parallel_loop3A_151 {strides = array<i32>} : memref<128x128xf32, #tpu.memory_space<vmem>>, vector<16xf32>,
        %parallel_loop3A_155 = arith.index_cast %parallel_loop3A_86 : i32 to index
        %parallel_loop3A_156 = arith.constant 64 : index
        %parallel_loop3A_157 = tpu.vector_load %arg10[%parallel_loop3A_155, %parallel_loop3A_156] {strides = array<i32>} : memref<128x128xf32, #tpu.memory_space<vmem>>, vector<16xf32>,
        %parallel_loop3A_158 = arith.index_cast %parallel_loop3A_86 : i32 to index
        %parallel_loop3A_159 = arith.constant 64 : index
        %parallel_loop3A_160 = tpu.vector_load %arg11[%parallel_loop3A_158, %parallel_loop3A_159] {strides = array<i32>} : memref<128x128xf32, #tpu.memory_space<vmem>>, vector<16xf32>,
        %parallel_loop3A_161 = arith.addf %parallel_loop3A_157, %parallel_loop3A_160 : vector<16xf32>
        %parallel_loop3A_162 = arith.index_cast %parallel_loop3A_86 : i32 to index
        %parallel_loop3A_163 = arith.constant 64 : index
        %parallel_loop3A_164 = tpu.vector_load %arg12[%parallel_loop3A_162, %parallel_loop3A_163] {strides = array<i32>} : memref<128x128xf32, #tpu.memory_space<vmem>>, vector<16xf32>,
        %parallel_loop3A_165 = arith.addf %parallel_loop3A_161, %parallel_loop3A_164 : vector<16xf32>
        %parallel_loop3A_166 = arith.constant 0.000000e+00 : f32
        %parallel_loop3A_167 = vector.broadcast %parallel_loop3A_166 : f32 to vector<16xf32>
        %parallel_loop3A_168 = arith.maximumf %parallel_loop3A_165, %parallel_loop3A_167 : vector<16xf32>
        %parallel_loop3A_169 = arith.index_cast %parallel_loop3A_86 : i32 to index
        %parallel_loop3A_170 = arith.constant 64 : index
        %parallel_loop3A_171 = tpu.vector_load %arg12[%parallel_loop3A_169, %parallel_loop3A_170] {strides = array<i32>} : memref<128x128xf32, #tpu.memory_space<vmem>>, vector<16xf32>,
        tpu.vector_store %arg12[%parallel_loop3A_169, %parallel_loop3A_170], %parallel_loop3A_168 {strides = array<i32>} : memref<128x128xf32, #tpu.memory_space<vmem>>, vector<16xf32>,
        %parallel_loop3A_172 = arith.index_cast %parallel_loop3A_86 : i32 to index
        %parallel_loop3A_173 = arith.constant 80 : index
        %parallel_loop3A_174 = tpu.vector_load %arg10[%parallel_loop3A_172, %parallel_loop3A_173] {strides = array<i32>} : memref<128x128xf32, #tpu.memory_space<vmem>>, vector<16xf32>,
        %parallel_loop3A_175 = arith.index_cast %parallel_loop3A_86 : i32 to index
        %parallel_loop3A_176 = arith.constant 80 : index
        %parallel_loop3A_177 = tpu.vector_load %arg11[%parallel_loop3A_175, %parallel_loop3A_176] {strides = array<i32>} : memref<128x128xf32, #tpu.memory_space<vmem>>, vector<16xf32>,
        %parallel_loop3A_178 = arith.addf %parallel_loop3A_174, %parallel_loop3A_177 : vector<16xf32>
        %parallel_loop3A_179 = arith.index_cast %parallel_loop3A_86 : i32 to index
        %parallel_loop3A_180 = arith.constant 80 : index
        %parallel_loop3A_181 = tpu.vector_load %arg12[%parallel_loop3A_179, %parallel_loop3A_180] {strides = array<i32>} : memref<128x128xf32, #tpu.memory_space<vmem>>, vector<16xf32>,
        %parallel_loop3A_182 = arith.addf %parallel_loop3A_178, %parallel_loop3A_181 : vector<16xf32>
        %parallel_loop3A_183 = arith.constant 0.000000e+00 : f32
        %parallel_loop3A_184 = vector.broadcast %parallel_loop3A_183 : f32 to vector<16xf32>
        %parallel_loop3A_185 = arith.maximumf %parallel_loop3A_182, %parallel_loop3A_184 : vector<16xf32>
        %parallel_loop3A_186 = arith.index_cast %parallel_loop3A_86 : i32 to index
        %parallel_loop3A_187 = arith.constant 80 : index
        %parallel_loop3A_188 = tpu.vector_load %arg12[%parallel_loop3A_186, %parallel_loop3A_187] {strides = array<i32>} : memref<128x128xf32, #tpu.memory_space<vmem>>, vector<16xf32>,
        tpu.vector_store %arg12[%parallel_loop3A_186, %parallel_loop3A_187], %parallel_loop3A_185 {strides = array<i32>} : memref<128x128xf32, #tpu.memory_space<vmem>>, vector<16xf32>,
        %parallel_loop3A_189 = arith.index_cast %parallel_loop3A_86 : i32 to index
        %parallel_loop3A_190 = arith.constant 96 : index
        %parallel_loop3A_191 = tpu.vector_load %arg10[%parallel_loop3A_189, %parallel_loop3A_190] {strides = array<i32>} : memref<128x128xf32, #tpu.memory_space<vmem>>, vector<16xf32>,
        %parallel_loop3A_192 = arith.index_cast %parallel_loop3A_86 : i32 to index
        %parallel_loop3A_193 = arith.constant 96 : index
        %parallel_loop3A_194 = tpu.vector_load %arg11[%parallel_loop3A_192, %parallel_loop3A_193] {strides = array<i32>} : memref<128x128xf32, #tpu.memory_space<vmem>>, vector<16xf32>,
        %parallel_loop3A_195 = arith.addf %parallel_loop3A_191, %parallel_loop3A_194 : vector<16xf32>
        %parallel_loop3A_196 = arith.index_cast %parallel_loop3A_86 : i32 to index
        %parallel_loop3A_197 = arith.constant 96 : index
        %parallel_loop3A_198 = tpu.vector_load %arg12[%parallel_loop3A_196, %parallel_loop3A_197] {strides = array<i32>} : memref<128x128xf32, #tpu.memory_space<vmem>>, vector<16xf32>,
        %parallel_loop3A_199 = arith.addf %parallel_loop3A_195, %parallel_loop3A_198 : vector<16xf32>
        %parallel_loop3A_200 = arith.constant 0.000000e+00 : f32
        %parallel_loop3A_201 = vector.broadcast %parallel_loop3A_200 : f32 to vector<16xf32>
        %parallel_loop3A_202 = arith.maximumf %parallel_loop3A_199, %parallel_loop3A_201 : vector<16xf32>
        %parallel_loop3A_203 = arith.index_cast %parallel_loop3A_86 : i32 to index
        %parallel_loop3A_204 = arith.constant 96 : index
        %parallel_loop3A_205 = tpu.vector_load %arg12[%parallel_loop3A_203, %parallel_loop3A_204] {strides = array<i32>} : memref<128x128xf32, #tpu.memory_space<vmem>>, vector<16xf32>,
        tpu.vector_store %arg12[%parallel_loop3A_203, %parallel_loop3A_204], %parallel_loop3A_202 {strides = array<i32>} : memref<128x128xf32, #tpu.memory_space<vmem>>, vector<16xf32>,
        %parallel_loop3A_206 = arith.index_cast %parallel_loop3A_86 : i32 to index
        %parallel_loop3A_207 = arith.constant 112 : index
        %parallel_loop3A_208 = tpu.vector_load %arg10[%parallel_loop3A_206, %parallel_loop3A_207] {strides = array<i32>} : memref<128x128xf32, #tpu.memory_space<vmem>>, vector<16xf32>,
        %parallel_loop3A_209 = arith.index_cast %parallel_loop3A_86 : i32 to index
        %parallel_loop3A_210 = arith.constant 112 : index
        %parallel_loop3A_211 = tpu.vector_load %arg11[%parallel_loop3A_209, %parallel_loop3A_210] {strides = array<i32>} : memref<128x128xf32, #tpu.memory_space<vmem>>, vector<16xf32>,
        %parallel_loop3A_212 = arith.addf %parallel_loop3A_208, %parallel_loop3A_211 : vector<16xf32>
        %parallel_loop3A_213 = arith.index_cast %parallel_loop3A_86 : i32 to index
        %parallel_loop3A_214 = arith.constant 112 : index
        %parallel_loop3A_215 = tpu.vector_load %arg12[%parallel_loop3A_213, %parallel_loop3A_214] {strides = array<i32>} : memref<128x128xf32, #tpu.memory_space<vmem>>, vector<16xf32>,
        %parallel_loop3A_216 = arith.addf %parallel_loop3A_212, %parallel_loop3A_215 : vector<16xf32>
        %parallel_loop3A_217 = arith.constant 0.000000e+00 : f32
        %parallel_loop3A_218 = vector.broadcast %parallel_loop3A_217 : f32 to vector<16xf32>
        %parallel_loop3A_219 = arith.maximumf %parallel_loop3A_216, %parallel_loop3A_218 : vector<16xf32>
        %parallel_loop3A_220 = arith.index_cast %parallel_loop3A_86 : i32 to index
        %parallel_loop3A_221 = arith.constant 112 : index
        %parallel_loop3A_222 = tpu.vector_load %arg12[%parallel_loop3A_220, %parallel_loop3A_221] {strides = array<i32>} : memref<128x128xf32, #tpu.memory_space<vmem>>, vector<16xf32>,
        tpu.vector_store %arg12[%parallel_loop3A_220, %parallel_loop3A_221], %parallel_loop3A_219 {strides = array<i32>} : memref<128x128xf32, #tpu.memory_space<vmem>>, vector<16xf32>,
      } {sc.loop_unroll_factor = 4 : i64, sc.parallel_access}
      "tpu.region"() ({
        %run_scoped3A = tpu.sem_alloc : memref<!tpu.dma_semaphore, #tpu.memory_space<semaphore_mem>>
        %dma_start3A_86 = arith.constant 0 : i32
        %dma_start3A_87 = arith.constant 0 : i32
        %dma_start3A_88 = tpu.memref_slice %arg13[%dma_start3A_86, %dma_start3A_87] : memref<10176x128xf32, #tpu.memory_space<vmem_shared>> -> memref<10176x128xf32, #tpu.memory_space<vmem_shared>>
        tpu.enqueue_indirect_dma source(%arg12 : memref<128x128xf32, #tpu.memory_space<vmem>>) target(%dma_start3A_88 : memref<10176x128xf32, #tpu.memory_space<vmem_shared>>) offsets(%arg8 : memref<128xi32, #tpu.memory_space<vmem>>) semaphore(%run_scoped3A : memref<!tpu.dma_semaphore, #tpu.memory_space<semaphore_mem>>) {add = true}
        %dma_wait3A_89 = arith.constant 0 : i32
        %dma_wait3A_90 = arith.constant 0 : i32
        %dma_wait3A_91 = tpu.memref_slice %arg13[%dma_wait3A_89, %dma_wait3A_90] : memref<10176x128xf32, #tpu.memory_space<vmem_shared>> -> memref<10176x128xf32, #tpu.memory_space<vmem_shared>>
        tpu.wait_indirect_dma semaphore(%run_scoped3A : memref<!tpu.dma_semaphore, #tpu.memory_space<semaphore_mem>>) src(%arg12 : memref<128x128xf32, #tpu.memory_space<vmem>>) dst(%dma_wait3A_91 : memref<10176x128xf32, #tpu.memory_space<vmem_shared>>)
        tpu.yield
      }) : () -> ()
      %while3A_85 = arith.constant 0 : i32
      scf.yield %while3A_85 : i32
    }
    %barrier3A_41 = arith.constant 0 : index
    tpu.barrier barrier_id(%barrier3A_41)
    %lt3A_42 = arith.constant 8 : i32
    %lt3A_43 = arith.cmpi slt, %arg1, %lt3A_42 : i32
    %convert_element_type3A_44 = arith.extui %lt3A_43 : i1 to i32
    %cond3A_45 = arith.constant 0 : i32
    %cond3A_46 = arith.cmpi ne, %convert_element_type3A_44, %cond3A_45 : i32
    scf.if %cond3A_46 {
      "tpu.region"() ({
        %run_scoped3A = tpu.sem_alloc : memref<!tpu.dma_semaphore, #tpu.memory_space<semaphore_mem>>
        %dma_start3A = arith.constant 0 : i32
        %dma_start3A_52 = tpu.memref_slice %arg7[%arg0, %add3A_19, %dma_start3A] : memref<2x10240x128xf32, #tpu.memory_space<hbm>> -> memref<1x640x128xf32, #tpu.memory_space<hbm>>
        %dma_start3A_53 = tpu.memref_squeeze %dma_start3A_52 : memref<1x640x128xf32, #tpu.memory_space<hbm>> -> memref<640x128xf32, #tpu.memory_space<hbm>>
        %dma_start3A_54 = arith.constant 0 : i32
        %dma_start3A_55 = tpu.memref_slice %arg13[%add3A_19, %dma_start3A_54] : memref<10176x128xf32, #tpu.memory_space<vmem_shared>> -> memref<640x128xf32, #tpu.memory_space<vmem_shared>>
        tpu.enqueue_dma source(%dma_start3A_55 : memref<640x128xf32, #tpu.memory_space<vmem_shared>>) target(%dma_start3A_53 : memref<640x128xf32, #tpu.memory_space<hbm>>) target_semaphore(%run_scoped3A : memref<!tpu.dma_semaphore, #tpu.memory_space<semaphore_mem>>)
        %dma_wait3A = arith.constant 0 : i32
        %dma_wait3A_56 = tpu.memref_slice %arg7[%arg0, %add3A_19, %dma_wait3A] : memref<2x10240x128xf32, #tpu.memory_space<hbm>> -> memref<1x640x128xf32, #tpu.memory_space<hbm>>
        %dma_wait3A_57 = tpu.memref_squeeze %dma_wait3A_56 : memref<1x640x128xf32, #tpu.memory_space<hbm>> -> memref<640x128xf32, #tpu.memory_space<hbm>>
        %dma_wait3A_58 = arith.constant 0 : i32
        %dma_wait3A_59 = tpu.memref_slice %arg13[%add3A_19, %dma_wait3A_58] : memref<10176x128xf32, #tpu.memory_space<vmem_shared>> -> memref<640x128xf32, #tpu.memory_space<vmem_shared>>
        tpu.wait_dma2 semaphore(%run_scoped3A : memref<!tpu.dma_semaphore, #tpu.memory_space<semaphore_mem>>) src(%dma_wait3A_59 : memref<640x128xf32, #tpu.memory_space<vmem_shared>>) dst(%dma_wait3A_57 : memref<640x128xf32, #tpu.memory_space<hbm>>)
        tpu.yield
      }) : () -> ()
    } else {
    }
    %ge3A_47 = arith.constant 8 : i32
    %ge3A_48 = arith.cmpi sge, %arg1, %ge3A_47 : i32
    %convert_element_type3A_49 = arith.extui %ge3A_48 : i1 to i32
    %cond3A_50 = arith.constant 0 : i32
    %cond3A_51 = arith.cmpi ne, %convert_element_type3A_49, %cond3A_50 : i32
    scf.if %cond3A_51 {
      "tpu.region"() ({
        %run_scoped3A = tpu.sem_alloc : memref<!tpu.dma_semaphore, #tpu.memory_space<semaphore_mem>>
        %dma_start3A = arith.constant 0 : i32
        %dma_start3A_52 = tpu.memref_slice %arg7[%arg0, %add3A_19, %dma_start3A] : memref<2x10240x128xf32, #tpu.memory_space<hbm>> -> memref<1x632x128xf32, #tpu.memory_space<hbm>>
        %dma_start3A_53 = tpu.memref_squeeze %dma_start3A_52 : memref<1x632x128xf32, #tpu.memory_space<hbm>> -> memref<632x128xf32, #tpu.memory_space<hbm>>
        %dma_start3A_54 = arith.constant 0 : i32
        %dma_start3A_55 = tpu.memref_slice %arg13[%add3A_19, %dma_start3A_54] : memref<10176x128xf32, #tpu.memory_space<vmem_shared>> -> memref<632x128xf32, #tpu.memory_space<vmem_shared>>
        tpu.enqueue_dma source(%dma_start3A_55 : memref<632x128xf32, #tpu.memory_space<vmem_shared>>) target(%dma_start3A_53 : memref<632x128xf32, #tpu.memory_space<hbm>>) target_semaphore(%run_scoped3A : memref<!tpu.dma_semaphore, #tpu.memory_space<semaphore_mem>>)
        %dma_wait3A = arith.constant 0 : i32
        %dma_wait3A_56 = tpu.memref_slice %arg7[%arg0, %add3A_19, %dma_wait3A] : memref<2x10240x128xf32, #tpu.memory_space<hbm>> -> memref<1x632x128xf32, #tpu.memory_space<hbm>>
        %dma_wait3A_57 = tpu.memref_squeeze %dma_wait3A_56 : memref<1x632x128xf32, #tpu.memory_space<hbm>> -> memref<632x128xf32, #tpu.memory_space<hbm>>
        %dma_wait3A_58 = arith.constant 0 : i32
        %dma_wait3A_59 = tpu.memref_slice %arg13[%add3A_19, %dma_wait3A_58] : memref<10176x128xf32, #tpu.memory_space<vmem_shared>> -> memref<632x128xf32, #tpu.memory_space<vmem_shared>>
        tpu.wait_dma2 semaphore(%run_scoped3A : memref<!tpu.dma_semaphore, #tpu.memory_space<semaphore_mem>>) src(%dma_wait3A_59 : memref<632x128xf32, #tpu.memory_space<vmem_shared>>) dst(%dma_wait3A_57 : memref<632x128xf32, #tpu.memory_space<hbm>>)
        tpu.yield
      }) : () -> ()
    } else {
    }
    return
  }
}

#map = affine_map<(d0, d1) -> (0, 0)>
#map1 = affine_map<(d0, d1) -> (0)>
#map2 = affine_map<(d0, d1) -> (0, 0, 0)>
module attributes {stable_mosaic.version = 14 : i64} {
  func.func @_sc_pass_c2(%arg0: i32, %arg1: i32, %arg2: memref<10240x128xf32, #tpu.memory_space<hbm>>, %arg3: memref<323584x64xf32, #tpu.memory_space<hbm>>, %arg4: memref<323584xi32, #tpu.memory_space<hbm>>, %arg5: memref<323584xi32, #tpu.memory_space<hbm>>, %arg6: memref<2x10240x128xf32, #tpu.memory_space<hbm>>, %arg7: memref<128xi32, #tpu.memory_space<vmem>>, %arg8: memref<128xi32, #tpu.memory_space<vmem>>, %arg9: memref<128x128xf32, #tpu.memory_space<vmem>>, %arg10: memref<128x128xf32, #tpu.memory_space<vmem>>, %arg11: memref<128x64xf32, #tpu.memory_space<vmem>>, %arg12: memref<10176x128xf32, #tpu.memory_space<vmem_shared>>, %arg13: memref<!tpu.dma_semaphore, #tpu.memory_space<semaphore_mem>>, %arg14: memref<!tpu.dma_semaphore, #tpu.memory_space<semaphore_mem>>, %arg15: memref<!tpu.dma_semaphore, #tpu.memory_space<semaphore_mem>>) attributes {dimension_semantics = [#tpu.dimension_semantics<core_parallel>, #tpu.dimension_semantics<subcore_parallel>], iteration_bounds = array<i64: 2, 16>, scalar_prefetch = 0 : i64, scratch_operands = 9 : i64, tpu.core_type = #tpu.core_type<sc_vector_subcore>, window_params = [{transform_indices = #map}, {transform_indices = #map}, {transform_indices = #map1}, {transform_indices = #map1}, {transform_indices = #map2}]} {
    %mul3A = arith.constant 2 : i32
    %mul3A_0 = arith.muli %arg1, %mul3A : i32
    %add3A = arith.addi %mul3A_0, %arg0 : i32
    %broadcast_in_dim3A = arith.constant 0.000000e+00 : f32
    %broadcast_in_dim3A_1 = vector.broadcast %broadcast_in_dim3A : f32 to vector<16xf32>
    %while3A = arith.constant 0 : i32
    %while3A_2 = arith.constant 128 : i32
    %while3A_3 = arith.constant 0 : i32
    %while3A_4 = arith.subi %while3A_2, %while3A : i32
    %while3A_5 = arith.addi %while3A, %while3A_4 : i32
    %while3A_6 = arith.constant 1 : i32
    %while3A_7 = arith.divsi %while3A_4, %while3A_6 : i32
    %while3A_8 = arith.muli %while3A_7, %while3A_6 : i32
    %while3A_9 = arith.addi %while3A, %while3A_8 : i32
    %while3A_10 = arith.constant 1 : i32
    %while3A_11 = scf.for %while3A_54 = %while3A to %while3A_9 step %while3A_10 iter_args(%while3A_55 = %while3A_3) -> (i32)  : i32 {
      %swap3A = arith.index_cast %while3A_54 : i32 to index
      %swap3A_56 = arith.constant 0 : index
      %swap3A_57 = tpu.vector_load %arg9[%swap3A, %swap3A_56] {strides = array<i32>} : memref<128x128xf32, #tpu.memory_space<vmem>>, vector<16xf32>,
      tpu.vector_store %arg9[%swap3A, %swap3A_56], %broadcast_in_dim3A_1 {strides = array<i32>} : memref<128x128xf32, #tpu.memory_space<vmem>>, vector<16xf32>,
      %swap3A_58 = arith.index_cast %while3A_54 : i32 to index
      %swap3A_59 = arith.constant 16 : index
      %swap3A_60 = tpu.vector_load %arg9[%swap3A_58, %swap3A_59] {strides = array<i32>} : memref<128x128xf32, #tpu.memory_space<vmem>>, vector<16xf32>,
      tpu.vector_store %arg9[%swap3A_58, %swap3A_59], %broadcast_in_dim3A_1 {strides = array<i32>} : memref<128x128xf32, #tpu.memory_space<vmem>>, vector<16xf32>,
      %swap3A_61 = arith.index_cast %while3A_54 : i32 to index
      %swap3A_62 = arith.constant 32 : index
      %swap3A_63 = tpu.vector_load %arg9[%swap3A_61, %swap3A_62] {strides = array<i32>} : memref<128x128xf32, #tpu.memory_space<vmem>>, vector<16xf32>,
      tpu.vector_store %arg9[%swap3A_61, %swap3A_62], %broadcast_in_dim3A_1 {strides = array<i32>} : memref<128x128xf32, #tpu.memory_space<vmem>>, vector<16xf32>,
      %swap3A_64 = arith.index_cast %while3A_54 : i32 to index
      %swap3A_65 = arith.constant 48 : index
      %swap3A_66 = tpu.vector_load %arg9[%swap3A_64, %swap3A_65] {strides = array<i32>} : memref<128x128xf32, #tpu.memory_space<vmem>>, vector<16xf32>,
      tpu.vector_store %arg9[%swap3A_64, %swap3A_65], %broadcast_in_dim3A_1 {strides = array<i32>} : memref<128x128xf32, #tpu.memory_space<vmem>>, vector<16xf32>,
      %swap3A_67 = arith.index_cast %while3A_54 : i32 to index
      %swap3A_68 = arith.constant 64 : index
      %swap3A_69 = tpu.vector_load %arg9[%swap3A_67, %swap3A_68] {strides = array<i32>} : memref<128x128xf32, #tpu.memory_space<vmem>>, vector<16xf32>,
      tpu.vector_store %arg9[%swap3A_67, %swap3A_68], %broadcast_in_dim3A_1 {strides = array<i32>} : memref<128x128xf32, #tpu.memory_space<vmem>>, vector<16xf32>,
      %swap3A_70 = arith.index_cast %while3A_54 : i32 to index
      %swap3A_71 = arith.constant 80 : index
      %swap3A_72 = tpu.vector_load %arg9[%swap3A_70, %swap3A_71] {strides = array<i32>} : memref<128x128xf32, #tpu.memory_space<vmem>>, vector<16xf32>,
      tpu.vector_store %arg9[%swap3A_70, %swap3A_71], %broadcast_in_dim3A_1 {strides = array<i32>} : memref<128x128xf32, #tpu.memory_space<vmem>>, vector<16xf32>,
      %swap3A_73 = arith.index_cast %while3A_54 : i32 to index
      %swap3A_74 = arith.constant 96 : index
      %swap3A_75 = tpu.vector_load %arg9[%swap3A_73, %swap3A_74] {strides = array<i32>} : memref<128x128xf32, #tpu.memory_space<vmem>>, vector<16xf32>,
      tpu.vector_store %arg9[%swap3A_73, %swap3A_74], %broadcast_in_dim3A_1 {strides = array<i32>} : memref<128x128xf32, #tpu.memory_space<vmem>>, vector<16xf32>,
      %swap3A_76 = arith.index_cast %while3A_54 : i32 to index
      %swap3A_77 = arith.constant 112 : index
      %swap3A_78 = tpu.vector_load %arg9[%swap3A_76, %swap3A_77] {strides = array<i32>} : memref<128x128xf32, #tpu.memory_space<vmem>>, vector<16xf32>,
      tpu.vector_store %arg9[%swap3A_76, %swap3A_77], %broadcast_in_dim3A_1 {strides = array<i32>} : memref<128x128xf32, #tpu.memory_space<vmem>>, vector<16xf32>,
      %while3A_79 = arith.constant 0 : i32
      scf.yield %while3A_79 : i32
    }
    %while3A_12 = arith.constant 1 : i32
    %while3A_13 = scf.for %while3A_54 = %while3A_9 to %while3A_5 step %while3A_12 iter_args(%while3A_55 = %while3A_11) -> (i32)  : i32 {
      %swap3A = arith.index_cast %while3A_54 : i32 to index
      %swap3A_56 = arith.constant 0 : index
      %swap3A_57 = tpu.vector_load %arg9[%swap3A, %swap3A_56] {strides = array<i32>} : memref<128x128xf32, #tpu.memory_space<vmem>>, vector<16xf32>,
      tpu.vector_store %arg9[%swap3A, %swap3A_56], %broadcast_in_dim3A_1 {strides = array<i32>} : memref<128x128xf32, #tpu.memory_space<vmem>>, vector<16xf32>,
      %swap3A_58 = arith.index_cast %while3A_54 : i32 to index
      %swap3A_59 = arith.constant 16 : index
      %swap3A_60 = tpu.vector_load %arg9[%swap3A_58, %swap3A_59] {strides = array<i32>} : memref<128x128xf32, #tpu.memory_space<vmem>>, vector<16xf32>,
      tpu.vector_store %arg9[%swap3A_58, %swap3A_59], %broadcast_in_dim3A_1 {strides = array<i32>} : memref<128x128xf32, #tpu.memory_space<vmem>>, vector<16xf32>,
      %swap3A_61 = arith.index_cast %while3A_54 : i32 to index
      %swap3A_62 = arith.constant 32 : index
      %swap3A_63 = tpu.vector_load %arg9[%swap3A_61, %swap3A_62] {strides = array<i32>} : memref<128x128xf32, #tpu.memory_space<vmem>>, vector<16xf32>,
      tpu.vector_store %arg9[%swap3A_61, %swap3A_62], %broadcast_in_dim3A_1 {strides = array<i32>} : memref<128x128xf32, #tpu.memory_space<vmem>>, vector<16xf32>,
      %swap3A_64 = arith.index_cast %while3A_54 : i32 to index
      %swap3A_65 = arith.constant 48 : index
      %swap3A_66 = tpu.vector_load %arg9[%swap3A_64, %swap3A_65] {strides = array<i32>} : memref<128x128xf32, #tpu.memory_space<vmem>>, vector<16xf32>,
      tpu.vector_store %arg9[%swap3A_64, %swap3A_65], %broadcast_in_dim3A_1 {strides = array<i32>} : memref<128x128xf32, #tpu.memory_space<vmem>>, vector<16xf32>,
      %swap3A_67 = arith.index_cast %while3A_54 : i32 to index
      %swap3A_68 = arith.constant 64 : index
      %swap3A_69 = tpu.vector_load %arg9[%swap3A_67, %swap3A_68] {strides = array<i32>} : memref<128x128xf32, #tpu.memory_space<vmem>>, vector<16xf32>,
      tpu.vector_store %arg9[%swap3A_67, %swap3A_68], %broadcast_in_dim3A_1 {strides = array<i32>} : memref<128x128xf32, #tpu.memory_space<vmem>>, vector<16xf32>,
      %swap3A_70 = arith.index_cast %while3A_54 : i32 to index
      %swap3A_71 = arith.constant 80 : index
      %swap3A_72 = tpu.vector_load %arg9[%swap3A_70, %swap3A_71] {strides = array<i32>} : memref<128x128xf32, #tpu.memory_space<vmem>>, vector<16xf32>,
      tpu.vector_store %arg9[%swap3A_70, %swap3A_71], %broadcast_in_dim3A_1 {strides = array<i32>} : memref<128x128xf32, #tpu.memory_space<vmem>>, vector<16xf32>,
      %swap3A_73 = arith.index_cast %while3A_54 : i32 to index
      %swap3A_74 = arith.constant 96 : index
      %swap3A_75 = tpu.vector_load %arg9[%swap3A_73, %swap3A_74] {strides = array<i32>} : memref<128x128xf32, #tpu.memory_space<vmem>>, vector<16xf32>,
      tpu.vector_store %arg9[%swap3A_73, %swap3A_74], %broadcast_in_dim3A_1 {strides = array<i32>} : memref<128x128xf32, #tpu.memory_space<vmem>>, vector<16xf32>,
      %swap3A_76 = arith.index_cast %while3A_54 : i32 to index
      %swap3A_77 = arith.constant 112 : index
      %swap3A_78 = tpu.vector_load %arg9[%swap3A_76, %swap3A_77] {strides = array<i32>} : memref<128x128xf32, #tpu.memory_space<vmem>>, vector<16xf32>,
      tpu.vector_store %arg9[%swap3A_76, %swap3A_77], %broadcast_in_dim3A_1 {strides = array<i32>} : memref<128x128xf32, #tpu.memory_space<vmem>>, vector<16xf32>,
      %while3A_79 = arith.constant 0 : i32
      scf.yield %while3A_79 : i32
    }
    %mul3A_14 = arith.constant 632 : i32
    %mul3A_15 = arith.muli %arg1, %mul3A_14 : i32
    %min3A = arith.constant 8 : i32
    %min3A_16 = arith.minsi %arg1, %min3A : i32
    %mul3A_17 = arith.constant 8 : i32
    %mul3A_18 = arith.muli %min3A_16, %mul3A_17 : i32
    %add3A_19 = arith.addi %mul3A_15, %mul3A_18 : i32
    %lt3A = arith.constant 8 : i32
    %lt3A_20 = arith.cmpi slt, %arg1, %lt3A : i32
    %convert_element_type3A = arith.extui %lt3A_20 : i1 to i32
    %cond3A = arith.constant 0 : i32
    %cond3A_21 = arith.cmpi ne, %convert_element_type3A, %cond3A : i32
    scf.if %cond3A_21 {
      %add3A_54 = arith.constant 0 : i32
      %add3A_55 = arith.addi %add3A_19, %add3A_54 : i32
      "tpu.region"() ({
        %run_scoped3A = tpu.sem_alloc : memref<!tpu.dma_semaphore, #tpu.memory_space<semaphore_mem>>
        %dma_start3A = arith.constant 0 : i32
        %dma_start3A_64 = tpu.memref_slice %arg12[%add3A_55, %dma_start3A] : memref<10176x128xf32, #tpu.memory_space<vmem_shared>> -> memref<128x128xf32, #tpu.memory_space<vmem_shared>>
        %dma_start3A_65 = arith.constant 0 : i32
        %dma_start3A_66 = tpu.memref_slice %arg12[%add3A_55, %dma_start3A_65] : memref<10176x128xf32, #tpu.memory_space<vmem_shared>> -> memref<128x128xf32, #tpu.memory_space<vmem_shared>>
        tpu.enqueue_dma source(%arg9 : memref<128x128xf32, #tpu.memory_space<vmem>>) target(%dma_start3A_66 : memref<128x128xf32, #tpu.memory_space<vmem_shared>>) target_semaphore(%run_scoped3A : memref<!tpu.dma_semaphore, #tpu.memory_space<semaphore_mem>>)
        %dma_wait3A = arith.constant 0 : i32
        %dma_wait3A_67 = tpu.memref_slice %arg12[%add3A_55, %dma_wait3A] : memref<10176x128xf32, #tpu.memory_space<vmem_shared>> -> memref<128x128xf32, #tpu.memory_space<vmem_shared>>
        %dma_wait3A_68 = arith.constant 0 : i32
        %dma_wait3A_69 = tpu.memref_slice %arg12[%add3A_55, %dma_wait3A_68] : memref<10176x128xf32, #tpu.memory_space<vmem_shared>> -> memref<128x128xf32, #tpu.memory_space<vmem_shared>>
        tpu.wait_dma2 semaphore(%run_scoped3A : memref<!tpu.dma_semaphore, #tpu.memory_space<semaphore_mem>>) src(%arg9 : memref<128x128xf32, #tpu.memory_space<vmem>>) dst(%dma_wait3A_69 : memref<128x128xf32, #tpu.memory_space<vmem_shared>>)
        tpu.yield
      }) : () -> ()
      %add3A_56 = arith.constant 128 : i32
      %add3A_57 = arith.addi %add3A_19, %add3A_56 : i32
      "tpu.region"() ({
        %run_scoped3A = tpu.sem_alloc : memref<!tpu.dma_semaphore, #tpu.memory_space<semaphore_mem>>
        %dma_start3A = arith.constant 0 : i32
        %dma_start3A_64 = tpu.memref_slice %arg12[%add3A_57, %dma_start3A] : memref<10176x128xf32, #tpu.memory_space<vmem_shared>> -> memref<128x128xf32, #tpu.memory_space<vmem_shared>>
        %dma_start3A_65 = arith.constant 0 : i32
        %dma_start3A_66 = tpu.memref_slice %arg12[%add3A_57, %dma_start3A_65] : memref<10176x128xf32, #tpu.memory_space<vmem_shared>> -> memref<128x128xf32, #tpu.memory_space<vmem_shared>>
        tpu.enqueue_dma source(%arg9 : memref<128x128xf32, #tpu.memory_space<vmem>>) target(%dma_start3A_66 : memref<128x128xf32, #tpu.memory_space<vmem_shared>>) target_semaphore(%run_scoped3A : memref<!tpu.dma_semaphore, #tpu.memory_space<semaphore_mem>>)
        %dma_wait3A = arith.constant 0 : i32
        %dma_wait3A_67 = tpu.memref_slice %arg12[%add3A_57, %dma_wait3A] : memref<10176x128xf32, #tpu.memory_space<vmem_shared>> -> memref<128x128xf32, #tpu.memory_space<vmem_shared>>
        %dma_wait3A_68 = arith.constant 0 : i32
        %dma_wait3A_69 = tpu.memref_slice %arg12[%add3A_57, %dma_wait3A_68] : memref<10176x128xf32, #tpu.memory_space<vmem_shared>> -> memref<128x128xf32, #tpu.memory_space<vmem_shared>>
        tpu.wait_dma2 semaphore(%run_scoped3A : memref<!tpu.dma_semaphore, #tpu.memory_space<semaphore_mem>>) src(%arg9 : memref<128x128xf32, #tpu.memory_space<vmem>>) dst(%dma_wait3A_69 : memref<128x128xf32, #tpu.memory_space<vmem_shared>>)
        tpu.yield
      }) : () -> ()
      %add3A_58 = arith.constant 256 : i32
      %add3A_59 = arith.addi %add3A_19, %add3A_58 : i32
      "tpu.region"() ({
        %run_scoped3A = tpu.sem_alloc : memref<!tpu.dma_semaphore, #tpu.memory_space<semaphore_mem>>
        %dma_start3A = arith.constant 0 : i32
        %dma_start3A_64 = tpu.memref_slice %arg12[%add3A_59, %dma_start3A] : memref<10176x128xf32, #tpu.memory_space<vmem_shared>> -> memref<128x128xf32, #tpu.memory_space<vmem_shared>>
        %dma_start3A_65 = arith.constant 0 : i32
        %dma_start3A_66 = tpu.memref_slice %arg12[%add3A_59, %dma_start3A_65] : memref<10176x128xf32, #tpu.memory_space<vmem_shared>> -> memref<128x128xf32, #tpu.memory_space<vmem_shared>>
        tpu.enqueue_dma source(%arg9 : memref<128x128xf32, #tpu.memory_space<vmem>>) target(%dma_start3A_66 : memref<128x128xf32, #tpu.memory_space<vmem_shared>>) target_semaphore(%run_scoped3A : memref<!tpu.dma_semaphore, #tpu.memory_space<semaphore_mem>>)
        %dma_wait3A = arith.constant 0 : i32
        %dma_wait3A_67 = tpu.memref_slice %arg12[%add3A_59, %dma_wait3A] : memref<10176x128xf32, #tpu.memory_space<vmem_shared>> -> memref<128x128xf32, #tpu.memory_space<vmem_shared>>
        %dma_wait3A_68 = arith.constant 0 : i32
        %dma_wait3A_69 = tpu.memref_slice %arg12[%add3A_59, %dma_wait3A_68] : memref<10176x128xf32, #tpu.memory_space<vmem_shared>> -> memref<128x128xf32, #tpu.memory_space<vmem_shared>>
        tpu.wait_dma2 semaphore(%run_scoped3A : memref<!tpu.dma_semaphore, #tpu.memory_space<semaphore_mem>>) src(%arg9 : memref<128x128xf32, #tpu.memory_space<vmem>>) dst(%dma_wait3A_69 : memref<128x128xf32, #tpu.memory_space<vmem_shared>>)
        tpu.yield
      }) : () -> ()
      %add3A_60 = arith.constant 384 : i32
      %add3A_61 = arith.addi %add3A_19, %add3A_60 : i32
      "tpu.region"() ({
        %run_scoped3A = tpu.sem_alloc : memref<!tpu.dma_semaphore, #tpu.memory_space<semaphore_mem>>
        %dma_start3A = arith.constant 0 : i32
        %dma_start3A_64 = tpu.memref_slice %arg12[%add3A_61, %dma_start3A] : memref<10176x128xf32, #tpu.memory_space<vmem_shared>> -> memref<128x128xf32, #tpu.memory_space<vmem_shared>>
        %dma_start3A_65 = arith.constant 0 : i32
        %dma_start3A_66 = tpu.memref_slice %arg12[%add3A_61, %dma_start3A_65] : memref<10176x128xf32, #tpu.memory_space<vmem_shared>> -> memref<128x128xf32, #tpu.memory_space<vmem_shared>>
        tpu.enqueue_dma source(%arg9 : memref<128x128xf32, #tpu.memory_space<vmem>>) target(%dma_start3A_66 : memref<128x128xf32, #tpu.memory_space<vmem_shared>>) target_semaphore(%run_scoped3A : memref<!tpu.dma_semaphore, #tpu.memory_space<semaphore_mem>>)
        %dma_wait3A = arith.constant 0 : i32
        %dma_wait3A_67 = tpu.memref_slice %arg12[%add3A_61, %dma_wait3A] : memref<10176x128xf32, #tpu.memory_space<vmem_shared>> -> memref<128x128xf32, #tpu.memory_space<vmem_shared>>
        %dma_wait3A_68 = arith.constant 0 : i32
        %dma_wait3A_69 = tpu.memref_slice %arg12[%add3A_61, %dma_wait3A_68] : memref<10176x128xf32, #tpu.memory_space<vmem_shared>> -> memref<128x128xf32, #tpu.memory_space<vmem_shared>>
        tpu.wait_dma2 semaphore(%run_scoped3A : memref<!tpu.dma_semaphore, #tpu.memory_space<semaphore_mem>>) src(%arg9 : memref<128x128xf32, #tpu.memory_space<vmem>>) dst(%dma_wait3A_69 : memref<128x128xf32, #tpu.memory_space<vmem_shared>>)
        tpu.yield
      }) : () -> ()
      %add3A_62 = arith.constant 512 : i32
      %add3A_63 = arith.addi %add3A_19, %add3A_62 : i32
      "tpu.region"() ({
        %run_scoped3A = tpu.sem_alloc : memref<!tpu.dma_semaphore, #tpu.memory_space<semaphore_mem>>
        %dma_start3A = arith.constant 0 : i32
        %dma_start3A_64 = tpu.memref_slice %arg12[%add3A_63, %dma_start3A] : memref<10176x128xf32, #tpu.memory_space<vmem_shared>> -> memref<128x128xf32, #tpu.memory_space<vmem_shared>>
        %dma_start3A_65 = arith.constant 0 : i32
        %dma_start3A_66 = tpu.memref_slice %arg12[%add3A_63, %dma_start3A_65] : memref<10176x128xf32, #tpu.memory_space<vmem_shared>> -> memref<128x128xf32, #tpu.memory_space<vmem_shared>>
        tpu.enqueue_dma source(%arg9 : memref<128x128xf32, #tpu.memory_space<vmem>>) target(%dma_start3A_66 : memref<128x128xf32, #tpu.memory_space<vmem_shared>>) target_semaphore(%run_scoped3A : memref<!tpu.dma_semaphore, #tpu.memory_space<semaphore_mem>>)
        %dma_wait3A = arith.constant 0 : i32
        %dma_wait3A_67 = tpu.memref_slice %arg12[%add3A_63, %dma_wait3A] : memref<10176x128xf32, #tpu.memory_space<vmem_shared>> -> memref<128x128xf32, #tpu.memory_space<vmem_shared>>
        %dma_wait3A_68 = arith.constant 0 : i32
        %dma_wait3A_69 = tpu.memref_slice %arg12[%add3A_63, %dma_wait3A_68] : memref<10176x128xf32, #tpu.memory_space<vmem_shared>> -> memref<128x128xf32, #tpu.memory_space<vmem_shared>>
        tpu.wait_dma2 semaphore(%run_scoped3A : memref<!tpu.dma_semaphore, #tpu.memory_space<semaphore_mem>>) src(%arg9 : memref<128x128xf32, #tpu.memory_space<vmem>>) dst(%dma_wait3A_69 : memref<128x128xf32, #tpu.memory_space<vmem_shared>>)
        tpu.yield
      }) : () -> ()
    } else {
    }
    %ge3A = arith.constant 8 : i32
    %ge3A_22 = arith.cmpi sge, %arg1, %ge3A : i32
    %convert_element_type3A_23 = arith.extui %ge3A_22 : i1 to i32
    %cond3A_24 = arith.constant 0 : i32
    %cond3A_25 = arith.cmpi ne, %convert_element_type3A_23, %cond3A_24 : i32
    scf.if %cond3A_25 {
      %add3A_54 = arith.constant 0 : i32
      %add3A_55 = arith.addi %add3A_19, %add3A_54 : i32
      "tpu.region"() ({
        %run_scoped3A = tpu.sem_alloc : memref<!tpu.dma_semaphore, #tpu.memory_space<semaphore_mem>>
        %dma_start3A = arith.constant 0 : i32
        %dma_start3A_64 = tpu.memref_slice %arg12[%add3A_55, %dma_start3A] : memref<10176x128xf32, #tpu.memory_space<vmem_shared>> -> memref<128x128xf32, #tpu.memory_space<vmem_shared>>
        %dma_start3A_65 = arith.constant 0 : i32
        %dma_start3A_66 = tpu.memref_slice %arg12[%add3A_55, %dma_start3A_65] : memref<10176x128xf32, #tpu.memory_space<vmem_shared>> -> memref<128x128xf32, #tpu.memory_space<vmem_shared>>
        tpu.enqueue_dma source(%arg9 : memref<128x128xf32, #tpu.memory_space<vmem>>) target(%dma_start3A_66 : memref<128x128xf32, #tpu.memory_space<vmem_shared>>) target_semaphore(%run_scoped3A : memref<!tpu.dma_semaphore, #tpu.memory_space<semaphore_mem>>)
        %dma_wait3A = arith.constant 0 : i32
        %dma_wait3A_67 = tpu.memref_slice %arg12[%add3A_55, %dma_wait3A] : memref<10176x128xf32, #tpu.memory_space<vmem_shared>> -> memref<128x128xf32, #tpu.memory_space<vmem_shared>>
        %dma_wait3A_68 = arith.constant 0 : i32
        %dma_wait3A_69 = tpu.memref_slice %arg12[%add3A_55, %dma_wait3A_68] : memref<10176x128xf32, #tpu.memory_space<vmem_shared>> -> memref<128x128xf32, #tpu.memory_space<vmem_shared>>
        tpu.wait_dma2 semaphore(%run_scoped3A : memref<!tpu.dma_semaphore, #tpu.memory_space<semaphore_mem>>) src(%arg9 : memref<128x128xf32, #tpu.memory_space<vmem>>) dst(%dma_wait3A_69 : memref<128x128xf32, #tpu.memory_space<vmem_shared>>)
        tpu.yield
      }) : () -> ()
      %add3A_56 = arith.constant 128 : i32
      %add3A_57 = arith.addi %add3A_19, %add3A_56 : i32
      "tpu.region"() ({
        %run_scoped3A = tpu.sem_alloc : memref<!tpu.dma_semaphore, #tpu.memory_space<semaphore_mem>>
        %dma_start3A = arith.constant 0 : i32
        %dma_start3A_64 = tpu.memref_slice %arg12[%add3A_57, %dma_start3A] : memref<10176x128xf32, #tpu.memory_space<vmem_shared>> -> memref<128x128xf32, #tpu.memory_space<vmem_shared>>
        %dma_start3A_65 = arith.constant 0 : i32
        %dma_start3A_66 = tpu.memref_slice %arg12[%add3A_57, %dma_start3A_65] : memref<10176x128xf32, #tpu.memory_space<vmem_shared>> -> memref<128x128xf32, #tpu.memory_space<vmem_shared>>
        tpu.enqueue_dma source(%arg9 : memref<128x128xf32, #tpu.memory_space<vmem>>) target(%dma_start3A_66 : memref<128x128xf32, #tpu.memory_space<vmem_shared>>) target_semaphore(%run_scoped3A : memref<!tpu.dma_semaphore, #tpu.memory_space<semaphore_mem>>)
        %dma_wait3A = arith.constant 0 : i32
        %dma_wait3A_67 = tpu.memref_slice %arg12[%add3A_57, %dma_wait3A] : memref<10176x128xf32, #tpu.memory_space<vmem_shared>> -> memref<128x128xf32, #tpu.memory_space<vmem_shared>>
        %dma_wait3A_68 = arith.constant 0 : i32
        %dma_wait3A_69 = tpu.memref_slice %arg12[%add3A_57, %dma_wait3A_68] : memref<10176x128xf32, #tpu.memory_space<vmem_shared>> -> memref<128x128xf32, #tpu.memory_space<vmem_shared>>
        tpu.wait_dma2 semaphore(%run_scoped3A : memref<!tpu.dma_semaphore, #tpu.memory_space<semaphore_mem>>) src(%arg9 : memref<128x128xf32, #tpu.memory_space<vmem>>) dst(%dma_wait3A_69 : memref<128x128xf32, #tpu.memory_space<vmem_shared>>)
        tpu.yield
      }) : () -> ()
      %add3A_58 = arith.constant 256 : i32
      %add3A_59 = arith.addi %add3A_19, %add3A_58 : i32
      "tpu.region"() ({
        %run_scoped3A = tpu.sem_alloc : memref<!tpu.dma_semaphore, #tpu.memory_space<semaphore_mem>>
        %dma_start3A = arith.constant 0 : i32
        %dma_start3A_64 = tpu.memref_slice %arg12[%add3A_59, %dma_start3A] : memref<10176x128xf32, #tpu.memory_space<vmem_shared>> -> memref<128x128xf32, #tpu.memory_space<vmem_shared>>
        %dma_start3A_65 = arith.constant 0 : i32
        %dma_start3A_66 = tpu.memref_slice %arg12[%add3A_59, %dma_start3A_65] : memref<10176x128xf32, #tpu.memory_space<vmem_shared>> -> memref<128x128xf32, #tpu.memory_space<vmem_shared>>
        tpu.enqueue_dma source(%arg9 : memref<128x128xf32, #tpu.memory_space<vmem>>) target(%dma_start3A_66 : memref<128x128xf32, #tpu.memory_space<vmem_shared>>) target_semaphore(%run_scoped3A : memref<!tpu.dma_semaphore, #tpu.memory_space<semaphore_mem>>)
        %dma_wait3A = arith.constant 0 : i32
        %dma_wait3A_67 = tpu.memref_slice %arg12[%add3A_59, %dma_wait3A] : memref<10176x128xf32, #tpu.memory_space<vmem_shared>> -> memref<128x128xf32, #tpu.memory_space<vmem_shared>>
        %dma_wait3A_68 = arith.constant 0 : i32
        %dma_wait3A_69 = tpu.memref_slice %arg12[%add3A_59, %dma_wait3A_68] : memref<10176x128xf32, #tpu.memory_space<vmem_shared>> -> memref<128x128xf32, #tpu.memory_space<vmem_shared>>
        tpu.wait_dma2 semaphore(%run_scoped3A : memref<!tpu.dma_semaphore, #tpu.memory_space<semaphore_mem>>) src(%arg9 : memref<128x128xf32, #tpu.memory_space<vmem>>) dst(%dma_wait3A_69 : memref<128x128xf32, #tpu.memory_space<vmem_shared>>)
        tpu.yield
      }) : () -> ()
      %add3A_60 = arith.constant 384 : i32
      %add3A_61 = arith.addi %add3A_19, %add3A_60 : i32
      "tpu.region"() ({
        %run_scoped3A = tpu.sem_alloc : memref<!tpu.dma_semaphore, #tpu.memory_space<semaphore_mem>>
        %dma_start3A = arith.constant 0 : i32
        %dma_start3A_64 = tpu.memref_slice %arg12[%add3A_61, %dma_start3A] : memref<10176x128xf32, #tpu.memory_space<vmem_shared>> -> memref<128x128xf32, #tpu.memory_space<vmem_shared>>
        %dma_start3A_65 = arith.constant 0 : i32
        %dma_start3A_66 = tpu.memref_slice %arg12[%add3A_61, %dma_start3A_65] : memref<10176x128xf32, #tpu.memory_space<vmem_shared>> -> memref<128x128xf32, #tpu.memory_space<vmem_shared>>
        tpu.enqueue_dma source(%arg9 : memref<128x128xf32, #tpu.memory_space<vmem>>) target(%dma_start3A_66 : memref<128x128xf32, #tpu.memory_space<vmem_shared>>) target_semaphore(%run_scoped3A : memref<!tpu.dma_semaphore, #tpu.memory_space<semaphore_mem>>)
        %dma_wait3A = arith.constant 0 : i32
        %dma_wait3A_67 = tpu.memref_slice %arg12[%add3A_61, %dma_wait3A] : memref<10176x128xf32, #tpu.memory_space<vmem_shared>> -> memref<128x128xf32, #tpu.memory_space<vmem_shared>>
        %dma_wait3A_68 = arith.constant 0 : i32
        %dma_wait3A_69 = tpu.memref_slice %arg12[%add3A_61, %dma_wait3A_68] : memref<10176x128xf32, #tpu.memory_space<vmem_shared>> -> memref<128x128xf32, #tpu.memory_space<vmem_shared>>
        tpu.wait_dma2 semaphore(%run_scoped3A : memref<!tpu.dma_semaphore, #tpu.memory_space<semaphore_mem>>) src(%arg9 : memref<128x128xf32, #tpu.memory_space<vmem>>) dst(%dma_wait3A_69 : memref<128x128xf32, #tpu.memory_space<vmem_shared>>)
        tpu.yield
      }) : () -> ()
      %add3A_62 = arith.constant 504 : i32
      %add3A_63 = arith.addi %add3A_19, %add3A_62 : i32
      "tpu.region"() ({
        %run_scoped3A = tpu.sem_alloc : memref<!tpu.dma_semaphore, #tpu.memory_space<semaphore_mem>>
        %dma_start3A = arith.constant 0 : i32
        %dma_start3A_64 = tpu.memref_slice %arg12[%add3A_63, %dma_start3A] : memref<10176x128xf32, #tpu.memory_space<vmem_shared>> -> memref<128x128xf32, #tpu.memory_space<vmem_shared>>
        %dma_start3A_65 = arith.constant 0 : i32
        %dma_start3A_66 = tpu.memref_slice %arg12[%add3A_63, %dma_start3A_65] : memref<10176x128xf32, #tpu.memory_space<vmem_shared>> -> memref<128x128xf32, #tpu.memory_space<vmem_shared>>
        tpu.enqueue_dma source(%arg9 : memref<128x128xf32, #tpu.memory_space<vmem>>) target(%dma_start3A_66 : memref<128x128xf32, #tpu.memory_space<vmem_shared>>) target_semaphore(%run_scoped3A : memref<!tpu.dma_semaphore, #tpu.memory_space<semaphore_mem>>)
        %dma_wait3A = arith.constant 0 : i32
        %dma_wait3A_67 = tpu.memref_slice %arg12[%add3A_63, %dma_wait3A] : memref<10176x128xf32, #tpu.memory_space<vmem_shared>> -> memref<128x128xf32, #tpu.memory_space<vmem_shared>>
        %dma_wait3A_68 = arith.constant 0 : i32
        %dma_wait3A_69 = tpu.memref_slice %arg12[%add3A_63, %dma_wait3A_68] : memref<10176x128xf32, #tpu.memory_space<vmem_shared>> -> memref<128x128xf32, #tpu.memory_space<vmem_shared>>
        tpu.wait_dma2 semaphore(%run_scoped3A : memref<!tpu.dma_semaphore, #tpu.memory_space<semaphore_mem>>) src(%arg9 : memref<128x128xf32, #tpu.memory_space<vmem>>) dst(%dma_wait3A_69 : memref<128x128xf32, #tpu.memory_space<vmem_shared>>)
        tpu.yield
      }) : () -> ()
    } else {
    }
    %barrier3A = arith.constant 0 : index
    tpu.barrier barrier_id(%barrier3A)
    %broadcast_in_dim3A_26 = arith.constant 0.000000e+00 : f32
    %broadcast_in_dim3A_27 = vector.broadcast %broadcast_in_dim3A_26 : f32 to vector<16xf32>
    %mul3A_28 = arith.constant 10112 : i32
    %mul3A_29 = arith.muli %add3A, %mul3A_28 : i32
    %while3A_30 = arith.constant 0 : i32
    %while3A_31 = arith.constant 79 : i32
    %while3A_32 = arith.constant 0 : i32
    %while3A_33 = arith.subi %while3A_31, %while3A_30 : i32
    %while3A_34 = arith.addi %while3A_30, %while3A_33 : i32
    %while3A_35 = arith.constant 1 : i32
    %while3A_36 = arith.divsi %while3A_33, %while3A_35 : i32
    %while3A_37 = arith.muli %while3A_36, %while3A_35 : i32
    %while3A_38 = arith.addi %while3A_30, %while3A_37 : i32
    %while3A_39 = arith.constant 1 : i32
    %while3A_40 = scf.for %while3A_54 = %while3A_30 to %while3A_38 step %while3A_39 iter_args(%while3A_55 = %while3A_32) -> (i32)  : i32 {
      %mul3A_56 = arith.constant 128 : i32
      %mul3A_57 = arith.muli %while3A_54, %mul3A_56 : i32
      %add3A_58 = arith.addi %mul3A_29, %mul3A_57 : i32
      %dma_start3A = tpu.memref_slice %arg4[%add3A_58] : memref<323584xi32, #tpu.memory_space<hbm>> -> memref<128xi32, #tpu.memory_space<hbm>>
      %dma_start3A_59 = tpu.memref_slice %arg4[%add3A_58] : memref<323584xi32, #tpu.memory_space<hbm>> -> memref<128xi32, #tpu.memory_space<hbm>>
      tpu.enqueue_dma source(%dma_start3A_59 : memref<128xi32, #tpu.memory_space<hbm>>) target(%arg7 : memref<128xi32, #tpu.memory_space<vmem>>) target_semaphore(%arg13 : memref<!tpu.dma_semaphore, #tpu.memory_space<semaphore_mem>>)
      %dma_start3A_60 = tpu.memref_slice %arg5[%add3A_58] : memref<323584xi32, #tpu.memory_space<hbm>> -> memref<128xi32, #tpu.memory_space<hbm>>
      %dma_start3A_61 = tpu.memref_slice %arg5[%add3A_58] : memref<323584xi32, #tpu.memory_space<hbm>> -> memref<128xi32, #tpu.memory_space<hbm>>
      tpu.enqueue_dma source(%dma_start3A_61 : memref<128xi32, #tpu.memory_space<hbm>>) target(%arg8 : memref<128xi32, #tpu.memory_space<vmem>>) target_semaphore(%arg14 : memref<!tpu.dma_semaphore, #tpu.memory_space<semaphore_mem>>)
      %dma_start3A_62 = arith.constant 0 : i32
      %dma_start3A_63 = tpu.memref_slice %arg3[%add3A_58, %dma_start3A_62] : memref<323584x64xf32, #tpu.memory_space<hbm>> -> memref<128x64xf32, #tpu.memory_space<hbm>>
      %dma_start3A_64 = arith.constant 0 : i32
      %dma_start3A_65 = tpu.memref_slice %arg3[%add3A_58, %dma_start3A_64] : memref<323584x64xf32, #tpu.memory_space<hbm>> -> memref<128x64xf32, #tpu.memory_space<hbm>>
      tpu.enqueue_dma source(%dma_start3A_65 : memref<128x64xf32, #tpu.memory_space<hbm>>) target(%arg11 : memref<128x64xf32, #tpu.memory_space<vmem>>) target_semaphore(%arg15 : memref<!tpu.dma_semaphore, #tpu.memory_space<semaphore_mem>>)
      %dma_wait3A = tpu.memref_slice %arg4[%add3A_58] : memref<323584xi32, #tpu.memory_space<hbm>> -> memref<128xi32, #tpu.memory_space<hbm>>
      %dma_wait3A_66 = tpu.memref_slice %arg4[%add3A_58] : memref<323584xi32, #tpu.memory_space<hbm>> -> memref<128xi32, #tpu.memory_space<hbm>>
      tpu.wait_dma2 semaphore(%arg13 : memref<!tpu.dma_semaphore, #tpu.memory_space<semaphore_mem>>) src(%dma_wait3A_66 : memref<128xi32, #tpu.memory_space<hbm>>) dst(%arg7 : memref<128xi32, #tpu.memory_space<vmem>>)
      %dma_wait3A_67 = tpu.memref_slice %arg5[%add3A_58] : memref<323584xi32, #tpu.memory_space<hbm>> -> memref<128xi32, #tpu.memory_space<hbm>>
      %dma_wait3A_68 = tpu.memref_slice %arg5[%add3A_58] : memref<323584xi32, #tpu.memory_space<hbm>> -> memref<128xi32, #tpu.memory_space<hbm>>
      tpu.wait_dma2 semaphore(%arg14 : memref<!tpu.dma_semaphore, #tpu.memory_space<semaphore_mem>>) src(%dma_wait3A_68 : memref<128xi32, #tpu.memory_space<hbm>>) dst(%arg8 : memref<128xi32, #tpu.memory_space<vmem>>)
      %dma_start3A_69 = arith.constant 0 : i32
      %dma_start3A_70 = arith.constant 0 : i32
      %dma_start3A_71 = tpu.memref_slice %arg2[%dma_start3A_69, %dma_start3A_70] : memref<10240x128xf32, #tpu.memory_space<hbm>> -> memref<10240x128xf32, #tpu.memory_space<hbm>>
      tpu.enqueue_indirect_dma source(%dma_start3A_71 : memref<10240x128xf32, #tpu.memory_space<hbm>>) target(%arg9 : memref<128x128xf32, #tpu.memory_space<vmem>>) offsets(%arg7 : memref<128xi32, #tpu.memory_space<vmem>>) semaphore(%arg13 : memref<!tpu.dma_semaphore, #tpu.memory_space<semaphore_mem>>)
      %dma_start3A_72 = arith.constant 0 : i32
      %dma_start3A_73 = arith.constant 0 : i32
      %dma_start3A_74 = tpu.memref_slice %arg2[%dma_start3A_72, %dma_start3A_73] : memref<10240x128xf32, #tpu.memory_space<hbm>> -> memref<10240x128xf32, #tpu.memory_space<hbm>>
      tpu.enqueue_indirect_dma source(%dma_start3A_74 : memref<10240x128xf32, #tpu.memory_space<hbm>>) target(%arg10 : memref<128x128xf32, #tpu.memory_space<vmem>>) offsets(%arg8 : memref<128xi32, #tpu.memory_space<vmem>>) semaphore(%arg14 : memref<!tpu.dma_semaphore, #tpu.memory_space<semaphore_mem>>)
      %dma_wait3A_75 = arith.constant 0 : i32
      %dma_wait3A_76 = arith.constant 0 : i32
      %dma_wait3A_77 = tpu.memref_slice %arg2[%dma_wait3A_75, %dma_wait3A_76] : memref<10240x128xf32, #tpu.memory_space<hbm>> -> memref<10240x128xf32, #tpu.memory_space<hbm>>
      tpu.wait_indirect_dma semaphore(%arg13 : memref<!tpu.dma_semaphore, #tpu.memory_space<semaphore_mem>>) src(%dma_wait3A_77 : memref<10240x128xf32, #tpu.memory_space<hbm>>) dst(%arg9 : memref<128x128xf32, #tpu.memory_space<vmem>>)
      %dma_wait3A_78 = arith.constant 0 : i32
      %dma_wait3A_79 = arith.constant 0 : i32
      %dma_wait3A_80 = tpu.memref_slice %arg2[%dma_wait3A_78, %dma_wait3A_79] : memref<10240x128xf32, #tpu.memory_space<hbm>> -> memref<10240x128xf32, #tpu.memory_space<hbm>>
      tpu.wait_indirect_dma semaphore(%arg14 : memref<!tpu.dma_semaphore, #tpu.memory_space<semaphore_mem>>) src(%dma_wait3A_80 : memref<10240x128xf32, #tpu.memory_space<hbm>>) dst(%arg10 : memref<128x128xf32, #tpu.memory_space<vmem>>)
      %dma_wait3A_81 = arith.constant 0 : i32
      %dma_wait3A_82 = tpu.memref_slice %arg3[%add3A_58, %dma_wait3A_81] : memref<323584x64xf32, #tpu.memory_space<hbm>> -> memref<128x64xf32, #tpu.memory_space<hbm>>
      %dma_wait3A_83 = arith.constant 0 : i32
      %dma_wait3A_84 = tpu.memref_slice %arg3[%add3A_58, %dma_wait3A_83] : memref<323584x64xf32, #tpu.memory_space<hbm>> -> memref<128x64xf32, #tpu.memory_space<hbm>>
      tpu.wait_dma2 semaphore(%arg15 : memref<!tpu.dma_semaphore, #tpu.memory_space<semaphore_mem>>) src(%dma_wait3A_84 : memref<128x64xf32, #tpu.memory_space<hbm>>) dst(%arg11 : memref<128x64xf32, #tpu.memory_space<vmem>>)
      %parallel_loop3A = arith.constant 0 : i32
      %parallel_loop3A_85 = arith.constant 128 : i32
      %parallel_loop3A_86 = arith.constant 1 : i32
      scf.for %parallel_loop3A_88 = %parallel_loop3A to %parallel_loop3A_85 step %parallel_loop3A_86  : i32 {
        %parallel_loop3A_89 = arith.index_cast %parallel_loop3A_88 : i32 to index
        %parallel_loop3A_90 = arith.constant 0 : index
        %parallel_loop3A_91 = tpu.vector_load %arg9[%parallel_loop3A_89, %parallel_loop3A_90] {strides = array<i32>} : memref<128x128xf32, #tpu.memory_space<vmem>>, vector<16xf32>,
        %parallel_loop3A_92 = arith.index_cast %parallel_loop3A_88 : i32 to index
        %parallel_loop3A_93 = arith.constant 64 : index
        %parallel_loop3A_94 = tpu.vector_load %arg10[%parallel_loop3A_92, %parallel_loop3A_93] {strides = array<i32>} : memref<128x128xf32, #tpu.memory_space<vmem>>, vector<16xf32>,
        %parallel_loop3A_95 = arith.addf %parallel_loop3A_91, %parallel_loop3A_94 : vector<16xf32>
        %parallel_loop3A_96 = arith.index_cast %parallel_loop3A_88 : i32 to index
        %parallel_loop3A_97 = arith.constant 0 : index
        %parallel_loop3A_98 = tpu.vector_load %arg11[%parallel_loop3A_96, %parallel_loop3A_97] {strides = array<i32>} : memref<128x64xf32, #tpu.memory_space<vmem>>, vector<16xf32>,
        %parallel_loop3A_99 = arith.addf %parallel_loop3A_95, %parallel_loop3A_98 : vector<16xf32>
        %parallel_loop3A_100 = arith.constant 0.000000e+00 : f32
        %parallel_loop3A_101 = vector.broadcast %parallel_loop3A_100 : f32 to vector<16xf32>
        %parallel_loop3A_102 = arith.maximumf %parallel_loop3A_99, %parallel_loop3A_101 : vector<16xf32>
        %parallel_loop3A_103 = arith.index_cast %parallel_loop3A_88 : i32 to index
        %parallel_loop3A_104 = arith.constant 0 : index
        %parallel_loop3A_105 = tpu.vector_load %arg9[%parallel_loop3A_103, %parallel_loop3A_104] {strides = array<i32>} : memref<128x128xf32, #tpu.memory_space<vmem>>, vector<16xf32>,
        tpu.vector_store %arg9[%parallel_loop3A_103, %parallel_loop3A_104], %parallel_loop3A_102 {strides = array<i32>} : memref<128x128xf32, #tpu.memory_space<vmem>>, vector<16xf32>,
        %parallel_loop3A_106 = arith.index_cast %parallel_loop3A_88 : i32 to index
        %parallel_loop3A_107 = arith.constant 64 : index
        %parallel_loop3A_108 = tpu.vector_load %arg9[%parallel_loop3A_106, %parallel_loop3A_107] {strides = array<i32>} : memref<128x128xf32, #tpu.memory_space<vmem>>, vector<16xf32>,
        tpu.vector_store %arg9[%parallel_loop3A_106, %parallel_loop3A_107], %broadcast_in_dim3A_27 {strides = array<i32>} : memref<128x128xf32, #tpu.memory_space<vmem>>, vector<16xf32>,
        %parallel_loop3A_109 = arith.index_cast %parallel_loop3A_88 : i32 to index
        %parallel_loop3A_110 = arith.constant 16 : index
        %parallel_loop3A_111 = tpu.vector_load %arg9[%parallel_loop3A_109, %parallel_loop3A_110] {strides = array<i32>} : memref<128x128xf32, #tpu.memory_space<vmem>>, vector<16xf32>,
        %parallel_loop3A_112 = arith.index_cast %parallel_loop3A_88 : i32 to index
        %parallel_loop3A_113 = arith.constant 80 : index
        %parallel_loop3A_114 = tpu.vector_load %arg10[%parallel_loop3A_112, %parallel_loop3A_113] {strides = array<i32>} : memref<128x128xf32, #tpu.memory_space<vmem>>, vector<16xf32>,
        %parallel_loop3A_115 = arith.addf %parallel_loop3A_111, %parallel_loop3A_114 : vector<16xf32>
        %parallel_loop3A_116 = arith.index_cast %parallel_loop3A_88 : i32 to index
        %parallel_loop3A_117 = arith.constant 16 : index
        %parallel_loop3A_118 = tpu.vector_load %arg11[%parallel_loop3A_116, %parallel_loop3A_117] {strides = array<i32>} : memref<128x64xf32, #tpu.memory_space<vmem>>, vector<16xf32>,
        %parallel_loop3A_119 = arith.addf %parallel_loop3A_115, %parallel_loop3A_118 : vector<16xf32>
        %parallel_loop3A_120 = arith.constant 0.000000e+00 : f32
        %parallel_loop3A_121 = vector.broadcast %parallel_loop3A_120 : f32 to vector<16xf32>
        %parallel_loop3A_122 = arith.maximumf %parallel_loop3A_119, %parallel_loop3A_121 : vector<16xf32>
        %parallel_loop3A_123 = arith.index_cast %parallel_loop3A_88 : i32 to index
        %parallel_loop3A_124 = arith.constant 16 : index
        %parallel_loop3A_125 = tpu.vector_load %arg9[%parallel_loop3A_123, %parallel_loop3A_124] {strides = array<i32>} : memref<128x128xf32, #tpu.memory_space<vmem>>, vector<16xf32>,
        tpu.vector_store %arg9[%parallel_loop3A_123, %parallel_loop3A_124], %parallel_loop3A_122 {strides = array<i32>} : memref<128x128xf32, #tpu.memory_space<vmem>>, vector<16xf32>,
        %parallel_loop3A_126 = arith.index_cast %parallel_loop3A_88 : i32 to index
        %parallel_loop3A_127 = arith.constant 80 : index
        %parallel_loop3A_128 = tpu.vector_load %arg9[%parallel_loop3A_126, %parallel_loop3A_127] {strides = array<i32>} : memref<128x128xf32, #tpu.memory_space<vmem>>, vector<16xf32>,
        tpu.vector_store %arg9[%parallel_loop3A_126, %parallel_loop3A_127], %broadcast_in_dim3A_27 {strides = array<i32>} : memref<128x128xf32, #tpu.memory_space<vmem>>, vector<16xf32>,
        %parallel_loop3A_129 = arith.index_cast %parallel_loop3A_88 : i32 to index
        %parallel_loop3A_130 = arith.constant 32 : index
        %parallel_loop3A_131 = tpu.vector_load %arg9[%parallel_loop3A_129, %parallel_loop3A_130] {strides = array<i32>} : memref<128x128xf32, #tpu.memory_space<vmem>>, vector<16xf32>,
        %parallel_loop3A_132 = arith.index_cast %parallel_loop3A_88 : i32 to index
        %parallel_loop3A_133 = arith.constant 96 : index
        %parallel_loop3A_134 = tpu.vector_load %arg10[%parallel_loop3A_132, %parallel_loop3A_133] {strides = array<i32>} : memref<128x128xf32, #tpu.memory_space<vmem>>, vector<16xf32>,
        %parallel_loop3A_135 = arith.addf %parallel_loop3A_131, %parallel_loop3A_134 : vector<16xf32>
        %parallel_loop3A_136 = arith.index_cast %parallel_loop3A_88 : i32 to index
        %parallel_loop3A_137 = arith.constant 32 : index
        %parallel_loop3A_138 = tpu.vector_load %arg11[%parallel_loop3A_136, %parallel_loop3A_137] {strides = array<i32>} : memref<128x64xf32, #tpu.memory_space<vmem>>, vector<16xf32>,
        %parallel_loop3A_139 = arith.addf %parallel_loop3A_135, %parallel_loop3A_138 : vector<16xf32>
        %parallel_loop3A_140 = arith.constant 0.000000e+00 : f32
        %parallel_loop3A_141 = vector.broadcast %parallel_loop3A_140 : f32 to vector<16xf32>
        %parallel_loop3A_142 = arith.maximumf %parallel_loop3A_139, %parallel_loop3A_141 : vector<16xf32>
        %parallel_loop3A_143 = arith.index_cast %parallel_loop3A_88 : i32 to index
        %parallel_loop3A_144 = arith.constant 32 : index
        %parallel_loop3A_145 = tpu.vector_load %arg9[%parallel_loop3A_143, %parallel_loop3A_144] {strides = array<i32>} : memref<128x128xf32, #tpu.memory_space<vmem>>, vector<16xf32>,
        tpu.vector_store %arg9[%parallel_loop3A_143, %parallel_loop3A_144], %parallel_loop3A_142 {strides = array<i32>} : memref<128x128xf32, #tpu.memory_space<vmem>>, vector<16xf32>,
        %parallel_loop3A_146 = arith.index_cast %parallel_loop3A_88 : i32 to index
        %parallel_loop3A_147 = arith.constant 96 : index
        %parallel_loop3A_148 = tpu.vector_load %arg9[%parallel_loop3A_146, %parallel_loop3A_147] {strides = array<i32>} : memref<128x128xf32, #tpu.memory_space<vmem>>, vector<16xf32>,
        tpu.vector_store %arg9[%parallel_loop3A_146, %parallel_loop3A_147], %broadcast_in_dim3A_27 {strides = array<i32>} : memref<128x128xf32, #tpu.memory_space<vmem>>, vector<16xf32>,
        %parallel_loop3A_149 = arith.index_cast %parallel_loop3A_88 : i32 to index
        %parallel_loop3A_150 = arith.constant 48 : index
        %parallel_loop3A_151 = tpu.vector_load %arg9[%parallel_loop3A_149, %parallel_loop3A_150] {strides = array<i32>} : memref<128x128xf32, #tpu.memory_space<vmem>>, vector<16xf32>,
        %parallel_loop3A_152 = arith.index_cast %parallel_loop3A_88 : i32 to index
        %parallel_loop3A_153 = arith.constant 112 : index
        %parallel_loop3A_154 = tpu.vector_load %arg10[%parallel_loop3A_152, %parallel_loop3A_153] {strides = array<i32>} : memref<128x128xf32, #tpu.memory_space<vmem>>, vector<16xf32>,
        %parallel_loop3A_155 = arith.addf %parallel_loop3A_151, %parallel_loop3A_154 : vector<16xf32>
        %parallel_loop3A_156 = arith.index_cast %parallel_loop3A_88 : i32 to index
        %parallel_loop3A_157 = arith.constant 48 : index
        %parallel_loop3A_158 = tpu.vector_load %arg11[%parallel_loop3A_156, %parallel_loop3A_157] {strides = array<i32>} : memref<128x64xf32, #tpu.memory_space<vmem>>, vector<16xf32>,
        %parallel_loop3A_159 = arith.addf %parallel_loop3A_155, %parallel_loop3A_158 : vector<16xf32>
        %parallel_loop3A_160 = arith.constant 0.000000e+00 : f32
        %parallel_loop3A_161 = vector.broadcast %parallel_loop3A_160 : f32 to vector<16xf32>
        %parallel_loop3A_162 = arith.maximumf %parallel_loop3A_159, %parallel_loop3A_161 : vector<16xf32>
        %parallel_loop3A_163 = arith.index_cast %parallel_loop3A_88 : i32 to index
        %parallel_loop3A_164 = arith.constant 48 : index
        %parallel_loop3A_165 = tpu.vector_load %arg9[%parallel_loop3A_163, %parallel_loop3A_164] {strides = array<i32>} : memref<128x128xf32, #tpu.memory_space<vmem>>, vector<16xf32>,
        tpu.vector_store %arg9[%parallel_loop3A_163, %parallel_loop3A_164], %parallel_loop3A_162 {strides = array<i32>} : memref<128x128xf32, #tpu.memory_space<vmem>>, vector<16xf32>,
        %parallel_loop3A_166 = arith.index_cast %parallel_loop3A_88 : i32 to index
        %parallel_loop3A_167 = arith.constant 112 : index
        %parallel_loop3A_168 = tpu.vector_load %arg9[%parallel_loop3A_166, %parallel_loop3A_167] {strides = array<i32>} : memref<128x128xf32, #tpu.memory_space<vmem>>, vector<16xf32>,
        tpu.vector_store %arg9[%parallel_loop3A_166, %parallel_loop3A_167], %broadcast_in_dim3A_27 {strides = array<i32>} : memref<128x128xf32, #tpu.memory_space<vmem>>, vector<16xf32>,
      } {sc.loop_unroll_factor = 4 : i64, sc.parallel_access}
      "tpu.region"() ({
        %run_scoped3A = tpu.sem_alloc : memref<!tpu.dma_semaphore, #tpu.memory_space<semaphore_mem>>
        %dma_start3A_88 = arith.constant 0 : i32
        %dma_start3A_89 = arith.constant 0 : i32
        %dma_start3A_90 = tpu.memref_slice %arg12[%dma_start3A_88, %dma_start3A_89] : memref<10176x128xf32, #tpu.memory_space<vmem_shared>> -> memref<10176x128xf32, #tpu.memory_space<vmem_shared>>
        tpu.enqueue_indirect_dma source(%arg9 : memref<128x128xf32, #tpu.memory_space<vmem>>) target(%dma_start3A_90 : memref<10176x128xf32, #tpu.memory_space<vmem_shared>>) offsets(%arg7 : memref<128xi32, #tpu.memory_space<vmem>>) semaphore(%run_scoped3A : memref<!tpu.dma_semaphore, #tpu.memory_space<semaphore_mem>>) {add = true}
        %dma_wait3A_91 = arith.constant 0 : i32
        %dma_wait3A_92 = arith.constant 0 : i32
        %dma_wait3A_93 = tpu.memref_slice %arg12[%dma_wait3A_91, %dma_wait3A_92] : memref<10176x128xf32, #tpu.memory_space<vmem_shared>> -> memref<10176x128xf32, #tpu.memory_space<vmem_shared>>
        tpu.wait_indirect_dma semaphore(%run_scoped3A : memref<!tpu.dma_semaphore, #tpu.memory_space<semaphore_mem>>) src(%arg9 : memref<128x128xf32, #tpu.memory_space<vmem>>) dst(%dma_wait3A_93 : memref<10176x128xf32, #tpu.memory_space<vmem_shared>>)
        tpu.yield
      }) : () -> ()
      %while3A_87 = arith.constant 0 : i32
      scf.yield %while3A_87 : i32
    }
    %while3A_41 = arith.constant 1 : i32
    %while3A_42 = scf.for %while3A_54 = %while3A_38 to %while3A_34 step %while3A_41 iter_args(%while3A_55 = %while3A_40) -> (i32)  : i32 {
      %mul3A_56 = arith.constant 128 : i32
      %mul3A_57 = arith.muli %while3A_54, %mul3A_56 : i32
      %add3A_58 = arith.addi %mul3A_29, %mul3A_57 : i32
      %dma_start3A = tpu.memref_slice %arg4[%add3A_58] : memref<323584xi32, #tpu.memory_space<hbm>> -> memref<128xi32, #tpu.memory_space<hbm>>
      %dma_start3A_59 = tpu.memref_slice %arg4[%add3A_58] : memref<323584xi32, #tpu.memory_space<hbm>> -> memref<128xi32, #tpu.memory_space<hbm>>
      tpu.enqueue_dma source(%dma_start3A_59 : memref<128xi32, #tpu.memory_space<hbm>>) target(%arg7 : memref<128xi32, #tpu.memory_space<vmem>>) target_semaphore(%arg13 : memref<!tpu.dma_semaphore, #tpu.memory_space<semaphore_mem>>)
      %dma_start3A_60 = tpu.memref_slice %arg5[%add3A_58] : memref<323584xi32, #tpu.memory_space<hbm>> -> memref<128xi32, #tpu.memory_space<hbm>>
      %dma_start3A_61 = tpu.memref_slice %arg5[%add3A_58] : memref<323584xi32, #tpu.memory_space<hbm>> -> memref<128xi32, #tpu.memory_space<hbm>>
      tpu.enqueue_dma source(%dma_start3A_61 : memref<128xi32, #tpu.memory_space<hbm>>) target(%arg8 : memref<128xi32, #tpu.memory_space<vmem>>) target_semaphore(%arg14 : memref<!tpu.dma_semaphore, #tpu.memory_space<semaphore_mem>>)
      %dma_start3A_62 = arith.constant 0 : i32
      %dma_start3A_63 = tpu.memref_slice %arg3[%add3A_58, %dma_start3A_62] : memref<323584x64xf32, #tpu.memory_space<hbm>> -> memref<128x64xf32, #tpu.memory_space<hbm>>
      %dma_start3A_64 = arith.constant 0 : i32
      %dma_start3A_65 = tpu.memref_slice %arg3[%add3A_58, %dma_start3A_64] : memref<323584x64xf32, #tpu.memory_space<hbm>> -> memref<128x64xf32, #tpu.memory_space<hbm>>
      tpu.enqueue_dma source(%dma_start3A_65 : memref<128x64xf32, #tpu.memory_space<hbm>>) target(%arg11 : memref<128x64xf32, #tpu.memory_space<vmem>>) target_semaphore(%arg15 : memref<!tpu.dma_semaphore, #tpu.memory_space<semaphore_mem>>)
      %dma_wait3A = tpu.memref_slice %arg4[%add3A_58] : memref<323584xi32, #tpu.memory_space<hbm>> -> memref<128xi32, #tpu.memory_space<hbm>>
      %dma_wait3A_66 = tpu.memref_slice %arg4[%add3A_58] : memref<323584xi32, #tpu.memory_space<hbm>> -> memref<128xi32, #tpu.memory_space<hbm>>
      tpu.wait_dma2 semaphore(%arg13 : memref<!tpu.dma_semaphore, #tpu.memory_space<semaphore_mem>>) src(%dma_wait3A_66 : memref<128xi32, #tpu.memory_space<hbm>>) dst(%arg7 : memref<128xi32, #tpu.memory_space<vmem>>)
      %dma_wait3A_67 = tpu.memref_slice %arg5[%add3A_58] : memref<323584xi32, #tpu.memory_space<hbm>> -> memref<128xi32, #tpu.memory_space<hbm>>
      %dma_wait3A_68 = tpu.memref_slice %arg5[%add3A_58] : memref<323584xi32, #tpu.memory_space<hbm>> -> memref<128xi32, #tpu.memory_space<hbm>>
      tpu.wait_dma2 semaphore(%arg14 : memref<!tpu.dma_semaphore, #tpu.memory_space<semaphore_mem>>) src(%dma_wait3A_68 : memref<128xi32, #tpu.memory_space<hbm>>) dst(%arg8 : memref<128xi32, #tpu.memory_space<vmem>>)
      %dma_start3A_69 = arith.constant 0 : i32
      %dma_start3A_70 = arith.constant 0 : i32
      %dma_start3A_71 = tpu.memref_slice %arg2[%dma_start3A_69, %dma_start3A_70] : memref<10240x128xf32, #tpu.memory_space<hbm>> -> memref<10240x128xf32, #tpu.memory_space<hbm>>
      tpu.enqueue_indirect_dma source(%dma_start3A_71 : memref<10240x128xf32, #tpu.memory_space<hbm>>) target(%arg9 : memref<128x128xf32, #tpu.memory_space<vmem>>) offsets(%arg7 : memref<128xi32, #tpu.memory_space<vmem>>) semaphore(%arg13 : memref<!tpu.dma_semaphore, #tpu.memory_space<semaphore_mem>>)
      %dma_start3A_72 = arith.constant 0 : i32
      %dma_start3A_73 = arith.constant 0 : i32
      %dma_start3A_74 = tpu.memref_slice %arg2[%dma_start3A_72, %dma_start3A_73] : memref<10240x128xf32, #tpu.memory_space<hbm>> -> memref<10240x128xf32, #tpu.memory_space<hbm>>
      tpu.enqueue_indirect_dma source(%dma_start3A_74 : memref<10240x128xf32, #tpu.memory_space<hbm>>) target(%arg10 : memref<128x128xf32, #tpu.memory_space<vmem>>) offsets(%arg8 : memref<128xi32, #tpu.memory_space<vmem>>) semaphore(%arg14 : memref<!tpu.dma_semaphore, #tpu.memory_space<semaphore_mem>>)
      %dma_wait3A_75 = arith.constant 0 : i32
      %dma_wait3A_76 = arith.constant 0 : i32
      %dma_wait3A_77 = tpu.memref_slice %arg2[%dma_wait3A_75, %dma_wait3A_76] : memref<10240x128xf32, #tpu.memory_space<hbm>> -> memref<10240x128xf32, #tpu.memory_space<hbm>>
      tpu.wait_indirect_dma semaphore(%arg13 : memref<!tpu.dma_semaphore, #tpu.memory_space<semaphore_mem>>) src(%dma_wait3A_77 : memref<10240x128xf32, #tpu.memory_space<hbm>>) dst(%arg9 : memref<128x128xf32, #tpu.memory_space<vmem>>)
      %dma_wait3A_78 = arith.constant 0 : i32
      %dma_wait3A_79 = arith.constant 0 : i32
      %dma_wait3A_80 = tpu.memref_slice %arg2[%dma_wait3A_78, %dma_wait3A_79] : memref<10240x128xf32, #tpu.memory_space<hbm>> -> memref<10240x128xf32, #tpu.memory_space<hbm>>
      tpu.wait_indirect_dma semaphore(%arg14 : memref<!tpu.dma_semaphore, #tpu.memory_space<semaphore_mem>>) src(%dma_wait3A_80 : memref<10240x128xf32, #tpu.memory_space<hbm>>) dst(%arg10 : memref<128x128xf32, #tpu.memory_space<vmem>>)
      %dma_wait3A_81 = arith.constant 0 : i32
      %dma_wait3A_82 = tpu.memref_slice %arg3[%add3A_58, %dma_wait3A_81] : memref<323584x64xf32, #tpu.memory_space<hbm>> -> memref<128x64xf32, #tpu.memory_space<hbm>>
      %dma_wait3A_83 = arith.constant 0 : i32
      %dma_wait3A_84 = tpu.memref_slice %arg3[%add3A_58, %dma_wait3A_83] : memref<323584x64xf32, #tpu.memory_space<hbm>> -> memref<128x64xf32, #tpu.memory_space<hbm>>
      tpu.wait_dma2 semaphore(%arg15 : memref<!tpu.dma_semaphore, #tpu.memory_space<semaphore_mem>>) src(%dma_wait3A_84 : memref<128x64xf32, #tpu.memory_space<hbm>>) dst(%arg11 : memref<128x64xf32, #tpu.memory_space<vmem>>)
      %parallel_loop3A = arith.constant 0 : i32
      %parallel_loop3A_85 = arith.constant 128 : i32
      %parallel_loop3A_86 = arith.constant 1 : i32
      scf.for %parallel_loop3A_88 = %parallel_loop3A to %parallel_loop3A_85 step %parallel_loop3A_86  : i32 {
        %parallel_loop3A_89 = arith.index_cast %parallel_loop3A_88 : i32 to index
        %parallel_loop3A_90 = arith.constant 0 : index
        %parallel_loop3A_91 = tpu.vector_load %arg9[%parallel_loop3A_89, %parallel_loop3A_90] {strides = array<i32>} : memref<128x128xf32, #tpu.memory_space<vmem>>, vector<16xf32>,
        %parallel_loop3A_92 = arith.index_cast %parallel_loop3A_88 : i32 to index
        %parallel_loop3A_93 = arith.constant 64 : index
        %parallel_loop3A_94 = tpu.vector_load %arg10[%parallel_loop3A_92, %parallel_loop3A_93] {strides = array<i32>} : memref<128x128xf32, #tpu.memory_space<vmem>>, vector<16xf32>,
        %parallel_loop3A_95 = arith.addf %parallel_loop3A_91, %parallel_loop3A_94 : vector<16xf32>
        %parallel_loop3A_96 = arith.index_cast %parallel_loop3A_88 : i32 to index
        %parallel_loop3A_97 = arith.constant 0 : index
        %parallel_loop3A_98 = tpu.vector_load %arg11[%parallel_loop3A_96, %parallel_loop3A_97] {strides = array<i32>} : memref<128x64xf32, #tpu.memory_space<vmem>>, vector<16xf32>,
        %parallel_loop3A_99 = arith.addf %parallel_loop3A_95, %parallel_loop3A_98 : vector<16xf32>
        %parallel_loop3A_100 = arith.constant 0.000000e+00 : f32
        %parallel_loop3A_101 = vector.broadcast %parallel_loop3A_100 : f32 to vector<16xf32>
        %parallel_loop3A_102 = arith.maximumf %parallel_loop3A_99, %parallel_loop3A_101 : vector<16xf32>
        %parallel_loop3A_103 = arith.index_cast %parallel_loop3A_88 : i32 to index
        %parallel_loop3A_104 = arith.constant 0 : index
        %parallel_loop3A_105 = tpu.vector_load %arg9[%parallel_loop3A_103, %parallel_loop3A_104] {strides = array<i32>} : memref<128x128xf32, #tpu.memory_space<vmem>>, vector<16xf32>,
        tpu.vector_store %arg9[%parallel_loop3A_103, %parallel_loop3A_104], %parallel_loop3A_102 {strides = array<i32>} : memref<128x128xf32, #tpu.memory_space<vmem>>, vector<16xf32>,
        %parallel_loop3A_106 = arith.index_cast %parallel_loop3A_88 : i32 to index
        %parallel_loop3A_107 = arith.constant 64 : index
        %parallel_loop3A_108 = tpu.vector_load %arg9[%parallel_loop3A_106, %parallel_loop3A_107] {strides = array<i32>} : memref<128x128xf32, #tpu.memory_space<vmem>>, vector<16xf32>,
        tpu.vector_store %arg9[%parallel_loop3A_106, %parallel_loop3A_107], %broadcast_in_dim3A_27 {strides = array<i32>} : memref<128x128xf32, #tpu.memory_space<vmem>>, vector<16xf32>,
        %parallel_loop3A_109 = arith.index_cast %parallel_loop3A_88 : i32 to index
        %parallel_loop3A_110 = arith.constant 16 : index
        %parallel_loop3A_111 = tpu.vector_load %arg9[%parallel_loop3A_109, %parallel_loop3A_110] {strides = array<i32>} : memref<128x128xf32, #tpu.memory_space<vmem>>, vector<16xf32>,
        %parallel_loop3A_112 = arith.index_cast %parallel_loop3A_88 : i32 to index
        %parallel_loop3A_113 = arith.constant 80 : index
        %parallel_loop3A_114 = tpu.vector_load %arg10[%parallel_loop3A_112, %parallel_loop3A_113] {strides = array<i32>} : memref<128x128xf32, #tpu.memory_space<vmem>>, vector<16xf32>,
        %parallel_loop3A_115 = arith.addf %parallel_loop3A_111, %parallel_loop3A_114 : vector<16xf32>
        %parallel_loop3A_116 = arith.index_cast %parallel_loop3A_88 : i32 to index
        %parallel_loop3A_117 = arith.constant 16 : index
        %parallel_loop3A_118 = tpu.vector_load %arg11[%parallel_loop3A_116, %parallel_loop3A_117] {strides = array<i32>} : memref<128x64xf32, #tpu.memory_space<vmem>>, vector<16xf32>,
        %parallel_loop3A_119 = arith.addf %parallel_loop3A_115, %parallel_loop3A_118 : vector<16xf32>
        %parallel_loop3A_120 = arith.constant 0.000000e+00 : f32
        %parallel_loop3A_121 = vector.broadcast %parallel_loop3A_120 : f32 to vector<16xf32>
        %parallel_loop3A_122 = arith.maximumf %parallel_loop3A_119, %parallel_loop3A_121 : vector<16xf32>
        %parallel_loop3A_123 = arith.index_cast %parallel_loop3A_88 : i32 to index
        %parallel_loop3A_124 = arith.constant 16 : index
        %parallel_loop3A_125 = tpu.vector_load %arg9[%parallel_loop3A_123, %parallel_loop3A_124] {strides = array<i32>} : memref<128x128xf32, #tpu.memory_space<vmem>>, vector<16xf32>,
        tpu.vector_store %arg9[%parallel_loop3A_123, %parallel_loop3A_124], %parallel_loop3A_122 {strides = array<i32>} : memref<128x128xf32, #tpu.memory_space<vmem>>, vector<16xf32>,
        %parallel_loop3A_126 = arith.index_cast %parallel_loop3A_88 : i32 to index
        %parallel_loop3A_127 = arith.constant 80 : index
        %parallel_loop3A_128 = tpu.vector_load %arg9[%parallel_loop3A_126, %parallel_loop3A_127] {strides = array<i32>} : memref<128x128xf32, #tpu.memory_space<vmem>>, vector<16xf32>,
        tpu.vector_store %arg9[%parallel_loop3A_126, %parallel_loop3A_127], %broadcast_in_dim3A_27 {strides = array<i32>} : memref<128x128xf32, #tpu.memory_space<vmem>>, vector<16xf32>,
        %parallel_loop3A_129 = arith.index_cast %parallel_loop3A_88 : i32 to index
        %parallel_loop3A_130 = arith.constant 32 : index
        %parallel_loop3A_131 = tpu.vector_load %arg9[%parallel_loop3A_129, %parallel_loop3A_130] {strides = array<i32>} : memref<128x128xf32, #tpu.memory_space<vmem>>, vector<16xf32>,
        %parallel_loop3A_132 = arith.index_cast %parallel_loop3A_88 : i32 to index
        %parallel_loop3A_133 = arith.constant 96 : index
        %parallel_loop3A_134 = tpu.vector_load %arg10[%parallel_loop3A_132, %parallel_loop3A_133] {strides = array<i32>} : memref<128x128xf32, #tpu.memory_space<vmem>>, vector<16xf32>,
        %parallel_loop3A_135 = arith.addf %parallel_loop3A_131, %parallel_loop3A_134 : vector<16xf32>
        %parallel_loop3A_136 = arith.index_cast %parallel_loop3A_88 : i32 to index
        %parallel_loop3A_137 = arith.constant 32 : index
        %parallel_loop3A_138 = tpu.vector_load %arg11[%parallel_loop3A_136, %parallel_loop3A_137] {strides = array<i32>} : memref<128x64xf32, #tpu.memory_space<vmem>>, vector<16xf32>,
        %parallel_loop3A_139 = arith.addf %parallel_loop3A_135, %parallel_loop3A_138 : vector<16xf32>
        %parallel_loop3A_140 = arith.constant 0.000000e+00 : f32
        %parallel_loop3A_141 = vector.broadcast %parallel_loop3A_140 : f32 to vector<16xf32>
        %parallel_loop3A_142 = arith.maximumf %parallel_loop3A_139, %parallel_loop3A_141 : vector<16xf32>
        %parallel_loop3A_143 = arith.index_cast %parallel_loop3A_88 : i32 to index
        %parallel_loop3A_144 = arith.constant 32 : index
        %parallel_loop3A_145 = tpu.vector_load %arg9[%parallel_loop3A_143, %parallel_loop3A_144] {strides = array<i32>} : memref<128x128xf32, #tpu.memory_space<vmem>>, vector<16xf32>,
        tpu.vector_store %arg9[%parallel_loop3A_143, %parallel_loop3A_144], %parallel_loop3A_142 {strides = array<i32>} : memref<128x128xf32, #tpu.memory_space<vmem>>, vector<16xf32>,
        %parallel_loop3A_146 = arith.index_cast %parallel_loop3A_88 : i32 to index
        %parallel_loop3A_147 = arith.constant 96 : index
        %parallel_loop3A_148 = tpu.vector_load %arg9[%parallel_loop3A_146, %parallel_loop3A_147] {strides = array<i32>} : memref<128x128xf32, #tpu.memory_space<vmem>>, vector<16xf32>,
        tpu.vector_store %arg9[%parallel_loop3A_146, %parallel_loop3A_147], %broadcast_in_dim3A_27 {strides = array<i32>} : memref<128x128xf32, #tpu.memory_space<vmem>>, vector<16xf32>,
        %parallel_loop3A_149 = arith.index_cast %parallel_loop3A_88 : i32 to index
        %parallel_loop3A_150 = arith.constant 48 : index
        %parallel_loop3A_151 = tpu.vector_load %arg9[%parallel_loop3A_149, %parallel_loop3A_150] {strides = array<i32>} : memref<128x128xf32, #tpu.memory_space<vmem>>, vector<16xf32>,
        %parallel_loop3A_152 = arith.index_cast %parallel_loop3A_88 : i32 to index
        %parallel_loop3A_153 = arith.constant 112 : index
        %parallel_loop3A_154 = tpu.vector_load %arg10[%parallel_loop3A_152, %parallel_loop3A_153] {strides = array<i32>} : memref<128x128xf32, #tpu.memory_space<vmem>>, vector<16xf32>,
        %parallel_loop3A_155 = arith.addf %parallel_loop3A_151, %parallel_loop3A_154 : vector<16xf32>
        %parallel_loop3A_156 = arith.index_cast %parallel_loop3A_88 : i32 to index
        %parallel_loop3A_157 = arith.constant 48 : index
        %parallel_loop3A_158 = tpu.vector_load %arg11[%parallel_loop3A_156, %parallel_loop3A_157] {strides = array<i32>} : memref<128x64xf32, #tpu.memory_space<vmem>>, vector<16xf32>,
        %parallel_loop3A_159 = arith.addf %parallel_loop3A_155, %parallel_loop3A_158 : vector<16xf32>
        %parallel_loop3A_160 = arith.constant 0.000000e+00 : f32
        %parallel_loop3A_161 = vector.broadcast %parallel_loop3A_160 : f32 to vector<16xf32>
        %parallel_loop3A_162 = arith.maximumf %parallel_loop3A_159, %parallel_loop3A_161 : vector<16xf32>
        %parallel_loop3A_163 = arith.index_cast %parallel_loop3A_88 : i32 to index
        %parallel_loop3A_164 = arith.constant 48 : index
        %parallel_loop3A_165 = tpu.vector_load %arg9[%parallel_loop3A_163, %parallel_loop3A_164] {strides = array<i32>} : memref<128x128xf32, #tpu.memory_space<vmem>>, vector<16xf32>,
        tpu.vector_store %arg9[%parallel_loop3A_163, %parallel_loop3A_164], %parallel_loop3A_162 {strides = array<i32>} : memref<128x128xf32, #tpu.memory_space<vmem>>, vector<16xf32>,
        %parallel_loop3A_166 = arith.index_cast %parallel_loop3A_88 : i32 to index
        %parallel_loop3A_167 = arith.constant 112 : index
        %parallel_loop3A_168 = tpu.vector_load %arg9[%parallel_loop3A_166, %parallel_loop3A_167] {strides = array<i32>} : memref<128x128xf32, #tpu.memory_space<vmem>>, vector<16xf32>,
        tpu.vector_store %arg9[%parallel_loop3A_166, %parallel_loop3A_167], %broadcast_in_dim3A_27 {strides = array<i32>} : memref<128x128xf32, #tpu.memory_space<vmem>>, vector<16xf32>,
      } {sc.loop_unroll_factor = 4 : i64, sc.parallel_access}
      "tpu.region"() ({
        %run_scoped3A = tpu.sem_alloc : memref<!tpu.dma_semaphore, #tpu.memory_space<semaphore_mem>>
        %dma_start3A_88 = arith.constant 0 : i32
        %dma_start3A_89 = arith.constant 0 : i32
        %dma_start3A_90 = tpu.memref_slice %arg12[%dma_start3A_88, %dma_start3A_89] : memref<10176x128xf32, #tpu.memory_space<vmem_shared>> -> memref<10176x128xf32, #tpu.memory_space<vmem_shared>>
        tpu.enqueue_indirect_dma source(%arg9 : memref<128x128xf32, #tpu.memory_space<vmem>>) target(%dma_start3A_90 : memref<10176x128xf32, #tpu.memory_space<vmem_shared>>) offsets(%arg7 : memref<128xi32, #tpu.memory_space<vmem>>) semaphore(%run_scoped3A : memref<!tpu.dma_semaphore, #tpu.memory_space<semaphore_mem>>) {add = true}
        %dma_wait3A_91 = arith.constant 0 : i32
        %dma_wait3A_92 = arith.constant 0 : i32
        %dma_wait3A_93 = tpu.memref_slice %arg12[%dma_wait3A_91, %dma_wait3A_92] : memref<10176x128xf32, #tpu.memory_space<vmem_shared>> -> memref<10176x128xf32, #tpu.memory_space<vmem_shared>>
        tpu.wait_indirect_dma semaphore(%run_scoped3A : memref<!tpu.dma_semaphore, #tpu.memory_space<semaphore_mem>>) src(%arg9 : memref<128x128xf32, #tpu.memory_space<vmem>>) dst(%dma_wait3A_93 : memref<10176x128xf32, #tpu.memory_space<vmem_shared>>)
        tpu.yield
      }) : () -> ()
      %while3A_87 = arith.constant 0 : i32
      scf.yield %while3A_87 : i32
    }
    %barrier3A_43 = arith.constant 0 : index
    tpu.barrier barrier_id(%barrier3A_43)
    %lt3A_44 = arith.constant 8 : i32
    %lt3A_45 = arith.cmpi slt, %arg1, %lt3A_44 : i32
    %convert_element_type3A_46 = arith.extui %lt3A_45 : i1 to i32
    %cond3A_47 = arith.constant 0 : i32
    %cond3A_48 = arith.cmpi ne, %convert_element_type3A_46, %cond3A_47 : i32
    scf.if %cond3A_48 {
      "tpu.region"() ({
        %run_scoped3A = tpu.sem_alloc : memref<!tpu.dma_semaphore, #tpu.memory_space<semaphore_mem>>
        %dma_start3A = arith.constant 0 : i32
        %dma_start3A_54 = tpu.memref_slice %arg6[%arg0, %add3A_19, %dma_start3A] : memref<2x10240x128xf32, #tpu.memory_space<hbm>> -> memref<1x640x128xf32, #tpu.memory_space<hbm>>
        %dma_start3A_55 = tpu.memref_squeeze %dma_start3A_54 : memref<1x640x128xf32, #tpu.memory_space<hbm>> -> memref<640x128xf32, #tpu.memory_space<hbm>>
        %dma_start3A_56 = arith.constant 0 : i32
        %dma_start3A_57 = tpu.memref_slice %arg12[%add3A_19, %dma_start3A_56] : memref<10176x128xf32, #tpu.memory_space<vmem_shared>> -> memref<640x128xf32, #tpu.memory_space<vmem_shared>>
        tpu.enqueue_dma source(%dma_start3A_57 : memref<640x128xf32, #tpu.memory_space<vmem_shared>>) target(%dma_start3A_55 : memref<640x128xf32, #tpu.memory_space<hbm>>) target_semaphore(%run_scoped3A : memref<!tpu.dma_semaphore, #tpu.memory_space<semaphore_mem>>)
        %dma_wait3A = arith.constant 0 : i32
        %dma_wait3A_58 = tpu.memref_slice %arg6[%arg0, %add3A_19, %dma_wait3A] : memref<2x10240x128xf32, #tpu.memory_space<hbm>> -> memref<1x640x128xf32, #tpu.memory_space<hbm>>
        %dma_wait3A_59 = tpu.memref_squeeze %dma_wait3A_58 : memref<1x640x128xf32, #tpu.memory_space<hbm>> -> memref<640x128xf32, #tpu.memory_space<hbm>>
        %dma_wait3A_60 = arith.constant 0 : i32
        %dma_wait3A_61 = tpu.memref_slice %arg12[%add3A_19, %dma_wait3A_60] : memref<10176x128xf32, #tpu.memory_space<vmem_shared>> -> memref<640x128xf32, #tpu.memory_space<vmem_shared>>
        tpu.wait_dma2 semaphore(%run_scoped3A : memref<!tpu.dma_semaphore, #tpu.memory_space<semaphore_mem>>) src(%dma_wait3A_61 : memref<640x128xf32, #tpu.memory_space<vmem_shared>>) dst(%dma_wait3A_59 : memref<640x128xf32, #tpu.memory_space<hbm>>)
        tpu.yield
      }) : () -> ()
    } else {
    }
    %ge3A_49 = arith.constant 8 : i32
    %ge3A_50 = arith.cmpi sge, %arg1, %ge3A_49 : i32
    %convert_element_type3A_51 = arith.extui %ge3A_50 : i1 to i32
    %cond3A_52 = arith.constant 0 : i32
    %cond3A_53 = arith.cmpi ne, %convert_element_type3A_51, %cond3A_52 : i32
    scf.if %cond3A_53 {
      "tpu.region"() ({
        %run_scoped3A = tpu.sem_alloc : memref<!tpu.dma_semaphore, #tpu.memory_space<semaphore_mem>>
        %dma_start3A = arith.constant 0 : i32
        %dma_start3A_54 = tpu.memref_slice %arg6[%arg0, %add3A_19, %dma_start3A] : memref<2x10240x128xf32, #tpu.memory_space<hbm>> -> memref<1x632x128xf32, #tpu.memory_space<hbm>>
        %dma_start3A_55 = tpu.memref_squeeze %dma_start3A_54 : memref<1x632x128xf32, #tpu.memory_space<hbm>> -> memref<632x128xf32, #tpu.memory_space<hbm>>
        %dma_start3A_56 = arith.constant 0 : i32
        %dma_start3A_57 = tpu.memref_slice %arg12[%add3A_19, %dma_start3A_56] : memref<10176x128xf32, #tpu.memory_space<vmem_shared>> -> memref<632x128xf32, #tpu.memory_space<vmem_shared>>
        tpu.enqueue_dma source(%dma_start3A_57 : memref<632x128xf32, #tpu.memory_space<vmem_shared>>) target(%dma_start3A_55 : memref<632x128xf32, #tpu.memory_space<hbm>>) target_semaphore(%run_scoped3A : memref<!tpu.dma_semaphore, #tpu.memory_space<semaphore_mem>>)
        %dma_wait3A = arith.constant 0 : i32
        %dma_wait3A_58 = tpu.memref_slice %arg6[%arg0, %add3A_19, %dma_wait3A] : memref<2x10240x128xf32, #tpu.memory_space<hbm>> -> memref<1x632x128xf32, #tpu.memory_space<hbm>>
        %dma_wait3A_59 = tpu.memref_squeeze %dma_wait3A_58 : memref<1x632x128xf32, #tpu.memory_space<hbm>> -> memref<632x128xf32, #tpu.memory_space<hbm>>
        %dma_wait3A_60 = arith.constant 0 : i32
        %dma_wait3A_61 = tpu.memref_slice %arg12[%add3A_19, %dma_wait3A_60] : memref<10176x128xf32, #tpu.memory_space<vmem_shared>> -> memref<632x128xf32, #tpu.memory_space<vmem_shared>>
        tpu.wait_dma2 semaphore(%run_scoped3A : memref<!tpu.dma_semaphore, #tpu.memory_space<semaphore_mem>>) src(%dma_wait3A_61 : memref<632x128xf32, #tpu.memory_space<vmem_shared>>) dst(%dma_wait3A_59 : memref<632x128xf32, #tpu.memory_space<hbm>>)
        tpu.yield
      }) : () -> ()
    } else {
    }
    return
  }
}

module attributes {stable_mosaic.version = 14 : i64} {
  func.func @_tc_pre_body(%arg0: i32, %arg1: memref<1024x128xf32, #tpu.memory_space<vmem>>, %arg2: memref<1x128xf32, #tpu.memory_space<vmem>>, %arg3: memref<1x128xf32, #tpu.memory_space<vmem>>, %arg4: memref<128x128xf32, #tpu.memory_space<vmem>>, %arg5: memref<1x128xf32, #tpu.memory_space<vmem>>, %arg6: memref<128x128xf32, #tpu.memory_space<vmem>>, %arg7: memref<128x128xf32, #tpu.memory_space<vmem>>, %arg8: memref<1024x128xf32, #tpu.memory_space<vmem>>, %arg9: memref<1024x128xf32, #tpu.memory_space<vmem>>, %arg10: memref<1024x128xf32, #tpu.memory_space<vmem>>) attributes {dimension_semantics = [#tpu.dimension_semantics<arbitrary>], iteration_bounds = array<i64: 10>, scalar_prefetch = 0 : i64, scratch_operands = 0 : i64, tpu.core_type = #tpu.core_type<tc>, window_params = [{transform_indices = @transform_0, window_bounds = array<i64: 1024, 128>}, {pipeline_mode = #tpu.pipeline_mode<synchronous>, transform_indices = @transform_1, window_bounds = array<i64: 1, 128>}, {pipeline_mode = #tpu.pipeline_mode<synchronous>, transform_indices = @transform_2, window_bounds = array<i64: 1, 128>}, {pipeline_mode = #tpu.pipeline_mode<synchronous>, transform_indices = @transform_3, window_bounds = array<i64: 128, 128>}, {pipeline_mode = #tpu.pipeline_mode<synchronous>, transform_indices = @transform_4, window_bounds = array<i64: 1, 128>}, {pipeline_mode = #tpu.pipeline_mode<synchronous>, transform_indices = @transform_5, window_bounds = array<i64: 128, 128>}, {pipeline_mode = #tpu.pipeline_mode<synchronous>, transform_indices = @transform_6, window_bounds = array<i64: 128, 128>}, {transform_indices = @transform_7, window_bounds = array<i64: 1024, 128>}, {transform_indices = @transform_8, window_bounds = array<i64: 1024, 128>}, {transform_indices = @transform_9, window_bounds = array<i64: 1024, 128>}]} {
    %get3A = arith.constant 0 : index
    %get3A_0 = arith.constant 0 : index
    %get3A_1 = vector.load %arg1[%get3A, %get3A_0] : memref<1024x128xf32, #tpu.memory_space<vmem>>, vector<1024x128xf32>
    %reduce_sum3A = arith.constant dense<0.000000e+00> : vector<1024xf32>
    %reduce_sum3A_2 = vector.multi_reduction <add>, %get3A_1, %reduce_sum3A [1] : vector<1024x128xf32> to vector<1024xf32>
    %broadcast_in_dim3A = vector.shape_cast %reduce_sum3A_2 : vector<1024xf32> to vector<1024x1xf32>
    %div3A = arith.constant 1.280000e+02 : f32
    %div3A_3 = vector.broadcast %div3A : f32 to vector<1024x1xf32>
    %div3A_4 = arith.divf %broadcast_in_dim3A, %div3A_3 : vector<1024x1xf32>
    %sub3A = vector.broadcast %div3A_4 : vector<1024x1xf32> to vector<1024x128xf32>
    %sub3A_5 = arith.subf %get3A_1, %sub3A : vector<1024x128xf32>
    %mul3A = arith.mulf %sub3A_5, %sub3A_5 : vector<1024x128xf32>
    %reduce_sum3A_6 = arith.constant dense<0.000000e+00> : vector<1024xf32>
    %reduce_sum3A_7 = vector.multi_reduction <add>, %mul3A, %reduce_sum3A_6 [1] : vector<1024x128xf32> to vector<1024xf32>
    %broadcast_in_dim3A_8 = vector.shape_cast %reduce_sum3A_7 : vector<1024xf32> to vector<1024x1xf32>
    %div3A_9 = arith.constant 1.280000e+02 : f32
    %div3A_10 = vector.broadcast %div3A_9 : f32 to vector<1024x1xf32>
    %div3A_11 = arith.divf %broadcast_in_dim3A_8, %div3A_10 : vector<1024x1xf32>
    %add3A = arith.constant 9.99999974E-6 : f32
    %add3A_12 = vector.broadcast %add3A : f32 to vector<1024x1xf32>
    %add3A_13 = arith.addf %div3A_11, %add3A_12 : vector<1024x1xf32>
    %rsqrt3A = math.rsqrt %add3A_13 : vector<1024x1xf32>
    %mul3A_14 = vector.broadcast %rsqrt3A : vector<1024x1xf32> to vector<1024x128xf32>
    %mul3A_15 = arith.mulf %sub3A_5, %mul3A_14 : vector<1024x128xf32>
    %get3A_16 = arith.constant 0 : index
    %get3A_17 = arith.constant 0 : index
    %get3A_18 = vector.load %arg2[%get3A_16, %get3A_17] : memref<1x128xf32, #tpu.memory_space<vmem>>, vector<1x128xf32>
    %mul3A_19 = vector.broadcast %get3A_18 : vector<1x128xf32> to vector<1024x128xf32>
    %mul3A_20 = arith.mulf %mul3A_15, %mul3A_19 : vector<1024x128xf32>
    %get3A_21 = arith.constant 0 : index
    %get3A_22 = arith.constant 0 : index
    %get3A_23 = vector.load %arg3[%get3A_21, %get3A_22] : memref<1x128xf32, #tpu.memory_space<vmem>>, vector<1x128xf32>
    %add3A_24 = vector.broadcast %get3A_23 : vector<1x128xf32> to vector<1024x128xf32>
    %add3A_25 = arith.addf %mul3A_20, %add3A_24 : vector<1024x128xf32>
    %get3A_26 = arith.constant 0 : index
    %get3A_27 = arith.constant 0 : index
    %get3A_28 = vector.load %arg4[%get3A_26, %get3A_27] : memref<128x128xf32, #tpu.memory_space<vmem>>, vector<128x128xf32>
    %dot_general3A = arith.constant dense<0.000000e+00> : vector<1024x128xf32>
    %dot_general3A_29 = tpu.matmul %add3A_25, %get3A_28, %dot_general3A {dimension_numbers = #tpu.dot_dimension_numbers<[1], [0], [0], [1], [0, 0, 1, 1], [], []>, transpose_lhs_hint = false} : vector<1024x128xf32>, vector<128x128xf32>, vector<1024x128xf32> -> vector<1024x128xf32>
    %get3A_30 = arith.constant 0 : index
    %get3A_31 = arith.constant 0 : index
    %get3A_32 = vector.load %arg5[%get3A_30, %get3A_31] : memref<1x128xf32, #tpu.memory_space<vmem>>, vector<1x128xf32>
    %add3A_33 = vector.broadcast %get3A_32 : vector<1x128xf32> to vector<1024x128xf32>
    %add3A_34 = arith.addf %dot_general3A_29, %add3A_33 : vector<1024x128xf32>
    %max3A = arith.constant 0.000000e+00 : f32
    %max3A_35 = vector.broadcast %max3A : f32 to vector<1024x128xf32>
    %max3A_36 = arith.maximumf %add3A_34, %max3A_35 : vector<1024x128xf32>
    %swap3A = arith.constant 0 : index
    %swap3A_37 = arith.constant 0 : index
    %swap3A_38 = vector.load %arg8[%swap3A, %swap3A_37] : memref<1024x128xf32, #tpu.memory_space<vmem>>, vector<1024x128xf32>
    tpu.vector_store %arg8[%swap3A, %swap3A_37], %max3A_36 {strides = array<i32>} : memref<1024x128xf32, #tpu.memory_space<vmem>>, vector<1024x128xf32>,
    %get3A_39 = arith.constant 0 : index
    %get3A_40 = arith.constant 0 : index
    %get3A_41 = vector.load %arg6[%get3A_39, %get3A_40] : memref<128x128xf32, #tpu.memory_space<vmem>>, vector<128x128xf32>
    %dot_general3A_42 = arith.constant dense<0.000000e+00> : vector<1024x128xf32>
    %dot_general3A_43 = tpu.matmul %max3A_36, %get3A_41, %dot_general3A_42 {dimension_numbers = #tpu.dot_dimension_numbers<[1], [0], [0], [1], [0, 0, 1, 1], [], []>, transpose_lhs_hint = false} : vector<1024x128xf32>, vector<128x128xf32>, vector<1024x128xf32> -> vector<1024x128xf32>
    %swap3A_44 = arith.constant 0 : index
    %swap3A_45 = arith.constant 0 : index
    %swap3A_46 = vector.load %arg9[%swap3A_44, %swap3A_45] : memref<1024x128xf32, #tpu.memory_space<vmem>>, vector<1024x128xf32>
    tpu.vector_store %arg9[%swap3A_44, %swap3A_45], %dot_general3A_43 {strides = array<i32>} : memref<1024x128xf32, #tpu.memory_space<vmem>>, vector<1024x128xf32>,
    %get3A_47 = arith.constant 0 : index
    %get3A_48 = arith.constant 0 : index
    %get3A_49 = vector.load %arg7[%get3A_47, %get3A_48] : memref<128x128xf32, #tpu.memory_space<vmem>>, vector<128x128xf32>
    %dot_general3A_50 = arith.constant dense<0.000000e+00> : vector<1024x128xf32>
    %dot_general3A_51 = tpu.matmul %max3A_36, %get3A_49, %dot_general3A_50 {dimension_numbers = #tpu.dot_dimension_numbers<[1], [0], [0], [1], [0, 0, 1, 1], [], []>, transpose_lhs_hint = false} : vector<1024x128xf32>, vector<128x128xf32>, vector<1024x128xf32> -> vector<1024x128xf32>
    %swap3A_52 = arith.constant 0 : index
    %swap3A_53 = arith.constant 0 : index
    %swap3A_54 = vector.load %arg10[%swap3A_52, %swap3A_53] : memref<1024x128xf32, #tpu.memory_space<vmem>>, vector<1024x128xf32>
    tpu.vector_store %arg10[%swap3A_52, %swap3A_53], %dot_general3A_51 {strides = array<i32>} : memref<1024x128xf32, #tpu.memory_space<vmem>>, vector<1024x128xf32>,
    return
  }
  func.func @transform_0(%arg0: i32) -> (i32, i32) {
    %c0_i32 = arith.constant 0 : i32
    %c0_i32_0 = arith.constant 0 : i32
    return %arg0, %c0_i32 : i32, i32
  }
  func.func @transform_1(%arg0: i32) -> (i32, i32) {
    %c0_i32 = arith.constant 0 : i32
    %c0_i32_0 = arith.constant 0 : i32
    %c0_i32_1 = arith.constant 0 : i32
    return %c0_i32, %c0_i32_0 : i32, i32
  }
  func.func @transform_2(%arg0: i32) -> (i32, i32) {
    %c0_i32 = arith.constant 0 : i32
    %c0_i32_0 = arith.constant 0 : i32
    %c0_i32_1 = arith.constant 0 : i32
    return %c0_i32, %c0_i32_0 : i32, i32
  }
  func.func @transform_3(%arg0: i32) -> (i32, i32) {
    %c0_i32 = arith.constant 0 : i32
    %c0_i32_0 = arith.constant 0 : i32
    %c0_i32_1 = arith.constant 0 : i32
    return %c0_i32, %c0_i32_0 : i32, i32
  }
  func.func @transform_4(%arg0: i32) -> (i32, i32) {
    %c0_i32 = arith.constant 0 : i32
    %c0_i32_0 = arith.constant 0 : i32
    %c0_i32_1 = arith.constant 0 : i32
    return %c0_i32, %c0_i32_0 : i32, i32
  }
  func.func @transform_5(%arg0: i32) -> (i32, i32) {
    %c0_i32 = arith.constant 0 : i32
    %c0_i32_0 = arith.constant 0 : i32
    %c0_i32_1 = arith.constant 0 : i32
    return %c0_i32, %c0_i32_0 : i32, i32
  }
  func.func @transform_6(%arg0: i32) -> (i32, i32) {
    %c0_i32 = arith.constant 0 : i32
    %c0_i32_0 = arith.constant 0 : i32
    %c0_i32_1 = arith.constant 0 : i32
    return %c0_i32, %c0_i32_0 : i32, i32
  }
  func.func @transform_7(%arg0: i32) -> (i32, i32) {
    %c0_i32 = arith.constant 0 : i32
    %c0_i32_0 = arith.constant 0 : i32
    return %arg0, %c0_i32 : i32, i32
  }
  func.func @transform_8(%arg0: i32) -> (i32, i32) {
    %c0_i32 = arith.constant 0 : i32
    %c0_i32_0 = arith.constant 0 : i32
    return %arg0, %c0_i32 : i32, i32
  }
  func.func @transform_9(%arg0: i32) -> (i32, i32) {
    %c0_i32 = arith.constant 0 : i32
    %c0_i32_0 = arith.constant 0 : i32
    return %arg0, %c0_i32 : i32, i32
  }
}

module attributes {stable_mosaic.version = 14 : i64} {
  func.func @_tc_edge_body(%arg0: i32, %arg1: memref<16x2048xf32, #tpu.memory_space<vmem>>, %arg2: memref<16x128xf32, #tpu.memory_space<vmem>>, %arg3: memref<1x128xf32, #tpu.memory_space<vmem>>, %arg4: memref<16x64xf32, #tpu.memory_space<vmem>>, %arg5: memref<1x64xf32, #tpu.memory_space<vmem>>, %arg6: memref<2048x128xf32, #tpu.memory_space<vmem>>, %arg7: memref<2048x64xf32, #tpu.memory_space<vmem>>) attributes {dimension_semantics = [#tpu.dimension_semantics<arbitrary>], iteration_bounds = array<i64: 158>, scalar_prefetch = 0 : i64, scratch_operands = 0 : i64, tpu.core_type = #tpu.core_type<tc>, window_params = [{transform_indices = @transform_0, window_bounds = array<i64: 16, 2048>}, {pipeline_mode = #tpu.pipeline_mode<synchronous>, transform_indices = @transform_1, window_bounds = array<i64: 16, 128>}, {pipeline_mode = #tpu.pipeline_mode<synchronous>, transform_indices = @transform_2, window_bounds = array<i64: 1, 128>}, {pipeline_mode = #tpu.pipeline_mode<synchronous>, transform_indices = @transform_3, window_bounds = array<i64: 16, 64>}, {pipeline_mode = #tpu.pipeline_mode<synchronous>, transform_indices = @transform_4, window_bounds = array<i64: 1, 64>}, {transform_indices = @transform_5, window_bounds = array<i64: 2048, 128>}, {transform_indices = @transform_6, window_bounds = array<i64: 2048, 64>}]} {
    %get3A = arith.constant 0 : index
    %get3A_0 = arith.constant 0 : index
    %get3A_1 = vector.load %arg1[%get3A, %get3A_0] : memref<16x2048xf32, #tpu.memory_space<vmem>>, vector<16x2048xf32>
    %get3A_2 = arith.constant 0 : index
    %get3A_3 = arith.constant 0 : index
    %get3A_4 = vector.load %arg2[%get3A_2, %get3A_3] : memref<16x128xf32, #tpu.memory_space<vmem>>, vector<16x128xf32>
    %dot_general3A = arith.constant dense<0.000000e+00> : vector<2048x128xf32>
    %dot_general3A_5 = tpu.matmul %get3A_1, %get3A_4, %dot_general3A {dimension_numbers = #tpu.dot_dimension_numbers<[0], [0], [1], [1], [0, 1, 1, 1], [], []>, transpose_lhs_hint = false} : vector<16x2048xf32>, vector<16x128xf32>, vector<2048x128xf32> -> vector<2048x128xf32>
    %get3A_6 = arith.constant 0 : index
    %get3A_7 = arith.constant 0 : index
    %get3A_8 = vector.load %arg3[%get3A_6, %get3A_7] : memref<1x128xf32, #tpu.memory_space<vmem>>, vector<1x128xf32>
    %add3A = vector.broadcast %get3A_8 : vector<1x128xf32> to vector<2048x128xf32>
    %add3A_9 = arith.addf %dot_general3A_5, %add3A : vector<2048x128xf32>
    %swap3A = arith.constant 0 : index
    %swap3A_10 = arith.constant 0 : index
    %swap3A_11 = vector.load %arg6[%swap3A, %swap3A_10] : memref<2048x128xf32, #tpu.memory_space<vmem>>, vector<2048x128xf32>
    tpu.vector_store %arg6[%swap3A, %swap3A_10], %add3A_9 {strides = array<i32>} : memref<2048x128xf32, #tpu.memory_space<vmem>>, vector<2048x128xf32>,
    %get3A_12 = arith.constant 0 : index
    %get3A_13 = arith.constant 0 : index
    %get3A_14 = vector.load %arg4[%get3A_12, %get3A_13] : memref<16x64xf32, #tpu.memory_space<vmem>>, vector<16x64xf32>
    %dot_general3A_15 = arith.constant dense<0.000000e+00> : vector<2048x64xf32>
    %dot_general3A_16 = tpu.matmul %get3A_1, %get3A_14, %dot_general3A_15 {dimension_numbers = #tpu.dot_dimension_numbers<[0], [0], [1], [1], [0, 1, 1, 1], [], []>, transpose_lhs_hint = false} : vector<16x2048xf32>, vector<16x64xf32>, vector<2048x64xf32> -> vector<2048x64xf32>
    %get3A_17 = arith.constant 0 : index
    %get3A_18 = arith.constant 0 : index
    %get3A_19 = vector.load %arg5[%get3A_17, %get3A_18] : memref<1x64xf32, #tpu.memory_space<vmem>>, vector<1x64xf32>
    %add3A_20 = vector.broadcast %get3A_19 : vector<1x64xf32> to vector<2048x64xf32>
    %add3A_21 = arith.addf %dot_general3A_16, %add3A_20 : vector<2048x64xf32>
    %swap3A_22 = arith.constant 0 : index
    %swap3A_23 = arith.constant 0 : index
    %swap3A_24 = vector.load %arg7[%swap3A_22, %swap3A_23] : memref<2048x64xf32, #tpu.memory_space<vmem>>, vector<2048x64xf32>
    tpu.vector_store %arg7[%swap3A_22, %swap3A_23], %add3A_21 {strides = array<i32>} : memref<2048x64xf32, #tpu.memory_space<vmem>>, vector<2048x64xf32>,
    return
  }
  func.func @transform_0(%arg0: i32) -> (i32, i32) {
    %c0_i32 = arith.constant 0 : i32
    %c0_i32_0 = arith.constant 0 : i32
    return %c0_i32, %arg0 : i32, i32
  }
  func.func @transform_1(%arg0: i32) -> (i32, i32) {
    %c0_i32 = arith.constant 0 : i32
    %c0_i32_0 = arith.constant 0 : i32
    %c0_i32_1 = arith.constant 0 : i32
    return %c0_i32, %c0_i32_0 : i32, i32
  }
  func.func @transform_2(%arg0: i32) -> (i32, i32) {
    %c0_i32 = arith.constant 0 : i32
    %c0_i32_0 = arith.constant 0 : i32
    %c0_i32_1 = arith.constant 0 : i32
    return %c0_i32, %c0_i32_0 : i32, i32
  }
  func.func @transform_3(%arg0: i32) -> (i32, i32) {
    %c0_i32 = arith.constant 0 : i32
    %c0_i32_0 = arith.constant 0 : i32
    %c0_i32_1 = arith.constant 0 : i32
    return %c0_i32, %c0_i32_0 : i32, i32
  }
  func.func @transform_4(%arg0: i32) -> (i32, i32) {
    %c0_i32 = arith.constant 0 : i32
    %c0_i32_0 = arith.constant 0 : i32
    %c0_i32_1 = arith.constant 0 : i32
    return %c0_i32, %c0_i32_0 : i32, i32
  }
  func.func @transform_5(%arg0: i32) -> (i32, i32) {
    %c0_i32 = arith.constant 0 : i32
    %c0_i32_0 = arith.constant 0 : i32
    return %arg0, %c0_i32 : i32, i32
  }
  func.func @transform_6(%arg0: i32) -> (i32, i32) {
    %c0_i32 = arith.constant 0 : i32
    %c0_i32_0 = arith.constant 0 : i32
    return %arg0, %c0_i32 : i32, i32
  }
}

module attributes {stable_mosaic.version = 14 : i64} {
  func.func @_tc_deg_body(%arg0: i32, %arg1: memref<32x10240xf32, #tpu.memory_space<vmem>>, %arg2: memref<10240x128xf32, #tpu.memory_space<vmem>>) attributes {dimension_semantics = [#tpu.dimension_semantics<arbitrary>], iteration_bounds = array<i64: 1>, scalar_prefetch = 0 : i64, scratch_operands = 0 : i64, tpu.core_type = #tpu.core_type<tc>, window_params = [{pipeline_mode = #tpu.pipeline_mode<synchronous>, transform_indices = @transform_0, window_bounds = array<i64: 32, 10240>}, {pipeline_mode = #tpu.pipeline_mode<synchronous>, transform_indices = @transform_1, window_bounds = array<i64: 10240, 128>}]} {
    %get3A = arith.constant 0 : index
    %get3A_0 = arith.constant 0 : index
    %get3A_1 = vector.load %arg1[%get3A, %get3A_0] : memref<32x10240xf32, #tpu.memory_space<vmem>>, vector<32x10240xf32>
    %reduce_sum3A = arith.constant dense<0.000000e+00> : vector<10240xf32>
    %reduce_sum3A_2 = vector.multi_reduction <add>, %get3A_1, %reduce_sum3A [0] : vector<32x10240xf32> to vector<10240xf32>
    %broadcast_in_dim3A = vector.shape_cast %reduce_sum3A_2 : vector<10240xf32> to vector<10240x1xf32>
    %broadcast_in_dim3A_3 = vector.shape_cast %broadcast_in_dim3A : vector<10240x1xf32> to vector<10240x1xf32>
    %broadcast_in_dim3A_4 = vector.broadcast %broadcast_in_dim3A_3 : vector<10240x1xf32> to vector<10240x128xf32>
    %swap3A = arith.constant 0 : index
    %swap3A_5 = arith.constant 0 : index
    %swap3A_6 = vector.load %arg2[%swap3A, %swap3A_5] : memref<10240x128xf32, #tpu.memory_space<vmem>>, vector<10240x128xf32>
    tpu.vector_store %arg2[%swap3A, %swap3A_5], %broadcast_in_dim3A_4 {strides = array<i32>} : memref<10240x128xf32, #tpu.memory_space<vmem>>, vector<10240x128xf32>,
    return
  }
  func.func @transform_0(%arg0: i32) -> (i32, i32) {
    %c0_i32 = arith.constant 0 : i32
    %c0_i32_0 = arith.constant 0 : i32
    %c0_i32_1 = arith.constant 0 : i32
    return %c0_i32, %c0_i32_0 : i32, i32
  }
  func.func @transform_1(%arg0: i32) -> (i32, i32) {
    %c0_i32 = arith.constant 0 : i32
    %c0_i32_0 = arith.constant 0 : i32
    %c0_i32_1 = arith.constant 0 : i32
    return %c0_i32, %c0_i32_0 : i32, i32
  }
}

module attributes {stable_mosaic.version = 14 : i64} {
  func.func @_tc_mid_body(%arg0: i32, %arg1: memref<1024x128xf32, #tpu.memory_space<vmem>>, %arg2: memref<1024x128xf32, #tpu.memory_space<vmem>>, %arg3: memref<1024x128xf32, #tpu.memory_space<vmem>>, %arg4: memref<1024x128xf32, #tpu.memory_space<vmem>>, %arg5: memref<128x128xf32, #tpu.memory_space<vmem>>, %arg6: memref<1x128xf32, #tpu.memory_space<vmem>>, %arg7: memref<128x128xf32, #tpu.memory_space<vmem>>, %arg8: memref<128x128xf32, #tpu.memory_space<vmem>>, %arg9: memref<1x128xf32, #tpu.memory_space<vmem>>, %arg10: memref<128x128xf32, #tpu.memory_space<vmem>>, %arg11: memref<1x128xf32, #tpu.memory_space<vmem>>, %arg12: memref<1x128xf32, #tpu.memory_space<vmem>>, %arg13: memref<1x128xf32, #tpu.memory_space<vmem>>, %arg14: memref<128x128xf32, #tpu.memory_space<vmem>>, %arg15: memref<1024x128xf32, #tpu.memory_space<vmem>>, %arg16: memref<1024x128xf32, #tpu.memory_space<vmem>>) attributes {dimension_semantics = [#tpu.dimension_semantics<arbitrary>], iteration_bounds = array<i64: 10>, scalar_prefetch = 0 : i64, scratch_operands = 0 : i64, tpu.core_type = #tpu.core_type<tc>, window_params = [{transform_indices = @transform_0, window_bounds = array<i64: 1024, 128>}, {transform_indices = @transform_1, window_bounds = array<i64: 1024, 128>}, {transform_indices = @transform_2, window_bounds = array<i64: 1024, 128>}, {transform_indices = @transform_3, window_bounds = array<i64: 1024, 128>}, {pipeline_mode = #tpu.pipeline_mode<synchronous>, transform_indices = @transform_4, window_bounds = array<i64: 128, 128>}, {pipeline_mode = #tpu.pipeline_mode<synchronous>, transform_indices = @transform_5, window_bounds = array<i64: 1, 128>}, {pipeline_mode = #tpu.pipeline_mode<synchronous>, transform_indices = @transform_6, window_bounds = array<i64: 128, 128>}, {pipeline_mode = #tpu.pipeline_mode<synchronous>, transform_indices = @transform_7, window_bounds = array<i64: 128, 128>}, {pipeline_mode = #tpu.pipeline_mode<synchronous>, transform_indices = @transform_8, window_bounds = array<i64: 1, 128>}, {pipeline_mode = #tpu.pipeline_mode<synchronous>, transform_indices = @transform_9, window_bounds = array<i64: 128, 128>}, {pipeline_mode = #tpu.pipeline_mode<synchronous>, transform_indices = @transform_10, window_bounds = array<i64: 1, 128>}, {pipeline_mode = #tpu.pipeline_mode<synchronous>, transform_indices = @transform_11, window_bounds = array<i64: 1, 128>}, {pipeline_mode = #tpu.pipeline_mode<synchronous>, transform_indices = @transform_12, window_bounds = array<i64: 1, 128>}, {pipeline_mode = #tpu.pipeline_mode<synchronous>, transform_indices = @transform_13, window_bounds = array<i64: 128, 128>}, {transform_indices = @transform_14, window_bounds = array<i64: 1024, 128>}, {transform_indices = @transform_15, window_bounds = array<i64: 1024, 128>}]} {
    %get3A = arith.constant 0 : index
    %get3A_0 = arith.constant 0 : index
    %get3A_1 = vector.load %arg2[%get3A, %get3A_0] : memref<1024x128xf32, #tpu.memory_space<vmem>>, vector<1024x128xf32>
    %get3A_2 = arith.constant 0 : index
    %get3A_3 = arith.constant 0 : index
    %get3A_4 = vector.load %arg3[%get3A_2, %get3A_3] : memref<1024x128xf32, #tpu.memory_space<vmem>>, vector<1024x128xf32>
    %add3A = arith.addf %get3A_1, %get3A_4 : vector<1024x128xf32>
    %get3A_5 = arith.constant 0 : index
    %get3A_6 = arith.constant 0 : index
    %get3A_7 = vector.load %arg4[%get3A_5, %get3A_6] : memref<1024x128xf32, #tpu.memory_space<vmem>>, vector<1024x128xf32>
    %max3A = arith.constant 1.000000e+00 : f32
    %max3A_8 = vector.broadcast %max3A : f32 to vector<1024x128xf32>
    %max3A_9 = arith.maximumf %get3A_7, %max3A_8 : vector<1024x128xf32>
    %div3A = arith.divf %add3A, %max3A_9 : vector<1024x128xf32>
    %get3A_10 = arith.constant 0 : index
    %get3A_11 = arith.constant 0 : index
    %get3A_12 = vector.load %arg5[%get3A_10, %get3A_11] : memref<128x128xf32, #tpu.memory_space<vmem>>, vector<128x128xf32>
    %dot_general3A = arith.constant dense<0.000000e+00> : vector<1024x128xf32>
    %dot_general3A_13 = tpu.matmul %div3A, %get3A_12, %dot_general3A {dimension_numbers = #tpu.dot_dimension_numbers<[1], [0], [0], [1], [0, 0, 1, 1], [], []>, transpose_lhs_hint = false} : vector<1024x128xf32>, vector<128x128xf32>, vector<1024x128xf32> -> vector<1024x128xf32>
    %gt3A = arith.constant 0.000000e+00 : f32
    %gt3A_14 = vector.broadcast %gt3A : f32 to vector<1024x128xf32>
    %gt3A_15 = arith.cmpf ogt, %get3A_7, %gt3A_14 : vector<1024x128xf32>
    %jit3A = arith.constant 1.000000e+00 : f32
    %jit3A_16 = arith.constant 0.000000e+00 : f32
    %broadcast_in_dim3A = vector.broadcast %jit3A : f32 to vector<1024x128xf32>
    %broadcast_in_dim3A_17 = vector.broadcast %jit3A_16 : f32 to vector<1024x128xf32>
    %select_n3A = arith.select %gt3A_15, %broadcast_in_dim3A, %broadcast_in_dim3A_17 : vector<1024x128xi1>, vector<1024x128xf32>
    %get3A_18 = arith.constant 0 : index
    %get3A_19 = arith.constant 0 : index
    %get3A_20 = vector.load %arg6[%get3A_18, %get3A_19] : memref<1x128xf32, #tpu.memory_space<vmem>>, vector<1x128xf32>
    %mul3A = vector.broadcast %get3A_20 : vector<1x128xf32> to vector<1024x128xf32>
    %mul3A_21 = arith.mulf %select_n3A, %mul3A : vector<1024x128xf32>
    %add3A_22 = arith.addf %dot_general3A_13, %mul3A_21 : vector<1024x128xf32>
    %get3A_23 = arith.constant 0 : index
    %get3A_24 = arith.constant 0 : index
    %get3A_25 = vector.load %arg1[%get3A_23, %get3A_24] : memref<1024x128xf32, #tpu.memory_space<vmem>>, vector<1024x128xf32>
    %get3A_26 = arith.constant 0 : index
    %get3A_27 = arith.constant 0 : index
    %get3A_28 = vector.load %arg7[%get3A_26, %get3A_27] : memref<128x128xf32, #tpu.memory_space<vmem>>, vector<128x128xf32>
    %dot_general3A_29 = arith.constant dense<0.000000e+00> : vector<1024x128xf32>
    %dot_general3A_30 = tpu.matmul %get3A_25, %get3A_28, %dot_general3A_29 {dimension_numbers = #tpu.dot_dimension_numbers<[1], [0], [0], [1], [0, 0, 1, 1], [], []>, transpose_lhs_hint = false} : vector<1024x128xf32>, vector<128x128xf32>, vector<1024x128xf32> -> vector<1024x128xf32>
    %get3A_31 = arith.constant 0 : index
    %get3A_32 = arith.constant 0 : index
    %get3A_33 = vector.load %arg8[%get3A_31, %get3A_32] : memref<128x128xf32, #tpu.memory_space<vmem>>, vector<128x128xf32>
    %dot_general3A_34 = arith.constant dense<0.000000e+00> : vector<1024x128xf32>
    %dot_general3A_35 = tpu.matmul %add3A_22, %get3A_33, %dot_general3A_34 {dimension_numbers = #tpu.dot_dimension_numbers<[1], [0], [0], [1], [0, 0, 1, 1], [], []>, transpose_lhs_hint = false} : vector<1024x128xf32>, vector<128x128xf32>, vector<1024x128xf32> -> vector<1024x128xf32>
    %add3A_36 = arith.addf %dot_general3A_30, %dot_general3A_35 : vector<1024x128xf32>
    %get3A_37 = arith.constant 0 : index
    %get3A_38 = arith.constant 0 : index
    %get3A_39 = vector.load %arg9[%get3A_37, %get3A_38] : memref<1x128xf32, #tpu.memory_space<vmem>>, vector<1x128xf32>
    %add3A_40 = vector.broadcast %get3A_39 : vector<1x128xf32> to vector<1024x128xf32>
    %add3A_41 = arith.addf %add3A_36, %add3A_40 : vector<1024x128xf32>
    %max3A_42 = arith.constant 0.000000e+00 : f32
    %max3A_43 = vector.broadcast %max3A_42 : f32 to vector<1024x128xf32>
    %max3A_44 = arith.maximumf %add3A_41, %max3A_43 : vector<1024x128xf32>
    %get3A_45 = arith.constant 0 : index
    %get3A_46 = arith.constant 0 : index
    %get3A_47 = vector.load %arg10[%get3A_45, %get3A_46] : memref<128x128xf32, #tpu.memory_space<vmem>>, vector<128x128xf32>
    %dot_general3A_48 = arith.constant dense<0.000000e+00> : vector<1024x128xf32>
    %dot_general3A_49 = tpu.matmul %max3A_44, %get3A_47, %dot_general3A_48 {dimension_numbers = #tpu.dot_dimension_numbers<[1], [0], [0], [1], [0, 0, 1, 1], [], []>, transpose_lhs_hint = false} : vector<1024x128xf32>, vector<128x128xf32>, vector<1024x128xf32> -> vector<1024x128xf32>
    %get3A_50 = arith.constant 0 : index
    %get3A_51 = arith.constant 0 : index
    %get3A_52 = vector.load %arg11[%get3A_50, %get3A_51] : memref<1x128xf32, #tpu.memory_space<vmem>>, vector<1x128xf32>
    %add3A_53 = vector.broadcast %get3A_52 : vector<1x128xf32> to vector<1024x128xf32>
    %add3A_54 = arith.addf %dot_general3A_49, %add3A_53 : vector<1024x128xf32>
    %mul3A_55 = arith.constant 0.999994993 : f32
    %mul3A_56 = vector.broadcast %mul3A_55 : f32 to vector<1024x128xf32>
    %mul3A_57 = arith.mulf %add3A_54, %mul3A_56 : vector<1024x128xf32>
    %get3A_58 = arith.constant 0 : index
    %get3A_59 = arith.constant 0 : index
    %get3A_60 = vector.load %arg12[%get3A_58, %get3A_59] : memref<1x128xf32, #tpu.memory_space<vmem>>, vector<1x128xf32>
    %mul3A_61 = vector.broadcast %get3A_60 : vector<1x128xf32> to vector<1024x128xf32>
    %mul3A_62 = arith.mulf %mul3A_57, %mul3A_61 : vector<1024x128xf32>
    %get3A_63 = arith.constant 0 : index
    %get3A_64 = arith.constant 0 : index
    %get3A_65 = vector.load %arg13[%get3A_63, %get3A_64] : memref<1x128xf32, #tpu.memory_space<vmem>>, vector<1x128xf32>
    %add3A_66 = vector.broadcast %get3A_65 : vector<1x128xf32> to vector<1024x128xf32>
    %add3A_67 = arith.addf %mul3A_62, %add3A_66 : vector<1024x128xf32>
    %max3A_68 = arith.constant 0.000000e+00 : f32
    %max3A_69 = vector.broadcast %max3A_68 : f32 to vector<1024x128xf32>
    %max3A_70 = arith.maximumf %add3A_67, %max3A_69 : vector<1024x128xf32>
    %add3A_71 = arith.addf %get3A_25, %max3A_70 : vector<1024x128xf32>
    %swap3A = arith.constant 0 : index
    %swap3A_72 = arith.constant 0 : index
    %swap3A_73 = vector.load %arg15[%swap3A, %swap3A_72] : memref<1024x128xf32, #tpu.memory_space<vmem>>, vector<1024x128xf32>
    tpu.vector_store %arg15[%swap3A, %swap3A_72], %add3A_71 {strides = array<i32>} : memref<1024x128xf32, #tpu.memory_space<vmem>>, vector<1024x128xf32>,
    %get3A_74 = arith.constant 0 : index
    %get3A_75 = arith.constant 0 : index
    %get3A_76 = vector.load %arg14[%get3A_74, %get3A_75] : memref<128x128xf32, #tpu.memory_space<vmem>>, vector<128x128xf32>
    %dot_general3A_77 = arith.constant dense<0.000000e+00> : vector<1024x128xf32>
    %dot_general3A_78 = tpu.matmul %add3A_71, %get3A_76, %dot_general3A_77 {dimension_numbers = #tpu.dot_dimension_numbers<[1], [0], [0], [1], [0, 0, 1, 1], [], []>, transpose_lhs_hint = false} : vector<1024x128xf32>, vector<128x128xf32>, vector<1024x128xf32> -> vector<1024x128xf32>
    %swap3A_79 = arith.constant 0 : index
    %swap3A_80 = arith.constant 0 : index
    %swap3A_81 = vector.load %arg16[%swap3A_79, %swap3A_80] : memref<1024x128xf32, #tpu.memory_space<vmem>>, vector<1024x128xf32>
    tpu.vector_store %arg16[%swap3A_79, %swap3A_80], %dot_general3A_78 {strides = array<i32>} : memref<1024x128xf32, #tpu.memory_space<vmem>>, vector<1024x128xf32>,
    return
  }
  func.func @transform_0(%arg0: i32) -> (i32, i32) {
    %c0_i32 = arith.constant 0 : i32
    %c0_i32_0 = arith.constant 0 : i32
    return %arg0, %c0_i32 : i32, i32
  }
  func.func @transform_1(%arg0: i32) -> (i32, i32) {
    %c0_i32 = arith.constant 0 : i32
    %c0_i32_0 = arith.constant 0 : i32
    return %arg0, %c0_i32 : i32, i32
  }
  func.func @transform_2(%arg0: i32) -> (i32, i32) {
    %c0_i32 = arith.constant 0 : i32
    %c0_i32_0 = arith.constant 0 : i32
    return %arg0, %c0_i32 : i32, i32
  }
  func.func @transform_3(%arg0: i32) -> (i32, i32) {
    %c0_i32 = arith.constant 0 : i32
    %c0_i32_0 = arith.constant 0 : i32
    return %arg0, %c0_i32 : i32, i32
  }
  func.func @transform_4(%arg0: i32) -> (i32, i32) {
    %c0_i32 = arith.constant 0 : i32
    %c0_i32_0 = arith.constant 0 : i32
    %c0_i32_1 = arith.constant 0 : i32
    return %c0_i32, %c0_i32_0 : i32, i32
  }
  func.func @transform_5(%arg0: i32) -> (i32, i32) {
    %c0_i32 = arith.constant 0 : i32
    %c0_i32_0 = arith.constant 0 : i32
    %c0_i32_1 = arith.constant 0 : i32
    return %c0_i32, %c0_i32_0 : i32, i32
  }
  func.func @transform_6(%arg0: i32) -> (i32, i32) {
    %c0_i32 = arith.constant 0 : i32
    %c0_i32_0 = arith.constant 0 : i32
    %c0_i32_1 = arith.constant 0 : i32
    return %c0_i32, %c0_i32_0 : i32, i32
  }
  func.func @transform_7(%arg0: i32) -> (i32, i32) {
    %c0_i32 = arith.constant 0 : i32
    %c0_i32_0 = arith.constant 0 : i32
    %c0_i32_1 = arith.constant 0 : i32
    return %c0_i32, %c0_i32_0 : i32, i32
  }
  func.func @transform_8(%arg0: i32) -> (i32, i32) {
    %c0_i32 = arith.constant 0 : i32
    %c0_i32_0 = arith.constant 0 : i32
    %c0_i32_1 = arith.constant 0 : i32
    return %c0_i32, %c0_i32_0 : i32, i32
  }
  func.func @transform_9(%arg0: i32) -> (i32, i32) {
    %c0_i32 = arith.constant 0 : i32
    %c0_i32_0 = arith.constant 0 : i32
    %c0_i32_1 = arith.constant 0 : i32
    return %c0_i32, %c0_i32_0 : i32, i32
  }
  func.func @transform_10(%arg0: i32) -> (i32, i32) {
    %c0_i32 = arith.constant 0 : i32
    %c0_i32_0 = arith.constant 0 : i32
    %c0_i32_1 = arith.constant 0 : i32
    return %c0_i32, %c0_i32_0 : i32, i32
  }
  func.func @transform_11(%arg0: i32) -> (i32, i32) {
    %c0_i32 = arith.constant 0 : i32
    %c0_i32_0 = arith.constant 0 : i32
    %c0_i32_1 = arith.constant 0 : i32
    return %c0_i32, %c0_i32_0 : i32, i32
  }
  func.func @transform_12(%arg0: i32) -> (i32, i32) {
    %c0_i32 = arith.constant 0 : i32
    %c0_i32_0 = arith.constant 0 : i32
    %c0_i32_1 = arith.constant 0 : i32
    return %c0_i32, %c0_i32_0 : i32, i32
  }
  func.func @transform_13(%arg0: i32) -> (i32, i32) {
    %c0_i32 = arith.constant 0 : i32
    %c0_i32_0 = arith.constant 0 : i32
    %c0_i32_1 = arith.constant 0 : i32
    return %c0_i32, %c0_i32_0 : i32, i32
  }
  func.func @transform_14(%arg0: i32) -> (i32, i32) {
    %c0_i32 = arith.constant 0 : i32
    %c0_i32_0 = arith.constant 0 : i32
    return %arg0, %c0_i32 : i32, i32
  }
  func.func @transform_15(%arg0: i32) -> (i32, i32) {
    %c0_i32 = arith.constant 0 : i32
    %c0_i32_0 = arith.constant 0 : i32
    return %arg0, %c0_i32 : i32, i32
  }
}

module attributes {stable_mosaic.version = 14 : i64} {
  func.func @_tc_post_body(%arg0: i32, %arg1: memref<1024x128xf32, #tpu.memory_space<vmem>>, %arg2: memref<1024x128xf32, #tpu.memory_space<vmem>>, %arg3: memref<1024x128xf32, #tpu.memory_space<vmem>>, %arg4: memref<1024x128xf32, #tpu.memory_space<vmem>>, %arg5: memref<64x64xf32, #tpu.memory_space<vmem>>, %arg6: memref<1x64xf32, #tpu.memory_space<vmem>>, %arg7: memref<128x64xf32, #tpu.memory_space<vmem>>, %arg8: memref<64x64xf32, #tpu.memory_space<vmem>>, %arg9: memref<1x64xf32, #tpu.memory_space<vmem>>, %arg10: memref<64x64xf32, #tpu.memory_space<vmem>>, %arg11: memref<1x64xf32, #tpu.memory_space<vmem>>, %arg12: memref<1x64xf32, #tpu.memory_space<vmem>>, %arg13: memref<1x64xf32, #tpu.memory_space<vmem>>, %arg14: memref<128x64xf32, #tpu.memory_space<vmem>>, %arg15: memref<1x64xf32, #tpu.memory_space<vmem>>, %arg16: memref<64x32xf32, #tpu.memory_space<vmem>>, %arg17: memref<1x32xf32, #tpu.memory_space<vmem>>, %arg18: memref<1x32xf32, #tpu.memory_space<vmem>>, %arg19: memref<1x128xf32, #tpu.memory_space<vmem>>, %arg20: memref<1024x128xf32, #tpu.memory_space<vmem>>) attributes {dimension_semantics = [#tpu.dimension_semantics<arbitrary>], iteration_bounds = array<i64: 10>, scalar_prefetch = 0 : i64, scratch_operands = 0 : i64, tpu.core_type = #tpu.core_type<tc>, window_params = [{transform_indices = @transform_0, window_bounds = array<i64: 1024, 128>}, {transform_indices = @transform_1, window_bounds = array<i64: 1024, 128>}, {transform_indices = @transform_2, window_bounds = array<i64: 1024, 128>}, {transform_indices = @transform_3, window_bounds = array<i64: 1024, 128>}, {pipeline_mode = #tpu.pipeline_mode<synchronous>, transform_indices = @transform_4, window_bounds = array<i64: 64, 64>}, {pipeline_mode = #tpu.pipeline_mode<synchronous>, transform_indices = @transform_5, window_bounds = array<i64: 1, 64>}, {pipeline_mode = #tpu.pipeline_mode<synchronous>, transform_indices = @transform_6, window_bounds = array<i64: 128, 64>}, {pipeline_mode = #tpu.pipeline_mode<synchronous>, transform_indices = @transform_7, window_bounds = array<i64: 64, 64>}, {pipeline_mode = #tpu.pipeline_mode<synchronous>, transform_indices = @transform_8, window_bounds = array<i64: 1, 64>}, {pipeline_mode = #tpu.pipeline_mode<synchronous>, transform_indices = @transform_9, window_bounds = array<i64: 64, 64>}, {pipeline_mode = #tpu.pipeline_mode<synchronous>, transform_indices = @transform_10, window_bounds = array<i64: 1, 64>}, {pipeline_mode = #tpu.pipeline_mode<synchronous>, transform_indices = @transform_11, window_bounds = array<i64: 1, 64>}, {pipeline_mode = #tpu.pipeline_mode<synchronous>, transform_indices = @transform_12, window_bounds = array<i64: 1, 64>}, {pipeline_mode = #tpu.pipeline_mode<synchronous>, transform_indices = @transform_13, window_bounds = array<i64: 128, 64>}, {pipeline_mode = #tpu.pipeline_mode<synchronous>, transform_indices = @transform_14, window_bounds = array<i64: 1, 64>}, {pipeline_mode = #tpu.pipeline_mode<synchronous>, transform_indices = @transform_15, window_bounds = array<i64: 64, 32>}, {pipeline_mode = #tpu.pipeline_mode<synchronous>, transform_indices = @transform_16, window_bounds = array<i64: 1, 32>}, {pipeline_mode = #tpu.pipeline_mode<synchronous>, transform_indices = @transform_17, window_bounds = array<i64: 1, 32>}, {pipeline_mode = #tpu.pipeline_mode<synchronous>, transform_indices = @transform_18, window_bounds = array<i64: 1, 128>}, {transform_indices = @transform_19, window_bounds = array<i64: 1024, 128>}]} {
    %get3A = arith.constant 0 : index
    %get3A_0 = arith.constant 0 : index
    %get3A_1 = vector.load %arg2[%get3A, %get3A_0] : memref<1024x128xf32, #tpu.memory_space<vmem>>, vector<1024x128xf32>
    %get3A_2 = arith.constant 0 : index
    %get3A_3 = arith.constant 0 : index
    %get3A_4 = vector.load %arg3[%get3A_2, %get3A_3] : memref<1024x128xf32, #tpu.memory_space<vmem>>, vector<1024x128xf32>
    %add3A = arith.addf %get3A_1, %get3A_4 : vector<1024x128xf32>
    %slice3A = vector.extract_strided_slice %add3A {offsets = [0, 0], sizes = [1024, 64], strides = [1, 1]} : vector<1024x128xf32> to vector<1024x64xf32>
    %get3A_5 = arith.constant 0 : index
    %get3A_6 = arith.constant 0 : index
    %get3A_7 = vector.load %arg4[%get3A_5, %get3A_6] : memref<1024x128xf32, #tpu.memory_space<vmem>>, vector<1024x64xf32>
    %max3A = arith.constant 1.000000e+00 : f32
    %max3A_8 = vector.broadcast %max3A : f32 to vector<1024x64xf32>
    %max3A_9 = arith.maximumf %get3A_7, %max3A_8 : vector<1024x64xf32>
    %div3A = arith.divf %slice3A, %max3A_9 : vector<1024x64xf32>
    %get3A_10 = arith.constant 0 : index
    %get3A_11 = arith.constant 0 : index
    %get3A_12 = vector.load %arg5[%get3A_10, %get3A_11] : memref<64x64xf32, #tpu.memory_space<vmem>>, vector<64x64xf32>
    %dot_general3A = arith.constant dense<0.000000e+00> : vector<1024x64xf32>
    %dot_general3A_13 = tpu.matmul %div3A, %get3A_12, %dot_general3A {dimension_numbers = #tpu.dot_dimension_numbers<[1], [0], [0], [1], [0, 0, 1, 1], [], []>, transpose_lhs_hint = false} : vector<1024x64xf32>, vector<64x64xf32>, vector<1024x64xf32> -> vector<1024x64xf32>
    %gt3A = arith.constant 0.000000e+00 : f32
    %gt3A_14 = vector.broadcast %gt3A : f32 to vector<1024x64xf32>
    %gt3A_15 = arith.cmpf ogt, %get3A_7, %gt3A_14 : vector<1024x64xf32>
    %jit3A = arith.constant 1.000000e+00 : f32
    %jit3A_16 = arith.constant 0.000000e+00 : f32
    %broadcast_in_dim3A = vector.broadcast %jit3A : f32 to vector<1024x64xf32>
    %broadcast_in_dim3A_17 = vector.broadcast %jit3A_16 : f32 to vector<1024x64xf32>
    %select_n3A = arith.select %gt3A_15, %broadcast_in_dim3A, %broadcast_in_dim3A_17 : vector<1024x64xi1>, vector<1024x64xf32>
    %get3A_18 = arith.constant 0 : index
    %get3A_19 = arith.constant 0 : index
    %get3A_20 = vector.load %arg6[%get3A_18, %get3A_19] : memref<1x64xf32, #tpu.memory_space<vmem>>, vector<1x64xf32>
    %mul3A = vector.broadcast %get3A_20 : vector<1x64xf32> to vector<1024x64xf32>
    %mul3A_21 = arith.mulf %select_n3A, %mul3A : vector<1024x64xf32>
    %add3A_22 = arith.addf %dot_general3A_13, %mul3A_21 : vector<1024x64xf32>
    %get3A_23 = arith.constant 0 : index
    %get3A_24 = arith.constant 0 : index
    %get3A_25 = vector.load %arg1[%get3A_23, %get3A_24] : memref<1024x128xf32, #tpu.memory_space<vmem>>, vector<1024x128xf32>
    %get3A_26 = arith.constant 0 : index
    %get3A_27 = arith.constant 0 : index
    %get3A_28 = vector.load %arg7[%get3A_26, %get3A_27] : memref<128x64xf32, #tpu.memory_space<vmem>>, vector<128x64xf32>
    %dot_general3A_29 = arith.constant dense<0.000000e+00> : vector<1024x64xf32>
    %dot_general3A_30 = tpu.matmul %get3A_25, %get3A_28, %dot_general3A_29 {dimension_numbers = #tpu.dot_dimension_numbers<[1], [0], [0], [1], [0, 0, 1, 1], [], []>, transpose_lhs_hint = false} : vector<1024x128xf32>, vector<128x64xf32>, vector<1024x64xf32> -> vector<1024x64xf32>
    %get3A_31 = arith.constant 0 : index
    %get3A_32 = arith.constant 0 : index
    %get3A_33 = vector.load %arg8[%get3A_31, %get3A_32] : memref<64x64xf32, #tpu.memory_space<vmem>>, vector<64x64xf32>
    %dot_general3A_34 = arith.constant dense<0.000000e+00> : vector<1024x64xf32>
    %dot_general3A_35 = tpu.matmul %add3A_22, %get3A_33, %dot_general3A_34 {dimension_numbers = #tpu.dot_dimension_numbers<[1], [0], [0], [1], [0, 0, 1, 1], [], []>, transpose_lhs_hint = false} : vector<1024x64xf32>, vector<64x64xf32>, vector<1024x64xf32> -> vector<1024x64xf32>
    %add3A_36 = arith.addf %dot_general3A_30, %dot_general3A_35 : vector<1024x64xf32>
    %get3A_37 = arith.constant 0 : index
    %get3A_38 = arith.constant 0 : index
    %get3A_39 = vector.load %arg9[%get3A_37, %get3A_38] : memref<1x64xf32, #tpu.memory_space<vmem>>, vector<1x64xf32>
    %add3A_40 = vector.broadcast %get3A_39 : vector<1x64xf32> to vector<1024x64xf32>
    %add3A_41 = arith.addf %add3A_36, %add3A_40 : vector<1024x64xf32>
    %max3A_42 = arith.constant 0.000000e+00 : f32
    %max3A_43 = vector.broadcast %max3A_42 : f32 to vector<1024x64xf32>
    %max3A_44 = arith.maximumf %add3A_41, %max3A_43 : vector<1024x64xf32>
    %get3A_45 = arith.constant 0 : index
    %get3A_46 = arith.constant 0 : index
    %get3A_47 = vector.load %arg10[%get3A_45, %get3A_46] : memref<64x64xf32, #tpu.memory_space<vmem>>, vector<64x64xf32>
    %dot_general3A_48 = arith.constant dense<0.000000e+00> : vector<1024x64xf32>
    %dot_general3A_49 = tpu.matmul %max3A_44, %get3A_47, %dot_general3A_48 {dimension_numbers = #tpu.dot_dimension_numbers<[1], [0], [0], [1], [0, 0, 1, 1], [], []>, transpose_lhs_hint = false} : vector<1024x64xf32>, vector<64x64xf32>, vector<1024x64xf32> -> vector<1024x64xf32>
    %get3A_50 = arith.constant 0 : index
    %get3A_51 = arith.constant 0 : index
    %get3A_52 = vector.load %arg11[%get3A_50, %get3A_51] : memref<1x64xf32, #tpu.memory_space<vmem>>, vector<1x64xf32>
    %add3A_53 = vector.broadcast %get3A_52 : vector<1x64xf32> to vector<1024x64xf32>
    %add3A_54 = arith.addf %dot_general3A_49, %add3A_53 : vector<1024x64xf32>
    %mul3A_55 = arith.constant 0.999994993 : f32
    %mul3A_56 = vector.broadcast %mul3A_55 : f32 to vector<1024x64xf32>
    %mul3A_57 = arith.mulf %add3A_54, %mul3A_56 : vector<1024x64xf32>
    %get3A_58 = arith.constant 0 : index
    %get3A_59 = arith.constant 0 : index
    %get3A_60 = vector.load %arg12[%get3A_58, %get3A_59] : memref<1x64xf32, #tpu.memory_space<vmem>>, vector<1x64xf32>
    %mul3A_61 = vector.broadcast %get3A_60 : vector<1x64xf32> to vector<1024x64xf32>
    %mul3A_62 = arith.mulf %mul3A_57, %mul3A_61 : vector<1024x64xf32>
    %get3A_63 = arith.constant 0 : index
    %get3A_64 = arith.constant 0 : index
    %get3A_65 = vector.load %arg13[%get3A_63, %get3A_64] : memref<1x64xf32, #tpu.memory_space<vmem>>, vector<1x64xf32>
    %add3A_66 = vector.broadcast %get3A_65 : vector<1x64xf32> to vector<1024x64xf32>
    %add3A_67 = arith.addf %mul3A_62, %add3A_66 : vector<1024x64xf32>
    %max3A_68 = arith.constant 0.000000e+00 : f32
    %max3A_69 = vector.broadcast %max3A_68 : f32 to vector<1024x64xf32>
    %max3A_70 = arith.maximumf %add3A_67, %max3A_69 : vector<1024x64xf32>
    %get3A_71 = arith.constant 0 : index
    %get3A_72 = arith.constant 0 : index
    %get3A_73 = vector.load %arg14[%get3A_71, %get3A_72] : memref<128x64xf32, #tpu.memory_space<vmem>>, vector<128x64xf32>
    %dot_general3A_74 = arith.constant dense<0.000000e+00> : vector<1024x64xf32>
    %dot_general3A_75 = tpu.matmul %get3A_25, %get3A_73, %dot_general3A_74 {dimension_numbers = #tpu.dot_dimension_numbers<[1], [0], [0], [1], [0, 0, 1, 1], [], []>, transpose_lhs_hint = false} : vector<1024x128xf32>, vector<128x64xf32>, vector<1024x64xf32> -> vector<1024x64xf32>
    %get3A_76 = arith.constant 0 : index
    %get3A_77 = arith.constant 0 : index
    %get3A_78 = vector.load %arg15[%get3A_76, %get3A_77] : memref<1x64xf32, #tpu.memory_space<vmem>>, vector<1x64xf32>
    %add3A_79 = vector.broadcast %get3A_78 : vector<1x64xf32> to vector<1024x64xf32>
    %add3A_80 = arith.addf %dot_general3A_75, %add3A_79 : vector<1024x64xf32>
    %add3A_81 = arith.addf %add3A_80, %max3A_70 : vector<1024x64xf32>
    %get3A_82 = arith.constant 0 : index
    %get3A_83 = arith.constant 0 : index
    %get3A_84 = vector.load %arg16[%get3A_82, %get3A_83] : memref<64x32xf32, #tpu.memory_space<vmem>>, vector<64x32xf32>
    %dot_general3A_85 = arith.constant dense<0.000000e+00> : vector<1024x32xf32>
    %dot_general3A_86 = tpu.matmul %add3A_81, %get3A_84, %dot_general3A_85 {dimension_numbers = #tpu.dot_dimension_numbers<[1], [0], [0], [1], [0, 0, 1, 1], [], []>, transpose_lhs_hint = false} : vector<1024x64xf32>, vector<64x32xf32>, vector<1024x32xf32> -> vector<1024x32xf32>
    %get3A_87 = arith.constant 0 : index
    %get3A_88 = arith.constant 0 : index
    %get3A_89 = vector.load %arg17[%get3A_87, %get3A_88] : memref<1x32xf32, #tpu.memory_space<vmem>>, vector<1x32xf32>
    %add3A_90 = vector.broadcast %get3A_89 : vector<1x32xf32> to vector<1024x32xf32>
    %add3A_91 = arith.addf %dot_general3A_86, %add3A_90 : vector<1024x32xf32>
    %max3A_92 = arith.constant 0.000000e+00 : f32
    %max3A_93 = vector.broadcast %max3A_92 : f32 to vector<1024x32xf32>
    %max3A_94 = arith.maximumf %add3A_91, %max3A_93 : vector<1024x32xf32>
    %get3A_95 = arith.constant 0 : index
    %get3A_96 = arith.constant 0 : index
    %get3A_97 = vector.load %arg18[%get3A_95, %get3A_96] : memref<1x32xf32, #tpu.memory_space<vmem>>, vector<1x32xf32>
    %mul3A_98 = vector.broadcast %get3A_97 : vector<1x32xf32> to vector<1024x32xf32>
    %mul3A_99 = arith.mulf %max3A_94, %mul3A_98 : vector<1024x32xf32>
    %reduce_sum3A = arith.constant dense<0.000000e+00> : vector<1024xf32>
    %reduce_sum3A_100 = vector.multi_reduction <add>, %mul3A_99, %reduce_sum3A [1] : vector<1024x32xf32> to vector<1024xf32>
    %broadcast_in_dim3A_101 = vector.shape_cast %reduce_sum3A_100 : vector<1024xf32> to vector<1024x1xf32>
    %get3A_102 = arith.constant 0 : index
    %get3A_103 = arith.constant 0 : index
    %get3A_104 = vector.load %arg19[%get3A_102, %get3A_103] : memref<1x128xf32, #tpu.memory_space<vmem>>, vector<1x1xf32>
    %add3A_105 = vector.broadcast %get3A_104 : vector<1x1xf32> to vector<1024x1xf32>
    %add3A_106 = arith.addf %broadcast_in_dim3A_101, %add3A_105 : vector<1024x1xf32>
    %broadcast_in_dim3A_107 = vector.shape_cast %add3A_106 : vector<1024x1xf32> to vector<1024x1xf32>
    %broadcast_in_dim3A_108 = vector.broadcast %broadcast_in_dim3A_107 : vector<1024x1xf32> to vector<1024x128xf32>
    %swap3A = arith.constant 0 : index
    %swap3A_109 = arith.constant 0 : index
    %swap3A_110 = vector.load %arg20[%swap3A, %swap3A_109] : memref<1024x128xf32, #tpu.memory_space<vmem>>, vector<1024x128xf32>
    tpu.vector_store %arg20[%swap3A, %swap3A_109], %broadcast_in_dim3A_108 {strides = array<i32>} : memref<1024x128xf32, #tpu.memory_space<vmem>>, vector<1024x128xf32>,
    return
  }
  func.func @transform_0(%arg0: i32) -> (i32, i32) {
    %c0_i32 = arith.constant 0 : i32
    %c0_i32_0 = arith.constant 0 : i32
    return %arg0, %c0_i32 : i32, i32
  }
  func.func @transform_1(%arg0: i32) -> (i32, i32) {
    %c0_i32 = arith.constant 0 : i32
    %c0_i32_0 = arith.constant 0 : i32
    return %arg0, %c0_i32 : i32, i32
  }
  func.func @transform_2(%arg0: i32) -> (i32, i32) {
    %c0_i32 = arith.constant 0 : i32
    %c0_i32_0 = arith.constant 0 : i32
    return %arg0, %c0_i32 : i32, i32
  }
  func.func @transform_3(%arg0: i32) -> (i32, i32) {
    %c0_i32 = arith.constant 0 : i32
    %c0_i32_0 = arith.constant 0 : i32
    return %arg0, %c0_i32 : i32, i32
  }
  func.func @transform_4(%arg0: i32) -> (i32, i32) {
    %c0_i32 = arith.constant 0 : i32
    %c0_i32_0 = arith.constant 0 : i32
    %c0_i32_1 = arith.constant 0 : i32
    return %c0_i32, %c0_i32_0 : i32, i32
  }
  func.func @transform_5(%arg0: i32) -> (i32, i32) {
    %c0_i32 = arith.constant 0 : i32
    %c0_i32_0 = arith.constant 0 : i32
    %c0_i32_1 = arith.constant 0 : i32
    return %c0_i32, %c0_i32_0 : i32, i32
  }
  func.func @transform_6(%arg0: i32) -> (i32, i32) {
    %c0_i32 = arith.constant 0 : i32
    %c0_i32_0 = arith.constant 0 : i32
    %c0_i32_1 = arith.constant 0 : i32
    return %c0_i32, %c0_i32_0 : i32, i32
  }
  func.func @transform_7(%arg0: i32) -> (i32, i32) {
    %c0_i32 = arith.constant 0 : i32
    %c0_i32_0 = arith.constant 0 : i32
    %c0_i32_1 = arith.constant 0 : i32
    return %c0_i32, %c0_i32_0 : i32, i32
  }
  func.func @transform_8(%arg0: i32) -> (i32, i32) {
    %c0_i32 = arith.constant 0 : i32
    %c0_i32_0 = arith.constant 0 : i32
    %c0_i32_1 = arith.constant 0 : i32
    return %c0_i32, %c0_i32_0 : i32, i32
  }
  func.func @transform_9(%arg0: i32) -> (i32, i32) {
    %c0_i32 = arith.constant 0 : i32
    %c0_i32_0 = arith.constant 0 : i32
    %c0_i32_1 = arith.constant 0 : i32
    return %c0_i32, %c0_i32_0 : i32, i32
  }
  func.func @transform_10(%arg0: i32) -> (i32, i32) {
    %c0_i32 = arith.constant 0 : i32
    %c0_i32_0 = arith.constant 0 : i32
    %c0_i32_1 = arith.constant 0 : i32
    return %c0_i32, %c0_i32_0 : i32, i32
  }
  func.func @transform_11(%arg0: i32) -> (i32, i32) {
    %c0_i32 = arith.constant 0 : i32
    %c0_i32_0 = arith.constant 0 : i32
    %c0_i32_1 = arith.constant 0 : i32
    return %c0_i32, %c0_i32_0 : i32, i32
  }
  func.func @transform_12(%arg0: i32) -> (i32, i32) {
    %c0_i32 = arith.constant 0 : i32
    %c0_i32_0 = arith.constant 0 : i32
    %c0_i32_1 = arith.constant 0 : i32
    return %c0_i32, %c0_i32_0 : i32, i32
  }
  func.func @transform_13(%arg0: i32) -> (i32, i32) {
    %c0_i32 = arith.constant 0 : i32
    %c0_i32_0 = arith.constant 0 : i32
    %c0_i32_1 = arith.constant 0 : i32
    return %c0_i32, %c0_i32_0 : i32, i32
  }
  func.func @transform_14(%arg0: i32) -> (i32, i32) {
    %c0_i32 = arith.constant 0 : i32
    %c0_i32_0 = arith.constant 0 : i32
    %c0_i32_1 = arith.constant 0 : i32
    return %c0_i32, %c0_i32_0 : i32, i32
  }
  func.func @transform_15(%arg0: i32) -> (i32, i32) {
    %c0_i32 = arith.constant 0 : i32
    %c0_i32_0 = arith.constant 0 : i32
    %c0_i32_1 = arith.constant 0 : i32
    return %c0_i32, %c0_i32_0 : i32, i32
  }
  func.func @transform_16(%arg0: i32) -> (i32, i32) {
    %c0_i32 = arith.constant 0 : i32
    %c0_i32_0 = arith.constant 0 : i32
    %c0_i32_1 = arith.constant 0 : i32
    return %c0_i32, %c0_i32_0 : i32, i32
  }
  func.func @transform_17(%arg0: i32) -> (i32, i32) {
    %c0_i32 = arith.constant 0 : i32
    %c0_i32_0 = arith.constant 0 : i32
    %c0_i32_1 = arith.constant 0 : i32
    return %c0_i32, %c0_i32_0 : i32, i32
  }
  func.func @transform_18(%arg0: i32) -> (i32, i32) {
    %c0_i32 = arith.constant 0 : i32
    %c0_i32_0 = arith.constant 0 : i32
    %c0_i32_1 = arith.constant 0 : i32
    return %c0_i32, %c0_i32_0 : i32, i32
  }
  func.func @transform_19(%arg0: i32) -> (i32, i32) {
    %c0_i32 = arith.constant 0 : i32
    %c0_i32_0 = arith.constant 0 : i32
    return %arg0, %c0_i32 : i32, i32
  }
}

</mosaic_0001>

<sc_bundles>
// kernel: kernel.10.cloned.1.call-start
scs
__scs_entry_jumppad:
0x0: {  	(pc) =	sbr.rel $0x88, $3  }
0x1: {  	(tag) =	ssettag $0x0;
	lr =	simm.s32 $0x1  }
0x2: {  	[smem:$0x3F80] =	sst lr;
	_ =	strace $0xD0000000  }
0x3: {  	_ = 	snop  }
0x4: {  	_ = 	snop  }
0x5: {  	_ = 	snop  }
0x6: {  	_ = 	snop  }
0x7: {  	_ = 	snop  }
__scs_overlays_trampoline_lowered:
0x8: {  	[smem:$0x3F8F] =	sst s0  }
0x9: {  	[smem:$0x3F90] =	sst s1  }
0xa: {  	[smem:$0x3F91] =	sst s2  }
0xb: {  	[smem:$0x3F92] =	sst s3  }
0xc: {  	[smem:$0x3F93] =	sst s4  }
0xd: {  	[smem:$0x3F94] =	sst s5  }
0xe: {  	[smem:$0x3F95] =	sst s6  }
0xf: {  	[smem:$0x3F96] =	sst s7  }
0x10: {  	[smem:$0x3F97] =	sst s8  }
0x11: {  	[smem:$0x3F98] =	sst s9;
	s0 =	simm.s32 @!p0 $0x0  }
0x12: {  	s1 =	sld [smem:$0x3F7E];
	s0 =	simm.s32 @p0 $0x1  }
0x13: {  	[smem:$0x3F99] =	sst s0;
	s0 =	simm.s32 @!p1 $0x0  }
0x14: {  	s2 =	sld [smem:$0x3F7D];
	s0 =	simm.s32 @p1 $0x1  }
0x15: {  	[smem:$0x3F9A] =	sst s0;
	s0 =	simm.s32 @!p2 $0x0  }
0x16: {  	s3 =	sld [smem:$0x3FDB];
	s0 =	simm.s32 @p2 $0x1  }
0x17: {  	s4 =	simm.s32 $0x1BF5;
	[smem:$0x3F9C] =	sst s0  }
0x18: {  	s0 =	sld [smem:$0x3F7F];
	_ =	swait.ge [sflag:s4], $0x0  }
0x19: {  	s7 =	sld [smem:$0x3F80]  }
0x1a: {  	s8 =	sadd.s32 $0xFFFFE003, lr  }
0x1b: {  	s9 =	sadd.s32 $0xFFFFFEF7, lr;
	s5 =	simm.s32 $0xFFFFFFFF;
	p2 =	slt.u32 s8, $0xFFFFF086  }
0x1c: {  	p1 =	slt.u32 s9, $0xF7A;
	s5 =	simm.s32 @!p2 $0x0  }
0x1d: {  	s5 =	simm.s32 @p1 $0x1;
	p0 =	seq.s32 s7, s2  }
0x1e: {  	s7 =	smul.u32 @!p0 $0xF7A, s2;
	p2 =	seq.s32 @!p0 s5, $0x0  }
0x1f: {  	s9 =	smul.u32 $0xF7A, s1;
	s8 =	simm.s32 @!p0 $0x1BF5;
	p2 =	por !p2, p0  }
0x20: {  	[sflag:s8] =	ssyncset.s32 @!p0 $0xFFFFF086;
	s6 =	sadd.s32 @!p0 s3, s7;
	s7 =	simm.s32 @!p0 $0x108  }
0x21: {  	s3 =	sadd.s32 s3, s9;
	s6 =	sadd.s32 @!p0 $0x88, s6;
	s7 =	simm.s32 @p2 $0x1082  }
0x22: {  	[simem:s7], [sflag:s8] =	dma.local @!p0 [hbm:s6], $0xF7A  }
0x23: {  	s9 =	sor.u32 $0xD0000000, s2;
	s6 =	simm.s32 $0x108;
	_ =	swait.ge @!p0 [sflag:s8], $0x0  }
0x24: {  	s3 =	sadd.s32 $0x88, s3;
	s6 =	simm.s32 @!p1 $0x1082;
	[sflag:s4] =	ssyncset.s32 $0xFFFFF086  }
0x25: {  	[simem:s6], [sflag:s4] =	dma.local [hbm:s3], $0xF7A  }
0x26: {  	[smem:$0x3F80] =	sst s1;
	(tag) =	ssettag s2;
	_ =	strace s9  }
0x27: {  	s1 =	sld [smem:$0x3F90]  }
0x28: {  	s2 =	sld [smem:$0x3F91]  }
0x29: {  	s4 =	sld [smem:$0x3F93]  }
0x2a: {  	p0 =	seq.s32 s5, $0x0;
	s5 =	sld [smem:$0x3F94]  }
0x2b: {  	s6 =	sld [smem:$0x3F95]  }
0x2c: {  	s7 =	sld [smem:$0x3F96]  }
0x2d: {  	s3 =	simm.s32 $0x108;
	s8 =	sld [smem:$0x3F97]  }
0x2e: {  	s3 =	simm.s32 @!p0 $0x1082;
	s9 =	sld [smem:$0x3F98]  }
0x2f: {  	lr =	sadd.s32 s0, s3;
	s0 =	sld [smem:$0x3F8F]  }
0x30: {  	s3 =	sld [smem:$0x3F92]  }
0x31: {  	[smem:$0x3F9B] =	sst s10  }
0x32: {  	s10 =	sld [smem:$0x3F99];
	_ =	sdelay $0x3  }
0x33: {  	p0 =	seq.s32 s10, $0x1;
	s10 =	sld [smem:$0x3F9B];
	_ =	sdelay $0x3  }
0x34: {  	[smem:$0x3F9B] =	sst s10  }
0x35: {  	s10 =	sld [smem:$0x3F9A];
	_ =	sdelay $0x3  }
0x36: {  	p1 =	seq.s32 s10, $0x1;
	s10 =	sld [smem:$0x3F9B];
	_ =	sdelay $0x3  }
0x37: {  	[smem:$0x3F9B] =	sst s10  }
0x38: {  	s10 =	sld [smem:$0x3F9C]  }
0x39: {  	_ = 	snop;
	(pc) =	sbr.ind lr, $3  }
0x3a: {  	_ = 	snop  }
0x3b: {  	_ = 	snop  }
0x3c: {  	p2 =	seq.s32 s10, $0x1;
	s10 =	sld [smem:$0x3F9B]  }
0x3d: {  	_ =	shalt  }
0x3e: {  	_ =	shalt  }
0x3f: {  	_ =	shalt  }
0x40: {  	_ =	shalt  }
0x41: {  	_ =	shalt  }
0x42: {  	_ =	shalt  }
0x43: {  	_ =	shalt  }
0x44: {  	_ =	shalt  }
0x45: {  	_ =	shalt  }
0x46: {  	_ =	shalt  }
0x47: {  	_ =	shalt  }
0x48: {  	_ =	shalt  }
0x49: {  	_ =	shalt  }
0x4a: {  	_ =	shalt  }
0x4b: {  	_ =	shalt  }
0x4c: {  	_ =	shalt  }
0x4d: {  	_ =	shalt  }
0x4e: {  	_ =	shalt  }
0x4f: {  	_ =	shalt  }
0x50: {  	_ =	shalt  }
0x51: {  	_ =	shalt  }
0x52: {  	_ =	shalt  }
0x53: {  	_ =	shalt  }
0x54: {  	_ =	shalt  }
0x55: {  	_ =	shalt  }
0x56: {  	_ =	shalt  }
0x57: {  	_ =	shalt  }
0x58: {  	_ =	shalt  }
0x59: {  	_ =	shalt  }
0x5a: {  	_ =	shalt  }
0x5b: {  	_ =	shalt  }
0x5c: {  	_ =	shalt  }
0x5d: {  	_ =	shalt  }
0x5e: {  	_ =	shalt  }
0x5f: {  	_ =	shalt  }
0x60: {  	_ =	shalt  }
0x61: {  	_ =	shalt  }
0x62: {  	_ =	shalt  }
0x63: {  	_ =	shalt  }
0x64: {  	_ =	shalt  }
0x65: {  	_ =	shalt  }
0x66: {  	_ =	shalt  }
0x67: {  	_ =	shalt  }
0x68: {  	_ =	shalt  }
0x69: {  	_ =	shalt  }
0x6a: {  	_ =	shalt  }
0x6b: {  	_ =	shalt  }
0x6c: {  	_ =	shalt  }
0x6d: {  	_ =	shalt  }
0x6e: {  	_ =	shalt  }
0x6f: {  	_ =	shalt  }
0x70: {  	_ =	shalt  }
0x71: {  	_ =	shalt  }
0x72: {  	_ =	shalt  }
0x73: {  	_ =	shalt  }
0x74: {  	_ =	shalt  }
0x75: {  	_ =	shalt  }
0x76: {  	_ =	shalt  }
0x77: {  	_ =	shalt  }
0x78: {  	_ =	shalt  }
0x79: {  	_ =	shalt  }
0x7a: {  	_ =	shalt  }
0x7b: {  	_ =	shalt  }
0x7c: {  	_ =	shalt  }
0x7d: {  	_ =	shalt  }
0x7e: {  	_ =	shalt  }
0x7f: {  	_ =	shalt  }
0x80: {  	_ =	shalt  }
0x81: {  	_ =	shalt  }
0x82: {  	_ =	shalt  }
0x83: {  	_ =	shalt  }
0x84: {  	_ =	shalt  }
0x85: {  	_ =	shalt  }
0x86: {  	_ =	shalt  }
0x87: {  	_ =	shalt  }
.Lfunc_end0:
.L_simem_size_0:
called_computation_lowered:
.L_overlay_start_0:
0x88: {  	s2 =	sld [smem:$0x3FD9]  }
0x89: {  	s3 =	sld [smem:$0x3FFE];
	_ =	sdelay $0x1  }
0x8a: {  	s1 =	srdreg.scid  }
0x8b: {  	s0 =	sand.u32 $0x1, s1  }
0x8c: {  	s16 =	sshll.u32 s0, $0xA;
	s2 =	sadd.s32 s3, s2  }
0x8d: {  	s2 =	sadd.s32 s2, s16  }
0x8e: {  	[smem:$0x3FA7] =	sst s2  }
0x8f: {  	_ = 	snop  }
0x90: {  	(tm) =	ssettm $0x1  }
0x91: {  	s17 =	sld [smem:$0x3FFB];
	_ =	sdelay $0x3  }
0x92: {  	_ =	strace s17  }
0x93: {  	s2 =	sld [smem:$0x3FFC];
	_ =	sdelay $0x3  }
0x94: {  	_ =	strace s2  }
0x95: {  	s2 =	sld [smem:$0x3FFD];
	_ =	sdelay $0x3  }
0x96: {  	_ =	strace s2  }
0x97: {  	_ =	strace $0x8FFFFFFF  }
0x98: {  	s18 =	sld [smem:$0x3FDB];
	_ =	sdelay $0x1  }
0x99: {  	s19 =	simm.s32 $_scs_section_size  }
0x9a: {  	s4 =	simm.s32 $_size__tile_overlayer_lowered;
	s5 =	simm.s32 $_tile_overlayer_lowered  }
0x9b: {  	s22 =	simm.s32 $0x1BFF;
	s21 =	sshll.u32 s5, $0x1;
	s2 =	sadd.s32 s19, s18  }
0x9c: {  	s6 =	simm.s32 $0x0;
	s20 =	sshll.u32 s4, $0x1;
	s4 =	sadd.s32 s21, s2  }
0x9d: {  	[timem:s6], [sflag:s22] =	dma.local [hbm:s4], s20  }
0x9e: {  	_ =	swait.ge [sflag:s22], s20  }
0x9f: {  	s3 =	ssub.s32 $0x0, s20;
	[sflag:s22] =	ssyncset.done $0x0  }
0xa0: {  	[sflag:s22] =	ssyncadd.s32 s3;
	_ =	sdelay $0x1  }
0xa1: {  	s23 =	simm.s32 $0x1B8B  }
0xa2: {  	_ =	swait.ge [sflag:s23], $0x1  }
0xa3: {  	[sflag:s23] =	ssyncset.done $0x0  }
0xa4: {  	s25 =	simm.s32 $0x1B8E;
	s24 =	sld [smem:$0x3FFE];
	[sflag:s23] =	ssyncadd.s32 $0xFFFFFFFF  }
0xa5: {  	s26 =	simm.s32 $execute0_lowered;
	[smem:$0x3FD2] =	sst s25  }
0xa6: {  	s4 =	sshll.u32 s26, $0x1;
	_ =	strace $0x80000046;
	[dreg:$0x1] =	wrdreg $0xFFFFFFFF  }
0xa7: {  	s28 =	simm.s32 $_size_execute0_lowered;
	s2 =	sadd.s32 s2, s4;
	[dreg:$0x0] =	wrdreg $0x0  }
0xa8: {  	s4 =	sshll.u32 s28, $0x1;
	[dreg:$0x2] =	wrdreg s2  }
0xa9: {  	[dreg:$0x3] =	wrdreg s4  }
0xaa: {  	[dreg:$0x4] =	wrdreg $0xC0  }
0xab: {  	_ =	task [dreg:s6], $0x5FFFF  }
0xac: {  	[dreg:$0x1] =	wrdreg $0xFFFFFFFF  }
0xad: {  	[dreg:$0x0] =	wrdreg $0x60  }
0xae: {  	[dreg:$0x2] =	wrdreg s24  }
0xaf: {  	[dreg:$0x3] =	wrdreg $0xC1000  }
0xb0: {  	[dreg:$0x4] =	wrdreg $0x9  }
0xb1: {  	_ =	task.clear_ibuf [dreg:s6], $0x5FFFF;
	_ =	strace $0x90000046  }
0xb2: {  	s29 =	simm.s32 $0x9;
	_ =	strace $0x80000048  }
0xb3: {  	_ =	swait.ge [sflag:s29], $0x1  }
0xb4: {  	[sflag:s29] =	ssyncadd.s32 $0xFFFFFFFF  }
0xb5: {  	_ =	strace $0x90000048  }
0xb6: {  	_ =	sfence  }
0xb7: {  	s30 =	sld [smem:$0x0];
	_ =	sdelay $0x2  }
0xb8: {  	s31 =	sshll.u32 s1, $0xD;
	s1 =	sshrl.u32 s1, $0x2  }
0xb9: {  	s3 =	sand.u32 $0x4000, s31;
	s1 =	sadd.s32 s1, s30  }
0xba: {  	s0 =	sor.u32 s3, s0;
	s1 =	sshll.u32 s1, $0x11  }
0xbb: {  	s0 =	sor.u32 s1, s0  }
0xbc: {  	s0 =	sadd.s32 $0x8F2B, s0  }
0xbd: {  	[sflag:s0] =	ssyncadd.remote.s32 $0x1  }
0xbe: {  	_ =	sfence.sel $0xFFFF  }
0xbf: {  	[dreg:$0x0] =	wrdreg $0xFFFFFFFF;
	(pc) =	sbr.abs _section_cstart, $3  }
0xc0: {  	[dreg:$0x1] =	wrdreg $0xFFFFFFFF  }
0xc1: {  	_ =	task.clear_ibuf [dreg:s6], $0x2FFFF;
	_ =	strace $0x9FFFFFFF  }
0xc2: {  	(tm) =	ssettm $0x7FFFFFFF  }
0xc3: {  	_ =	shalt  }
tec
execute0_lowered:
.L_overlay_start_1:
0x0: {  	(tag) =	ssettag $0x1  }
0x1: {  	s0 =	rddreg [dreg:$0x0]  }
0x2: {  	s2 =	rddreg [dreg:$0x1];
	s3 =	simm.s32 $0x0  }
0x3: {  	s13 =	stileid.u32;
	s1 =	srdreg.scid;
	s16 =	simm.s32 $0xFC00  }
0x4: {  	s17 =	simm.s32 $0x8100;
	s18 =	simm.s32 $0x4;
	s19 =	simm.s32 $0x80  }
0x5: {  	s20 =	simm.s32 $0x1;
	s21 =	simm.s32 $0x2;
	s22 =	simm.s32 $0x100  }
0x6: {  	s23 =	simm.s32 $0x4100;
	s24 =	simm.s32 $0x3;
	s25 =	simm.s32 $0x0  }
0x7: {  	[smem:$0x7FF] =	sst s3;
	s5 =	smul.u32 $0x278, s13;
	s4 =	smin.u32 s13, $0x8  }
0x8: {  	s1 =	sand.u32 $0x1, s1;
	s30 =	sshll.u32 s13, $0x1;
	p0 =	sgt.u32 s13, $0x7  }
0x9: {  	_ =	strace $0x80000047;
	s6 =	sshll.u32 s4, $0x3;
	s4 =	sadd.s32 $0x9FAE00, s0  }
0xa: {  	s8 =	smul.u32 $0x140000, s1;
	s11 =	ssub.s32 $0x2, s1;
	s1 =	sor.u32 s1, s30  }
0xb: {  	s16 =	simm.s32 @!p0 $0x10000;
	s7 =	sadd.s32 s5, s6;
	s5 =	sadd.s32 $0xA22E00, s0  }
0xc: {  	s6 =	sadd.s32 $0x1AE00, s0;
	s12 =	sshrl.u32 s11, $0x1;
	s13 =	smul.u32 $0x2780, s1  }
0xd: {  	s9 =	sshll.u32 s7, $0x7;
	s7 =	sadd.s32 $0x7200, s0;
	s29 =	ssub.s32 s11, s12  }
0xe: {  	s10 =	sadd.s32 s8, s9;
	s8 =	sadd.s32 $0x11000, s0;
	s9 =	sadd.s32 s9, s2  }
0xf: {  	s15 =	smax.u32 s29, $0x1;
	s10 =	sshrl.u32 s10, $0x3;
	s31 =	sadd.s32 $0x4000, s9  }
0x10: {  	s11 =	sadd.s32 $0x8000, s9;
	s12 =	sadd.s32 $0xC000, s9;
	s0 =	sadd.s32 s10, s0  }
0x11: {  	v0 =	vimm.f32 $0.0e+00;
	s16 =	sadd.s32 s16, s9;
	[dreg:$0x3] =	wrdreg s31;
	s14 =	sadd.s32 $0xA72E00, s0  }
.LBB2_1:
0x12: {  	s0 =	simm.s32 $0x0;
	s1 =	simm.s32 $0x200  }
.LBB2_2:
0x13: {  	p1 =	sne.s32 s1, $0xFE00;
	[tilespmem:s0+$0x8170] =	vst v0  }
0x14: {  	[tilespmem:s0+$0x8100] =	vst v0  }
0x15: {  	[tilespmem:s0+$0x8110] =	vst v0  }
.Ltmp0:
0x16: {  	[tilespmem:s0+$0x8120] =	vst v0;
	(pc) =	sbr.rel @p1 .LBB2_2-.Ltmp0, $4  }
0x17: {  	[tilespmem:s0+$0x8130] =	vst v0  }
0x18: {  	[tilespmem:s0+$0x8140] =	vst v0  }
0x19: {  	[tilespmem:s0+$0x8150] =	vst v0  }
0x1a: {  	[tilespmem:s0+$0x8160] =	vst v0;
	s0 =	sshra.s32 s1, $0x2;
	s1 =	sadd.s32 $0x200, s1  }
0x1b: {  	[tilespmem:s0+$0x8170] =	vst v0  }
0x1c: {  	[tilespmem:s0+$0x8100] =	vst v0  }
0x1d: {  	[tilespmem:s0+$0x8110] =	vst v0  }
0x1e: {  	[tilespmem:s0+$0x8120] =	vst v0  }
0x1f: {  	[tilespmem:s0+$0x8130] =	vst v0  }
0x20: {  	[tilespmem:s0+$0x8140] =	vst v0  }
0x21: {  	[tilespmem:s0+$0x8150] =	vst v0  }
0x22: {  	[tilespmem:s0+$0x8160] =	vst v0  }
0x23: {  	[spmem:s9] =	stream.linear.scatter [tilespmem:s17], [sflag:$0x4], $0x4000, $0x38;
	[tilespmem:$0x1FF00] =	vst v63  }
0x24: {  	_ =	swait.ge [sflag:s18], $0x4000  }
0x25: {  	[sflag:s18] =	ssyncset.done $0x0  }
0x26: {  	s31 =	rddreg [dreg:$0x3];
	[sflag:s18] =	ssyncadd.s32 $0xFFFFC000  }
0x27: {  	[spmem:s31] =	stream.linear.scatter [tilespmem:s17], [sflag:$0x4], $0x4000, $0x38;
	[tilespmem:$0x1FF00] =	vst v63  }
0x28: {  	_ =	swait.ge [sflag:s18], $0x4000  }
0x29: {  	[sflag:s18] =	ssyncset.done $0x0  }
0x2a: {  	[sflag:s18] =	ssyncadd.s32 $0xFFFFC000  }
0x2b: {  	[spmem:s11] =	stream.linear.scatter [tilespmem:s17], [sflag:$0x4], $0x4000, $0x38;
	[tilespmem:$0x1FF00] =	vst v63  }
0x2c: {  	_ =	swait.ge [sflag:s18], $0x4000  }
0x2d: {  	[sflag:s18] =	ssyncset.done $0x0  }
0x2e: {  	[sflag:s18] =	ssyncadd.s32 $0xFFFFC000  }
0x2f: {  	[spmem:s12] =	stream.linear.scatter [tilespmem:s17], [sflag:$0x4], $0x4000, $0x38;
	[tilespmem:$0x1FF00] =	vst v63  }
0x30: {  	_ =	swait.ge [sflag:s18], $0x4000  }
0x31: {  	[sflag:s18] =	ssyncset.done $0x0  }
0x32: {  	[sflag:s18] =	ssyncadd.s32 $0xFFFFC000  }
0x33: {  	[spmem:s16] =	stream.linear.scatter [tilespmem:s17], [sflag:$0x4], $0x4000, $0x38;
	[tilespmem:$0x1FF00] =	vst v63  }
0x34: {  	_ =	swait.ge [sflag:s18], $0x4000  }
0x35: {  	[sflag:s18] =	ssyncset.done $0x0  }
0x36: {  	[sflag:s18] =	ssyncadd.s32 $0xFFFFC000  }
0x37: {  	s26 =	simm.s32 $0x0;
	[bflag:$0x0] =	sbarrier.arrive $0xFFFF  }
.LBB2_4:
0x38: {  	s0 =	sshll.u32 s26, $0x7  }
0x39: {  	s0 =	sadd.s32 s13, s0  }
0x3a: {  	s1 =	sshrl.u32 s0, $0x3  }
0x3b: {  	s10 =	sadd.s32 s7, s1  }
0x3c: {  	[tilespmem:s3], [sflag:$0x1] =	stream.linear.gather [hbm4b:s10+s3], $0x80, $0x38;
	[tilespmem:$0x1FF00] =	vst v63  }
0x3d: {  	s0 =	sshll.u32 s0, $0x4;
	s1 =	sadd.s32 s8, s1  }
0x3e: {  	[tilespmem:s19], [sflag:$0x2] =	stream.linear.gather [hbm4b:s1+s3], $0x80, $0x38;
	[tilespmem:$0x1FF00] =	vst v63  }
0x3f: {  	s0 =	sadd.s32 s6, s0  }
0x40: {  	[tilespmem:s17], [sflag:$0x3] =	stream.linear.gather [hbm4b:s0+s3], $0x4000, $0x38;
	[tilespmem:$0x1FF00] =	vst v63  }
0x41: {  	_ =	swait.ge [sflag:s20], $0x80  }
0x42: {  	[sflag:s20] =	ssyncset.done $0x0  }
0x43: {  	[sflag:s20] =	ssyncadd.s32 $0xFFFFFF80  }
0x44: {  	_ =	swait.ge [sflag:s21], $0x80  }
0x45: {  	[sflag:s21] =	ssyncset.done $0x0  }
0x46: {  	[sflag:s21] =	ssyncadd.s32 $0xFFFFFF80  }
0x47: {  	[tilespmem:s22], [sflag:$0x1] =	stream.indirect.gather [hbm4b:s4+s19], $0x80, s3, s19, $0xb8;
	[tilespmem:$0x1FF00] =	vst v63  }
0x48: {  	_ = 	snop  }
0x49: {  	[tilespmem:s23], [sflag:$0x2] =	stream.indirect.gather [hbm4b:s5+s19], $0x80, s19, s19, $0xb8;
	[tilespmem:$0x1FF00] =	vst v63  }
0x4a: {  	_ =	swait.ge [sflag:s20], $0x4000  }
0x4b: {  	[sflag:s20] =	ssyncset.done $0x0  }
0x4c: {  	[sflag:s20] =	ssyncadd.s32 $0xFFFFC000  }
0x4d: {  	_ =	swait.ge [sflag:s21], $0x4000  }
0x4e: {  	[sflag:s21] =	ssyncset.done $0x0  }
0x4f: {  	[sflag:s21] =	ssyncadd.s32 $0xFFFFC000  }
0x50: {  	_ =	swait.ge [sflag:s24], $0x4000  }
0x51: {  	[sflag:s24] =	ssyncset.done $0x0  }
0x52: {  	s28 =	simm.s32 $0x200;
	[sflag:s24] =	ssyncadd.s32 $0xFFFFC000  }
0x53: {  	s29 =	simm.s32 $0x4200;
	v1 =	vld [tilespmem:s28+$0x80]  }
0x54: {  	v2 =	vld [tilespmem:s29+$0x80]  }
0x55: {  	s30 =	simm.s32 $0x8200  }
0x56: {  	v3 =	vld [tilespmem:s30+$0x80];
	_ =	sdelay $0x1  }
0x57: {  	v4 =	vld [tilespmem:s29+$0xFFFFFF00]  }
0x58: {  	v5 =	vld [tilespmem:s28+$0xFFFFFF80];
	v1 =	vadd.f32 v2, v1  }
0x59: {  	v6 =	vld [tilespmem:s29+$0xFFFFFF80]  }
0x5a: {  	v7 =	vld [tilespmem:s28+$0xFFFFFF00];
	v1 =	vadd.f32 v3, v1  }
0x5b: {  	v8 =	vld [tilespmem:s30+$0xFFFFFF00]  }
0x5c: {  	v9 =	vld [tilespmem:s30+$0xFFFFFF80];
	v1 =	vmax.f32 v1, $0.0e+00  }
0x5d: {  	v2 =	vld [tilespmem:s28+$0x0];
	[tilespmem:s30+$0x80] =	vst v1  }
0x5e: {  	v1 =	vld [tilespmem:s28+$0x90]  }
0x5f: {  	v4 =	vadd.f32 v4, v7;
	v7 =	vld [tilespmem:s29+$0x90]  }
0x60: {  	v5 =	vadd.f32 v6, v5;
	v6 =	vld [tilespmem:s30+$0x90]  }
0x61: {  	v3 =	vld [tilespmem:s29+$0x0];
	v4 =	vadd.f32 v8, v4  }
0x62: {  	v10 =	vld [tilespmem:s30+$0x0]  }
0x63: {  	v11 =	vld [tilespmem:s30+$0x10];
	v5 =	vadd.f32 v9, v5;
	v4 =	vmax.f32 v4, $0.0e+00  }
0x64: {  	v8 =	vld [tilespmem:s30+$0xFFFFFF10];
	[tilespmem:s30+$0xFFFFFF00] =	vst v4;
	v1 =	vadd.f32 v7, v1  }
0x65: {  	v4 =	vmax.f32 v5, $0.0e+00;
	v5 =	vld [tilespmem:s28+$0xFFFFFF10]  }
0x66: {  	[tilespmem:s30+$0xFFFFFF80] =	vst v4;
	v2 =	vadd.f32 v3, v2;
	v3 =	vld [tilespmem:s29+$0xFFFFFF10];
	v1 =	vadd.f32 v6, v1  }
0x67: {  	v4 =	vld [tilespmem:s28+$0xFFFFFF90]  }
0x68: {  	v2 =	vadd.f32 v10, v2;
	v6 =	vld [tilespmem:s29+$0xFFFFFF90];
	v1 =	vmax.f32 v1, $0.0e+00  }
0x69: {  	v9 =	vld [tilespmem:s30+$0xFFFFFF90];
	[tilespmem:s30+$0x90] =	vst v1  }
0x6a: {  	v1 =	vmax.f32 v2, $0.0e+00;
	v2 =	vld [tilespmem:s28+$0xA0]  }
0x6b: {  	[tilespmem:s30+$0x0] =	vst v1;
	v1 =	vadd.f32 v3, v5;
	v3 =	vld [tilespmem:s29+$0xA0]  }
0x6c: {  	v10 =	vld [tilespmem:s30+$0xFFFFFFA0]  }
0x6d: {  	v4 =	vadd.f32 v6, v4;
	v6 =	vld [tilespmem:s30+$0xA0];
	v1 =	vadd.f32 v8, v1  }
0x6e: {  	v5 =	vld [tilespmem:s28+$0x10]  }
0x6f: {  	v8 =	vld [tilespmem:s29+$0x10];
	v4 =	vadd.f32 v9, v4;
	v1 =	vmax.f32 v1, $0.0e+00  }
0x70: {  	v7 =	vld [tilespmem:s30+$0xFFFFFF20];
	[tilespmem:s30+$0xFFFFFF10] =	vst v1;
	v1 =	vadd.f32 v3, v2  }
0x71: {  	v3 =	vmax.f32 v4, $0.0e+00;
	v2 =	vld [tilespmem:s28+$0xFFFFFF20]  }
0x72: {  	v4 =	vld [tilespmem:s29+$0xFFFFFF20];
	[tilespmem:s30+$0xFFFFFF90] =	vst v3;
	v1 =	vadd.f32 v6, v1  }
0x73: {  	v3 =	vld [tilespmem:s28+$0xFFFFFFA0]  }
0x74: {  	v5 =	vadd.f32 v8, v5;
	v6 =	vld [tilespmem:s29+$0xFFFFFFA0];
	v1 =	vmax.f32 v1, $0.0e+00  }
0x75: {  	v9 =	vld [tilespmem:s30+$0x20];
	[tilespmem:s30+$0xA0] =	vst v1  }
0x76: {  	v1 =	vadd.f32 v11, v5;
	v5 =	vld [tilespmem:s28+$0xB0]  }
0x77: {  	v2 =	vadd.f32 v4, v2;
	v4 =	vld [tilespmem:s29+$0xB0]  }
0x78: {  	v8 =	vld [tilespmem:s30+$0xFFFFFF30];
	v1 =	vmax.f32 v1, $0.0e+00  }
0x79: {  	[tilespmem:s30+$0x10] =	vst v1;
	v1 =	vadd.f32 v7, v2;
	v2 =	vadd.f32 v6, v3;
	v3 =	vld [tilespmem:s30+$0xB0]  }
0x7a: {  	v6 =	vld [tilespmem:s28+$0x20]  }
0x7b: {  	v7 =	vld [tilespmem:s29+$0x20];
	v1 =	vmax.f32 v1, $0.0e+00;
	v2 =	vadd.f32 v10, v2  }
0x7c: {  	v11 =	vld [tilespmem:s30+$0xFFFFFFB0];
	[tilespmem:s30+$0xFFFFFF20] =	vst v1;
	v1 =	vadd.f32 v4, v5  }
0x7d: {  	v4 =	vld [tilespmem:s28+$0xFFFFFF30];
	v2 =	vmax.f32 v2, $0.0e+00  }
0x7e: {  	v5 =	vld [tilespmem:s29+$0xFFFFFF30];
	[tilespmem:s30+$0xFFFFFFA0] =	vst v2;
	v1 =	vadd.f32 v3, v1  }
0x7f: {  	v2 =	vld [tilespmem:s28+$0xFFFFFFB0]  }
0x80: {  	v3 =	vadd.f32 v7, v6;
	v6 =	vld [tilespmem:s29+$0xFFFFFFB0];
	v1 =	vmax.f32 v1, $0.0e+00  }
0x81: {  	v10 =	vld [tilespmem:s30+$0x30];
	[tilespmem:s30+$0xB0] =	vst v1  }
0x82: {  	v1 =	vadd.f32 v9, v3;
	v3 =	vld [tilespmem:s28+$0xC0]  }
0x83: {  	v4 =	vadd.f32 v5, v4;
	v5 =	vld [tilespmem:s29+$0xC0]  }
0x84: {  	v7 =	vld [tilespmem:s30+$0xFFFFFF40];
	v1 =	vmax.f32 v1, $0.0e+00  }
0x85: {  	[tilespmem:s30+$0x20] =	vst v1;
	v1 =	vadd.f32 v8, v4;
	v2 =	vadd.f32 v6, v2;
	v4 =	vld [tilespmem:s30+$0xC0]  }
0x86: {  	v6 =	vld [tilespmem:s28+$0x30]  }
0x87: {  	v8 =	vld [tilespmem:s29+$0x30];
	v1 =	vmax.f32 v1, $0.0e+00;
	v2 =	vadd.f32 v11, v2  }
0x88: {  	v9 =	vld [tilespmem:s30+$0xFFFFFFC0];
	[tilespmem:s30+$0xFFFFFF30] =	vst v1;
	v1 =	vadd.f32 v5, v3  }
0x89: {  	v3 =	vld [tilespmem:s28+$0xFFFFFF40];
	v2 =	vmax.f32 v2, $0.0e+00  }
0x8a: {  	v5 =	vld [tilespmem:s29+$0xFFFFFF40];
	[tilespmem:s30+$0xFFFFFFB0] =	vst v2;
	v1 =	vadd.f32 v4, v1  }
0x8b: {  	v2 =	vld [tilespmem:s28+$0xFFFFFFC0]  }
0x8c: {  	v4 =	vld [tilespmem:s29+$0xFFFFFFC0];
	v6 =	vadd.f32 v8, v6;
	v1 =	vmax.f32 v1, $0.0e+00  }
0x8d: {  	v11 =	vld [tilespmem:s30+$0x40];
	[tilespmem:s30+$0xC0] =	vst v1  }
0x8e: {  	v1 =	vadd.f32 v10, v6;
	v6 =	vld [tilespmem:s28+$0xD0]  }
0x8f: {  	v3 =	vadd.f32 v5, v3;
	v5 =	vld [tilespmem:s29+$0xD0]  }
0x90: {  	v8 =	vld [tilespmem:s30+$0xFFFFFF50];
	v1 =	vmax.f32 v1, $0.0e+00  }
0x91: {  	v3 =	vadd.f32 v7, v3;
	v2 =	vadd.f32 v4, v2;
	[tilespmem:s30+$0x30] =	vst v1;
	v1 =	vld [tilespmem:s30+$0xD0]  }
0x92: {  	v4 =	vld [tilespmem:s28+$0x40]  }
0x93: {  	v7 =	vld [tilespmem:s29+$0x40];
	v3 =	vmax.f32 v3, $0.0e+00;
	v2 =	vadd.f32 v9, v2  }
0x94: {  	v10 =	vld [tilespmem:s30+$0x50];
	[tilespmem:s30+$0xFFFFFF40] =	vst v3;
	v3 =	vadd.f32 v5, v6  }
0x95: {  	v5 =	vld [tilespmem:s28+$0xFFFFFF50];
	v2 =	vmax.f32 v2, $0.0e+00  }
0x96: {  	v6 =	vld [tilespmem:s29+$0xFFFFFF50];
	[tilespmem:s30+$0xFFFFFFC0] =	vst v2;
	v1 =	vadd.f32 v1, v3  }
0x97: {  	v3 =	vld [tilespmem:s28+$0xFFFFFFD0]  }
0x98: {  	v12 =	vld [tilespmem:s29+$0xFFFFFFD0];
	v2 =	vadd.f32 v7, v4;
	v1 =	vmax.f32 v1, $0.0e+00  }
0x99: {  	v9 =	vld [tilespmem:s30+$0xFFFFFFD0];
	[tilespmem:s30+$0xD0] =	vst v1  }
0x9a: {  	v1 =	vadd.f32 v11, v2;
	v7 =	vld [tilespmem:s28+$0xE0]  }
0x9b: {  	v5 =	vadd.f32 v6, v5;
	v6 =	vld [tilespmem:s29+$0xE0]  }
0x9c: {  	v4 =	vld [tilespmem:s30+$0xFFFFFF60];
	v1 =	vmax.f32 v1, $0.0e+00  }
0x9d: {  	v5 =	vadd.f32 v8, v5;
	v3 =	vadd.f32 v12, v3;
	[tilespmem:s30+$0x40] =	vst v1;
	v1 =	vld [tilespmem:s30+$0xE0]  }
0x9e: {  	v8 =	vld [tilespmem:s28+$0x50]  }
0x9f: {  	v5 =	vmax.f32 v5, $0.0e+00;
	v3 =	vadd.f32 v9, v3;
	v9 =	vld [tilespmem:s29+$0x50]  }
0xa0: {  	v2 =	vld [tilespmem:s30+$0x60];
	[tilespmem:s30+$0xFFFFFF50] =	vst v5;
	v5 =	vadd.f32 v6, v7  }
0xa1: {  	v6 =	vld [tilespmem:s28+$0xFFFFFF60];
	v3 =	vmax.f32 v3, $0.0e+00  }
0xa2: {  	v7 =	vld [tilespmem:s29+$0xFFFFFF60];
	[tilespmem:s30+$0xFFFFFFD0] =	vst v3;
	v1 =	vadd.f32 v1, v5  }
0xa3: {  	v5 =	vld [tilespmem:s28+$0xFFFFFFE0]  }
0xa4: {  	v63 =	vld [tilespmem:s29+$0xFFFFFFE0];
	v3 =	vadd.f32 v9, v8;
	v1 =	vmax.f32 v1, $0.0e+00  }
0xa5: {  	v11 =	vld [tilespmem:s30+$0xFFFFFFE0];
	[tilespmem:s30+$0xE0] =	vst v1  }
0xa6: {  	v1 =	vadd.f32 v10, v3;
	v8 =	vld [tilespmem:s28+$0xF0]  }
0xa7: {  	v6 =	vadd.f32 v7, v6;
	v7 =	vld [tilespmem:s29+$0xF0]  }
0xa8: {  	v3 =	vld [tilespmem:s30+$0xFFFFFF70];
	v1 =	vmax.f32 v1, $0.0e+00  }
0xa9: {  	v4 =	vadd.f32 v4, v6;
	v5 =	vadd.f32 v63, v5;
	[tilespmem:s30+$0x50] =	vst v1;
	v1 =	vld [tilespmem:s30+$0xF0]  }
0xaa: {  	v9 =	vld [tilespmem:s28+$0x60]  }
0xab: {  	v4 =	vmax.f32 v4, $0.0e+00;
	v6 =	vadd.f32 v11, v5;
	v10 =	vld [tilespmem:s29+$0x60]  }
0xac: {  	[tilespmem:s30+$0xFFFFFF60] =	vst v4;
	v4 =	vld [tilespmem:s30+$0xFFFFFFF0];
	v8 =	vadd.f32 v7, v8  }
0xad: {  	v5 =	vld [tilespmem:s28+$0xFFFFFF70];
	v6 =	vmax.f32 v6, $0.0e+00  }
0xae: {  	v7 =	vld [tilespmem:s29+$0xFFFFFF70];
	[tilespmem:s30+$0xFFFFFFE0] =	vst v6;
	v1 =	vadd.f32 v1, v8  }
0xaf: {  	v6 =	vld [tilespmem:s28+$0xFFFFFFF0]  }
0xb0: {  	s31 =	simm.s32 $0x8200;
	v8 =	vld [tilespmem:s29+$0xFFFFFFF0];
	v9 =	vadd.f32 v10, v9;
	v11 =	vmax.f32 v1, $0.0e+00  }
0xb1: {  	s10 =	simm.s32 $0x400;
	s1 =	simm.s32 $0x4200;
	s0 =	simm.s32 $0x0;
	v1 =	vld [tilespmem:s30+$0x70];
	[tilespmem:s30+$0xF0] =	vst v11  }
.LBB2_5:
0xb2: {  	v10 =	vld [tilespmem:s10+$0x80];
	v2 =	vadd.f32 v2, v9;
	s29 =	sadd.s32 $0x200, s29  }
0xb3: {  	v9 =	vld [tilespmem:s29+$0x80];
	v5 =	vadd.f32 v7, v5  }
0xb4: {  	s30 =	sadd.s32 $0x200, s30;
	v7 =	vld [tilespmem:s29+$0xFFFFFF00];
	v2 =	vmax.f32 v2, $0.0e+00  }
0xb5: {  	v11 =	vld [tilespmem:s30+$0x80];
	v3 =	vadd.f32 v3, v5;
	v5 =	vadd.f32 v8, v6;
	[tilespmem:s31+$0x60] =	vst v2  }
0xb6: {  	v2 =	vld [tilespmem:s10+$0xFFFFFF80]  }
0xb7: {  	v6 =	vld [tilespmem:s29+$0xFFFFFF80];
	v3 =	vmax.f32 v3, $0.0e+00;
	v4 =	vadd.f32 v4, v5  }
0xb8: {  	v5 =	vld [tilespmem:s10+$0x0];
	v8 =	vadd.f32 v9, v10;
	[tilespmem:s31+$0xFFFFFF70] =	vst v3  }
0xb9: {  	v3 =	vld [tilespmem:s29+$0x0];
	v4 =	vmax.f32 v4, $0.0e+00  }
0xba: {  	s0 =	sadd.s32 $0x4, s0;
	v9 =	vld [tilespmem:s10+$0xFFFFFF00];
	v8 =	vadd.f32 v11, v8;
	[tilespmem:s31+$0xFFFFFFF0] =	vst v4  }
0xbb: {  	p1 =	slt.u32 s0, $0x7C;
	v4 =	vld [tilespmem:s30+$0xFFFFFF00]  }
0xbc: {  	v2 =	vadd.f32 v6, v2;
	v6 =	vld [tilespmem:s30+$0xFFFFFF80];
	v8 =	vmax.f32 v8, $0.0e+00  }
0xbd: {  	v10 =	vld [tilespmem:s30+$0x0];
	[tilespmem:s30+$0x80] =	vst v8  }
0xbe: {  	v3 =	vadd.f32 v3, v5;
	v5 =	vld [tilespmem:s10+$0x90]  }
0xbf: {  	v7 =	vadd.f32 v7, v9;
	v8 =	vld [tilespmem:s29+$0x90]  }
0xc0: {  	v9 =	vld [tilespmem:s30+$0xFFFFFF10]  }
0xc1: {  	v4 =	vadd.f32 v4, v7;
	v2 =	vadd.f32 v6, v2;
	v6 =	vld [tilespmem:s30+$0x90]  }
0xc2: {  	v7 =	vld [tilespmem:s30+$0xFFFFFF90];
	v3 =	vadd.f32 v10, v3  }
0xc3: {  	v4 =	vmax.f32 v4, $0.0e+00;
	v2 =	vmax.f32 v2, $0.0e+00;
	v10 =	vld [tilespmem:s30+$0x10]  }
0xc4: {  	[tilespmem:s30+$0xFFFFFF00] =	vst v4;
	v4 =	vld [tilespmem:s30+$0xFFFFFF20];
	v3 =	vmax.f32 v3, $0.0e+00;
	v5 =	vadd.f32 v8, v5  }
0xc5: {  	v8 =	vld [tilespmem:s10+$0xFFFFFF10];
	[tilespmem:s30+$0xFFFFFF80] =	vst v2  }
0xc6: {  	v2 =	vld [tilespmem:s29+$0xFFFFFF10];
	[tilespmem:s30+$0x0] =	vst v3;
	v3 =	vadd.f32 v6, v5  }
0xc7: {  	v5 =	vld [tilespmem:s10+$0xFFFFFF90]  }
0xc8: {  	v6 =	vld [tilespmem:s29+$0xFFFFFF90];
	v3 =	vmax.f32 v3, $0.0e+00  }
0xc9: {  	v11 =	vld [tilespmem:s10+$0x10];
	[tilespmem:s30+$0x90] =	vst v3  }
0xca: {  	v3 =	vld [tilespmem:s10+$0xA0]  }
0xcb: {  	v2 =	vadd.f32 v2, v8;
	v8 =	vld [tilespmem:s29+$0xA0]  }
0xcc: {  	v12 =	vld [tilespmem:s29+$0x10]  }
0xcd: {  	v2 =	vadd.f32 v9, v2;
	v5 =	vadd.f32 v6, v5;
	v6 =	vld [tilespmem:s30+$0xA0]  }
0xce: {  	v9 =	vld [tilespmem:s30+$0xFFFFFFA0]  }
0xcf: {  	v2 =	vmax.f32 v2, $0.0e+00;
	v5 =	vadd.f32 v7, v5;
	v7 =	vld [tilespmem:s30+$0x20]  }
0xd0: {  	[tilespmem:s30+$0xFFFFFF10] =	vst v2;
	v2 =	vld [tilespmem:s30+$0xFFFFFF30];
	v3 =	vadd.f32 v8, v3  }
0xd1: {  	v8 =	vld [tilespmem:s10+$0xFFFFFF20];
	v5 =	vmax.f32 v5, $0.0e+00;
	v11 =	vadd.f32 v12, v11  }
0xd2: {  	v12 =	vld [tilespmem:s29+$0xFFFFFF20];
	[tilespmem:s30+$0xFFFFFF90] =	vst v5;
	v3 =	vadd.f32 v6, v3  }
0xd3: {  	v5 =	vld [tilespmem:s10+$0xFFFFFFA0];
	v6 =	vadd.f32 v10, v11  }
0xd4: {  	v10 =	vld [tilespmem:s29+$0xFFFFFFA0];
	v3 =	vmax.f32 v3, $0.0e+00  }
0xd5: {  	v11 =	vld [tilespmem:s30+$0xFFFFFFB0];
	v6 =	vmax.f32 v6, $0.0e+00;
	[tilespmem:s30+$0xA0] =	vst v3  }
0xd6: {  	[tilespmem:s30+$0x10] =	vst v6;
	v3 =	vld [tilespmem:s10+$0xB0]  }
0xd7: {  	v6 =	vadd.f32 v12, v8;
	v8 =	vld [tilespmem:s29+$0xB0]  }
0xd8: {  	v12 =	vld [tilespmem:s10+$0x20]  }
0xd9: {  	v4 =	vadd.f32 v4, v6;
	v5 =	vadd.f32 v10, v5;
	v6 =	vld [tilespmem:s30+$0xB0]  }
0xda: {  	v10 =	vld [tilespmem:s29+$0x20]  }
0xdb: {  	v4 =	vmax.f32 v4, $0.0e+00;
	v5 =	vadd.f32 v9, v5;
	v9 =	vld [tilespmem:s30+$0x30]  }
0xdc: {  	[tilespmem:s30+$0xFFFFFF20] =	vst v4;
	v4 =	vld [tilespmem:s30+$0xFFFFFF40];
	v3 =	vadd.f32 v8, v3  }
0xdd: {  	v8 =	vld [tilespmem:s10+$0xFFFFFF30];
	v5 =	vmax.f32 v5, $0.0e+00  }
0xde: {  	v13 =	vld [tilespmem:s29+$0xFFFFFF30];
	[tilespmem:s30+$0xFFFFFFA0] =	vst v5;
	v3 =	vadd.f32 v6, v3  }
0xdf: {  	v5 =	vld [tilespmem:s10+$0xFFFFFFB0];
	v6 =	vadd.f32 v10, v12  }
0xe0: {  	v10 =	vld [tilespmem:s29+$0xFFFFFFB0];
	v3 =	vmax.f32 v3, $0.0e+00  }
0xe1: {  	v12 =	vld [tilespmem:s30+$0xFFFFFFC0];
	v6 =	vadd.f32 v7, v6;
	[tilespmem:s30+$0xB0] =	vst v3  }
0xe2: {  	v3 =	vld [tilespmem:s10+$0xC0]  }
0xe3: {  	v7 =	vadd.f32 v13, v8;
	v6 =	vmax.f32 v6, $0.0e+00;
	v8 =	vld [tilespmem:s29+$0xC0]  }
0xe4: {  	[tilespmem:s30+$0x20] =	vst v6;
	v6 =	vld [tilespmem:s30+$0x40]  }
0xe5: {  	v2 =	vadd.f32 v2, v7;
	v5 =	vadd.f32 v10, v5;
	v7 =	vld [tilespmem:s30+$0xC0]  }
0xe6: {  	v10 =	vld [tilespmem:s10+$0x30]  }
0xe7: {  	v2 =	vmax.f32 v2, $0.0e+00;
	v5 =	vadd.f32 v11, v5;
	v11 =	vld [tilespmem:s29+$0x30]  }
0xe8: {  	[tilespmem:s30+$0xFFFFFF30] =	vst v2;
	v13 =	vld [tilespmem:s30+$0xFFFFFF50];
	v2 =	vadd.f32 v8, v3  }
0xe9: {  	v3 =	vld [tilespmem:s10+$0xFFFFFF40];
	v5 =	vmax.f32 v5, $0.0e+00  }
0xea: {  	v8 =	vld [tilespmem:s29+$0xFFFFFF40];
	[tilespmem:s30+$0xFFFFFFB0] =	vst v5;
	v2 =	vadd.f32 v7, v2  }
0xeb: {  	v5 =	vld [tilespmem:s10+$0xFFFFFFC0]  }
0xec: {  	v7 =	vld [tilespmem:s29+$0xFFFFFFC0];
	v10 =	vadd.f32 v11, v10;
	v2 =	vmax.f32 v2, $0.0e+00  }
0xed: {  	v11 =	vld [tilespmem:s30+$0xFFFFFFD0];
	[tilespmem:s30+$0xC0] =	vst v2  }
0xee: {  	v2 =	vadd.f32 v9, v10;
	v9 =	vld [tilespmem:s10+$0xD0]  }
0xef: {  	v3 =	vadd.f32 v8, v3;
	v8 =	vld [tilespmem:s29+$0xD0]  }
0xf0: {  	v2 =	vmax.f32 v2, $0.0e+00;
	v10 =	vld [tilespmem:s30+$0x50]  }
0xf1: {  	v3 =	vadd.f32 v4, v3;
	v4 =	vadd.f32 v7, v5;
	[tilespmem:s30+$0x30] =	vst v2;
	v2 =	vld [tilespmem:s30+$0xD0]  }
0xf2: {  	v5 =	vld [tilespmem:s10+$0x40]  }
0xf3: {  	v3 =	vmax.f32 v3, $0.0e+00;
	v4 =	vadd.f32 v12, v4;
	v7 =	vld [tilespmem:s29+$0x40]  }
0xf4: {  	[tilespmem:s30+$0xFFFFFF40] =	vst v3;
	v12 =	vld [tilespmem:s30+$0xFFFFFF60];
	v3 =	vadd.f32 v8, v9  }
0xf5: {  	v8 =	vld [tilespmem:s10+$0xFFFFFF50];
	v4 =	vmax.f32 v4, $0.0e+00  }
0xf6: {  	v9 =	vld [tilespmem:s29+$0xFFFFFF50];
	[tilespmem:s30+$0xFFFFFFC0] =	vst v4;
	v2 =	vadd.f32 v2, v3  }
0xf7: {  	v3 =	vld [tilespmem:s10+$0xFFFFFFD0]  }
0xf8: {  	v4 =	vld [tilespmem:s29+$0xFFFFFFD0];
	v5 =	vadd.f32 v7, v5;
	v2 =	vmax.f32 v2, $0.0e+00  }
0xf9: {  	v7 =	vld [tilespmem:s30+$0xFFFFFFE0];
	[tilespmem:s30+$0xD0] =	vst v2  }
0xfa: {  	v2 =	vadd.f32 v6, v5;
	v5 =	vld [tilespmem:s10+$0xE0]  }
0xfb: {  	v6 =	vadd.f32 v9, v8;
	v8 =	vld [tilespmem:s29+$0xE0]  }
0xfc: {  	v9 =	vmax.f32 v2, $0.0e+00;
	v2 =	vld [tilespmem:s30+$0x60]  }
0xfd: {  	v6 =	vadd.f32 v13, v6;
	v3 =	vadd.f32 v4, v3;
	[tilespmem:s30+$0x40] =	vst v9;
	v4 =	vld [tilespmem:s30+$0xE0]  }
0xfe: {  	v9 =	vld [tilespmem:s10+$0x50]  }
0xff: {  	v6 =	vmax.f32 v6, $0.0e+00;
	v3 =	vadd.f32 v11, v3;
	v11 =	vld [tilespmem:s29+$0x50]  }
0x100: {  	[tilespmem:s30+$0xFFFFFF50] =	vst v6;
	v5 =	vadd.f32 v8, v5;
	v6 =	vld [tilespmem:s28+$0x70];
	s28 =	smov.u32 s10  }
0x101: {  	v8 =	vld [tilespmem:s10+$0xFFFFFF60];
	v3 =	vmax.f32 v3, $0.0e+00  }
0x102: {  	v13 =	vld [tilespmem:s29+$0xFFFFFF60];
	[tilespmem:s30+$0xFFFFFFD0] =	vst v3;
	v3 =	vadd.f32 v4, v5  }
0x103: {  	v4 =	vld [tilespmem:s10+$0xFFFFFFE0]  }
0x104: {  	v5 =	vld [tilespmem:s29+$0xFFFFFFE0];
	v9 =	vadd.f32 v11, v9;
	v3 =	vmax.f32 v3, $0.0e+00  }
0x105: {  	[tilespmem:s30+$0xE0] =	vst v3;
	v11 =	vld [tilespmem:s1+$0x70];
	s1 =	smov.u32 s29  }
0x106: {  	v9 =	vadd.f32 v10, v9;
	v10 =	vld [tilespmem:s10+$0xF0]  }
0x107: {  	v8 =	vadd.f32 v13, v8;
	v13 =	vld [tilespmem:s29+$0xF0]  }
0x108: {  	v3 =	vld [tilespmem:s30+$0xFFFFFF70];
	v9 =	vmax.f32 v9, $0.0e+00  }
0x109: {  	v8 =	vadd.f32 v12, v8;
	v4 =	vadd.f32 v5, v4;
	[tilespmem:s30+$0x50] =	vst v9;
	v9 =	vld [tilespmem:s30+$0xF0]  }
0x10a: {  	v12 =	vld [tilespmem:s10+$0x60];
	v5 =	vadd.f32 v11, v6  }
0x10b: {  	v6 =	vmax.f32 v8, $0.0e+00;
	v7 =	vadd.f32 v7, v4;
	v11 =	vld [tilespmem:s29+$0x60]  }
0x10c: {  	[tilespmem:s30+$0xFFFFFF60] =	vst v6;
	v4 =	vld [tilespmem:s30+$0xFFFFFFF0];
	v6 =	vadd.f32 v13, v10;
	v1 =	vadd.f32 v1, v5  }
.Ltmp1:
0x10d: {  	v5 =	vld [tilespmem:s10+$0xFFFFFF70];
	v8 =	vmax.f32 v7, $0.0e+00;
	(pc) =	sbr.rel @p1 .LBB2_5-.Ltmp1, $4  }
0x10e: {  	v7 =	vld [tilespmem:s29+$0xFFFFFF70];
	[tilespmem:s30+$0xFFFFFFE0] =	vst v8;
	v10 =	vadd.f32 v9, v6;
	v1 =	vmax.f32 v1, $0.0e+00  }
0x10f: {  	v6 =	vld [tilespmem:s10+$0xFFFFFFF0];
	[tilespmem:s31+$0x70] =	vst v1;
	s31 =	smov.u32 s30  }
0x110: {  	v8 =	vld [tilespmem:s29+$0xFFFFFFF0];
	v9 =	vadd.f32 v11, v12;
	v10 =	vmax.f32 v10, $0.0e+00  }
0x111: {  	s10 =	sadd.s32 $0x200, s10;
	v1 =	vld [tilespmem:s30+$0x70];
	[tilespmem:s30+$0xF0] =	vst v10  }
0x112: {  	v2 =	vadd.f32 v2, v9;
	_ =	sdelay $0x1  }
0x113: {  	v2 =	vmax.f32 v2, $0.0e+00  }
0x114: {  	[tilespmem:s31+$0x60] =	vst v2  }
0x115: {  	v2 =	vld [tilespmem:s28+$0x70]  }
0x116: {  	v63 =	vld [tilespmem:s1+$0x70];
	_ =	sdelay $0x2  }
0x117: {  	v5 =	vadd.f32 v7, v5  }
0x118: {  	v6 =	vadd.f32 v8, v6  }
0x119: {  	v3 =	vadd.f32 v3, v5;
	v2 =	vadd.f32 v63, v2  }
0x11a: {  	v4 =	vadd.f32 v4, v6  }
0x11b: {  	v3 =	vmax.f32 v3, $0.0e+00;
	v1 =	vadd.f32 v1, v2  }
0x11c: {  	s26 =	sadd.s32 $0x1, s26;
	[tilespmem:s31+$0xFFFFFF70] =	vst v3;
	v2 =	vmax.f32 v4, $0.0e+00  }
0x11d: {  	p1 =	sne.s32 s26, $0x4F;
	[tilespmem:s31+$0xFFFFFFF0] =	vst v2;
	v1 =	vmax.f32 v1, $0.0e+00  }
.Ltmp2:
0x11e: {  	[tilespmem:s31+$0x70] =	vst v1;
	(pc) =	sbr.rel @p1 .LBB2_4-.Ltmp2, $4  }
0x11f: {  	[spmem:s2] =	stream.indirect.scatter.add.f32 [tilespmem:s17], [sflag:$0x4], $0x80, s3, s19, $0xb8;
	[tilespmem:$0x1FF00] =	vst v63  }
0x120: {  	_ =	swait.ge [sflag:s18], $0x4000  }
0x121: {  	[sflag:s18] =	ssyncset.done $0x0  }
0x122: {  	[sflag:s18] =	ssyncadd.s32 $0xFFFFC000  }
0x123: {  	s0 =	stileid.u32  }
0x124: {  	s0 =	sshll.u32 s0, $0x6  }
0x125: {  	[bflag:$0x0] =	sbarrier.arrive $0xFFFF;
	s1 =	sshrl.u32 @p0 s9, $0x3;
	s0 =	sor.u32 $0x1C04, s0  }
0x126: {  	[hbm:s14], [sflag:s0] =	dma.local @p0 [spmem:s1], $0x2780  }
0x127: {  	s1 =	simm.s32 @p0 $0x4  }
0x128: {  	_ =	swait.ge @p0 [sflag:s1], $0x2780  }
0x129: {  	s25 =	sadd.s32 $0x1, s25;
	[sflag:s1] =	ssyncset.done @p0 $0x0  }
0x12a: {  	p1 =	sne.s32 s25, s15;
	[sflag:s1] =	ssyncadd.s32 @p0 $0xFFFFD880;
	s1 =	sshrl.u32 @!p0 s9, $0x3  }
0x12b: {  	[hbm:s14], [sflag:s0] =	dma.local @!p0 [spmem:s1], $0x2800  }
.Ltmp3:
0x12c: {  	_ = 	snop;
	(pc) =	sbr.rel @p1 .LBB2_1-.Ltmp3, $4  }
0x12d: {  	s0 =	simm.s32 @!p0 $0x4  }
0x12e: {  	_ =	swait.ge @!p0 [sflag:s0], $0x2800  }
0x12f: {  	[sflag:s0] =	ssyncset.done @!p0 $0x0  }
0x130: {  	[sflag:s0] =	ssyncadd.s32 @!p0 $0xFFFFD800  }
0x131: {  	_ =	sfence.sel $0x180000  }
0x132: {  	[bflag:$0x0] =	sbarrier.arrive $0xFFFF  }
0x133: {  	_ =	strace $0x90000047  }
0x134: {  	s0 =	stileid.u32;
	[bflag:$0x2] =	sbarrier.arrive $0xFFFF  }
0x135: {  	p0 =	sne.s32 s0, $0x0;
	s0 =	rddreg [dreg:$0x2]  }
0x136: {  	s0 =	sadd.s32 @!p0 $0x100000, s0  }
0x137: {  	[sflag:s0] =	ssyncadd.tile.s32 @!p0 $0x1;
	_ =	shalt  }
.Lfunc_end2:
_tile_overlayer_lowered:
.L_overlay_start_2:
0x138: {  	(tag) =	ssettag $0x2  }
0x139: {  	s0 =	rddreg [dreg:$0x0];
	s2 =	stileid.u32  }
0x13a: {  	s1 =	rddreg [dreg:$0x1];
	p0 =	sne.s32 s2, $0x0  }
0x13b: {  	s3 =	rddreg [dreg:$0x2];
	[bflag:$0x3] =	sbarrier.arrive $0xFFFF;
	s2 =	simm.s32 @!p0 $0x1C04  }
0x13c: {  	[timem:s3], [sflag:s2] =	dma.local @!p0 [hbm:s0], s1  }
0x13d: {  	s0 =	simm.s32 @!p0 $0x4  }
0x13e: {  	_ =	swait.ge @!p0 [sflag:s0], s1  }
0x13f: {  	s1 =	ssub.s32 @!p0 $0x0, s1;
	[sflag:s0] =	ssyncset.done @!p0 $0x0  }
0x140: {  	[sflag:s0] =	ssyncadd.s32 @!p0 s1  }
0x141: {  	[bflag:$0x3] =	sbarrier.arrive $0xFFFF  }
0x142: {  	_ =	shalt  }

// kernel: kernel.13.cloned.1.call-start
scs
__scs_entry_jumppad:
0x0: {  	(pc) =	sbr.rel $0x88, $3  }
0x1: {  	(tag) =	ssettag $0x0;
	lr =	simm.s32 $0x1  }
0x2: {  	[smem:$0x3F80] =	sst lr;
	_ =	strace $0xD0000000  }
0x3: {  	_ = 	snop  }
0x4: {  	_ = 	snop  }
0x5: {  	_ = 	snop  }
0x6: {  	_ = 	snop  }
0x7: {  	_ = 	snop  }
__scs_overlays_trampoline_lowered:
0x8: {  	[smem:$0x3F8F] =	sst s0  }
0x9: {  	[smem:$0x3F90] =	sst s1  }
0xa: {  	[smem:$0x3F91] =	sst s2  }
0xb: {  	[smem:$0x3F92] =	sst s3  }
0xc: {  	[smem:$0x3F93] =	sst s4  }
0xd: {  	[smem:$0x3F94] =	sst s5  }
0xe: {  	[smem:$0x3F95] =	sst s6  }
0xf: {  	[smem:$0x3F96] =	sst s7  }
0x10: {  	[smem:$0x3F97] =	sst s8  }
0x11: {  	[smem:$0x3F98] =	sst s9;
	s0 =	simm.s32 @!p0 $0x0  }
0x12: {  	s1 =	sld [smem:$0x3F7E];
	s0 =	simm.s32 @p0 $0x1  }
0x13: {  	[smem:$0x3F99] =	sst s0;
	s0 =	simm.s32 @!p1 $0x0  }
0x14: {  	s2 =	sld [smem:$0x3F7D];
	s0 =	simm.s32 @p1 $0x1  }
0x15: {  	[smem:$0x3F9A] =	sst s0;
	s0 =	simm.s32 @!p2 $0x0  }
0x16: {  	s3 =	sld [smem:$0x3FDB];
	s0 =	simm.s32 @p2 $0x1  }
0x17: {  	s4 =	simm.s32 $0x1BF5;
	[smem:$0x3F9C] =	sst s0  }
0x18: {  	s0 =	sld [smem:$0x3F7F];
	_ =	swait.ge [sflag:s4], $0x0  }
0x19: {  	s7 =	sld [smem:$0x3F80]  }
0x1a: {  	s8 =	sadd.s32 $0xFFFFE003, lr  }
0x1b: {  	s9 =	sadd.s32 $0xFFFFFEF7, lr;
	s5 =	simm.s32 $0xFFFFFFFF;
	p2 =	slt.u32 s8, $0xFFFFF086  }
0x1c: {  	p1 =	slt.u32 s9, $0xF7A;
	s5 =	simm.s32 @!p2 $0x0  }
0x1d: {  	s5 =	simm.s32 @p1 $0x1;
	p0 =	seq.s32 s7, s2  }
0x1e: {  	s7 =	smul.u32 @!p0 $0xF7A, s2;
	p2 =	seq.s32 @!p0 s5, $0x0  }
0x1f: {  	s9 =	smul.u32 $0xF7A, s1;
	s8 =	simm.s32 @!p0 $0x1BF5;
	p2 =	por !p2, p0  }
0x20: {  	[sflag:s8] =	ssyncset.s32 @!p0 $0xFFFFF086;
	s6 =	sadd.s32 @!p0 s3, s7;
	s7 =	simm.s32 @!p0 $0x108  }
0x21: {  	s3 =	sadd.s32 s3, s9;
	s6 =	sadd.s32 @!p0 $0x88, s6;
	s7 =	simm.s32 @p2 $0x1082  }
0x22: {  	[simem:s7], [sflag:s8] =	dma.local @!p0 [hbm:s6], $0xF7A  }
0x23: {  	s9 =	sor.u32 $0xD0000000, s2;
	s6 =	simm.s32 $0x108;
	_ =	swait.ge @!p0 [sflag:s8], $0x0  }
0x24: {  	s3 =	sadd.s32 $0x88, s3;
	s6 =	simm.s32 @!p1 $0x1082;
	[sflag:s4] =	ssyncset.s32 $0xFFFFF086  }
0x25: {  	[simem:s6], [sflag:s4] =	dma.local [hbm:s3], $0xF7A  }
0x26: {  	[smem:$0x3F80] =	sst s1;
	(tag) =	ssettag s2;
	_ =	strace s9  }
0x27: {  	s1 =	sld [smem:$0x3F90]  }
0x28: {  	s2 =	sld [smem:$0x3F91]  }
0x29: {  	s4 =	sld [smem:$0x3F93]  }
0x2a: {  	p0 =	seq.s32 s5, $0x0;
	s5 =	sld [smem:$0x3F94]  }
0x2b: {  	s6 =	sld [smem:$0x3F95]  }
0x2c: {  	s7 =	sld [smem:$0x3F96]  }
0x2d: {  	s3 =	simm.s32 $0x108;
	s8 =	sld [smem:$0x3F97]  }
0x2e: {  	s3 =	simm.s32 @!p0 $0x1082;
	s9 =	sld [smem:$0x3F98]  }
0x2f: {  	lr =	sadd.s32 s0, s3;
	s0 =	sld [smem:$0x3F8F]  }
0x30: {  	s3 =	sld [smem:$0x3F92]  }
0x31: {  	[smem:$0x3F9B] =	sst s10  }
0x32: {  	s10 =	sld [smem:$0x3F99];
	_ =	sdelay $0x3  }
0x33: {  	p0 =	seq.s32 s10, $0x1;
	s10 =	sld [smem:$0x3F9B];
	_ =	sdelay $0x3  }
0x34: {  	[smem:$0x3F9B] =	sst s10  }
0x35: {  	s10 =	sld [smem:$0x3F9A];
	_ =	sdelay $0x3  }
0x36: {  	p1 =	seq.s32 s10, $0x1;
	s10 =	sld [smem:$0x3F9B];
	_ =	sdelay $0x3  }
0x37: {  	[smem:$0x3F9B] =	sst s10  }
0x38: {  	s10 =	sld [smem:$0x3F9C]  }
0x39: {  	_ = 	snop;
	(pc) =	sbr.ind lr, $3  }
0x3a: {  	_ = 	snop  }
0x3b: {  	_ = 	snop  }
0x3c: {  	p2 =	seq.s32 s10, $0x1;
	s10 =	sld [smem:$0x3F9B]  }
0x3d: {  	_ =	shalt  }
0x3e: {  	_ =	shalt  }
0x3f: {  	_ =	shalt  }
0x40: {  	_ =	shalt  }
0x41: {  	_ =	shalt  }
0x42: {  	_ =	shalt  }
0x43: {  	_ =	shalt  }
0x44: {  	_ =	shalt  }
0x45: {  	_ =	shalt  }
0x46: {  	_ =	shalt  }
0x47: {  	_ =	shalt  }
0x48: {  	_ =	shalt  }
0x49: {  	_ =	shalt  }
0x4a: {  	_ =	shalt  }
0x4b: {  	_ =	shalt  }
0x4c: {  	_ =	shalt  }
0x4d: {  	_ =	shalt  }
0x4e: {  	_ =	shalt  }
0x4f: {  	_ =	shalt  }
0x50: {  	_ =	shalt  }
0x51: {  	_ =	shalt  }
0x52: {  	_ =	shalt  }
0x53: {  	_ =	shalt  }
0x54: {  	_ =	shalt  }
0x55: {  	_ =	shalt  }
0x56: {  	_ =	shalt  }
0x57: {  	_ =	shalt  }
0x58: {  	_ =	shalt  }
0x59: {  	_ =	shalt  }
0x5a: {  	_ =	shalt  }
0x5b: {  	_ =	shalt  }
0x5c: {  	_ =	shalt  }
0x5d: {  	_ =	shalt  }
0x5e: {  	_ =	shalt  }
0x5f: {  	_ =	shalt  }
0x60: {  	_ =	shalt  }
0x61: {  	_ =	shalt  }
0x62: {  	_ =	shalt  }
0x63: {  	_ =	shalt  }
0x64: {  	_ =	shalt  }
0x65: {  	_ =	shalt  }
0x66: {  	_ =	shalt  }
0x67: {  	_ =	shalt  }
0x68: {  	_ =	shalt  }
0x69: {  	_ =	shalt  }
0x6a: {  	_ =	shalt  }
0x6b: {  	_ =	shalt  }
0x6c: {  	_ =	shalt  }
0x6d: {  	_ =	shalt  }
0x6e: {  	_ =	shalt  }
0x6f: {  	_ =	shalt  }
0x70: {  	_ =	shalt  }
0x71: {  	_ =	shalt  }
0x72: {  	_ =	shalt  }
0x73: {  	_ =	shalt  }
0x74: {  	_ =	shalt  }
0x75: {  	_ =	shalt  }
0x76: {  	_ =	shalt  }
0x77: {  	_ =	shalt  }
0x78: {  	_ =	shalt  }
0x79: {  	_ =	shalt  }
0x7a: {  	_ =	shalt  }
0x7b: {  	_ =	shalt  }
0x7c: {  	_ =	shalt  }
0x7d: {  	_ =	shalt  }
0x7e: {  	_ =	shalt  }
0x7f: {  	_ =	shalt  }
0x80: {  	_ =	shalt  }
0x81: {  	_ =	shalt  }
0x82: {  	_ =	shalt  }
0x83: {  	_ =	shalt  }
0x84: {  	_ =	shalt  }
0x85: {  	_ =	shalt  }
0x86: {  	_ =	shalt  }
0x87: {  	_ =	shalt  }
.Lfunc_end0:
.L_simem_size_0:
called_computation.1_lowered:
.L_overlay_start_0:
0x88: {  	s2 =	sld [smem:$0x3FD9]  }
0x89: {  	s3 =	sld [smem:$0x3FFE];
	_ =	sdelay $0x1  }
0x8a: {  	s1 =	srdreg.scid  }
0x8b: {  	s0 =	sand.u32 $0x1, s1  }
0x8c: {  	s17 =	sshll.u32 s0, $0xA;
	s2 =	sadd.s32 s3, s2  }
0x8d: {  	s2 =	sadd.s32 s2, s17  }
0x8e: {  	[smem:$0x3FA7] =	sst s2  }
0x8f: {  	_ = 	snop  }
0x90: {  	(tm) =	ssettm $0x1  }
0x91: {  	s18 =	sld [smem:$0x3FFB];
	_ =	sdelay $0x3  }
0x92: {  	_ =	strace s18  }
0x93: {  	s2 =	sld [smem:$0x3FFC];
	_ =	sdelay $0x3  }
0x94: {  	_ =	strace s2  }
0x95: {  	s2 =	sld [smem:$0x3FFD];
	_ =	sdelay $0x3  }
0x96: {  	_ =	strace s2  }
0x97: {  	_ =	strace $0x8FFFFFFF  }
0x98: {  	s19 =	sld [smem:$0x3FDB];
	_ =	sdelay $0x1  }
0x99: {  	s20 =	simm.s32 $_scs_section_size  }
0x9a: {  	s4 =	simm.s32 $_size__tile_overlayer_lowered;
	s5 =	simm.s32 $_tile_overlayer_lowered  }
0x9b: {  	s6 =	simm.s32 $0x1BFF;
	s21 =	sshll.u32 s5, $0x1;
	s3 =	sadd.s32 s20, s19  }
0x9c: {  	s22 =	simm.s32 $0x0;
	s4 =	sshll.u32 s4, $0x1;
	s5 =	sadd.s32 s21, s3  }
0x9d: {  	[timem:s22], [sflag:s6] =	dma.local [hbm:s5], s4  }
0x9e: {  	_ =	swait.ge [sflag:s6], s4  }
0x9f: {  	s4 =	ssub.s32 $0x0, s4;
	[sflag:s6] =	ssyncset.done $0x0  }
0xa0: {  	[sflag:s6] =	ssyncadd.s32 s4;
	_ =	sdelay $0x1  }
0xa1: {  	s23 =	simm.s32 $0x1B8B  }
0xa2: {  	_ =	swait.ge [sflag:s23], $0x1  }
0xa3: {  	[sflag:s23] =	ssyncset.done $0x0  }
0xa4: {  	[sflag:s23] =	ssyncadd.s32 $0xFFFFFFFF  }
0xa5: {  	s4 =	sld [smem:$0x0]  }
0xa6: {  	s5 =	sand.u32 $0xFFFFFFFE, s1  }
0xa7: {  	p0 =	sne.s32 s1, s5  }
0xa8: {  	s5 =	sshll.u32 @p0 s5, $0xE  }
0xa9: {  	s5 =	sadd.s32 @p0 $0x11B8D, s5;
	s6 =	sshll.u32 @p0 s4, $0x11  }
0xaa: {  	s5 =	sor.u32 @p0 s6, s5  }
0xab: {  	[sflag:s5] =	ssyncadd.remote.s32 @p0 $0x1;
	_ =	sdelay $0x1  }
0xac: {  	s5 =	simm.s32 @p0 $0x1B8D  }
0xad: {  	_ =	swait.eq @p0 [sflag:s5], $0x1  }
0xae: {  	[sflag:s5] =	ssyncadd.s32 @p0 $0xFFFFFFFF  }
0xaf: {  	s6 =	sshll.u32 @!p0 s1, $0xE  }
0xb0: {  	s6 =	sor.u32 @!p0 $0x4000, s6;
	s5 =	simm.s32 @!p0 $0x1B8D  }
0xb1: {  	s4 =	sshll.u32 @!p0 s4, $0x11;
	s6 =	sadd.s32 @!p0 $0x11B8D, s6;
	_ =	swait.eq @!p0 [sflag:s5], $0x1  }
0xb2: {  	s4 =	sor.u32 @!p0 s4, s6;
	[sflag:s5] =	ssyncadd.s32 @!p0 $0xFFFFFFFF  }
0xb3: {  	s25 =	simm.s32 $0x1B8E;
	s24 =	sld [smem:$0x3FFE];
	[sflag:s4] =	ssyncadd.remote.s32 @!p0 $0x1  }
0xb4: {  	s26 =	simm.s32 $execute0_lowered;
	[smem:$0x3FD2] =	sst s25  }
0xb5: {  	s5 =	sshll.u32 s26, $0x1;
	_ =	strace $0x80000049;
	[dreg:$0x1] =	wrdreg $0xFFFFFFFF  }
0xb6: {  	s28 =	simm.s32 $_size_execute0_lowered;
	s3 =	sadd.s32 s3, s5;
	[dreg:$0x0] =	wrdreg $0x0  }
0xb7: {  	s5 =	sshll.u32 s28, $0x1;
	[dreg:$0x2] =	wrdreg s3  }
0xb8: {  	[dreg:$0x3] =	wrdreg s5  }
0xb9: {  	[dreg:$0x4] =	wrdreg $0xC0  }
0xba: {  	_ =	task [dreg:s22], $0x5FFFF  }
0xbb: {  	[dreg:$0x1] =	wrdreg $0xFFFFFFFF  }
0xbc: {  	[dreg:$0x0] =	wrdreg $0x60  }
0xbd: {  	[dreg:$0x2] =	wrdreg s24  }
0xbe: {  	[dreg:$0x3] =	wrdreg $0xA  }
0xbf: {  	_ =	task.clear_ibuf [dreg:s22], $0x4FFFF;
	_ =	strace $0x90000049  }
0xc0: {  	s29 =	simm.s32 $0xA;
	_ =	strace $0x8000004B  }
0xc1: {  	_ =	swait.ge [sflag:s29], $0x1  }
0xc2: {  	[sflag:s29] =	ssyncadd.s32 $0xFFFFFFFF  }
0xc3: {  	_ =	strace $0x9000004B  }
0xc4: {  	_ =	sfence  }
0xc5: {  	s30 =	sld [smem:$0x0];
	_ =	sdelay $0x2  }
0xc6: {  	s31 =	sshll.u32 s1, $0xD;
	s1 =	sshrl.u32 s1, $0x2  }
0xc7: {  	s4 =	sand.u32 $0x4000, s31;
	s1 =	sadd.s32 s1, s30  }
0xc8: {  	s0 =	sor.u32 s4, s0;
	s1 =	sshll.u32 s1, $0x11  }
0xc9: {  	s0 =	sor.u32 s1, s0  }
0xca: {  	s0 =	sadd.s32 $0x8F2B, s0  }
0xcb: {  	[sflag:s0] =	ssyncadd.remote.s32 $0x1  }
0xcc: {  	_ =	sfence.sel $0xFFFF  }
0xcd: {  	[dreg:$0x0] =	wrdreg $0xFFFFFFFF;
	(pc) =	sbr.abs _section_cstart, $3  }
0xce: {  	[dreg:$0x1] =	wrdreg $0xFFFFFFFF  }
0xcf: {  	_ =	task.clear_ibuf [dreg:s22], $0x2FFFF;
	_ =	strace $0x9FFFFFFF  }
0xd0: {  	(tm) =	ssettm $0x7FFFFFFF  }
0xd1: {  	_ =	shalt  }
tec
execute0_lowered:
.L_overlay_start_1:
0x0: {  	(tag) =	ssettag $0x1  }
0x1: {  	s3 =	rddreg [dreg:$0x0];
	s2 =	srdreg.scid  }
0x2: {  	s0 =	rddreg [dreg:$0x1];
	s1 =	stileid.u32  }
0x3: {  	s8 =	simm.s32 $0x400;
	s9 =	simm.s32 $0x0;
	s4 =	sand.u32 $0x1, s2  }
0x4: {  	s5 =	sshrl.u32 s1, $0x2;
	s6 =	sshll.u32 s1, $0x8;
	s28 =	smul.u32 $0x9E0, s1  }
0x5: {  	s2 =	simm.s32 $0x0;
	s7 =	sshll.u32 s4, $0x7;
	s5 =	smul.u32 $0x14000, s5  }
0x6: {  	v0 =	vimm.f32 $0.0e+00;
	vm0 =	vcmask $0x704;
	[smem:$0x7FF] =	sst s2;
	s29 =	ssub.s32 $0x2, s4;
	s6 =	sor.u32 s7, s6  }
0x7: {  	v1 =	vimm.f32 $1.000000000e+00;
	vm1 =	vcmask $0xB08;
	vm2 =	vcmask $0xF0C;
	s4 =	smul.u32 $0x4F0, s4;
	_ =	strace $0x8000004A;
	s6 =	sand.u32 $0x380, s6  }
0x8: {  	vm3 =	vcmask $0x1310;
	vm4 =	vcmask $0x1714;
	vm5 =	vcmask $0x1B18;
	s7 =	sadd.s32 s28, s3;
	s30 =	sshrl.u32 s29, $0x1;
	s5 =	sor.u32 s5, s6  }
0x9: {  	vm6 =	vcmask $0x1F1C;
	vm7 =	vcmask $0x2320;
	vm8 =	vcmask $0x2724;
	s31 =	sadd.s32 s4, s7;
	s7 =	simm.s32 $0x80;
	s5 =	sshrl.u32 s5, $0x3  }
0xa: {  	vm9 =	vcmask $0x2B28;
	vm10 =	vcmask $0x2F2C;
	vm11 =	vcmask $0x3330;
	s6 =	simm.s32 $0x1;
	s3 =	sadd.s32 s5, s3;
	s5 =	ssub.s32 s29, s30  }
0xb: {  	vm12 =	vcmask $0x3734;
	vm13 =	vcmask $0x3B38;
	vm14 =	vcmask $0x3F3C;
	s3 =	sadd.s32 $0xAC2E00, s3;
	s4 =	smax.u32 s5, $0x1;
	s5 =	sadd.s32 $0x7200, s31  }
.LBB2_1:
0xc: {  	s10 =	simm.s32 $0x0  }
.LBB2_2:
0xd: {  	p0 =	sne.s32 s10, $0x9FC0  }
.Ltmp0:
0xe: {  	_ = 	snop;
	(pc) =	sbr.rel @p0 .LBB2_2-.Ltmp0, $3  }
0xf: {  	_ =	sdelay $0x1  }
0x10: {  	s11 =	sshra.s32 s10, $0x2  }
0x11: {  	s10 =	sadd.s32 $0x40, s10;
	[tilespmem:s11+$0x80] =	vst v0  }
0x12: {  	s10 =	simm.s32 $0x0  }
.LBB2_4:
0x13: {  	s11 =	sadd.s32 s10, s5  }
0x14: {  	[tilespmem:s2], [sflag:$0x1] =	stream.linear.gather [hbm4b:s11+s2], $0x80, $0x38;
	[tilespmem:$0x2880] =	vst v63  }
0x15: {  	_ =	swait.ge [sflag:s6], $0x80  }
0x16: {  	[sflag:s6] =	ssyncset.done $0x0  }
0x17: {  	[sflag:s6] =	ssyncadd.s32 $0xFFFFFF80  }
0x18: {  	v2 =	vld [tilespmem:$0x0];
	_ =	sdelay $0x7  }
0x19: {  	[tilespmem:v2+s7+$0x0] =	vst.idx.add.f32.msk $0x1, v1  }
0x1a: {  	[tilespmem:v2+s7+$0x0] =	vst.idx.add.f32.msk vm0, v1  }
0x1b: {  	[tilespmem:v2+s7+$0x0] =	vst.idx.add.f32.msk vm1, v1  }
0x1c: {  	[tilespmem:v2+s7+$0x0] =	vst.idx.add.f32.msk vm2, v1  }
0x1d: {  	[tilespmem:v2+s7+$0x0] =	vst.idx.add.f32.msk vm3, v1  }
0x1e: {  	[tilespmem:v2+s7+$0x0] =	vst.idx.add.f32.msk vm4, v1  }
0x1f: {  	[tilespmem:v2+s7+$0x0] =	vst.idx.add.f32.msk vm5, v1  }
0x20: {  	[tilespmem:v2+s7+$0x0] =	vst.idx.add.f32.msk vm6, v1  }
0x21: {  	[tilespmem:v2+s7+$0x0] =	vst.idx.add.f32.msk vm7, v1  }
0x22: {  	[tilespmem:v2+s7+$0x0] =	vst.idx.add.f32.msk vm8, v1  }
0x23: {  	[tilespmem:v2+s7+$0x0] =	vst.idx.add.f32.msk vm9, v1  }
0x24: {  	[tilespmem:v2+s7+$0x0] =	vst.idx.add.f32.msk vm10, v1  }
0x25: {  	[tilespmem:v2+s7+$0x0] =	vst.idx.add.f32.msk vm11, v1  }
0x26: {  	[tilespmem:v2+s7+$0x0] =	vst.idx.add.f32.msk vm12, v1  }
0x27: {  	[tilespmem:v2+s7+$0x0] =	vst.idx.add.f32.msk vm13, v1  }
0x28: {  	[tilespmem:v2+s7+$0x0] =	vst.idx.add.f32.msk vm14, v1  }
0x29: {  	v2 =	vld [tilespmem:$0x10];
	_ =	sdelay $0x7  }
0x2a: {  	[tilespmem:v2+s7+$0x0] =	vst.idx.add.f32.msk $0x1, v1  }
0x2b: {  	[tilespmem:v2+s7+$0x0] =	vst.idx.add.f32.msk vm0, v1  }
0x2c: {  	[tilespmem:v2+s7+$0x0] =	vst.idx.add.f32.msk vm1, v1  }
0x2d: {  	[tilespmem:v2+s7+$0x0] =	vst.idx.add.f32.msk vm2, v1  }
0x2e: {  	[tilespmem:v2+s7+$0x0] =	vst.idx.add.f32.msk vm3, v1  }
0x2f: {  	[tilespmem:v2+s7+$0x0] =	vst.idx.add.f32.msk vm4, v1  }
0x30: {  	[tilespmem:v2+s7+$0x0] =	vst.idx.add.f32.msk vm5, v1  }
0x31: {  	[tilespmem:v2+s7+$0x0] =	vst.idx.add.f32.msk vm6, v1  }
0x32: {  	[tilespmem:v2+s7+$0x0] =	vst.idx.add.f32.msk vm7, v1  }
0x33: {  	[tilespmem:v2+s7+$0x0] =	vst.idx.add.f32.msk vm8, v1  }
0x34: {  	[tilespmem:v2+s7+$0x0] =	vst.idx.add.f32.msk vm9, v1  }
0x35: {  	[tilespmem:v2+s7+$0x0] =	vst.idx.add.f32.msk vm10, v1  }
0x36: {  	[tilespmem:v2+s7+$0x0] =	vst.idx.add.f32.msk vm11, v1  }
0x37: {  	[tilespmem:v2+s7+$0x0] =	vst.idx.add.f32.msk vm12, v1  }
0x38: {  	[tilespmem:v2+s7+$0x0] =	vst.idx.add.f32.msk vm13, v1  }
0x39: {  	[tilespmem:v2+s7+$0x0] =	vst.idx.add.f32.msk vm14, v1  }
0x3a: {  	v2 =	vld [tilespmem:$0x20];
	_ =	sdelay $0x7  }
0x3b: {  	[tilespmem:v2+s7+$0x0] =	vst.idx.add.f32.msk $0x1, v1  }
0x3c: {  	[tilespmem:v2+s7+$0x0] =	vst.idx.add.f32.msk vm0, v1  }
0x3d: {  	[tilespmem:v2+s7+$0x0] =	vst.idx.add.f32.msk vm1, v1  }
0x3e: {  	[tilespmem:v2+s7+$0x0] =	vst.idx.add.f32.msk vm2, v1  }
0x3f: {  	[tilespmem:v2+s7+$0x0] =	vst.idx.add.f32.msk vm3, v1  }
0x40: {  	[tilespmem:v2+s7+$0x0] =	vst.idx.add.f32.msk vm4, v1  }
0x41: {  	[tilespmem:v2+s7+$0x0] =	vst.idx.add.f32.msk vm5, v1  }
0x42: {  	[tilespmem:v2+s7+$0x0] =	vst.idx.add.f32.msk vm6, v1  }
0x43: {  	[tilespmem:v2+s7+$0x0] =	vst.idx.add.f32.msk vm7, v1  }
0x44: {  	[tilespmem:v2+s7+$0x0] =	vst.idx.add.f32.msk vm8, v1  }
0x45: {  	[tilespmem:v2+s7+$0x0] =	vst.idx.add.f32.msk vm9, v1  }
0x46: {  	[tilespmem:v2+s7+$0x0] =	vst.idx.add.f32.msk vm10, v1  }
0x47: {  	[tilespmem:v2+s7+$0x0] =	vst.idx.add.f32.msk vm11, v1  }
0x48: {  	[tilespmem:v2+s7+$0x0] =	vst.idx.add.f32.msk vm12, v1  }
0x49: {  	[tilespmem:v2+s7+$0x0] =	vst.idx.add.f32.msk vm13, v1  }
0x4a: {  	[tilespmem:v2+s7+$0x0] =	vst.idx.add.f32.msk vm14, v1  }
0x4b: {  	v2 =	vld [tilespmem:$0x30];
	_ =	sdelay $0x7  }
0x4c: {  	[tilespmem:v2+s7+$0x0] =	vst.idx.add.f32.msk $0x1, v1  }
0x4d: {  	[tilespmem:v2+s7+$0x0] =	vst.idx.add.f32.msk vm0, v1  }
0x4e: {  	[tilespmem:v2+s7+$0x0] =	vst.idx.add.f32.msk vm1, v1  }
0x4f: {  	[tilespmem:v2+s7+$0x0] =	vst.idx.add.f32.msk vm2, v1  }
0x50: {  	[tilespmem:v2+s7+$0x0] =	vst.idx.add.f32.msk vm3, v1  }
0x51: {  	[tilespmem:v2+s7+$0x0] =	vst.idx.add.f32.msk vm4, v1  }
0x52: {  	[tilespmem:v2+s7+$0x0] =	vst.idx.add.f32.msk vm5, v1  }
0x53: {  	[tilespmem:v2+s7+$0x0] =	vst.idx.add.f32.msk vm6, v1  }
0x54: {  	[tilespmem:v2+s7+$0x0] =	vst.idx.add.f32.msk vm7, v1  }
0x55: {  	[tilespmem:v2+s7+$0x0] =	vst.idx.add.f32.msk vm8, v1  }
0x56: {  	[tilespmem:v2+s7+$0x0] =	vst.idx.add.f32.msk vm9, v1  }
0x57: {  	[tilespmem:v2+s7+$0x0] =	vst.idx.add.f32.msk vm10, v1  }
0x58: {  	[tilespmem:v2+s7+$0x0] =	vst.idx.add.f32.msk vm11, v1  }
0x59: {  	[tilespmem:v2+s7+$0x0] =	vst.idx.add.f32.msk vm12, v1  }
0x5a: {  	[tilespmem:v2+s7+$0x0] =	vst.idx.add.f32.msk vm13, v1  }
0x5b: {  	[tilespmem:v2+s7+$0x0] =	vst.idx.add.f32.msk vm14, v1  }
0x5c: {  	v2 =	vld [tilespmem:$0x40];
	_ =	sdelay $0x7  }
0x5d: {  	[tilespmem:v2+s7+$0x0] =	vst.idx.add.f32.msk $0x1, v1  }
0x5e: {  	[tilespmem:v2+s7+$0x0] =	vst.idx.add.f32.msk vm0, v1  }
0x5f: {  	[tilespmem:v2+s7+$0x0] =	vst.idx.add.f32.msk vm1, v1  }
0x60: {  	[tilespmem:v2+s7+$0x0] =	vst.idx.add.f32.msk vm2, v1  }
0x61: {  	[tilespmem:v2+s7+$0x0] =	vst.idx.add.f32.msk vm3, v1  }
0x62: {  	[tilespmem:v2+s7+$0x0] =	vst.idx.add.f32.msk vm4, v1  }
0x63: {  	[tilespmem:v2+s7+$0x0] =	vst.idx.add.f32.msk vm5, v1  }
0x64: {  	[tilespmem:v2+s7+$0x0] =	vst.idx.add.f32.msk vm6, v1  }
0x65: {  	[tilespmem:v2+s7+$0x0] =	vst.idx.add.f32.msk vm7, v1  }
0x66: {  	[tilespmem:v2+s7+$0x0] =	vst.idx.add.f32.msk vm8, v1  }
0x67: {  	[tilespmem:v2+s7+$0x0] =	vst.idx.add.f32.msk vm9, v1  }
0x68: {  	[tilespmem:v2+s7+$0x0] =	vst.idx.add.f32.msk vm10, v1  }
0x69: {  	[tilespmem:v2+s7+$0x0] =	vst.idx.add.f32.msk vm11, v1  }
0x6a: {  	[tilespmem:v2+s7+$0x0] =	vst.idx.add.f32.msk vm12, v1  }
0x6b: {  	[tilespmem:v2+s7+$0x0] =	vst.idx.add.f32.msk vm13, v1  }
0x6c: {  	[tilespmem:v2+s7+$0x0] =	vst.idx.add.f32.msk vm14, v1  }
0x6d: {  	v2 =	vld [tilespmem:$0x50];
	_ =	sdelay $0x7  }
0x6e: {  	[tilespmem:v2+s7+$0x0] =	vst.idx.add.f32.msk $0x1, v1  }
0x6f: {  	[tilespmem:v2+s7+$0x0] =	vst.idx.add.f32.msk vm0, v1  }
0x70: {  	[tilespmem:v2+s7+$0x0] =	vst.idx.add.f32.msk vm1, v1  }
0x71: {  	[tilespmem:v2+s7+$0x0] =	vst.idx.add.f32.msk vm2, v1  }
0x72: {  	[tilespmem:v2+s7+$0x0] =	vst.idx.add.f32.msk vm3, v1  }
0x73: {  	[tilespmem:v2+s7+$0x0] =	vst.idx.add.f32.msk vm4, v1  }
0x74: {  	[tilespmem:v2+s7+$0x0] =	vst.idx.add.f32.msk vm5, v1  }
0x75: {  	[tilespmem:v2+s7+$0x0] =	vst.idx.add.f32.msk vm6, v1  }
0x76: {  	[tilespmem:v2+s7+$0x0] =	vst.idx.add.f32.msk vm7, v1  }
0x77: {  	[tilespmem:v2+s7+$0x0] =	vst.idx.add.f32.msk vm8, v1  }
0x78: {  	[tilespmem:v2+s7+$0x0] =	vst.idx.add.f32.msk vm9, v1  }
0x79: {  	[tilespmem:v2+s7+$0x0] =	vst.idx.add.f32.msk vm10, v1  }
0x7a: {  	[tilespmem:v2+s7+$0x0] =	vst.idx.add.f32.msk vm11, v1  }
0x7b: {  	[tilespmem:v2+s7+$0x0] =	vst.idx.add.f32.msk vm12, v1  }
0x7c: {  	[tilespmem:v2+s7+$0x0] =	vst.idx.add.f32.msk vm13, v1  }
0x7d: {  	[tilespmem:v2+s7+$0x0] =	vst.idx.add.f32.msk vm14, v1  }
0x7e: {  	v2 =	vld [tilespmem:$0x60];
	_ =	sdelay $0x7  }
0x7f: {  	[tilespmem:v2+s7+$0x0] =	vst.idx.add.f32.msk $0x1, v1  }
0x80: {  	[tilespmem:v2+s7+$0x0] =	vst.idx.add.f32.msk vm0, v1  }
0x81: {  	[tilespmem:v2+s7+$0x0] =	vst.idx.add.f32.msk vm1, v1  }
0x82: {  	[tilespmem:v2+s7+$0x0] =	vst.idx.add.f32.msk vm2, v1  }
0x83: {  	[tilespmem:v2+s7+$0x0] =	vst.idx.add.f32.msk vm3, v1  }
0x84: {  	[tilespmem:v2+s7+$0x0] =	vst.idx.add.f32.msk vm4, v1  }
0x85: {  	[tilespmem:v2+s7+$0x0] =	vst.idx.add.f32.msk vm5, v1  }
0x86: {  	[tilespmem:v2+s7+$0x0] =	vst.idx.add.f32.msk vm6, v1  }
0x87: {  	[tilespmem:v2+s7+$0x0] =	vst.idx.add.f32.msk vm7, v1  }
0x88: {  	[tilespmem:v2+s7+$0x0] =	vst.idx.add.f32.msk vm8, v1  }
0x89: {  	[tilespmem:v2+s7+$0x0] =	vst.idx.add.f32.msk vm9, v1  }
0x8a: {  	[tilespmem:v2+s7+$0x0] =	vst.idx.add.f32.msk vm10, v1  }
0x8b: {  	[tilespmem:v2+s7+$0x0] =	vst.idx.add.f32.msk vm11, v1  }
0x8c: {  	[tilespmem:v2+s7+$0x0] =	vst.idx.add.f32.msk vm12, v1  }
0x8d: {  	[tilespmem:v2+s7+$0x0] =	vst.idx.add.f32.msk vm13, v1  }
0x8e: {  	[tilespmem:v2+s7+$0x0] =	vst.idx.add.f32.msk vm14, v1  }
0x8f: {  	v2 =	vld [tilespmem:$0x70];
	_ =	sdelay $0x7  }
0x90: {  	[tilespmem:v2+s7+$0x0] =	vst.idx.add.f32.msk $0x1, v1  }
0x91: {  	[tilespmem:v2+s7+$0x0] =	vst.idx.add.f32.msk vm0, v1  }
0x92: {  	[tilespmem:v2+s7+$0x0] =	vst.idx.add.f32.msk vm1, v1  }
0x93: {  	[tilespmem:v2+s7+$0x0] =	vst.idx.add.f32.msk vm2, v1  }
0x94: {  	[tilespmem:v2+s7+$0x0] =	vst.idx.add.f32.msk vm3, v1  }
0x95: {  	[tilespmem:v2+s7+$0x0] =	vst.idx.add.f32.msk vm4, v1  }
0x96: {  	[tilespmem:v2+s7+$0x0] =	vst.idx.add.f32.msk vm5, v1  }
0x97: {  	[tilespmem:v2+s7+$0x0] =	vst.idx.add.f32.msk vm6, v1  }
0x98: {  	[tilespmem:v2+s7+$0x0] =	vst.idx.add.f32.msk vm7, v1  }
0x99: {  	[tilespmem:v2+s7+$0x0] =	vst.idx.add.f32.msk vm8, v1  }
0x9a: {  	p0 =	sne.s32 s10, $0x4E0;
	[tilespmem:v2+s7+$0x0] =	vst.idx.add.f32.msk vm9, v1  }
.Ltmp1:
0x9b: {  	[tilespmem:v2+s7+$0x0] =	vst.idx.add.f32.msk vm10, v1;
	(pc) =	sbr.rel @p0 .LBB2_4-.Ltmp1, $4  }
0x9c: {  	[tilespmem:v2+s7+$0x0] =	vst.idx.add.f32.msk vm11, v1  }
0x9d: {  	[tilespmem:v2+s7+$0x0] =	vst.idx.add.f32.msk vm12, v1  }
0x9e: {  	[tilespmem:v2+s7+$0x0] =	vst.idx.add.f32.msk vm13, v1  }
0x9f: {  	s10 =	sadd.s32 $0x10, s10;
	[tilespmem:v2+s7+$0x0] =	vst.idx.add.f32.msk vm14, v1  }
0xa0: {  	s9 =	sadd.s32 $0x1, s9  }
0xa1: {  	p0 =	sne.s32 s9, s4  }
.Ltmp2:
0xa2: {  	_ = 	snop;
	(pc) =	sbr.rel @p0 .LBB2_1-.Ltmp2, $4  }
0xa3: {  	[hbm4b:s3+s7] =	stream.strided.scatter [tilespmem:s7], [sflag:$0x1], $0x2800, s8, s7, $0x38;
	[tilespmem:$0x2880] =	vst v63  }
0xa4: {  	_ =	swait.ge [sflag:s6], $0x2800  }
0xa5: {  	[sflag:s6] =	ssyncset.done $0x0  }
0xa6: {  	[sflag:s6] =	ssyncadd.s32 $0xFFFFD800  }
0xa7: {  	_ =	sfence.sel $0x180000  }
0xa8: {  	[bflag:$0x0] =	sbarrier.arrive $0xFFFF  }
0xa9: {  	p0 =	sne.s32 s1, $0x0;
	_ =	strace $0x9000004A  }
0xaa: {  	s0 =	sadd.s32 @!p0 $0x100000, s0;
	[bflag:$0x2] =	sbarrier.arrive $0xFFFF  }
0xab: {  	[sflag:s0] =	ssyncadd.tile.s32 @!p0 $0x1;
	_ =	shalt  }
.Lfunc_end2:
_tile_overlayer_lowered:
.L_overlay_start_2:
0xac: {  	(tag) =	ssettag $0x2  }
0xad: {  	s0 =	rddreg [dreg:$0x0];
	s2 =	stileid.u32  }
0xae: {  	s1 =	rddreg [dreg:$0x1];
	p0 =	sne.s32 s2, $0x0  }
0xaf: {  	s3 =	rddreg [dreg:$0x2];
	[bflag:$0x3] =	sbarrier.arrive $0xFFFF;
	s2 =	simm.s32 @!p0 $0x1C01  }
0xb0: {  	[timem:s3], [sflag:s2] =	dma.local @!p0 [hbm:s0], s1  }
0xb1: {  	s0 =	simm.s32 @!p0 $0x1  }
0xb2: {  	_ =	swait.ge @!p0 [sflag:s0], s1  }
0xb3: {  	s1 =	ssub.s32 @!p0 $0x0, s1;
	[sflag:s0] =	ssyncset.done @!p0 $0x0  }
0xb4: {  	[sflag:s0] =	ssyncadd.s32 @!p0 s1  }
0xb5: {  	[bflag:$0x3] =	sbarrier.arrive $0xFFFF  }
0xb6: {  	_ =	shalt  }

// kernel: kernel.16.cloned.1.call-start
scs
__scs_entry_jumppad:
0x0: {  	(pc) =	sbr.rel $0x88, $3  }
0x1: {  	(tag) =	ssettag $0x0;
	lr =	simm.s32 $0x1  }
0x2: {  	[smem:$0x3F80] =	sst lr;
	_ =	strace $0xD0000000  }
0x3: {  	_ = 	snop  }
0x4: {  	_ = 	snop  }
0x5: {  	_ = 	snop  }
0x6: {  	_ = 	snop  }
0x7: {  	_ = 	snop  }
__scs_overlays_trampoline_lowered:
0x8: {  	[smem:$0x3F8F] =	sst s0  }
0x9: {  	[smem:$0x3F90] =	sst s1  }
0xa: {  	[smem:$0x3F91] =	sst s2  }
0xb: {  	[smem:$0x3F92] =	sst s3  }
0xc: {  	[smem:$0x3F93] =	sst s4  }
0xd: {  	[smem:$0x3F94] =	sst s5  }
0xe: {  	[smem:$0x3F95] =	sst s6  }
0xf: {  	[smem:$0x3F96] =	sst s7  }
0x10: {  	[smem:$0x3F97] =	sst s8  }
0x11: {  	[smem:$0x3F98] =	sst s9;
	s0 =	simm.s32 @!p0 $0x0  }
0x12: {  	s1 =	sld [smem:$0x3F7E];
	s0 =	simm.s32 @p0 $0x1  }
0x13: {  	[smem:$0x3F99] =	sst s0;
	s0 =	simm.s32 @!p1 $0x0  }
0x14: {  	s2 =	sld [smem:$0x3F7D];
	s0 =	simm.s32 @p1 $0x1  }
0x15: {  	[smem:$0x3F9A] =	sst s0;
	s0 =	simm.s32 @!p2 $0x0  }
0x16: {  	s3 =	sld [smem:$0x3FDB];
	s0 =	simm.s32 @p2 $0x1  }
0x17: {  	s4 =	simm.s32 $0x1BF5;
	[smem:$0x3F9C] =	sst s0  }
0x18: {  	s0 =	sld [smem:$0x3F7F];
	_ =	swait.ge [sflag:s4], $0x0  }
0x19: {  	s7 =	sld [smem:$0x3F80]  }
0x1a: {  	s8 =	sadd.s32 $0xFFFFE003, lr  }
0x1b: {  	s9 =	sadd.s32 $0xFFFFFEF7, lr;
	s5 =	simm.s32 $0xFFFFFFFF;
	p2 =	slt.u32 s8, $0xFFFFF086  }
0x1c: {  	p1 =	slt.u32 s9, $0xF7A;
	s5 =	simm.s32 @!p2 $0x0  }
0x1d: {  	s5 =	simm.s32 @p1 $0x1;
	p0 =	seq.s32 s7, s2  }
0x1e: {  	s7 =	smul.u32 @!p0 $0xF7A, s2;
	p2 =	seq.s32 @!p0 s5, $0x0  }
0x1f: {  	s9 =	smul.u32 $0xF7A, s1;
	s8 =	simm.s32 @!p0 $0x1BF5;
	p2 =	por !p2, p0  }
0x20: {  	[sflag:s8] =	ssyncset.s32 @!p0 $0xFFFFF086;
	s6 =	sadd.s32 @!p0 s3, s7;
	s7 =	simm.s32 @!p0 $0x108  }
0x21: {  	s3 =	sadd.s32 s3, s9;
	s6 =	sadd.s32 @!p0 $0x88, s6;
	s7 =	simm.s32 @p2 $0x1082  }
0x22: {  	[simem:s7], [sflag:s8] =	dma.local @!p0 [hbm:s6], $0xF7A  }
0x23: {  	s9 =	sor.u32 $0xD0000000, s2;
	s6 =	simm.s32 $0x108;
	_ =	swait.ge @!p0 [sflag:s8], $0x0  }
0x24: {  	s3 =	sadd.s32 $0x88, s3;
	s6 =	simm.s32 @!p1 $0x1082;
	[sflag:s4] =	ssyncset.s32 $0xFFFFF086  }
0x25: {  	[simem:s6], [sflag:s4] =	dma.local [hbm:s3], $0xF7A  }
0x26: {  	[smem:$0x3F80] =	sst s1;
	(tag) =	ssettag s2;
	_ =	strace s9  }
0x27: {  	s1 =	sld [smem:$0x3F90]  }
0x28: {  	s2 =	sld [smem:$0x3F91]  }
0x29: {  	s4 =	sld [smem:$0x3F93]  }
0x2a: {  	p0 =	seq.s32 s5, $0x0;
	s5 =	sld [smem:$0x3F94]  }
0x2b: {  	s6 =	sld [smem:$0x3F95]  }
0x2c: {  	s7 =	sld [smem:$0x3F96]  }
0x2d: {  	s3 =	simm.s32 $0x108;
	s8 =	sld [smem:$0x3F97]  }
0x2e: {  	s3 =	simm.s32 @!p0 $0x1082;
	s9 =	sld [smem:$0x3F98]  }
0x2f: {  	lr =	sadd.s32 s0, s3;
	s0 =	sld [smem:$0x3F8F]  }
0x30: {  	s3 =	sld [smem:$0x3F92]  }
0x31: {  	[smem:$0x3F9B] =	sst s10  }
0x32: {  	s10 =	sld [smem:$0x3F99];
	_ =	sdelay $0x3  }
0x33: {  	p0 =	seq.s32 s10, $0x1;
	s10 =	sld [smem:$0x3F9B];
	_ =	sdelay $0x3  }
0x34: {  	[smem:$0x3F9B] =	sst s10  }
0x35: {  	s10 =	sld [smem:$0x3F9A];
	_ =	sdelay $0x3  }
0x36: {  	p1 =	seq.s32 s10, $0x1;
	s10 =	sld [smem:$0x3F9B];
	_ =	sdelay $0x3  }
0x37: {  	[smem:$0x3F9B] =	sst s10  }
0x38: {  	s10 =	sld [smem:$0x3F9C]  }
0x39: {  	_ = 	snop;
	(pc) =	sbr.ind lr, $3  }
0x3a: {  	_ = 	snop  }
0x3b: {  	_ = 	snop  }
0x3c: {  	p2 =	seq.s32 s10, $0x1;
	s10 =	sld [smem:$0x3F9B]  }
0x3d: {  	_ =	shalt  }
0x3e: {  	_ =	shalt  }
0x3f: {  	_ =	shalt  }
0x40: {  	_ =	shalt  }
0x41: {  	_ =	shalt  }
0x42: {  	_ =	shalt  }
0x43: {  	_ =	shalt  }
0x44: {  	_ =	shalt  }
0x45: {  	_ =	shalt  }
0x46: {  	_ =	shalt  }
0x47: {  	_ =	shalt  }
0x48: {  	_ =	shalt  }
0x49: {  	_ =	shalt  }
0x4a: {  	_ =	shalt  }
0x4b: {  	_ =	shalt  }
0x4c: {  	_ =	shalt  }
0x4d: {  	_ =	shalt  }
0x4e: {  	_ =	shalt  }
0x4f: {  	_ =	shalt  }
0x50: {  	_ =	shalt  }
0x51: {  	_ =	shalt  }
0x52: {  	_ =	shalt  }
0x53: {  	_ =	shalt  }
0x54: {  	_ =	shalt  }
0x55: {  	_ =	shalt  }
0x56: {  	_ =	shalt  }
0x57: {  	_ =	shalt  }
0x58: {  	_ =	shalt  }
0x59: {  	_ =	shalt  }
0x5a: {  	_ =	shalt  }
0x5b: {  	_ =	shalt  }
0x5c: {  	_ =	shalt  }
0x5d: {  	_ =	shalt  }
0x5e: {  	_ =	shalt  }
0x5f: {  	_ =	shalt  }
0x60: {  	_ =	shalt  }
0x61: {  	_ =	shalt  }
0x62: {  	_ =	shalt  }
0x63: {  	_ =	shalt  }
0x64: {  	_ =	shalt  }
0x65: {  	_ =	shalt  }
0x66: {  	_ =	shalt  }
0x67: {  	_ =	shalt  }
0x68: {  	_ =	shalt  }
0x69: {  	_ =	shalt  }
0x6a: {  	_ =	shalt  }
0x6b: {  	_ =	shalt  }
0x6c: {  	_ =	shalt  }
0x6d: {  	_ =	shalt  }
0x6e: {  	_ =	shalt  }
0x6f: {  	_ =	shalt  }
0x70: {  	_ =	shalt  }
0x71: {  	_ =	shalt  }
0x72: {  	_ =	shalt  }
0x73: {  	_ =	shalt  }
0x74: {  	_ =	shalt  }
0x75: {  	_ =	shalt  }
0x76: {  	_ =	shalt  }
0x77: {  	_ =	shalt  }
0x78: {  	_ =	shalt  }
0x79: {  	_ =	shalt  }
0x7a: {  	_ =	shalt  }
0x7b: {  	_ =	shalt  }
0x7c: {  	_ =	shalt  }
0x7d: {  	_ =	shalt  }
0x7e: {  	_ =	shalt  }
0x7f: {  	_ =	shalt  }
0x80: {  	_ =	shalt  }
0x81: {  	_ =	shalt  }
0x82: {  	_ =	shalt  }
0x83: {  	_ =	shalt  }
0x84: {  	_ =	shalt  }
0x85: {  	_ =	shalt  }
0x86: {  	_ =	shalt  }
0x87: {  	_ =	shalt  }
.Lfunc_end0:
.L_simem_size_0:
called_computation.2_lowered:
.L_overlay_start_0:
0x88: {  	s2 =	sld [smem:$0x3FD9]  }
0x89: {  	s3 =	sld [smem:$0x3FFE];
	_ =	sdelay $0x1  }
0x8a: {  	s1 =	srdreg.scid  }
0x8b: {  	s0 =	sand.u32 $0x1, s1  }
0x8c: {  	s16 =	sshll.u32 s0, $0xA;
	s2 =	sadd.s32 s3, s2  }
0x8d: {  	s2 =	sadd.s32 s2, s16  }
0x8e: {  	[smem:$0x3FA7] =	sst s2  }
0x8f: {  	_ = 	snop  }
0x90: {  	(tm) =	ssettm $0x1  }
0x91: {  	s17 =	sld [smem:$0x3FFB];
	_ =	sdelay $0x3  }
0x92: {  	_ =	strace s17  }
0x93: {  	s2 =	sld [smem:$0x3FFC];
	_ =	sdelay $0x3  }
0x94: {  	_ =	strace s2  }
0x95: {  	s2 =	sld [smem:$0x3FFD];
	_ =	sdelay $0x3  }
0x96: {  	_ =	strace s2  }
0x97: {  	_ =	strace $0x8FFFFFFF  }
0x98: {  	s18 =	sld [smem:$0x3FDB];
	_ =	sdelay $0x1  }
0x99: {  	s19 =	simm.s32 $_scs_section_size  }
0x9a: {  	s4 =	simm.s32 $_size__tile_overlayer_lowered;
	s5 =	simm.s32 $_tile_overlayer_lowered  }
0x9b: {  	s22 =	simm.s32 $0x1BFF;
	s21 =	sshll.u32 s5, $0x1;
	s2 =	sadd.s32 s19, s18  }
0x9c: {  	s6 =	simm.s32 $0x0;
	s20 =	sshll.u32 s4, $0x1;
	s4 =	sadd.s32 s21, s2  }
0x9d: {  	[timem:s6], [sflag:s22] =	dma.local [hbm:s4], s20  }
0x9e: {  	_ =	swait.ge [sflag:s22], s20  }
0x9f: {  	s3 =	ssub.s32 $0x0, s20;
	[sflag:s22] =	ssyncset.done $0x0  }
0xa0: {  	[sflag:s22] =	ssyncadd.s32 s3;
	_ =	sdelay $0x1  }
0xa1: {  	s23 =	simm.s32 $0x1B8B  }
0xa2: {  	_ =	swait.ge [sflag:s23], $0x1  }
0xa3: {  	[sflag:s23] =	ssyncset.done $0x0  }
0xa4: {  	s25 =	simm.s32 $0x1B8E;
	s24 =	sld [smem:$0x3FFE];
	[sflag:s23] =	ssyncadd.s32 $0xFFFFFFFF  }
0xa5: {  	s26 =	simm.s32 $execute0_lowered;
	[smem:$0x3FD2] =	sst s25  }
0xa6: {  	s4 =	sshll.u32 s26, $0x1;
	_ =	strace $0x8000004C;
	[dreg:$0x1] =	wrdreg $0xFFFFFFFF  }
0xa7: {  	s28 =	simm.s32 $_size_execute0_lowered;
	s2 =	sadd.s32 s2, s4;
	[dreg:$0x0] =	wrdreg $0x0  }
0xa8: {  	s4 =	sshll.u32 s28, $0x1;
	[dreg:$0x2] =	wrdreg s2  }
0xa9: {  	[dreg:$0x3] =	wrdreg s4  }
0xaa: {  	[dreg:$0x4] =	wrdreg $0xC0  }
0xab: {  	_ =	task [dreg:s6], $0x5FFFF  }
0xac: {  	[dreg:$0x1] =	wrdreg $0xFFFFFFFF  }
0xad: {  	[dreg:$0x0] =	wrdreg $0x60  }
0xae: {  	[dreg:$0x2] =	wrdreg s24  }
0xaf: {  	[dreg:$0x3] =	wrdreg $0xC1000  }
0xb0: {  	[dreg:$0x4] =	wrdreg $0x9  }
0xb1: {  	_ =	task.clear_ibuf [dreg:s6], $0x5FFFF;
	_ =	strace $0x9000004C  }
0xb2: {  	s29 =	simm.s32 $0x9;
	_ =	strace $0x8000004E  }
0xb3: {  	_ =	swait.ge [sflag:s29], $0x1  }
0xb4: {  	[sflag:s29] =	ssyncadd.s32 $0xFFFFFFFF  }
0xb5: {  	_ =	strace $0x9000004E  }
0xb6: {  	_ =	sfence  }
0xb7: {  	s30 =	sld [smem:$0x0];
	_ =	sdelay $0x2  }
0xb8: {  	s31 =	sshll.u32 s1, $0xD;
	s1 =	sshrl.u32 s1, $0x2  }
0xb9: {  	s3 =	sand.u32 $0x4000, s31;
	s1 =	sadd.s32 s1, s30  }
0xba: {  	s0 =	sor.u32 s3, s0;
	s1 =	sshll.u32 s1, $0x11  }
0xbb: {  	s0 =	sor.u32 s1, s0  }
0xbc: {  	s0 =	sadd.s32 $0x8F2B, s0  }
0xbd: {  	[sflag:s0] =	ssyncadd.remote.s32 $0x1  }
0xbe: {  	_ =	sfence.sel $0xFFFF  }
0xbf: {  	[dreg:$0x0] =	wrdreg $0xFFFFFFFF;
	(pc) =	sbr.abs _section_cstart, $3  }
0xc0: {  	[dreg:$0x1] =	wrdreg $0xFFFFFFFF  }
0xc1: {  	_ =	task.clear_ibuf [dreg:s6], $0x2FFFF;
	_ =	strace $0x9FFFFFFF  }
0xc2: {  	(tm) =	ssettm $0x7FFFFFFF  }
0xc3: {  	_ =	shalt  }
tec
execute0_lowered:
.L_overlay_start_1:
0x0: {  	(tag) =	ssettag $0x1  }
0x1: {  	s0 =	rddreg [dreg:$0x0]  }
0x2: {  	s2 =	rddreg [dreg:$0x1]  }
0x3: {  	s3 =	simm.s32 $0x0;
	s12 =	stileid.u32;
	s1 =	srdreg.scid  }
0x4: {  	s15 =	simm.s32 $0xFC00;
	s16 =	simm.s32 $0x100;
	s17 =	simm.s32 $0x4  }
0x5: {  	s18 =	simm.s32 $0x80;
	s19 =	simm.s32 $0x8100;
	s20 =	simm.s32 $0x1  }
0x6: {  	s21 =	simm.s32 $0x2;
	s22 =	simm.s32 $0x4100;
	s23 =	simm.s32 $0x3  }
0x7: {  	s24 =	simm.s32 $0x0;
	s4 =	smul.u32 $0x278, s12;
	s5 =	smin.u32 s12, $0x8  }
0x8: {  	[smem:$0x7FF] =	sst s3;
	s1 =	sand.u32 $0x1, s1;
	s30 =	sshll.u32 s12, $0x1  }
0x9: {  	p0 =	sgt.u32 s12, $0x7;
	s5 =	sshll.u32 s5, $0x3;
	_ =	strace $0x8000004D  }
0xa: {  	s7 =	smul.u32 $0x140000, s1;
	s10 =	ssub.s32 $0x2, s1;
	s1 =	sor.u32 s1, s30  }
0xb: {  	s15 =	simm.s32 @!p0 $0x10000;
	s6 =	sadd.s32 s4, s5;
	s4 =	sadd.s32 $0x9FAE00, s0  }
0xc: {  	s5 =	sadd.s32 $0x50AE00, s0;
	s11 =	sshrl.u32 s10, $0x1;
	s12 =	smul.u32 $0x2780, s1  }
0xd: {  	s8 =	sshll.u32 s6, $0x7;
	s6 =	sadd.s32 $0x7200, s0;
	s29 =	ssub.s32 s10, s11  }
0xe: {  	s9 =	sadd.s32 s7, s8;
	s7 =	sadd.s32 $0x11000, s0;
	s8 =	sadd.s32 s8, s2  }
0xf: {  	s14 =	smax.u32 s29, $0x1;
	s9 =	sshrl.u32 s9, $0x3;
	s31 =	sadd.s32 $0x4000, s8  }
0x10: {  	s10 =	sadd.s32 $0x8000, s8;
	s11 =	sadd.s32 $0xC000, s8;
	s0 =	sadd.s32 s9, s0  }
0x11: {  	v0 =	vimm.f32 $0.0e+00;
	s15 =	sadd.s32 s15, s8;
	[dreg:$0x3] =	wrdreg s31;
	s13 =	sadd.s32 $0x42E00, s0  }
.LBB2_1:
0x12: {  	s0 =	simm.s32 $0x0;
	s1 =	simm.s32 $0x200  }
.LBB2_2:
0x13: {  	p1 =	sne.s32 s1, $0xFE00;
	[tilespmem:s0+$0x170] =	vst v0  }
0x14: {  	[tilespmem:s0+$0x100] =	vst v0  }
0x15: {  	[tilespmem:s0+$0x110] =	vst v0  }
.Ltmp0:
0x16: {  	[tilespmem:s0+$0x120] =	vst v0;
	(pc) =	sbr.rel @p1 .LBB2_2-.Ltmp0, $4  }
0x17: {  	[tilespmem:s0+$0x130] =	vst v0  }
0x18: {  	[tilespmem:s0+$0x140] =	vst v0  }
0x19: {  	[tilespmem:s0+$0x150] =	vst v0  }
0x1a: {  	[tilespmem:s0+$0x160] =	vst v0;
	s0 =	sshra.s32 s1, $0x2;
	s1 =	sadd.s32 $0x200, s1  }
0x1b: {  	[tilespmem:s0+$0x170] =	vst v0  }
0x1c: {  	[tilespmem:s0+$0x100] =	vst v0  }
0x1d: {  	[tilespmem:s0+$0x110] =	vst v0  }
0x1e: {  	[tilespmem:s0+$0x120] =	vst v0  }
0x1f: {  	[tilespmem:s0+$0x130] =	vst v0  }
0x20: {  	[tilespmem:s0+$0x140] =	vst v0  }
0x21: {  	[tilespmem:s0+$0x150] =	vst v0  }
0x22: {  	[tilespmem:s0+$0x160] =	vst v0  }
0x23: {  	[spmem:s8] =	stream.linear.scatter [tilespmem:s16], [sflag:$0x4], $0x4000, $0x38;
	[tilespmem:$0x1FF00] =	vst v63  }
0x24: {  	_ =	swait.ge [sflag:s17], $0x4000  }
0x25: {  	[sflag:s17] =	ssyncset.done $0x0  }
0x26: {  	s31 =	rddreg [dreg:$0x3];
	[sflag:s17] =	ssyncadd.s32 $0xFFFFC000  }
0x27: {  	[spmem:s31] =	stream.linear.scatter [tilespmem:s16], [sflag:$0x4], $0x4000, $0x38;
	[tilespmem:$0x1FF00] =	vst v63  }
0x28: {  	_ =	swait.ge [sflag:s17], $0x4000  }
0x29: {  	[sflag:s17] =	ssyncset.done $0x0  }
0x2a: {  	[sflag:s17] =	ssyncadd.s32 $0xFFFFC000  }
0x2b: {  	[spmem:s10] =	stream.linear.scatter [tilespmem:s16], [sflag:$0x4], $0x4000, $0x38;
	[tilespmem:$0x1FF00] =	vst v63  }
0x2c: {  	_ =	swait.ge [sflag:s17], $0x4000  }
0x2d: {  	[sflag:s17] =	ssyncset.done $0x0  }
0x2e: {  	[sflag:s17] =	ssyncadd.s32 $0xFFFFC000  }
0x2f: {  	[spmem:s11] =	stream.linear.scatter [tilespmem:s16], [sflag:$0x4], $0x4000, $0x38;
	[tilespmem:$0x1FF00] =	vst v63  }
0x30: {  	_ =	swait.ge [sflag:s17], $0x4000  }
0x31: {  	[sflag:s17] =	ssyncset.done $0x0  }
0x32: {  	[sflag:s17] =	ssyncadd.s32 $0xFFFFC000  }
0x33: {  	[spmem:s15] =	stream.linear.scatter [tilespmem:s16], [sflag:$0x4], $0x4000, $0x38;
	[tilespmem:$0x1FF00] =	vst v63  }
0x34: {  	_ =	swait.ge [sflag:s17], $0x4000  }
0x35: {  	[sflag:s17] =	ssyncset.done $0x0  }
0x36: {  	[sflag:s17] =	ssyncadd.s32 $0xFFFFC000  }
0x37: {  	s25 =	simm.s32 $0x0;
	[bflag:$0x0] =	sbarrier.arrive $0xFFFF  }
.LBB2_4:
0x38: {  	s0 =	sshll.u32 s25, $0x7  }
0x39: {  	s0 =	sadd.s32 s12, s0  }
0x3a: {  	s1 =	sshrl.u32 s0, $0x3  }
0x3b: {  	s9 =	sadd.s32 s6, s1  }
0x3c: {  	[tilespmem:s3], [sflag:$0x1] =	stream.linear.gather [hbm4b:s9+s3], $0x80, $0x38;
	[tilespmem:$0x1FF00] =	vst v63  }
0x3d: {  	s0 =	sshll.u32 s0, $0x4;
	s1 =	sadd.s32 s7, s1  }
0x3e: {  	[tilespmem:s18], [sflag:$0x2] =	stream.linear.gather [hbm4b:s1+s3], $0x80, $0x38;
	[tilespmem:$0x1FF00] =	vst v63  }
0x3f: {  	s0 =	sadd.s32 s5, s0  }
0x40: {  	[tilespmem:s19], [sflag:$0x3] =	stream.linear.gather [hbm4b:s0+s3], $0x4000, $0x38;
	[tilespmem:$0x1FF00] =	vst v63  }
0x41: {  	_ =	swait.ge [sflag:s20], $0x80  }
0x42: {  	[sflag:s20] =	ssyncset.done $0x0  }
0x43: {  	[sflag:s20] =	ssyncadd.s32 $0xFFFFFF80  }
0x44: {  	_ =	swait.ge [sflag:s21], $0x80  }
0x45: {  	[sflag:s21] =	ssyncset.done $0x0  }
0x46: {  	[sflag:s21] =	ssyncadd.s32 $0xFFFFFF80  }
0x47: {  	[tilespmem:s16], [sflag:$0x1] =	stream.indirect.gather [hbm4b:s4+s18], $0x80, s3, s18, $0xb8;
	[tilespmem:$0x1FF00] =	vst v63  }
0x48: {  	_ = 	snop  }
0x49: {  	[tilespmem:s22], [sflag:$0x2] =	stream.indirect.gather [hbm4b:s4+s18], $0x80, s18, s18, $0xb8;
	[tilespmem:$0x1FF00] =	vst v63  }
0x4a: {  	_ =	swait.ge [sflag:s20], $0x4000  }
0x4b: {  	[sflag:s20] =	ssyncset.done $0x0  }
0x4c: {  	[sflag:s20] =	ssyncadd.s32 $0xFFFFC000  }
0x4d: {  	_ =	swait.ge [sflag:s21], $0x4000  }
0x4e: {  	[sflag:s21] =	ssyncset.done $0x0  }
0x4f: {  	[sflag:s21] =	ssyncadd.s32 $0xFFFFC000  }
0x50: {  	_ =	swait.ge [sflag:s23], $0x4000  }
0x51: {  	[sflag:s23] =	ssyncset.done $0x0  }
0x52: {  	s26 =	simm.s32 $0x200;
	[sflag:s23] =	ssyncadd.s32 $0xFFFFC000  }
0x53: {  	s9 =	simm.s32 $0x4240;
	v1 =	vld [tilespmem:s26+$0x80]  }
0x54: {  	s31 =	simm.s32 $0x8200;
	v2 =	vld [tilespmem:s9+$0x80]  }
0x55: {  	v3 =	vld [tilespmem:s31+$0x80]  }
0x56: {  	v4 =	vld [tilespmem:s9+$0xFFFFFF00]  }
0x57: {  	v5 =	vld [tilespmem:s9+$0xFFFFFF80]  }
0x58: {  	v6 =	vld [tilespmem:s26+$0xFFFFFF00]  }
0x59: {  	v7 =	vld [tilespmem:s31+$0xFFFFFF00]  }
0x5a: {  	v9 =	vld [tilespmem:s9+$0x0]  }
0x5b: {  	v10 =	vld [tilespmem:s31+$0xFFFFFF80]  }
0x5c: {  	v11 =	vld [tilespmem:s31+$0x0]  }
0x5d: {  	s28 =	simm.s32 $0x400;
	v12 =	vld [tilespmem:s26+$0xFFFFFF30]  }
0x5e: {  	s30 =	simm.s32 $0x4440;
	v14 =	vld [tilespmem:s28+$0x80]  }
0x5f: {  	s29 =	simm.s32 $0x8400;
	v15 =	vld [tilespmem:s30+$0x80]  }
0x60: {  	v16 =	vld [tilespmem:s29+$0x80]  }
0x61: {  	v18 =	vld [tilespmem:s30+$0xFFFFFF00]  }
0x62: {  	v19 =	vld [tilespmem:s28+$0xFFFFFF80]  }
0x63: {  	v39 =	vld [tilespmem:s30+$0xFFFFFF80]  }
0x64: {  	v20 =	vld [tilespmem:s28+$0x0]  }
0x65: {  	v40 =	vld [tilespmem:s28+$0xFFFFFF00]  }
0x66: {  	v21 =	vld [tilespmem:s29+$0xFFFFFF00]  }
0x67: {  	v22 =	vld [tilespmem:s29+$0xFFFFFF80]  }
0x68: {  	v41 =	vld [tilespmem:s28+$0x90]  }
0x69: {  	v24 =	vld [tilespmem:s30+$0x0]  }
0x6a: {  	v43 =	vld [tilespmem:s29+$0x0]  }
0x6b: {  	v44 =	vld [tilespmem:s28+$0xFFFFFF10]  }
0x6c: {  	v45 =	vld [tilespmem:s28+$0xFFFFFF90]  }
0x6d: {  	v46 =	vld [tilespmem:s28+$0x10]  }
0x6e: {  	v47 =	vld [tilespmem:s28+$0xFFFFFF20]  }
0x6f: {  	v53 =	vld [tilespmem:s28+$0xA0];
	v1 =	vadd.f32 v2, v1  }
0x70: {  	v2 =	vld [tilespmem:s26+$0xFFFFFF80]  }
0x71: {  	v57 =	vld [tilespmem:s28+$0xFFFFFFA0];
	v4 =	vadd.f32 v4, v6;
	v1 =	vadd.f32 v3, v1  }
0x72: {  	[tilespmem:s26+$0xC0] =	vst v0;
	v3 =	vld [tilespmem:s26+$0x0]  }
0x73: {  	[tilespmem:s26+$0xFFFFFF40] =	vst v0;
	v14 =	vadd.f32 v15, v14;
	v4 =	vadd.f32 v7, v4;
	v7 =	vld [tilespmem:s26+$0xFFFFFF10];
	v1 =	vmax.f32 v1, $0.0e+00  }
0x74: {  	v15 =	vadd.f32 v39, v19;
	[tilespmem:s26+$0x80] =	vst v1;
	v1 =	vld [tilespmem:s26+$0x90]  }
0x75: {  	[tilespmem:s28+$0xC0] =	vst v0;
	v14 =	vadd.f32 v16, v14;
	v2 =	vadd.f32 v5, v2;
	v5 =	vld [tilespmem:s26+$0x10]  }
0x76: {  	[tilespmem:s28+$0xFFFFFFC0] =	vst v0;
	v20 =	vadd.f32 v24, v20;
	v4 =	vmax.f32 v4, $0.0e+00;
	v8 =	vld [tilespmem:s9+$0x90]  }
0x77: {  	v15 =	vadd.f32 v22, v15;
	v14 =	vmax.f32 v14, $0.0e+00;
	[tilespmem:s26+$0xFFFFFF00] =	vst v4;
	v6 =	vld [tilespmem:s31+$0x90]  }
0x78: {  	v49 =	vadd.f32 v43, v20;
	[tilespmem:s28+$0x80] =	vst v14;
	v4 =	vld [tilespmem:s9+$0xFFFFFF10]  }
0x79: {  	[tilespmem:s28+$0x40] =	vst v0;
	v16 =	vadd.f32 v18, v40;
	v15 =	vmax.f32 v15, $0.0e+00;
	v23 =	vld [tilespmem:s30+$0x90]  }
0x7a: {  	v52 =	vmax.f32 v49, $0.0e+00;
	[tilespmem:s28+$0xFFFFFF80] =	vst v15;
	v42 =	vld [tilespmem:s29+$0x90]  }
0x7b: {  	v16 =	vadd.f32 v21, v16;
	[tilespmem:s28+$0x0] =	vst v52;
	v50 =	vld [tilespmem:s30+$0xFFFFFF90]  }
0x7c: {  	v55 =	vld [tilespmem:s30+$0x10]  }
0x7d: {  	[tilespmem:s28+$0xFFFFFF40] =	vst v0;
	v16 =	vmax.f32 v16, $0.0e+00;
	v56 =	vld [tilespmem:s29+$0xFFFFFF90]  }
0x7e: {  	v3 =	vadd.f32 v9, v3;
	v2 =	vadd.f32 v10, v2;
	v9 =	vld [tilespmem:s31+$0xFFFFFF10];
	[tilespmem:s28+$0xFFFFFF00] =	vst v16  }
0x7f: {  	v48 =	vld [tilespmem:s30+$0xFFFFFF10];
	v1 =	vadd.f32 v8, v1  }
0x80: {  	[tilespmem:s26+$0xFFFFFFC0] =	vst v0;
	v51 =	vld [tilespmem:s29+$0xFFFFFF10];
	v2 =	vmax.f32 v2, $0.0e+00  }
0x81: {  	[tilespmem:s26+$0xFFFFFF80] =	vst v2;
	v8 =	vld [tilespmem:s26+$0xFFFFFF90];
	v1 =	vadd.f32 v6, v1  }
0x82: {  	v10 =	vld [tilespmem:s9+$0xFFFFFF90]  }
0x83: {  	[tilespmem:s26+$0xD0] =	vst v0;
	v4 =	vadd.f32 v4, v7;
	v6 =	vld [tilespmem:s26+$0xFFFFFF20];
	v1 =	vmax.f32 v1, $0.0e+00  }
0x84: {  	[tilespmem:s26+$0x90] =	vst v1;
	v1 =	vadd.f32 v11, v3;
	v3 =	vld [tilespmem:s26+$0xA0]  }
0x85: {  	[tilespmem:s26+$0x40] =	vst v0;
	v14 =	vadd.f32 v23, v41;
	v4 =	vadd.f32 v9, v4;
	v2 =	vld [tilespmem:s9+$0xA0]  }
0x86: {  	[tilespmem:s26+$0xFFFFFF50] =	vst v0;
	v9 =	vld [tilespmem:s31+$0xFFFFFF90];
	v1 =	vmax.f32 v1, $0.0e+00  }
0x87: {  	v14 =	vadd.f32 v42, v14;
	v4 =	vmax.f32 v4, $0.0e+00;
	[tilespmem:s26+$0x0] =	vst v1;
	v1 =	vld [tilespmem:s31+$0xA0]  }
0x88: {  	[tilespmem:s26+$0xFFFFFF10] =	vst v4;
	v7 =	vld [tilespmem:s9+$0x10]  }
0x89: {  	[tilespmem:s28+$0xD0] =	vst v0;
	v14 =	vmax.f32 v14, $0.0e+00;
	v4 =	vadd.f32 v10, v8;
	v8 =	vld [tilespmem:s9+$0xFFFFFF20]  }
0x8a: {  	[tilespmem:s28+$0x90] =	vst v14;
	v2 =	vadd.f32 v2, v3;
	v3 =	vld [tilespmem:s31+$0x10]  }
0x8b: {  	v54 =	vld [tilespmem:s30+$0xA0]  }
0x8c: {  	v4 =	vadd.f32 v9, v4;
	v9 =	vld [tilespmem:s26+$0x20];
	v1 =	vadd.f32 v1, v2  }
0x8d: {  	v2 =	vld [tilespmem:s26+$0xFFFFFFA0];
	v5 =	vadd.f32 v7, v5  }
0x8e: {  	[tilespmem:s26+$0xE0] =	vst v0;
	v7 =	vld [tilespmem:s31+$0xFFFFFF20];
	v1 =	vmax.f32 v1, $0.0e+00  }
0x8f: {  	[tilespmem:s26+$0xA0] =	vst v1;
	v1 =	vmax.f32 v4, $0.0e+00;
	v3 =	vadd.f32 v3, v5;
	v5 =	vld [tilespmem:s26+$0xB0]  }
0x90: {  	[tilespmem:s26+$0xFFFFFF90] =	vst v1;
	v1 =	vld [tilespmem:s9+$0xB0]  }
0x91: {  	[tilespmem:s26+$0xFFFFFFD0] =	vst v0;
	v4 =	vadd.f32 v8, v6;
	v8 =	vld [tilespmem:s31+$0xB0]  }
0x92: {  	[tilespmem:s26+$0x50] =	vst v0;
	v3 =	vmax.f32 v3, $0.0e+00;
	v6 =	vld [tilespmem:s9+$0xFFFFFFA0]  }
0x93: {  	v10 =	vld [tilespmem:s31+$0xFFFFFFA0];
	[tilespmem:s26+$0x10] =	vst v3  }
0x94: {  	v3 =	vadd.f32 v7, v4;
	v7 =	vld [tilespmem:s9+$0x20]  }
0x95: {  	[tilespmem:s28+$0xFFFFFFD0] =	vst v0;
	v4 =	vld [tilespmem:s26+$0x30]  }
0x96: {  	[tilespmem:s28+$0xFFFFFF50] =	vst v0;
	v11 =	vld [tilespmem:s31+$0x20];
	v3 =	vmax.f32 v3, $0.0e+00  }
0x97: {  	v18 =	vadd.f32 v48, v44;
	[tilespmem:s26+$0xFFFFFF20] =	vst v3;
	v3 =	vld [tilespmem:s26+$0xFFFFFFB0]  }
0x98: {  	[tilespmem:s26+$0xFFFFFF60] =	vst v0;
	v2 =	vadd.f32 v6, v2;
	v6 =	vld [tilespmem:s29+$0xA0]  }
0x99: {  	[tilespmem:s26+$0xF0] =	vst v0;
	v13 =	vld [tilespmem:s9+$0xFFFFFF30];
	v7 =	vadd.f32 v7, v9;
	v9 =	vadd.f32 v51, v18  }
0x9a: {  	[tilespmem:s26+$0xFFFFFFE0] =	vst v0;
	v2 =	vadd.f32 v10, v2;
	v10 =	vld [tilespmem:s29+$0x10]  }
0x9b: {  	[tilespmem:s26+$0x60] =	vst v0;
	v17 =	vld [tilespmem:s31+$0xFFFFFF30];
	v7 =	vadd.f32 v11, v7;
	v11 =	vadd.f32 v54, v53;
	v9 =	vmax.f32 v9, $0.0e+00  }
0x9c: {  	v58 =	vadd.f32 v50, v45;
	v1 =	vadd.f32 v1, v5;
	v2 =	vmax.f32 v2, $0.0e+00;
	[tilespmem:s28+$0xFFFFFF10] =	vst v9;
	v9 =	vld [tilespmem:s28+$0x20]  }
0x9d: {  	v5 =	vadd.f32 v55, v46;
	[tilespmem:s26+$0xFFFFFFA0] =	vst v2;
	v2 =	vmax.f32 v7, $0.0e+00;
	v6 =	vadd.f32 v6, v11;
	v7 =	vld [tilespmem:s30+$0xFFFFFF20]  }
0x9e: {  	v11 =	vld [tilespmem:s9+$0xFFFFFFB0];
	[tilespmem:s26+$0x20] =	vst v2;
	v2 =	vadd.f32 v56, v58  }
0x9f: {  	[tilespmem:s28+$0xE0] =	vst v0;
	v59 =	vld [tilespmem:s29+$0xFFFFFF20];
	v5 =	vadd.f32 v10, v5;
	v6 =	vmax.f32 v6, $0.0e+00  }
0xa0: {  	v1 =	vadd.f32 v8, v1;
	v8 =	vld [tilespmem:s9+$0x30];
	v2 =	vmax.f32 v2, $0.0e+00;
	[tilespmem:s28+$0xA0] =	vst v6  }
0xa1: {  	v5 =	vmax.f32 v5, $0.0e+00;
	[tilespmem:s28+$0xFFFFFF90] =	vst v2;
	v2 =	vld [tilespmem:s28+$0xB0]  }
0xa2: {  	v1 =	vmax.f32 v1, $0.0e+00;
	[tilespmem:s28+$0x10] =	vst v5;
	v5 =	vld [tilespmem:s29+$0xB0];
	v6 =	vadd.f32 v7, v47  }
0xa3: {  	[tilespmem:s26+$0xB0] =	vst v1;
	v1 =	vadd.f32 v13, v12;
	v7 =	vld [tilespmem:s30+$0xB0]  }
0xa4: {  	[tilespmem:s28+$0x50] =	vst v0;
	v10 =	vld [tilespmem:s30+$0xFFFFFFA0];
	v6 =	vadd.f32 v59, v6  }
0xa5: {  	[tilespmem:s26+$0xFFFFFF70] =	vst v0;
	v1 =	vadd.f32 v17, v1;
	v60 =	vld [tilespmem:s30+$0x20]  }
0xa6: {  	[tilespmem:s28+$0xFFFFFF60] =	vst v0;
	v61 =	vld [tilespmem:s29+$0xFFFFFFA0];
	v6 =	vmax.f32 v6, $0.0e+00  }
0xa7: {  	v1 =	vmax.f32 v1, $0.0e+00;
	[tilespmem:s28+$0xFFFFFF20] =	vst v6;
	v6 =	vld [tilespmem:s29+$0x20]  }
0xa8: {  	[tilespmem:s26+$0xFFFFFF30] =	vst v1;
	v2 =	vadd.f32 v7, v2;
	v7 =	vld [tilespmem:s28+$0xFFFFFF30]  }
0xa9: {  	[tilespmem:s28+$0xFFFFFFE0] =	vst v0;
	v1 =	vadd.f32 v10, v57;
	v10 =	vld [tilespmem:s30+$0xFFFFFF30]  }
0xaa: {  	[tilespmem:s28+$0xF0] =	vst v0;
	v9 =	vadd.f32 v60, v9;
	v5 =	vadd.f32 v5, v2;
	v2 =	vld [tilespmem:s28+$0xFFFFFFB0]  }
0xab: {  	[tilespmem:s28+$0x60] =	vst v0;
	v62 =	vadd.f32 v61, v1;
	v1 =	vld [tilespmem:s28+$0x30]  }
0xac: {  	v63 =	vmax.f32 v5, $0.0e+00;
	v5 =	vld [tilespmem:s29+$0xFFFFFF30];
	[tilespmem:s28+$0xFFFFFF70] =	vst v0;
	v9 =	vadd.f32 v6, v9  }
0xad: {  	s1 =	simm.s32 $0x8600;
	v3 =	vadd.f32 v11, v3;
	v11 =	vmax.f32 v62, $0.0e+00;
	[tilespmem:s28+$0xB0] =	vst v63;
	v6 =	vld [tilespmem:s31+$0xFFFFFFB0]  }
0xae: {  	s0 =	simm.s32 $0x4;
	s9 =	simm.s32 $0x400;
	v4 =	vadd.f32 v8, v4;
	[tilespmem:s28+$0xFFFFFFA0] =	vst v11;
	v8 =	vadd.f32 v10, v7;
	v7 =	vld [tilespmem:s31+$0x30];
	s31 =	simm.s32 $0x4440;
	v9 =	vmax.f32 v9, $0.0e+00  }
.LBB2_5:
0xaf: {  	v10 =	vld [tilespmem:s1+$0x80];
	[tilespmem:s28+$0x20] =	vst v9;
	s9 =	sadd.s32 $0x200, s9  }
0xb0: {  	s30 =	sadd.s32 $0x200, s30;
	v9 =	vld [tilespmem:s9+$0x80];
	[tilespmem:s26+$0xFFFFFFF0] =	vst v0  }
0xb1: {  	s0 =	sadd.s32 $0x4, s0;
	v11 =	vld [tilespmem:s30+$0x80];
	[tilespmem:s9+$0xC0] =	vst v0;
	v5 =	vadd.f32 v5, v8  }
0xb2: {  	p1 =	slt.u32 s0, $0x7C;
	v8 =	vld [tilespmem:s30+$0xFFFFFF00];
	v3 =	vadd.f32 v6, v3;
	[tilespmem:s26+$0x70] =	vst v0  }
0xb3: {  	v6 =	vld [tilespmem:s9+$0xFFFFFF80];
	v5 =	vmax.f32 v5, $0.0e+00;
	v4 =	vadd.f32 v7, v4  }
0xb4: {  	v7 =	vld [tilespmem:s30+$0xFFFFFF80];
	[tilespmem:s28+$0xFFFFFF30] =	vst v5;
	v3 =	vmax.f32 v3, $0.0e+00  }
0xb5: {  	v5 =	vld [tilespmem:s9+$0x0];
	[tilespmem:s26+$0xFFFFFFB0] =	vst v3;
	v3 =	vmax.f32 v4, $0.0e+00  }
0xb6: {  	v4 =	vld [tilespmem:s30+$0x0];
	v9 =	vadd.f32 v11, v9;
	[tilespmem:s26+$0x30] =	vst v3;
	s26 =	smov.u32 s28;
	s28 =	smov.u32 s9  }
0xb7: {  	v3 =	vld [tilespmem:s9+$0xFFFFFF00]  }
0xb8: {  	v11 =	vld [tilespmem:s1+$0xFFFFFF00];
	[tilespmem:s9+$0xFFFFFF40] =	vst v0;
	v9 =	vadd.f32 v10, v9  }
0xb9: {  	v6 =	vadd.f32 v7, v6;
	v7 =	vld [tilespmem:s1+$0xFFFFFF80];
	[tilespmem:s9+$0xFFFFFFC0] =	vst v0  }
0xba: {  	v10 =	vld [tilespmem:s1+$0x0];
	[tilespmem:s9+$0x40] =	vst v0;
	v9 =	vmax.f32 v9, $0.0e+00  }
0xbb: {  	v4 =	vadd.f32 v4, v5;
	[tilespmem:s9+$0x80] =	vst v9;
	v5 =	vld [tilespmem:s9+$0x90]  }
0xbc: {  	v3 =	vadd.f32 v8, v3;
	v8 =	vld [tilespmem:s30+$0x90]  }
0xbd: {  	v9 =	vld [tilespmem:s9+$0xFFFFFF10]  }
0xbe: {  	v3 =	vadd.f32 v11, v3;
	v6 =	vadd.f32 v7, v6;
	v7 =	vld [tilespmem:s1+$0x90]  }
0xbf: {  	v11 =	vld [tilespmem:s9+$0xFFFFFF90];
	v4 =	vadd.f32 v10, v4  }
0xc0: {  	v3 =	vmax.f32 v3, $0.0e+00;
	v6 =	vmax.f32 v6, $0.0e+00;
	v10 =	vld [tilespmem:s9+$0x10]  }
0xc1: {  	[tilespmem:s9+$0xFFFFFF00] =	vst v3;
	v12 =	vld [tilespmem:s9+$0xFFFFFF20];
	v3 =	vmax.f32 v4, $0.0e+00;
	v4 =	vadd.f32 v8, v5  }
0xc2: {  	v5 =	vld [tilespmem:s30+$0xFFFFFF10];
	[tilespmem:s9+$0xFFFFFF80] =	vst v6  }
0xc3: {  	v6 =	vld [tilespmem:s30+$0xFFFFFF90];
	[tilespmem:s9+$0x0] =	vst v3;
	v3 =	vadd.f32 v7, v4  }
0xc4: {  	v4 =	vld [tilespmem:s30+$0x10]  }
0xc5: {  	v7 =	vld [tilespmem:s1+$0xFFFFFF10];
	v3 =	vmax.f32 v3, $0.0e+00;
	[tilespmem:s9+$0xD0] =	vst v0  }
0xc6: {  	[tilespmem:s9+$0x90] =	vst v3;
	v3 =	vld [tilespmem:s9+$0xA0]  }
0xc7: {  	v5 =	vadd.f32 v5, v9;
	[tilespmem:s9+$0xFFFFFF50] =	vst v0;
	v8 =	vld [tilespmem:s30+$0xA0]  }
0xc8: {  	v6 =	vadd.f32 v6, v11;
	v9 =	vld [tilespmem:s1+$0xFFFFFF90];
	[tilespmem:s9+$0xFFFFFFD0] =	vst v0  }
0xc9: {  	v4 =	vadd.f32 v4, v10;
	v10 =	vld [tilespmem:s1+$0xA0]  }
0xca: {  	v5 =	vadd.f32 v7, v5;
	v7 =	vld [tilespmem:s1+$0x10];
	[tilespmem:s9+$0x50] =	vst v0  }
0xcb: {  	v11 =	vld [tilespmem:s9+$0xFFFFFFA0]  }
0xcc: {  	v5 =	vmax.f32 v5, $0.0e+00;
	v13 =	vld [tilespmem:s9+$0x20];
	v3 =	vadd.f32 v8, v3  }
0xcd: {  	[tilespmem:s9+$0xFFFFFF10] =	vst v5;
	v5 =	vadd.f32 v9, v6;
	v6 =	vld [tilespmem:s31+$0xFFFFFFB0]  }
0xce: {  	v8 =	vld [tilespmem:s30+$0xFFFFFF20];
	v3 =	vadd.f32 v10, v3  }
0xcf: {  	v9 =	vld [tilespmem:s1+$0xFFFFFF20];
	[tilespmem:s9+$0xFFFFFF60] =	vst v0;
	v5 =	vmax.f32 v5, $0.0e+00;
	v4 =	vadd.f32 v7, v4  }
0xd0: {  	v3 =	vmax.f32 v3, $0.0e+00;
	[tilespmem:s9+$0xE0] =	vst v0;
	v7 =	vld [tilespmem:s31+$0x30];
	s31 =	smov.u32 s30  }
0xd1: {  	v4 =	vmax.f32 v4, $0.0e+00;
	[tilespmem:s9+$0xA0] =	vst v3;
	v10 =	vld [tilespmem:s9+$0xB0]  }
0xd2: {  	[tilespmem:s9+$0xFFFFFF90] =	vst v5;
	v5 =	vld [tilespmem:s30+$0xB0];
	v3 =	vadd.f32 v6, v2  }
0xd3: {  	v2 =	vadd.f32 v8, v12;
	v6 =	vld [tilespmem:s30+$0xFFFFFFA0];
	[tilespmem:s9+$0x10] =	vst v4  }
0xd4: {  	v8 =	vld [tilespmem:s1+$0xB0];
	[tilespmem:s9+$0xF0] =	vst v0  }
0xd5: {  	v2 =	vadd.f32 v9, v2;
	v9 =	vld [tilespmem:s30+$0x20];
	v4 =	vadd.f32 v7, v1  }
0xd6: {  	v1 =	vld [tilespmem:s1+$0xFFFFFFA0];
	[tilespmem:s9+$0xFFFFFFE0] =	vst v0  }
0xd7: {  	v2 =	vmax.f32 v2, $0.0e+00;
	v7 =	vld [tilespmem:s1+$0x20];
	[tilespmem:s9+$0x60] =	vst v0;
	v5 =	vadd.f32 v5, v10  }
0xd8: {  	[tilespmem:s9+$0xFFFFFF20] =	vst v2;
	v10 =	vld [tilespmem:s9+$0xFFFFFF30];
	v6 =	vadd.f32 v6, v11  }
0xd9: {  	v11 =	vld [tilespmem:s30+$0xFFFFFF30];
	v5 =	vadd.f32 v8, v5  }
.Ltmp1:
0xda: {  	v2 =	vld [tilespmem:s9+$0xFFFFFFB0];
	v8 =	vadd.f32 v9, v13;
	(pc) =	sbr.rel @p1 .LBB2_5-.Ltmp1, $4  }
0xdb: {  	v6 =	vadd.f32 v1, v6;
	v1 =	vld [tilespmem:s9+$0x30];
	v9 =	vmax.f32 v5, $0.0e+00  }
0xdc: {  	v5 =	vld [tilespmem:s1+$0xFFFFFF30];
	v7 =	vadd.f32 v7, v8;
	[tilespmem:s9+$0xB0] =	vst v9  }
0xdd: {  	[tilespmem:s9+$0xFFFFFF70] =	vst v0;
	v9 =	vmax.f32 v6, $0.0e+00;
	v6 =	vld [tilespmem:s29+$0xFFFFFFB0]  }
0xde: {  	v8 =	vadd.f32 v11, v10;
	[tilespmem:s9+$0xFFFFFFA0] =	vst v9;
	v9 =	vmax.f32 v7, $0.0e+00;
	v7 =	vld [tilespmem:s29+$0x30];
	s29 =	smov.u32 s1;
	s1 =	sadd.s32 $0x200, s1  }
0xdf: {  	[tilespmem:s28+$0x20] =	vst v9;
	v61 =	vld [tilespmem:s31+$0xFFFFFFB0]  }
0xe0: {  	v10 =	vld [tilespmem:s31+$0x30]  }
0xe1: {  	v62 =	vld [tilespmem:s29+$0xFFFFFFB0]  }
0xe2: {  	[tilespmem:s26+$0xFFFFFFF0] =	vst v0;
	v63 =	vld [tilespmem:s29+$0x30]  }
0xe3: {  	[tilespmem:s26+$0x70] =	vst v0;
	v5 =	vadd.f32 v5, v8  }
0xe4: {  	[tilespmem:s28+$0xFFFFFFF0] =	vst v0;
	v3 =	vadd.f32 v6, v3;
	v2 =	vadd.f32 v61, v2  }
0xe5: {  	[tilespmem:s28+$0x70] =	vst v0;
	v4 =	vadd.f32 v7, v4;
	v5 =	vmax.f32 v5, $0.0e+00;
	v1 =	vadd.f32 v10, v1  }
0xe6: {  	[tilespmem:s28+$0xFFFFFF30] =	vst v5;
	v3 =	vmax.f32 v3, $0.0e+00;
	v2 =	vadd.f32 v62, v2  }
0xe7: {  	[tilespmem:s26+$0xFFFFFFB0] =	vst v3;
	v3 =	vmax.f32 v4, $0.0e+00;
	v1 =	vadd.f32 v63, v1  }
0xe8: {  	s25 =	sadd.s32 $0x1, s25;
	[tilespmem:s26+$0x30] =	vst v3;
	v2 =	vmax.f32 v2, $0.0e+00  }
0xe9: {  	p1 =	sne.s32 s25, $0x4F;
	[tilespmem:s28+$0xFFFFFFB0] =	vst v2;
	v1 =	vmax.f32 v1, $0.0e+00  }
.Ltmp2:
0xea: {  	[tilespmem:s28+$0x30] =	vst v1;
	(pc) =	sbr.rel @p1 .LBB2_4-.Ltmp2, $4  }
0xeb: {  	[spmem:s2] =	stream.indirect.scatter.add.f32 [tilespmem:s16], [sflag:$0x4], $0x80, s3, s18, $0xb8;
	[tilespmem:$0x1FF00] =	vst v63  }
0xec: {  	_ =	swait.ge [sflag:s17], $0x4000  }
0xed: {  	[sflag:s17] =	ssyncset.done $0x0  }
0xee: {  	[sflag:s17] =	ssyncadd.s32 $0xFFFFC000  }
0xef: {  	s0 =	stileid.u32  }
0xf0: {  	s0 =	sshll.u32 s0, $0x6  }
0xf1: {  	[bflag:$0x0] =	sbarrier.arrive $0xFFFF;
	s1 =	sshrl.u32 @p0 s8, $0x3;
	s0 =	sor.u32 $0x1C04, s0  }
0xf2: {  	[hbm:s13], [sflag:s0] =	dma.local @p0 [spmem:s1], $0x2780  }
0xf3: {  	s1 =	simm.s32 @p0 $0x4  }
0xf4: {  	_ =	swait.ge @p0 [sflag:s1], $0x2780  }
0xf5: {  	s24 =	sadd.s32 $0x1, s24;
	[sflag:s1] =	ssyncset.done @p0 $0x0  }
0xf6: {  	p1 =	sne.s32 s24, s14;
	[sflag:s1] =	ssyncadd.s32 @p0 $0xFFFFD880;
	s1 =	sshrl.u32 @!p0 s8, $0x3  }
0xf7: {  	[hbm:s13], [sflag:s0] =	dma.local @!p0 [spmem:s1], $0x2800  }
.Ltmp3:
0xf8: {  	_ = 	snop;
	(pc) =	sbr.rel @p1 .LBB2_1-.Ltmp3, $4  }
0xf9: {  	s0 =	simm.s32 @!p0 $0x4  }
0xfa: {  	_ =	swait.ge @!p0 [sflag:s0], $0x2800  }
0xfb: {  	[sflag:s0] =	ssyncset.done @!p0 $0x0  }
0xfc: {  	[sflag:s0] =	ssyncadd.s32 @!p0 $0xFFFFD800  }
0xfd: {  	_ =	sfence.sel $0x180000  }
0xfe: {  	[bflag:$0x0] =	sbarrier.arrive $0xFFFF  }
0xff: {  	_ =	strace $0x9000004D  }
0x100: {  	s0 =	stileid.u32;
	[bflag:$0x2] =	sbarrier.arrive $0xFFFF  }
0x101: {  	p0 =	sne.s32 s0, $0x0;
	s0 =	rddreg [dreg:$0x2]  }
0x102: {  	s0 =	sadd.s32 @!p0 $0x100000, s0  }
0x103: {  	[sflag:s0] =	ssyncadd.tile.s32 @!p0 $0x1;
	_ =	shalt  }
.Lfunc_end2:
_tile_overlayer_lowered:
.L_overlay_start_2:
0x104: {  	(tag) =	ssettag $0x2  }
0x105: {  	s0 =	rddreg [dreg:$0x0];
	s2 =	stileid.u32  }
0x106: {  	s1 =	rddreg [dreg:$0x1];
	p0 =	sne.s32 s2, $0x0  }
0x107: {  	s3 =	rddreg [dreg:$0x2];
	[bflag:$0x3] =	sbarrier.arrive $0xFFFF;
	s2 =	simm.s32 @!p0 $0x1C04  }
0x108: {  	[timem:s3], [sflag:s2] =	dma.local @!p0 [hbm:s0], s1  }
0x109: {  	s0 =	simm.s32 @!p0 $0x4  }
0x10a: {  	_ =	swait.ge @!p0 [sflag:s0], s1  }
0x10b: {  	s1 =	ssub.s32 @!p0 $0x0, s1;
	[sflag:s0] =	ssyncset.done @!p0 $0x0  }
0x10c: {  	[sflag:s0] =	ssyncadd.s32 @!p0 s1  }
0x10d: {  	[bflag:$0x3] =	sbarrier.arrive $0xFFFF  }
0x10e: {  	_ =	shalt  }

</sc_bundles>
